<compile_context>
chip_gen: v7x
topology: tpu7x:2x2x1
jax: 0.10.2.dev20260603
libtpu: 0.0.44.dev20260713+nightly
codegen_flags: <defaults>
</compile_context>

<pallas_src>
import functools

import jax
import jax.numpy as jnp
from jax import lax
from jax.experimental import pallas as pl
from jax.experimental.pallas import tpu as pltpu
from jax.experimental.pallas import tpu_sc as plsc

_IN = 1024
_OUT = 1024
_E = 8
_N = 2048
_TILE = 256
_NT = _N * 2 // _TILE + _E
_NP = _NT * _TILE
_NW = 32
_TPW = _N // _NW


def _gate_kernel(x_ref, gw_ref, eb_ref,
                 pos_ref, sval_ref, meta_ref, ybias_ref, bl_ref):
    xt = x_ref[...]
    logits = lax.dot_general(
        xt, gw_ref[...], (((1,), (1,)), ((), ())),
        preferred_element_type=jnp.float32)
    iota = lax.broadcasted_iota(jnp.int32, (_N, _E), 1)
    m1 = jnp.max(logits, axis=1, keepdims=True)
    i1 = jnp.min(jnp.where(logits == m1, iota, _E), axis=1, keepdims=True)
    l2 = jnp.where(iota == i1, -jnp.inf, logits)
    m2 = jnp.max(l2, axis=1, keepdims=True)
    i2 = jnp.min(jnp.where(l2 == m2, iota, _E), axis=1, keepdims=True)
    ex = jnp.exp(m2 - m1)
    denom = 1.0 + ex
    s1 = 1.0 / denom
    s2 = ex / denom
    sf = jnp.where(iota == i1, s1, 0.0) + jnp.where(iota == i2, s2, 0.0)

    def cv(v):
        mean = jnp.sum(v) / _E
        var = jnp.sum((v - mean) ** 2) / (_E - 1)
        return var / (mean * mean + 1e-10)

    imp = jnp.sum(sf, axis=0)
    load = jnp.sum((sf > 0.0).astype(jnp.float32), axis=0)
    bl_ref[...] = jnp.reshape(0.01 * (cv(imp) + cv(load)), (1, 1))

    ybias_ref[...] = lax.dot_general(
        sf, eb_ref[...], (((1,), (0,)), ((), ())),
        preferred_element_type=jnp.float32)

    sel = jnp.logical_or(iota == i1, iota == i2).astype(jnp.int32)
    csum = sel
    k = 1
    while k < _N:
        csum = csum + jnp.concatenate(
            [jnp.zeros((k, _E), jnp.int32), csum[:-k, :]], axis=0)
        k *= 2
    precount = csum - sel
    counts = csum[_N - 1:_N, :]
    tiles_e = (counts + (_TILE - 1)) // _TILE
    tile_off = jnp.zeros((1, _E), jnp.int32)
    eiota = lax.broadcasted_iota(jnp.int32, (_E, _E), 0)
    ejota = lax.broadcasted_iota(jnp.int32, (_E, _E), 1)
    lower = jnp.where(ejota < eiota, jnp.broadcast_to(tiles_e, (_E, _E)), 0)
    tile_off = jnp.sum(lower, axis=1)[None, :]
    n_used = jnp.sum(tiles_e)
    row_off = tile_off * _TILE

    def pick(ij):
        sel_j = (iota == ij).astype(jnp.int32)
        return jnp.sum(sel_j * (precount + row_off), axis=1, keepdims=True)

    pos_ref[:, 0, :] = pick(i1).reshape(_NW, _TPW)
    pos_ref[:, 1, :] = pick(i2).reshape(_NW, _TPW)
    ones = jnp.ones((1, 128), jnp.float32)
    sval_ref[:, 0, :, :] = (s1 * ones).reshape(_NW, _TPW, 128)
    sval_ref[:, 1, :, :] = (s2 * ones).reshape(_NW, _TPW, 128)

    tiota = lax.broadcasted_iota(jnp.int32, (64, _E), 0)
    toff = jnp.broadcast_to(tile_off, (64, _E))
    te = jnp.sum((tiota >= toff).astype(jnp.int32), axis=1, keepdims=True) - 1
    t1 = lax.broadcasted_iota(jnp.int32, (64, 1), 0)
    meta_ref[:, 0:1] = te
    meta_ref[:, 1:2] = jnp.minimum(t1, n_used - 1)
    meta_ref[:, 2:3] = jnp.full((64, 1), 0, jnp.int32) + n_used


def _run_gate(xf, gate_W, expert_b, interpret=False):
    return pl.pallas_call(
        _gate_kernel,
        in_specs=[
            pl.BlockSpec((_N, _IN), lambda: (0, 0)),
            pl.BlockSpec((_E, _IN), lambda: (0, 0)),
            pl.BlockSpec((_E, _OUT), lambda: (0, 0)),
        ],
        out_specs=[
            pl.BlockSpec((_NW, 2, _TPW), lambda: (0, 0, 0)),
            pl.BlockSpec((_NW, 2, _TPW, 128), lambda: (0, 0, 0, 0)),
            pl.BlockSpec((64, 4), lambda: (0, 0)),
            pl.BlockSpec((_N, _OUT), lambda: (0, 0)),
            pl.BlockSpec((1, 1), lambda: (0, 0)),
        ],
        out_shape=[
            jax.ShapeDtypeStruct((_NW, 2, _TPW), jnp.int32),
            jax.ShapeDtypeStruct((_NW, 2, _TPW, 128), jnp.float32),
            jax.ShapeDtypeStruct((64, 4), jnp.int32),
            jax.ShapeDtypeStruct((_N, _OUT), jnp.float32),
            jax.ShapeDtypeStruct((1, 1), jnp.float32),
        ],
        interpret=interpret,
    )(xf, gate_W, expert_b)


def _scatter_kernel(x_hbm, pos_hbm, sval_hbm, xs_hbm, ss_hbm,
                    xrows_v, pos_v, sval_v, sem0, sem1, sem2, sem3):
    wid = lax.axis_index("s") * 2 + lax.axis_index("c")
    base = wid * _TPW
    pltpu.sync_copy(x_hbm.at[pl.ds(base, _TPW)], xrows_v)
    pltpu.sync_copy(pos_hbm.at[wid], pos_v)
    pltpu.sync_copy(sval_hbm.at[wid], sval_v)
    c0 = pltpu.async_copy(xrows_v, xs_hbm.at[pos_v.at[0]], sem0)
    c1 = pltpu.async_copy(xrows_v, xs_hbm.at[pos_v.at[1]], sem1)
    c2 = pltpu.async_copy(sval_v.at[0], ss_hbm.at[pos_v.at[0]], sem2)
    c3 = pltpu.async_copy(sval_v.at[1], ss_hbm.at[pos_v.at[1]], sem3)
    c0.wait()
    c1.wait()
    c2.wait()
    c3.wait()


def _run_scatter(xf, posw, svalw):
    mesh = plsc.VectorSubcoreMesh(core_axis_name="c", subcore_axis_name="s")
    f = functools.partial(
        pl.kernel,
        out_type=[
            jax.ShapeDtypeStruct((_NP, _IN), jnp.float32),
            jax.ShapeDtypeStruct((_NP, 128), jnp.float32),
        ],
        mesh=mesh,
        scratch_types=[
            pltpu.VMEM((_TPW, _IN), jnp.float32),
            pltpu.VMEM((2, _TPW), jnp.int32),
            pltpu.VMEM((2, _TPW, 128), jnp.float32),
            pltpu.SemaphoreType.DMA,
            pltpu.SemaphoreType.DMA,
            pltpu.SemaphoreType.DMA,
            pltpu.SemaphoreType.DMA,
        ],
    )(_scatter_kernel)
    return f(xf, posw, svalw)


def _mm_kernel(sp_ref, xs_ref, w_ref, ss_ref, ys_ref):
    t = pl.program_id(0)

    @pl.when(t < sp_ref[0, 2])
    def _():
        pe = lax.dot_general(
            xs_ref[...].astype(jnp.bfloat16), w_ref[0], (((1,), (1,)), ((), ())),
            preferred_element_type=jnp.float32)
        ys_ref[...] = ss_ref[...][:, 0:1] * pe


def _run_mm(meta, xs2, ss, expert_W, interpret=False):
    grid_spec = pltpu.PrefetchScalarGridSpec(
        num_scalar_prefetch=1,
        grid=(_NT,),
        in_specs=[
            pl.BlockSpec((_TILE, _IN), lambda t, sp: (sp[t, 1], 0)),
            pl.BlockSpec((1, _OUT, _IN), lambda t, sp: (sp[t, 0], 0, 0)),
            pl.BlockSpec((_TILE, 128), lambda t, sp: (sp[t, 1], 0)),
        ],
        out_specs=pl.BlockSpec((_TILE, _OUT), lambda t, sp: (t, 0)),
    )
    return pl.pallas_call(
        _mm_kernel,
        grid_spec=grid_spec,
        out_shape=jax.ShapeDtypeStruct((_NP, _OUT), jnp.float32),
        interpret=interpret,
    )(meta, xs2, expert_W, ss)


def _combine_kernel(ys_hbm, pos_hbm, ybias_hbm, y_hbm,
                    pos_v, r0a, r0b, r1a, r1b, biasa, biasb, out_v,
                    sem0, sem1, sem2):
    wid = lax.axis_index("s") * 2 + lax.axis_index("c")
    base = wid * _TPW
    nck = _TPW // 16
    r0 = [r0a, r0b]
    r1 = [r1a, r1b]
    bias = [biasa, biasb]
    pltpu.sync_copy(pos_hbm.at[wid], pos_v)

    def issue(ck, slot):
        idx0 = pos_v.at[0, pl.ds(ck * 16, 16)]
        idx1 = pos_v.at[1, pl.ds(ck * 16, 16)]
        return (
            pltpu.async_copy(ys_hbm.at[idx0], r0[slot], sem0),
            pltpu.async_copy(ys_hbm.at[idx1], r1[slot], sem1),
            pltpu.async_copy(ybias_hbm.at[pl.ds(base + ck * 16, 16)],
                             bias[slot], sem2),
        )

    pending = issue(0, 0)
    for ck in range(nck):
        slot = ck % 2
        cur = pending
        if ck + 1 < nck:
            pending = issue(ck + 1, 1 - slot)
        for c in cur:
            c.wait()
        for r in range(16):
            def body(i, _):
                sl = pl.ds(i * 16, 16)
                out_v[r, sl] = r0[slot][r, sl] + r1[slot][r, sl] \
                    + bias[slot][r, sl]
                return _
            lax.fori_loop(0, _OUT // 16, body, 0)
        pltpu.sync_copy(out_v, y_hbm.at[pl.ds(base + ck * 16, 16)])


def _run_combine(ys, posw, ybias):
    mesh = plsc.VectorSubcoreMesh(core_axis_name="c", subcore_axis_name="s")
    f = functools.partial(
        pl.kernel,
        out_type=jax.ShapeDtypeStruct((_N, _OUT), jnp.float32),
        mesh=mesh,
        scratch_types=[
            pltpu.VMEM((2, _TPW), jnp.int32),
            pltpu.VMEM((16, _OUT), jnp.float32),
            pltpu.VMEM((16, _OUT), jnp.float32),
            pltpu.VMEM((16, _OUT), jnp.float32),
            pltpu.VMEM((16, _OUT), jnp.float32),
            pltpu.VMEM((16, _OUT), jnp.float32),
            pltpu.VMEM((16, _OUT), jnp.float32),
            pltpu.VMEM((16, _OUT), jnp.float32),
            pltpu.SemaphoreType.DMA,
            pltpu.SemaphoreType.DMA,
            pltpu.SemaphoreType.DMA,
        ],
    )(_combine_kernel)
    return f(ys, posw, ybias)


@jax.jit
def _run(x, gate_W, expert_W, expert_b):
    xf = x.reshape(_N, _IN)
    posw, svalw, meta, ybias, bl = _run_gate(xf, gate_W, expert_b)
    xs, ss = _run_scatter(xf, posw, svalw)
    ys = _run_mm(meta, xs, ss, expert_W)
    y = _run_combine(ys, posw, ybias)
    return y.reshape(x.shape[:-1] + (_OUT,)), bl[0, 0]


def kernel(x, gate_W, expert_W, expert_b):
    return _run(x, gate_W, expert_W, expert_b)

# --- scband reference (transcript-rebuilt; emitter-appended) ---
"""Pipeline reference for scband-linear-mo-elayer-18176301597482 (READ-ONLY COPY).

The authoritative reference and input builder live on the scoring server;
editing this copy changes nothing except your own understanding.
"""

import jax, jax.numpy as jnp
import numpy as np

INPUT_SIZE = 1024
OUTPUT_SIZE = 1024
NUM_EXPERTS = 8
NUM_SELECTS = 2
BALANCE_LOSS_WEIGHT = 0.01


def setup_inputs(seed: int = 0):
    key = jax.random.key(seed)
    k1, k2, k3, k4 = jax.random.split(key, 4)
    x = jax.random.normal(k1, (1, 2048, INPUT_SIZE), dtype=jnp.float32)
    gate_W = jax.random.normal(k2, (NUM_EXPERTS, INPUT_SIZE), dtype=jnp.float32) * (1.0 / np.sqrt(INPUT_SIZE))
    expert_W = jax.random.normal(k3, (NUM_EXPERTS, OUTPUT_SIZE, INPUT_SIZE), dtype=jnp.float32) * (1.0 / np.sqrt(INPUT_SIZE))
    expert_b = jax.random.normal(k4, (NUM_EXPERTS, OUTPUT_SIZE), dtype=jnp.float32) * 0.01
    return {"x": x, "gate_W": gate_W, "expert_W": expert_W, "expert_b": expert_b}


def _cv_squared(v):
    v = v.astype(jnp.float32)
    if v.shape[0] == 1:
        return jnp.float32(0.0)
    # torch.var defaults to unbiased (ddof=1)
    return jnp.var(v, ddof=1) / (jnp.mean(v) ** 2 + 1e-10)


def reference(x, gate_W, expert_W, expert_b):
    # LinearMoELayer.forward
    orig_shape = x.shape[:-1]
    xf = x.reshape(-1, INPUT_SIZE)
    n = xf.shape[0]

    # --- TopKBalancedNoisyGate (add_noise=False -> eval-style logits) ---
    logits = xf @ gate_W.T  # linear gate_network, bias=False
    k_plus = min(NUM_SELECTS + 1, NUM_EXPERTS)
    top_logits, top_indices = jax.lax.top_k(logits, k_plus)
    top_k_logits = top_logits[:, :NUM_SELECTS]
    top_k_indices = top_indices[:, :NUM_SELECTS]
    top_k_scores = jax.nn.softmax(top_k_logits.astype(jnp.float32), axis=1)  # use_softmax=True
    top_k_scores = top_k_scores.astype(logits.dtype)

    # scatter top-k scores into a dense [n, E] matrix
    scores_filtered = jnp.zeros_like(logits).at[jnp.arange(n)[:, None], top_k_indices].set(top_k_scores)
    importance = scores_filtered.sum(axis=0)
    # training branch with add_noise=False: load is a hard count
    load = (scores_filtered > 0).sum(axis=0)
    balance_loss = BALANCE_LOSS_WEIGHT * (_cv_squared(importance) + _cv_squared(load))

    # --- UniversalCalculator with LinearExperts (multiply_gate_scores=True) ---
    # Mathematically identical to the sort/split/index_add dispatch in torch:
    # y[b] = sum_e scores_filtered[b, e] * (x[b] @ W_e^T + b_e)
    expert_out = jnp.einsum('ni,eoi->neo', xf, expert_W) + expert_b[None, :, :]
    y = jnp.einsum('ne,neo->no', scores_filtered, expert_out)

    y = y.reshape(orig_shape + (OUTPUT_SIZE,))
    return y, balance_loss

if __name__ == "__main__":
    import jax
    _d = setup_inputs()
    print(jax.jit(kernel)(*tuple(_d.values())))

</pallas_src>

<mosaic_0001>
#map = affine_map<(d0, d1) -> (0, 0)>
#map1 = affine_map<(d0, d1) -> (0, 0, 0)>
module attributes {stable_mosaic.version = 14 : i64} {
  func.func @_combine_kernel(%arg0: i32, %arg1: i32, %arg2: memref<6144x1024xf32, #tpu.memory_space<hbm>>, %arg3: memref<32x2x64xi32, #tpu.memory_space<hbm>>, %arg4: memref<2048x1024xf32, #tpu.memory_space<hbm>>, %arg5: memref<2048x1024xf32, #tpu.memory_space<hbm>>, %arg6: memref<2x64xi32, #tpu.memory_space<vmem>>, %arg7: memref<16x1024xf32, #tpu.memory_space<vmem>>, %arg8: memref<16x1024xf32, #tpu.memory_space<vmem>>, %arg9: memref<16x1024xf32, #tpu.memory_space<vmem>>, %arg10: memref<16x1024xf32, #tpu.memory_space<vmem>>, %arg11: memref<16x1024xf32, #tpu.memory_space<vmem>>, %arg12: memref<16x1024xf32, #tpu.memory_space<vmem>>, %arg13: memref<16x1024xf32, #tpu.memory_space<vmem>>, %arg14: memref<!tpu.dma_semaphore, #tpu.memory_space<semaphore_mem>>, %arg15: memref<!tpu.dma_semaphore, #tpu.memory_space<semaphore_mem>>, %arg16: memref<!tpu.dma_semaphore, #tpu.memory_space<semaphore_mem>>) attributes {dimension_semantics = [#tpu.dimension_semantics<core_parallel>, #tpu.dimension_semantics<subcore_parallel>], iteration_bounds = array<i64: 2, 16>, scalar_prefetch = 0 : i64, scratch_operands = 11 : i64, tpu.core_type = #tpu.core_type<sc_vector_subcore>, window_params = [{transform_indices = #map}, {transform_indices = #map1}, {transform_indices = #map}, {transform_indices = #map}]} {
    %mul3A = arith.constant 2 : i32
    %mul3A_0 = arith.muli %arg1, %mul3A : i32
    %add3A = arith.addi %mul3A_0, %arg0 : i32
    %mul3A_1 = arith.constant 64 : i32
    %mul3A_2 = arith.muli %add3A, %mul3A_1 : i32
    "tpu.region"() ({
      %run_scoped3A = tpu.sem_alloc : memref<!tpu.dma_semaphore, #tpu.memory_space<semaphore_mem>>
      %dma_start3A_544 = arith.constant 0 : i32
      %dma_start3A_545 = arith.constant 0 : i32
      %dma_start3A_546 = tpu.memref_slice %arg3[%add3A, %dma_start3A_544, %dma_start3A_545] : memref<32x2x64xi32, #tpu.memory_space<hbm>> -> memref<1x2x64xi32, #tpu.memory_space<hbm>>
      %dma_start3A_547 = tpu.memref_squeeze %dma_start3A_546 : memref<1x2x64xi32, #tpu.memory_space<hbm>> -> memref<2x64xi32, #tpu.memory_space<hbm>>
      %dma_start3A_548 = arith.constant 0 : i32
      %dma_start3A_549 = arith.constant 0 : i32
      %dma_start3A_550 = tpu.memref_slice %arg3[%add3A, %dma_start3A_548, %dma_start3A_549] : memref<32x2x64xi32, #tpu.memory_space<hbm>> -> memref<1x2x64xi32, #tpu.memory_space<hbm>>
      %dma_start3A_551 = tpu.memref_squeeze %dma_start3A_550 : memref<1x2x64xi32, #tpu.memory_space<hbm>> -> memref<2x64xi32, #tpu.memory_space<hbm>>
      tpu.enqueue_dma source(%dma_start3A_551 : memref<2x64xi32, #tpu.memory_space<hbm>>) target(%arg6 : memref<2x64xi32, #tpu.memory_space<vmem>>) target_semaphore(%run_scoped3A : memref<!tpu.dma_semaphore, #tpu.memory_space<semaphore_mem>>)
      %dma_wait3A_552 = arith.constant 0 : i32
      %dma_wait3A_553 = arith.constant 0 : i32
      %dma_wait3A_554 = tpu.memref_slice %arg3[%add3A, %dma_wait3A_552, %dma_wait3A_553] : memref<32x2x64xi32, #tpu.memory_space<hbm>> -> memref<1x2x64xi32, #tpu.memory_space<hbm>>
      %dma_wait3A_555 = tpu.memref_squeeze %dma_wait3A_554 : memref<1x2x64xi32, #tpu.memory_space<hbm>> -> memref<2x64xi32, #tpu.memory_space<hbm>>
      %dma_wait3A_556 = arith.constant 0 : i32
      %dma_wait3A_557 = arith.constant 0 : i32
      %dma_wait3A_558 = tpu.memref_slice %arg3[%add3A, %dma_wait3A_556, %dma_wait3A_557] : memref<32x2x64xi32, #tpu.memory_space<hbm>> -> memref<1x2x64xi32, #tpu.memory_space<hbm>>
      %dma_wait3A_559 = tpu.memref_squeeze %dma_wait3A_558 : memref<1x2x64xi32, #tpu.memory_space<hbm>> -> memref<2x64xi32, #tpu.memory_space<hbm>>
      tpu.wait_dma2 semaphore(%run_scoped3A : memref<!tpu.dma_semaphore, #tpu.memory_space<semaphore_mem>>) src(%dma_wait3A_559 : memref<2x64xi32, #tpu.memory_space<hbm>>) dst(%arg6 : memref<2x64xi32, #tpu.memory_space<vmem>>)
      tpu.yield
    }) : () -> ()
    %dma_start3A = arith.constant 0 : i32
    %dma_start3A_3 = arith.constant 0 : i32
    %dma_start3A_4 = tpu.memref_slice %arg6[%dma_start3A, %dma_start3A_3] : memref<2x64xi32, #tpu.memory_space<vmem>> -> memref<1x16xi32, #tpu.memory_space<vmem>>
    %dma_start3A_5 = tpu.memref_squeeze %dma_start3A_4 : memref<1x16xi32, #tpu.memory_space<vmem>> -> memref<16xi32, #tpu.memory_space<vmem>>
    %dma_start3A_6 = arith.constant 0 : i32
    %dma_start3A_7 = arith.constant 0 : i32
    %dma_start3A_8 = tpu.memref_slice %arg2[%dma_start3A_6, %dma_start3A_7] : memref<6144x1024xf32, #tpu.memory_space<hbm>> -> memref<6144x1024xf32, #tpu.memory_space<hbm>>
    tpu.enqueue_indirect_dma source(%dma_start3A_8 : memref<6144x1024xf32, #tpu.memory_space<hbm>>) target(%arg7 : memref<16x1024xf32, #tpu.memory_space<vmem>>) offsets(%dma_start3A_5 : memref<16xi32, #tpu.memory_space<vmem>>) semaphore(%arg14 : memref<!tpu.dma_semaphore, #tpu.memory_space<semaphore_mem>>)
    %dma_start3A_9 = arith.constant 1 : i32
    %dma_start3A_10 = arith.constant 0 : i32
    %dma_start3A_11 = tpu.memref_slice %arg6[%dma_start3A_9, %dma_start3A_10] : memref<2x64xi32, #tpu.memory_space<vmem>> -> memref<1x16xi32, #tpu.memory_space<vmem>>
    %dma_start3A_12 = tpu.memref_squeeze %dma_start3A_11 : memref<1x16xi32, #tpu.memory_space<vmem>> -> memref<16xi32, #tpu.memory_space<vmem>>
    %dma_start3A_13 = arith.constant 0 : i32
    %dma_start3A_14 = arith.constant 0 : i32
    %dma_start3A_15 = tpu.memref_slice %arg2[%dma_start3A_13, %dma_start3A_14] : memref<6144x1024xf32, #tpu.memory_space<hbm>> -> memref<6144x1024xf32, #tpu.memory_space<hbm>>
    tpu.enqueue_indirect_dma source(%dma_start3A_15 : memref<6144x1024xf32, #tpu.memory_space<hbm>>) target(%arg9 : memref<16x1024xf32, #tpu.memory_space<vmem>>) offsets(%dma_start3A_12 : memref<16xi32, #tpu.memory_space<vmem>>) semaphore(%arg15 : memref<!tpu.dma_semaphore, #tpu.memory_space<semaphore_mem>>)
    %add3A_16 = arith.constant 0 : i32
    %add3A_17 = arith.addi %mul3A_2, %add3A_16 : i32
    %dma_start3A_18 = arith.constant 0 : i32
    %dma_start3A_19 = tpu.memref_slice %arg4[%add3A_17, %dma_start3A_18] : memref<2048x1024xf32, #tpu.memory_space<hbm>> -> memref<16x1024xf32, #tpu.memory_space<hbm>>
    %dma_start3A_20 = arith.constant 0 : i32
    %dma_start3A_21 = tpu.memref_slice %arg4[%add3A_17, %dma_start3A_20] : memref<2048x1024xf32, #tpu.memory_space<hbm>> -> memref<16x1024xf32, #tpu.memory_space<hbm>>
    tpu.enqueue_dma source(%dma_start3A_21 : memref<16x1024xf32, #tpu.memory_space<hbm>>) target(%arg11 : memref<16x1024xf32, #tpu.memory_space<vmem>>) target_semaphore(%arg16 : memref<!tpu.dma_semaphore, #tpu.memory_space<semaphore_mem>>)
    %dma_start3A_22 = arith.constant 0 : i32
    %dma_start3A_23 = arith.constant 16 : i32
    %dma_start3A_24 = tpu.memref_slice %arg6[%dma_start3A_22, %dma_start3A_23] : memref<2x64xi32, #tpu.memory_space<vmem>> -> memref<1x16xi32, #tpu.memory_space<vmem>>
    %dma_start3A_25 = tpu.memref_squeeze %dma_start3A_24 : memref<1x16xi32, #tpu.memory_space<vmem>> -> memref<16xi32, #tpu.memory_space<vmem>>
    %dma_start3A_26 = arith.constant 0 : i32
    %dma_start3A_27 = arith.constant 0 : i32
    %dma_start3A_28 = tpu.memref_slice %arg2[%dma_start3A_26, %dma_start3A_27] : memref<6144x1024xf32, #tpu.memory_space<hbm>> -> memref<6144x1024xf32, #tpu.memory_space<hbm>>
    tpu.enqueue_indirect_dma source(%dma_start3A_28 : memref<6144x1024xf32, #tpu.memory_space<hbm>>) target(%arg8 : memref<16x1024xf32, #tpu.memory_space<vmem>>) offsets(%dma_start3A_25 : memref<16xi32, #tpu.memory_space<vmem>>) semaphore(%arg14 : memref<!tpu.dma_semaphore, #tpu.memory_space<semaphore_mem>>)
    %dma_start3A_29 = arith.constant 1 : i32
    %dma_start3A_30 = arith.constant 16 : i32
    %dma_start3A_31 = tpu.memref_slice %arg6[%dma_start3A_29, %dma_start3A_30] : memref<2x64xi32, #tpu.memory_space<vmem>> -> memref<1x16xi32, #tpu.memory_space<vmem>>
    %dma_start3A_32 = tpu.memref_squeeze %dma_start3A_31 : memref<1x16xi32, #tpu.memory_space<vmem>> -> memref<16xi32, #tpu.memory_space<vmem>>
    %dma_start3A_33 = arith.constant 0 : i32
    %dma_start3A_34 = arith.constant 0 : i32
    %dma_start3A_35 = tpu.memref_slice %arg2[%dma_start3A_33, %dma_start3A_34] : memref<6144x1024xf32, #tpu.memory_space<hbm>> -> memref<6144x1024xf32, #tpu.memory_space<hbm>>
    tpu.enqueue_indirect_dma source(%dma_start3A_35 : memref<6144x1024xf32, #tpu.memory_space<hbm>>) target(%arg10 : memref<16x1024xf32, #tpu.memory_space<vmem>>) offsets(%dma_start3A_32 : memref<16xi32, #tpu.memory_space<vmem>>) semaphore(%arg15 : memref<!tpu.dma_semaphore, #tpu.memory_space<semaphore_mem>>)
    %add3A_36 = arith.constant 16 : i32
    %add3A_37 = arith.addi %mul3A_2, %add3A_36 : i32
    %dma_start3A_38 = arith.constant 0 : i32
    %dma_start3A_39 = tpu.memref_slice %arg4[%add3A_37, %dma_start3A_38] : memref<2048x1024xf32, #tpu.memory_space<hbm>> -> memref<16x1024xf32, #tpu.memory_space<hbm>>
    %dma_start3A_40 = arith.constant 0 : i32
    %dma_start3A_41 = tpu.memref_slice %arg4[%add3A_37, %dma_start3A_40] : memref<2048x1024xf32, #tpu.memory_space<hbm>> -> memref<16x1024xf32, #tpu.memory_space<hbm>>
    tpu.enqueue_dma source(%dma_start3A_41 : memref<16x1024xf32, #tpu.memory_space<hbm>>) target(%arg12 : memref<16x1024xf32, #tpu.memory_space<vmem>>) target_semaphore(%arg16 : memref<!tpu.dma_semaphore, #tpu.memory_space<semaphore_mem>>)
    %dma_wait3A = arith.constant 0 : i32
    %dma_wait3A_42 = arith.constant 0 : i32
    %dma_wait3A_43 = tpu.memref_slice %arg6[%dma_wait3A, %dma_wait3A_42] : memref<2x64xi32, #tpu.memory_space<vmem>> -> memref<1x16xi32, #tpu.memory_space<vmem>>
    %dma_wait3A_44 = tpu.memref_squeeze %dma_wait3A_43 : memref<1x16xi32, #tpu.memory_space<vmem>> -> memref<16xi32, #tpu.memory_space<vmem>>
    %dma_wait3A_45 = arith.constant 0 : i32
    %dma_wait3A_46 = arith.constant 0 : i32
    %dma_wait3A_47 = tpu.memref_slice %arg2[%dma_wait3A_45, %dma_wait3A_46] : memref<6144x1024xf32, #tpu.memory_space<hbm>> -> memref<6144x1024xf32, #tpu.memory_space<hbm>>
    tpu.wait_indirect_dma semaphore(%arg14 : memref<!tpu.dma_semaphore, #tpu.memory_space<semaphore_mem>>) src(%dma_wait3A_47 : memref<6144x1024xf32, #tpu.memory_space<hbm>>) dst(%arg7 : memref<16x1024xf32, #tpu.memory_space<vmem>>)
    %dma_wait3A_48 = arith.constant 1 : i32
    %dma_wait3A_49 = arith.constant 0 : i32
    %dma_wait3A_50 = tpu.memref_slice %arg6[%dma_wait3A_48, %dma_wait3A_49] : memref<2x64xi32, #tpu.memory_space<vmem>> -> memref<1x16xi32, #tpu.memory_space<vmem>>
    %dma_wait3A_51 = tpu.memref_squeeze %dma_wait3A_50 : memref<1x16xi32, #tpu.memory_space<vmem>> -> memref<16xi32, #tpu.memory_space<vmem>>
    %dma_wait3A_52 = arith.constant 0 : i32
    %dma_wait3A_53 = arith.constant 0 : i32
    %dma_wait3A_54 = tpu.memref_slice %arg2[%dma_wait3A_52, %dma_wait3A_53] : memref<6144x1024xf32, #tpu.memory_space<hbm>> -> memref<6144x1024xf32, #tpu.memory_space<hbm>>
    tpu.wait_indirect_dma semaphore(%arg15 : memref<!tpu.dma_semaphore, #tpu.memory_space<semaphore_mem>>) src(%dma_wait3A_54 : memref<6144x1024xf32, #tpu.memory_space<hbm>>) dst(%arg9 : memref<16x1024xf32, #tpu.memory_space<vmem>>)
    %dma_wait3A_55 = arith.constant 0 : i32
    %dma_wait3A_56 = tpu.memref_slice %arg4[%add3A_17, %dma_wait3A_55] : memref<2048x1024xf32, #tpu.memory_space<hbm>> -> memref<16x1024xf32, #tpu.memory_space<hbm>>
    %dma_wait3A_57 = arith.constant 0 : i32
    %dma_wait3A_58 = tpu.memref_slice %arg4[%add3A_17, %dma_wait3A_57] : memref<2048x1024xf32, #tpu.memory_space<hbm>> -> memref<16x1024xf32, #tpu.memory_space<hbm>>
    tpu.wait_dma2 semaphore(%arg16 : memref<!tpu.dma_semaphore, #tpu.memory_space<semaphore_mem>>) src(%dma_wait3A_58 : memref<16x1024xf32, #tpu.memory_space<hbm>>) dst(%arg11 : memref<16x1024xf32, #tpu.memory_space<vmem>>)
    %scan3A = arith.constant 0 : i32
    %scan3A_59 = arith.constant 0 : i32
    %scan3A_60 = arith.constant 64 : i32
    %scan3A_61 = arith.addi %scan3A_59, %scan3A_60 : i32
    %scan3A_62 = arith.constant 1 : i32
    scf.for %scan3A_544 = %scan3A_59 to %scan3A_61 step %scan3A_62  : i32 {
      %mul3A_545 = arith.constant 16 : i32
      %mul3A_546 = arith.muli %scan3A_544, %mul3A_545 : i32
      %get3A = arith.constant 0 : i32
      %get3A_547 = arith.index_cast %get3A : i32 to index
      %get3A_548 = arith.index_cast %mul3A_546 : i32 to index
      %get3A_549 = tpu.vector_load %arg7[%get3A_547, %get3A_548] {strides = array<i32>} : memref<16x1024xf32, #tpu.memory_space<vmem>>, vector<1x16xf32>,
      %get3A_550 = vector.shape_cast %get3A_549 : vector<1x16xf32> to vector<16xf32>
      %get3A_551 = arith.constant 0 : i32
      %get3A_552 = arith.index_cast %get3A_551 : i32 to index
      %get3A_553 = arith.index_cast %mul3A_546 : i32 to index
      %get3A_554 = tpu.vector_load %arg9[%get3A_552, %get3A_553] {strides = array<i32>} : memref<16x1024xf32, #tpu.memory_space<vmem>>, vector<1x16xf32>,
      %get3A_555 = vector.shape_cast %get3A_554 : vector<1x16xf32> to vector<16xf32>
      %add3A_556 = arith.addf %get3A_550, %get3A_555 : vector<16xf32>
      %get3A_557 = arith.constant 0 : i32
      %get3A_558 = arith.index_cast %get3A_557 : i32 to index
      %get3A_559 = arith.index_cast %mul3A_546 : i32 to index
      %get3A_560 = tpu.vector_load %arg11[%get3A_558, %get3A_559] {strides = array<i32>} : memref<16x1024xf32, #tpu.memory_space<vmem>>, vector<1x16xf32>,
      %get3A_561 = vector.shape_cast %get3A_560 : vector<1x16xf32> to vector<16xf32>
      %add3A_562 = arith.addf %add3A_556, %get3A_561 : vector<16xf32>
      %swap3A = arith.constant 0 : i32
      %swap3A_563 = arith.index_cast %swap3A : i32 to index
      %swap3A_564 = arith.index_cast %mul3A_546 : i32 to index
      %swap3A_565 = tpu.vector_load %arg13[%swap3A_563, %swap3A_564] {strides = array<i32>} : memref<16x1024xf32, #tpu.memory_space<vmem>>, vector<1x16xf32>,
      %swap3A_566 = vector.shape_cast %swap3A_565 : vector<1x16xf32> to vector<16xf32>
      %swap3A_567 = vector.shape_cast %add3A_562 : vector<16xf32> to vector<1x16xf32>
      tpu.vector_store %arg13[%swap3A_563, %swap3A_564], %swap3A_567 {strides = array<i32>} : memref<16x1024xf32, #tpu.memory_space<vmem>>, vector<1x16xf32>,
    }
    %scan3A_63 = arith.constant 64 : i32
    %scan3A_64 = arith.constant 0 : i32
    %scan3A_65 = arith.constant 0 : i32
    %scan3A_66 = arith.constant 64 : i32
    %scan3A_67 = arith.addi %scan3A_65, %scan3A_66 : i32
    %scan3A_68 = arith.constant 1 : i32
    scf.for %scan3A_544 = %scan3A_65 to %scan3A_67 step %scan3A_68  : i32 {
      %mul3A_545 = arith.constant 16 : i32
      %mul3A_546 = arith.muli %scan3A_544, %mul3A_545 : i32
      %get3A = arith.constant 1 : i32
      %get3A_547 = arith.index_cast %get3A : i32 to index
      %get3A_548 = arith.index_cast %mul3A_546 : i32 to index
      %get3A_549 = tpu.vector_load %arg7[%get3A_547, %get3A_548] {strides = array<i32>} : memref<16x1024xf32, #tpu.memory_space<vmem>>, vector<1x16xf32>,
      %get3A_550 = vector.shape_cast %get3A_549 : vector<1x16xf32> to vector<16xf32>
      %get3A_551 = arith.constant 1 : i32
      %get3A_552 = arith.index_cast %get3A_551 : i32 to index
      %get3A_553 = arith.index_cast %mul3A_546 : i32 to index
      %get3A_554 = tpu.vector_load %arg9[%get3A_552, %get3A_553] {strides = array<i32>} : memref<16x1024xf32, #tpu.memory_space<vmem>>, vector<1x16xf32>,
      %get3A_555 = vector.shape_cast %get3A_554 : vector<1x16xf32> to vector<16xf32>
      %add3A_556 = arith.addf %get3A_550, %get3A_555 : vector<16xf32>
      %get3A_557 = arith.constant 1 : i32
      %get3A_558 = arith.index_cast %get3A_557 : i32 to index
      %get3A_559 = arith.index_cast %mul3A_546 : i32 to index
      %get3A_560 = tpu.vector_load %arg11[%get3A_558, %get3A_559] {strides = array<i32>} : memref<16x1024xf32, #tpu.memory_space<vmem>>, vector<1x16xf32>,
      %get3A_561 = vector.shape_cast %get3A_560 : vector<1x16xf32> to vector<16xf32>
      %add3A_562 = arith.addf %add3A_556, %get3A_561 : vector<16xf32>
      %swap3A = arith.constant 1 : i32
      %swap3A_563 = arith.index_cast %swap3A : i32 to index
      %swap3A_564 = arith.index_cast %mul3A_546 : i32 to index
      %swap3A_565 = tpu.vector_load %arg13[%swap3A_563, %swap3A_564] {strides = array<i32>} : memref<16x1024xf32, #tpu.memory_space<vmem>>, vector<1x16xf32>,
      %swap3A_566 = vector.shape_cast %swap3A_565 : vector<1x16xf32> to vector<16xf32>
      %swap3A_567 = vector.shape_cast %add3A_562 : vector<16xf32> to vector<1x16xf32>
      tpu.vector_store %arg13[%swap3A_563, %swap3A_564], %swap3A_567 {strides = array<i32>} : memref<16x1024xf32, #tpu.memory_space<vmem>>, vector<1x16xf32>,
    }
    %scan3A_69 = arith.constant 64 : i32
    %scan3A_70 = arith.constant 0 : i32
    %scan3A_71 = arith.constant 0 : i32
    %scan3A_72 = arith.constant 64 : i32
    %scan3A_73 = arith.addi %scan3A_71, %scan3A_72 : i32
    %scan3A_74 = arith.constant 1 : i32
    scf.for %scan3A_544 = %scan3A_71 to %scan3A_73 step %scan3A_74  : i32 {
      %mul3A_545 = arith.constant 16 : i32
      %mul3A_546 = arith.muli %scan3A_544, %mul3A_545 : i32
      %get3A = arith.constant 2 : i32
      %get3A_547 = arith.index_cast %get3A : i32 to index
      %get3A_548 = arith.index_cast %mul3A_546 : i32 to index
      %get3A_549 = tpu.vector_load %arg7[%get3A_547, %get3A_548] {strides = array<i32>} : memref<16x1024xf32, #tpu.memory_space<vmem>>, vector<1x16xf32>,
      %get3A_550 = vector.shape_cast %get3A_549 : vector<1x16xf32> to vector<16xf32>
      %get3A_551 = arith.constant 2 : i32
      %get3A_552 = arith.index_cast %get3A_551 : i32 to index
      %get3A_553 = arith.index_cast %mul3A_546 : i32 to index
      %get3A_554 = tpu.vector_load %arg9[%get3A_552, %get3A_553] {strides = array<i32>} : memref<16x1024xf32, #tpu.memory_space<vmem>>, vector<1x16xf32>,
      %get3A_555 = vector.shape_cast %get3A_554 : vector<1x16xf32> to vector<16xf32>
      %add3A_556 = arith.addf %get3A_550, %get3A_555 : vector<16xf32>
      %get3A_557 = arith.constant 2 : i32
      %get3A_558 = arith.index_cast %get3A_557 : i32 to index
      %get3A_559 = arith.index_cast %mul3A_546 : i32 to index
      %get3A_560 = tpu.vector_load %arg11[%get3A_558, %get3A_559] {strides = array<i32>} : memref<16x1024xf32, #tpu.memory_space<vmem>>, vector<1x16xf32>,
      %get3A_561 = vector.shape_cast %get3A_560 : vector<1x16xf32> to vector<16xf32>
      %add3A_562 = arith.addf %add3A_556, %get3A_561 : vector<16xf32>
      %swap3A = arith.constant 2 : i32
      %swap3A_563 = arith.index_cast %swap3A : i32 to index
      %swap3A_564 = arith.index_cast %mul3A_546 : i32 to index
      %swap3A_565 = tpu.vector_load %arg13[%swap3A_563, %swap3A_564] {strides = array<i32>} : memref<16x1024xf32, #tpu.memory_space<vmem>>, vector<1x16xf32>,
      %swap3A_566 = vector.shape_cast %swap3A_565 : vector<1x16xf32> to vector<16xf32>
      %swap3A_567 = vector.shape_cast %add3A_562 : vector<16xf32> to vector<1x16xf32>
      tpu.vector_store %arg13[%swap3A_563, %swap3A_564], %swap3A_567 {strides = array<i32>} : memref<16x1024xf32, #tpu.memory_space<vmem>>, vector<1x16xf32>,
    }
    %scan3A_75 = arith.constant 64 : i32
    %scan3A_76 = arith.constant 0 : i32
    %scan3A_77 = arith.constant 0 : i32
    %scan3A_78 = arith.constant 64 : i32
    %scan3A_79 = arith.addi %scan3A_77, %scan3A_78 : i32
    %scan3A_80 = arith.constant 1 : i32
    scf.for %scan3A_544 = %scan3A_77 to %scan3A_79 step %scan3A_80  : i32 {
      %mul3A_545 = arith.constant 16 : i32
      %mul3A_546 = arith.muli %scan3A_544, %mul3A_545 : i32
      %get3A = arith.constant 3 : i32
      %get3A_547 = arith.index_cast %get3A : i32 to index
      %get3A_548 = arith.index_cast %mul3A_546 : i32 to index
      %get3A_549 = tpu.vector_load %arg7[%get3A_547, %get3A_548] {strides = array<i32>} : memref<16x1024xf32, #tpu.memory_space<vmem>>, vector<1x16xf32>,
      %get3A_550 = vector.shape_cast %get3A_549 : vector<1x16xf32> to vector<16xf32>
      %get3A_551 = arith.constant 3 : i32
      %get3A_552 = arith.index_cast %get3A_551 : i32 to index
      %get3A_553 = arith.index_cast %mul3A_546 : i32 to index
      %get3A_554 = tpu.vector_load %arg9[%get3A_552, %get3A_553] {strides = array<i32>} : memref<16x1024xf32, #tpu.memory_space<vmem>>, vector<1x16xf32>,
      %get3A_555 = vector.shape_cast %get3A_554 : vector<1x16xf32> to vector<16xf32>
      %add3A_556 = arith.addf %get3A_550, %get3A_555 : vector<16xf32>
      %get3A_557 = arith.constant 3 : i32
      %get3A_558 = arith.index_cast %get3A_557 : i32 to index
      %get3A_559 = arith.index_cast %mul3A_546 : i32 to index
      %get3A_560 = tpu.vector_load %arg11[%get3A_558, %get3A_559] {strides = array<i32>} : memref<16x1024xf32, #tpu.memory_space<vmem>>, vector<1x16xf32>,
      %get3A_561 = vector.shape_cast %get3A_560 : vector<1x16xf32> to vector<16xf32>
      %add3A_562 = arith.addf %add3A_556, %get3A_561 : vector<16xf32>
      %swap3A = arith.constant 3 : i32
      %swap3A_563 = arith.index_cast %swap3A : i32 to index
      %swap3A_564 = arith.index_cast %mul3A_546 : i32 to index
      %swap3A_565 = tpu.vector_load %arg13[%swap3A_563, %swap3A_564] {strides = array<i32>} : memref<16x1024xf32, #tpu.memory_space<vmem>>, vector<1x16xf32>,
      %swap3A_566 = vector.shape_cast %swap3A_565 : vector<1x16xf32> to vector<16xf32>
      %swap3A_567 = vector.shape_cast %add3A_562 : vector<16xf32> to vector<1x16xf32>
      tpu.vector_store %arg13[%swap3A_563, %swap3A_564], %swap3A_567 {strides = array<i32>} : memref<16x1024xf32, #tpu.memory_space<vmem>>, vector<1x16xf32>,
    }
    %scan3A_81 = arith.constant 64 : i32
    %scan3A_82 = arith.constant 0 : i32
    %scan3A_83 = arith.constant 0 : i32
    %scan3A_84 = arith.constant 64 : i32
    %scan3A_85 = arith.addi %scan3A_83, %scan3A_84 : i32
    %scan3A_86 = arith.constant 1 : i32
    scf.for %scan3A_544 = %scan3A_83 to %scan3A_85 step %scan3A_86  : i32 {
      %mul3A_545 = arith.constant 16 : i32
      %mul3A_546 = arith.muli %scan3A_544, %mul3A_545 : i32
      %get3A = arith.constant 4 : i32
      %get3A_547 = arith.index_cast %get3A : i32 to index
      %get3A_548 = arith.index_cast %mul3A_546 : i32 to index
      %get3A_549 = tpu.vector_load %arg7[%get3A_547, %get3A_548] {strides = array<i32>} : memref<16x1024xf32, #tpu.memory_space<vmem>>, vector<1x16xf32>,
      %get3A_550 = vector.shape_cast %get3A_549 : vector<1x16xf32> to vector<16xf32>
      %get3A_551 = arith.constant 4 : i32
      %get3A_552 = arith.index_cast %get3A_551 : i32 to index
      %get3A_553 = arith.index_cast %mul3A_546 : i32 to index
      %get3A_554 = tpu.vector_load %arg9[%get3A_552, %get3A_553] {strides = array<i32>} : memref<16x1024xf32, #tpu.memory_space<vmem>>, vector<1x16xf32>,
      %get3A_555 = vector.shape_cast %get3A_554 : vector<1x16xf32> to vector<16xf32>
      %add3A_556 = arith.addf %get3A_550, %get3A_555 : vector<16xf32>
      %get3A_557 = arith.constant 4 : i32
      %get3A_558 = arith.index_cast %get3A_557 : i32 to index
      %get3A_559 = arith.index_cast %mul3A_546 : i32 to index
      %get3A_560 = tpu.vector_load %arg11[%get3A_558, %get3A_559] {strides = array<i32>} : memref<16x1024xf32, #tpu.memory_space<vmem>>, vector<1x16xf32>,
      %get3A_561 = vector.shape_cast %get3A_560 : vector<1x16xf32> to vector<16xf32>
      %add3A_562 = arith.addf %add3A_556, %get3A_561 : vector<16xf32>
      %swap3A = arith.constant 4 : i32
      %swap3A_563 = arith.index_cast %swap3A : i32 to index
      %swap3A_564 = arith.index_cast %mul3A_546 : i32 to index
      %swap3A_565 = tpu.vector_load %arg13[%swap3A_563, %swap3A_564] {strides = array<i32>} : memref<16x1024xf32, #tpu.memory_space<vmem>>, vector<1x16xf32>,
      %swap3A_566 = vector.shape_cast %swap3A_565 : vector<1x16xf32> to vector<16xf32>
      %swap3A_567 = vector.shape_cast %add3A_562 : vector<16xf32> to vector<1x16xf32>
      tpu.vector_store %arg13[%swap3A_563, %swap3A_564], %swap3A_567 {strides = array<i32>} : memref<16x1024xf32, #tpu.memory_space<vmem>>, vector<1x16xf32>,
    }
    %scan3A_87 = arith.constant 64 : i32
    %scan3A_88 = arith.constant 0 : i32
    %scan3A_89 = arith.constant 0 : i32
    %scan3A_90 = arith.constant 64 : i32
    %scan3A_91 = arith.addi %scan3A_89, %scan3A_90 : i32
    %scan3A_92 = arith.constant 1 : i32
    scf.for %scan3A_544 = %scan3A_89 to %scan3A_91 step %scan3A_92  : i32 {
      %mul3A_545 = arith.constant 16 : i32
      %mul3A_546 = arith.muli %scan3A_544, %mul3A_545 : i32
      %get3A = arith.constant 5 : i32
      %get3A_547 = arith.index_cast %get3A : i32 to index
      %get3A_548 = arith.index_cast %mul3A_546 : i32 to index
      %get3A_549 = tpu.vector_load %arg7[%get3A_547, %get3A_548] {strides = array<i32>} : memref<16x1024xf32, #tpu.memory_space<vmem>>, vector<1x16xf32>,
      %get3A_550 = vector.shape_cast %get3A_549 : vector<1x16xf32> to vector<16xf32>
      %get3A_551 = arith.constant 5 : i32
      %get3A_552 = arith.index_cast %get3A_551 : i32 to index
      %get3A_553 = arith.index_cast %mul3A_546 : i32 to index
      %get3A_554 = tpu.vector_load %arg9[%get3A_552, %get3A_553] {strides = array<i32>} : memref<16x1024xf32, #tpu.memory_space<vmem>>, vector<1x16xf32>,
      %get3A_555 = vector.shape_cast %get3A_554 : vector<1x16xf32> to vector<16xf32>
      %add3A_556 = arith.addf %get3A_550, %get3A_555 : vector<16xf32>
      %get3A_557 = arith.constant 5 : i32
      %get3A_558 = arith.index_cast %get3A_557 : i32 to index
      %get3A_559 = arith.index_cast %mul3A_546 : i32 to index
      %get3A_560 = tpu.vector_load %arg11[%get3A_558, %get3A_559] {strides = array<i32>} : memref<16x1024xf32, #tpu.memory_space<vmem>>, vector<1x16xf32>,
      %get3A_561 = vector.shape_cast %get3A_560 : vector<1x16xf32> to vector<16xf32>
      %add3A_562 = arith.addf %add3A_556, %get3A_561 : vector<16xf32>
      %swap3A = arith.constant 5 : i32
      %swap3A_563 = arith.index_cast %swap3A : i32 to index
      %swap3A_564 = arith.index_cast %mul3A_546 : i32 to index
      %swap3A_565 = tpu.vector_load %arg13[%swap3A_563, %swap3A_564] {strides = array<i32>} : memref<16x1024xf32, #tpu.memory_space<vmem>>, vector<1x16xf32>,
      %swap3A_566 = vector.shape_cast %swap3A_565 : vector<1x16xf32> to vector<16xf32>
      %swap3A_567 = vector.shape_cast %add3A_562 : vector<16xf32> to vector<1x16xf32>
      tpu.vector_store %arg13[%swap3A_563, %swap3A_564], %swap3A_567 {strides = array<i32>} : memref<16x1024xf32, #tpu.memory_space<vmem>>, vector<1x16xf32>,
    }
    %scan3A_93 = arith.constant 64 : i32
    %scan3A_94 = arith.constant 0 : i32
    %scan3A_95 = arith.constant 0 : i32
    %scan3A_96 = arith.constant 64 : i32
    %scan3A_97 = arith.addi %scan3A_95, %scan3A_96 : i32
    %scan3A_98 = arith.constant 1 : i32
    scf.for %scan3A_544 = %scan3A_95 to %scan3A_97 step %scan3A_98  : i32 {
      %mul3A_545 = arith.constant 16 : i32
      %mul3A_546 = arith.muli %scan3A_544, %mul3A_545 : i32
      %get3A = arith.constant 6 : i32
      %get3A_547 = arith.index_cast %get3A : i32 to index
      %get3A_548 = arith.index_cast %mul3A_546 : i32 to index
      %get3A_549 = tpu.vector_load %arg7[%get3A_547, %get3A_548] {strides = array<i32>} : memref<16x1024xf32, #tpu.memory_space<vmem>>, vector<1x16xf32>,
      %get3A_550 = vector.shape_cast %get3A_549 : vector<1x16xf32> to vector<16xf32>
      %get3A_551 = arith.constant 6 : i32
      %get3A_552 = arith.index_cast %get3A_551 : i32 to index
      %get3A_553 = arith.index_cast %mul3A_546 : i32 to index
      %get3A_554 = tpu.vector_load %arg9[%get3A_552, %get3A_553] {strides = array<i32>} : memref<16x1024xf32, #tpu.memory_space<vmem>>, vector<1x16xf32>,
      %get3A_555 = vector.shape_cast %get3A_554 : vector<1x16xf32> to vector<16xf32>
      %add3A_556 = arith.addf %get3A_550, %get3A_555 : vector<16xf32>
      %get3A_557 = arith.constant 6 : i32
      %get3A_558 = arith.index_cast %get3A_557 : i32 to index
      %get3A_559 = arith.index_cast %mul3A_546 : i32 to index
      %get3A_560 = tpu.vector_load %arg11[%get3A_558, %get3A_559] {strides = array<i32>} : memref<16x1024xf32, #tpu.memory_space<vmem>>, vector<1x16xf32>,
      %get3A_561 = vector.shape_cast %get3A_560 : vector<1x16xf32> to vector<16xf32>
      %add3A_562 = arith.addf %add3A_556, %get3A_561 : vector<16xf32>
      %swap3A = arith.constant 6 : i32
      %swap3A_563 = arith.index_cast %swap3A : i32 to index
      %swap3A_564 = arith.index_cast %mul3A_546 : i32 to index
      %swap3A_565 = tpu.vector_load %arg13[%swap3A_563, %swap3A_564] {strides = array<i32>} : memref<16x1024xf32, #tpu.memory_space<vmem>>, vector<1x16xf32>,
      %swap3A_566 = vector.shape_cast %swap3A_565 : vector<1x16xf32> to vector<16xf32>
      %swap3A_567 = vector.shape_cast %add3A_562 : vector<16xf32> to vector<1x16xf32>
      tpu.vector_store %arg13[%swap3A_563, %swap3A_564], %swap3A_567 {strides = array<i32>} : memref<16x1024xf32, #tpu.memory_space<vmem>>, vector<1x16xf32>,
    }
    %scan3A_99 = arith.constant 64 : i32
    %scan3A_100 = arith.constant 0 : i32
    %scan3A_101 = arith.constant 0 : i32
    %scan3A_102 = arith.constant 64 : i32
    %scan3A_103 = arith.addi %scan3A_101, %scan3A_102 : i32
    %scan3A_104 = arith.constant 1 : i32
    scf.for %scan3A_544 = %scan3A_101 to %scan3A_103 step %scan3A_104  : i32 {
      %mul3A_545 = arith.constant 16 : i32
      %mul3A_546 = arith.muli %scan3A_544, %mul3A_545 : i32
      %get3A = arith.constant 7 : i32
      %get3A_547 = arith.index_cast %get3A : i32 to index
      %get3A_548 = arith.index_cast %mul3A_546 : i32 to index
      %get3A_549 = tpu.vector_load %arg7[%get3A_547, %get3A_548] {strides = array<i32>} : memref<16x1024xf32, #tpu.memory_space<vmem>>, vector<1x16xf32>,
      %get3A_550 = vector.shape_cast %get3A_549 : vector<1x16xf32> to vector<16xf32>
      %get3A_551 = arith.constant 7 : i32
      %get3A_552 = arith.index_cast %get3A_551 : i32 to index
      %get3A_553 = arith.index_cast %mul3A_546 : i32 to index
      %get3A_554 = tpu.vector_load %arg9[%get3A_552, %get3A_553] {strides = array<i32>} : memref<16x1024xf32, #tpu.memory_space<vmem>>, vector<1x16xf32>,
      %get3A_555 = vector.shape_cast %get3A_554 : vector<1x16xf32> to vector<16xf32>
      %add3A_556 = arith.addf %get3A_550, %get3A_555 : vector<16xf32>
      %get3A_557 = arith.constant 7 : i32
      %get3A_558 = arith.index_cast %get3A_557 : i32 to index
      %get3A_559 = arith.index_cast %mul3A_546 : i32 to index
      %get3A_560 = tpu.vector_load %arg11[%get3A_558, %get3A_559] {strides = array<i32>} : memref<16x1024xf32, #tpu.memory_space<vmem>>, vector<1x16xf32>,
      %get3A_561 = vector.shape_cast %get3A_560 : vector<1x16xf32> to vector<16xf32>
      %add3A_562 = arith.addf %add3A_556, %get3A_561 : vector<16xf32>
      %swap3A = arith.constant 7 : i32
      %swap3A_563 = arith.index_cast %swap3A : i32 to index
      %swap3A_564 = arith.index_cast %mul3A_546 : i32 to index
      %swap3A_565 = tpu.vector_load %arg13[%swap3A_563, %swap3A_564] {strides = array<i32>} : memref<16x1024xf32, #tpu.memory_space<vmem>>, vector<1x16xf32>,
      %swap3A_566 = vector.shape_cast %swap3A_565 : vector<1x16xf32> to vector<16xf32>
      %swap3A_567 = vector.shape_cast %add3A_562 : vector<16xf32> to vector<1x16xf32>
      tpu.vector_store %arg13[%swap3A_563, %swap3A_564], %swap3A_567 {strides = array<i32>} : memref<16x1024xf32, #tpu.memory_space<vmem>>, vector<1x16xf32>,
    }
    %scan3A_105 = arith.constant 64 : i32
    %scan3A_106 = arith.constant 0 : i32
    %scan3A_107 = arith.constant 0 : i32
    %scan3A_108 = arith.constant 64 : i32
    %scan3A_109 = arith.addi %scan3A_107, %scan3A_108 : i32
    %scan3A_110 = arith.constant 1 : i32
    scf.for %scan3A_544 = %scan3A_107 to %scan3A_109 step %scan3A_110  : i32 {
      %mul3A_545 = arith.constant 16 : i32
      %mul3A_546 = arith.muli %scan3A_544, %mul3A_545 : i32
      %get3A = arith.constant 8 : i32
      %get3A_547 = arith.index_cast %get3A : i32 to index
      %get3A_548 = arith.index_cast %mul3A_546 : i32 to index
      %get3A_549 = tpu.vector_load %arg7[%get3A_547, %get3A_548] {strides = array<i32>} : memref<16x1024xf32, #tpu.memory_space<vmem>>, vector<1x16xf32>,
      %get3A_550 = vector.shape_cast %get3A_549 : vector<1x16xf32> to vector<16xf32>
      %get3A_551 = arith.constant 8 : i32
      %get3A_552 = arith.index_cast %get3A_551 : i32 to index
      %get3A_553 = arith.index_cast %mul3A_546 : i32 to index
      %get3A_554 = tpu.vector_load %arg9[%get3A_552, %get3A_553] {strides = array<i32>} : memref<16x1024xf32, #tpu.memory_space<vmem>>, vector<1x16xf32>,
      %get3A_555 = vector.shape_cast %get3A_554 : vector<1x16xf32> to vector<16xf32>
      %add3A_556 = arith.addf %get3A_550, %get3A_555 : vector<16xf32>
      %get3A_557 = arith.constant 8 : i32
      %get3A_558 = arith.index_cast %get3A_557 : i32 to index
      %get3A_559 = arith.index_cast %mul3A_546 : i32 to index
      %get3A_560 = tpu.vector_load %arg11[%get3A_558, %get3A_559] {strides = array<i32>} : memref<16x1024xf32, #tpu.memory_space<vmem>>, vector<1x16xf32>,
      %get3A_561 = vector.shape_cast %get3A_560 : vector<1x16xf32> to vector<16xf32>
      %add3A_562 = arith.addf %add3A_556, %get3A_561 : vector<16xf32>
      %swap3A = arith.constant 8 : i32
      %swap3A_563 = arith.index_cast %swap3A : i32 to index
      %swap3A_564 = arith.index_cast %mul3A_546 : i32 to index
      %swap3A_565 = tpu.vector_load %arg13[%swap3A_563, %swap3A_564] {strides = array<i32>} : memref<16x1024xf32, #tpu.memory_space<vmem>>, vector<1x16xf32>,
      %swap3A_566 = vector.shape_cast %swap3A_565 : vector<1x16xf32> to vector<16xf32>
      %swap3A_567 = vector.shape_cast %add3A_562 : vector<16xf32> to vector<1x16xf32>
      tpu.vector_store %arg13[%swap3A_563, %swap3A_564], %swap3A_567 {strides = array<i32>} : memref<16x1024xf32, #tpu.memory_space<vmem>>, vector<1x16xf32>,
    }
    %scan3A_111 = arith.constant 64 : i32
    %scan3A_112 = arith.constant 0 : i32
    %scan3A_113 = arith.constant 0 : i32
    %scan3A_114 = arith.constant 64 : i32
    %scan3A_115 = arith.addi %scan3A_113, %scan3A_114 : i32
    %scan3A_116 = arith.constant 1 : i32
    scf.for %scan3A_544 = %scan3A_113 to %scan3A_115 step %scan3A_116  : i32 {
      %mul3A_545 = arith.constant 16 : i32
      %mul3A_546 = arith.muli %scan3A_544, %mul3A_545 : i32
      %get3A = arith.constant 9 : i32
      %get3A_547 = arith.index_cast %get3A : i32 to index
      %get3A_548 = arith.index_cast %mul3A_546 : i32 to index
      %get3A_549 = tpu.vector_load %arg7[%get3A_547, %get3A_548] {strides = array<i32>} : memref<16x1024xf32, #tpu.memory_space<vmem>>, vector<1x16xf32>,
      %get3A_550 = vector.shape_cast %get3A_549 : vector<1x16xf32> to vector<16xf32>
      %get3A_551 = arith.constant 9 : i32
      %get3A_552 = arith.index_cast %get3A_551 : i32 to index
      %get3A_553 = arith.index_cast %mul3A_546 : i32 to index
      %get3A_554 = tpu.vector_load %arg9[%get3A_552, %get3A_553] {strides = array<i32>} : memref<16x1024xf32, #tpu.memory_space<vmem>>, vector<1x16xf32>,
      %get3A_555 = vector.shape_cast %get3A_554 : vector<1x16xf32> to vector<16xf32>
      %add3A_556 = arith.addf %get3A_550, %get3A_555 : vector<16xf32>
      %get3A_557 = arith.constant 9 : i32
      %get3A_558 = arith.index_cast %get3A_557 : i32 to index
      %get3A_559 = arith.index_cast %mul3A_546 : i32 to index
      %get3A_560 = tpu.vector_load %arg11[%get3A_558, %get3A_559] {strides = array<i32>} : memref<16x1024xf32, #tpu.memory_space<vmem>>, vector<1x16xf32>,
      %get3A_561 = vector.shape_cast %get3A_560 : vector<1x16xf32> to vector<16xf32>
      %add3A_562 = arith.addf %add3A_556, %get3A_561 : vector<16xf32>
      %swap3A = arith.constant 9 : i32
      %swap3A_563 = arith.index_cast %swap3A : i32 to index
      %swap3A_564 = arith.index_cast %mul3A_546 : i32 to index
      %swap3A_565 = tpu.vector_load %arg13[%swap3A_563, %swap3A_564] {strides = array<i32>} : memref<16x1024xf32, #tpu.memory_space<vmem>>, vector<1x16xf32>,
      %swap3A_566 = vector.shape_cast %swap3A_565 : vector<1x16xf32> to vector<16xf32>
      %swap3A_567 = vector.shape_cast %add3A_562 : vector<16xf32> to vector<1x16xf32>
      tpu.vector_store %arg13[%swap3A_563, %swap3A_564], %swap3A_567 {strides = array<i32>} : memref<16x1024xf32, #tpu.memory_space<vmem>>, vector<1x16xf32>,
    }
    %scan3A_117 = arith.constant 64 : i32
    %scan3A_118 = arith.constant 0 : i32
    %scan3A_119 = arith.constant 0 : i32
    %scan3A_120 = arith.constant 64 : i32
    %scan3A_121 = arith.addi %scan3A_119, %scan3A_120 : i32
    %scan3A_122 = arith.constant 1 : i32
    scf.for %scan3A_544 = %scan3A_119 to %scan3A_121 step %scan3A_122  : i32 {
      %mul3A_545 = arith.constant 16 : i32
      %mul3A_546 = arith.muli %scan3A_544, %mul3A_545 : i32
      %get3A = arith.constant 10 : i32
      %get3A_547 = arith.index_cast %get3A : i32 to index
      %get3A_548 = arith.index_cast %mul3A_546 : i32 to index
      %get3A_549 = tpu.vector_load %arg7[%get3A_547, %get3A_548] {strides = array<i32>} : memref<16x1024xf32, #tpu.memory_space<vmem>>, vector<1x16xf32>,
      %get3A_550 = vector.shape_cast %get3A_549 : vector<1x16xf32> to vector<16xf32>
      %get3A_551 = arith.constant 10 : i32
      %get3A_552 = arith.index_cast %get3A_551 : i32 to index
      %get3A_553 = arith.index_cast %mul3A_546 : i32 to index
      %get3A_554 = tpu.vector_load %arg9[%get3A_552, %get3A_553] {strides = array<i32>} : memref<16x1024xf32, #tpu.memory_space<vmem>>, vector<1x16xf32>,
      %get3A_555 = vector.shape_cast %get3A_554 : vector<1x16xf32> to vector<16xf32>
      %add3A_556 = arith.addf %get3A_550, %get3A_555 : vector<16xf32>
      %get3A_557 = arith.constant 10 : i32
      %get3A_558 = arith.index_cast %get3A_557 : i32 to index
      %get3A_559 = arith.index_cast %mul3A_546 : i32 to index
      %get3A_560 = tpu.vector_load %arg11[%get3A_558, %get3A_559] {strides = array<i32>} : memref<16x1024xf32, #tpu.memory_space<vmem>>, vector<1x16xf32>,
      %get3A_561 = vector.shape_cast %get3A_560 : vector<1x16xf32> to vector<16xf32>
      %add3A_562 = arith.addf %add3A_556, %get3A_561 : vector<16xf32>
      %swap3A = arith.constant 10 : i32
      %swap3A_563 = arith.index_cast %swap3A : i32 to index
      %swap3A_564 = arith.index_cast %mul3A_546 : i32 to index
      %swap3A_565 = tpu.vector_load %arg13[%swap3A_563, %swap3A_564] {strides = array<i32>} : memref<16x1024xf32, #tpu.memory_space<vmem>>, vector<1x16xf32>,
      %swap3A_566 = vector.shape_cast %swap3A_565 : vector<1x16xf32> to vector<16xf32>
      %swap3A_567 = vector.shape_cast %add3A_562 : vector<16xf32> to vector<1x16xf32>
      tpu.vector_store %arg13[%swap3A_563, %swap3A_564], %swap3A_567 {strides = array<i32>} : memref<16x1024xf32, #tpu.memory_space<vmem>>, vector<1x16xf32>,
    }
    %scan3A_123 = arith.constant 64 : i32
    %scan3A_124 = arith.constant 0 : i32
    %scan3A_125 = arith.constant 0 : i32
    %scan3A_126 = arith.constant 64 : i32
    %scan3A_127 = arith.addi %scan3A_125, %scan3A_126 : i32
    %scan3A_128 = arith.constant 1 : i32
    scf.for %scan3A_544 = %scan3A_125 to %scan3A_127 step %scan3A_128  : i32 {
      %mul3A_545 = arith.constant 16 : i32
      %mul3A_546 = arith.muli %scan3A_544, %mul3A_545 : i32
      %get3A = arith.constant 11 : i32
      %get3A_547 = arith.index_cast %get3A : i32 to index
      %get3A_548 = arith.index_cast %mul3A_546 : i32 to index
      %get3A_549 = tpu.vector_load %arg7[%get3A_547, %get3A_548] {strides = array<i32>} : memref<16x1024xf32, #tpu.memory_space<vmem>>, vector<1x16xf32>,
      %get3A_550 = vector.shape_cast %get3A_549 : vector<1x16xf32> to vector<16xf32>
      %get3A_551 = arith.constant 11 : i32
      %get3A_552 = arith.index_cast %get3A_551 : i32 to index
      %get3A_553 = arith.index_cast %mul3A_546 : i32 to index
      %get3A_554 = tpu.vector_load %arg9[%get3A_552, %get3A_553] {strides = array<i32>} : memref<16x1024xf32, #tpu.memory_space<vmem>>, vector<1x16xf32>,
      %get3A_555 = vector.shape_cast %get3A_554 : vector<1x16xf32> to vector<16xf32>
      %add3A_556 = arith.addf %get3A_550, %get3A_555 : vector<16xf32>
      %get3A_557 = arith.constant 11 : i32
      %get3A_558 = arith.index_cast %get3A_557 : i32 to index
      %get3A_559 = arith.index_cast %mul3A_546 : i32 to index
      %get3A_560 = tpu.vector_load %arg11[%get3A_558, %get3A_559] {strides = array<i32>} : memref<16x1024xf32, #tpu.memory_space<vmem>>, vector<1x16xf32>,
      %get3A_561 = vector.shape_cast %get3A_560 : vector<1x16xf32> to vector<16xf32>
      %add3A_562 = arith.addf %add3A_556, %get3A_561 : vector<16xf32>
      %swap3A = arith.constant 11 : i32
      %swap3A_563 = arith.index_cast %swap3A : i32 to index
      %swap3A_564 = arith.index_cast %mul3A_546 : i32 to index
      %swap3A_565 = tpu.vector_load %arg13[%swap3A_563, %swap3A_564] {strides = array<i32>} : memref<16x1024xf32, #tpu.memory_space<vmem>>, vector<1x16xf32>,
      %swap3A_566 = vector.shape_cast %swap3A_565 : vector<1x16xf32> to vector<16xf32>
      %swap3A_567 = vector.shape_cast %add3A_562 : vector<16xf32> to vector<1x16xf32>
      tpu.vector_store %arg13[%swap3A_563, %swap3A_564], %swap3A_567 {strides = array<i32>} : memref<16x1024xf32, #tpu.memory_space<vmem>>, vector<1x16xf32>,
    }
    %scan3A_129 = arith.constant 64 : i32
    %scan3A_130 = arith.constant 0 : i32
    %scan3A_131 = arith.constant 0 : i32
    %scan3A_132 = arith.constant 64 : i32
    %scan3A_133 = arith.addi %scan3A_131, %scan3A_132 : i32
    %scan3A_134 = arith.constant 1 : i32
    scf.for %scan3A_544 = %scan3A_131 to %scan3A_133 step %scan3A_134  : i32 {
      %mul3A_545 = arith.constant 16 : i32
      %mul3A_546 = arith.muli %scan3A_544, %mul3A_545 : i32
      %get3A = arith.constant 12 : i32
      %get3A_547 = arith.index_cast %get3A : i32 to index
      %get3A_548 = arith.index_cast %mul3A_546 : i32 to index
      %get3A_549 = tpu.vector_load %arg7[%get3A_547, %get3A_548] {strides = array<i32>} : memref<16x1024xf32, #tpu.memory_space<vmem>>, vector<1x16xf32>,
      %get3A_550 = vector.shape_cast %get3A_549 : vector<1x16xf32> to vector<16xf32>
      %get3A_551 = arith.constant 12 : i32
      %get3A_552 = arith.index_cast %get3A_551 : i32 to index
      %get3A_553 = arith.index_cast %mul3A_546 : i32 to index
      %get3A_554 = tpu.vector_load %arg9[%get3A_552, %get3A_553] {strides = array<i32>} : memref<16x1024xf32, #tpu.memory_space<vmem>>, vector<1x16xf32>,
      %get3A_555 = vector.shape_cast %get3A_554 : vector<1x16xf32> to vector<16xf32>
      %add3A_556 = arith.addf %get3A_550, %get3A_555 : vector<16xf32>
      %get3A_557 = arith.constant 12 : i32
      %get3A_558 = arith.index_cast %get3A_557 : i32 to index
      %get3A_559 = arith.index_cast %mul3A_546 : i32 to index
      %get3A_560 = tpu.vector_load %arg11[%get3A_558, %get3A_559] {strides = array<i32>} : memref<16x1024xf32, #tpu.memory_space<vmem>>, vector<1x16xf32>,
      %get3A_561 = vector.shape_cast %get3A_560 : vector<1x16xf32> to vector<16xf32>
      %add3A_562 = arith.addf %add3A_556, %get3A_561 : vector<16xf32>
      %swap3A = arith.constant 12 : i32
      %swap3A_563 = arith.index_cast %swap3A : i32 to index
      %swap3A_564 = arith.index_cast %mul3A_546 : i32 to index
      %swap3A_565 = tpu.vector_load %arg13[%swap3A_563, %swap3A_564] {strides = array<i32>} : memref<16x1024xf32, #tpu.memory_space<vmem>>, vector<1x16xf32>,
      %swap3A_566 = vector.shape_cast %swap3A_565 : vector<1x16xf32> to vector<16xf32>
      %swap3A_567 = vector.shape_cast %add3A_562 : vector<16xf32> to vector<1x16xf32>
      tpu.vector_store %arg13[%swap3A_563, %swap3A_564], %swap3A_567 {strides = array<i32>} : memref<16x1024xf32, #tpu.memory_space<vmem>>, vector<1x16xf32>,
    }
    %scan3A_135 = arith.constant 64 : i32
    %scan3A_136 = arith.constant 0 : i32
    %scan3A_137 = arith.constant 0 : i32
    %scan3A_138 = arith.constant 64 : i32
    %scan3A_139 = arith.addi %scan3A_137, %scan3A_138 : i32
    %scan3A_140 = arith.constant 1 : i32
    scf.for %scan3A_544 = %scan3A_137 to %scan3A_139 step %scan3A_140  : i32 {
      %mul3A_545 = arith.constant 16 : i32
      %mul3A_546 = arith.muli %scan3A_544, %mul3A_545 : i32
      %get3A = arith.constant 13 : i32
      %get3A_547 = arith.index_cast %get3A : i32 to index
      %get3A_548 = arith.index_cast %mul3A_546 : i32 to index
      %get3A_549 = tpu.vector_load %arg7[%get3A_547, %get3A_548] {strides = array<i32>} : memref<16x1024xf32, #tpu.memory_space<vmem>>, vector<1x16xf32>,
      %get3A_550 = vector.shape_cast %get3A_549 : vector<1x16xf32> to vector<16xf32>
      %get3A_551 = arith.constant 13 : i32
      %get3A_552 = arith.index_cast %get3A_551 : i32 to index
      %get3A_553 = arith.index_cast %mul3A_546 : i32 to index
      %get3A_554 = tpu.vector_load %arg9[%get3A_552, %get3A_553] {strides = array<i32>} : memref<16x1024xf32, #tpu.memory_space<vmem>>, vector<1x16xf32>,
      %get3A_555 = vector.shape_cast %get3A_554 : vector<1x16xf32> to vector<16xf32>
      %add3A_556 = arith.addf %get3A_550, %get3A_555 : vector<16xf32>
      %get3A_557 = arith.constant 13 : i32
      %get3A_558 = arith.index_cast %get3A_557 : i32 to index
      %get3A_559 = arith.index_cast %mul3A_546 : i32 to index
      %get3A_560 = tpu.vector_load %arg11[%get3A_558, %get3A_559] {strides = array<i32>} : memref<16x1024xf32, #tpu.memory_space<vmem>>, vector<1x16xf32>,
      %get3A_561 = vector.shape_cast %get3A_560 : vector<1x16xf32> to vector<16xf32>
      %add3A_562 = arith.addf %add3A_556, %get3A_561 : vector<16xf32>
      %swap3A = arith.constant 13 : i32
      %swap3A_563 = arith.index_cast %swap3A : i32 to index
      %swap3A_564 = arith.index_cast %mul3A_546 : i32 to index
      %swap3A_565 = tpu.vector_load %arg13[%swap3A_563, %swap3A_564] {strides = array<i32>} : memref<16x1024xf32, #tpu.memory_space<vmem>>, vector<1x16xf32>,
      %swap3A_566 = vector.shape_cast %swap3A_565 : vector<1x16xf32> to vector<16xf32>
      %swap3A_567 = vector.shape_cast %add3A_562 : vector<16xf32> to vector<1x16xf32>
      tpu.vector_store %arg13[%swap3A_563, %swap3A_564], %swap3A_567 {strides = array<i32>} : memref<16x1024xf32, #tpu.memory_space<vmem>>, vector<1x16xf32>,
    }
    %scan3A_141 = arith.constant 64 : i32
    %scan3A_142 = arith.constant 0 : i32
    %scan3A_143 = arith.constant 0 : i32
    %scan3A_144 = arith.constant 64 : i32
    %scan3A_145 = arith.addi %scan3A_143, %scan3A_144 : i32
    %scan3A_146 = arith.constant 1 : i32
    scf.for %scan3A_544 = %scan3A_143 to %scan3A_145 step %scan3A_146  : i32 {
      %mul3A_545 = arith.constant 16 : i32
      %mul3A_546 = arith.muli %scan3A_544, %mul3A_545 : i32
      %get3A = arith.constant 14 : i32
      %get3A_547 = arith.index_cast %get3A : i32 to index
      %get3A_548 = arith.index_cast %mul3A_546 : i32 to index
      %get3A_549 = tpu.vector_load %arg7[%get3A_547, %get3A_548] {strides = array<i32>} : memref<16x1024xf32, #tpu.memory_space<vmem>>, vector<1x16xf32>,
      %get3A_550 = vector.shape_cast %get3A_549 : vector<1x16xf32> to vector<16xf32>
      %get3A_551 = arith.constant 14 : i32
      %get3A_552 = arith.index_cast %get3A_551 : i32 to index
      %get3A_553 = arith.index_cast %mul3A_546 : i32 to index
      %get3A_554 = tpu.vector_load %arg9[%get3A_552, %get3A_553] {strides = array<i32>} : memref<16x1024xf32, #tpu.memory_space<vmem>>, vector<1x16xf32>,
      %get3A_555 = vector.shape_cast %get3A_554 : vector<1x16xf32> to vector<16xf32>
      %add3A_556 = arith.addf %get3A_550, %get3A_555 : vector<16xf32>
      %get3A_557 = arith.constant 14 : i32
      %get3A_558 = arith.index_cast %get3A_557 : i32 to index
      %get3A_559 = arith.index_cast %mul3A_546 : i32 to index
      %get3A_560 = tpu.vector_load %arg11[%get3A_558, %get3A_559] {strides = array<i32>} : memref<16x1024xf32, #tpu.memory_space<vmem>>, vector<1x16xf32>,
      %get3A_561 = vector.shape_cast %get3A_560 : vector<1x16xf32> to vector<16xf32>
      %add3A_562 = arith.addf %add3A_556, %get3A_561 : vector<16xf32>
      %swap3A = arith.constant 14 : i32
      %swap3A_563 = arith.index_cast %swap3A : i32 to index
      %swap3A_564 = arith.index_cast %mul3A_546 : i32 to index
      %swap3A_565 = tpu.vector_load %arg13[%swap3A_563, %swap3A_564] {strides = array<i32>} : memref<16x1024xf32, #tpu.memory_space<vmem>>, vector<1x16xf32>,
      %swap3A_566 = vector.shape_cast %swap3A_565 : vector<1x16xf32> to vector<16xf32>
      %swap3A_567 = vector.shape_cast %add3A_562 : vector<16xf32> to vector<1x16xf32>
      tpu.vector_store %arg13[%swap3A_563, %swap3A_564], %swap3A_567 {strides = array<i32>} : memref<16x1024xf32, #tpu.memory_space<vmem>>, vector<1x16xf32>,
    }
    %scan3A_147 = arith.constant 64 : i32
    %scan3A_148 = arith.constant 0 : i32
    %scan3A_149 = arith.constant 0 : i32
    %scan3A_150 = arith.constant 64 : i32
    %scan3A_151 = arith.addi %scan3A_149, %scan3A_150 : i32
    %scan3A_152 = arith.constant 1 : i32
    scf.for %scan3A_544 = %scan3A_149 to %scan3A_151 step %scan3A_152  : i32 {
      %mul3A_545 = arith.constant 16 : i32
      %mul3A_546 = arith.muli %scan3A_544, %mul3A_545 : i32
      %get3A = arith.constant 15 : i32
      %get3A_547 = arith.index_cast %get3A : i32 to index
      %get3A_548 = arith.index_cast %mul3A_546 : i32 to index
      %get3A_549 = tpu.vector_load %arg7[%get3A_547, %get3A_548] {strides = array<i32>} : memref<16x1024xf32, #tpu.memory_space<vmem>>, vector<1x16xf32>,
      %get3A_550 = vector.shape_cast %get3A_549 : vector<1x16xf32> to vector<16xf32>
      %get3A_551 = arith.constant 15 : i32
      %get3A_552 = arith.index_cast %get3A_551 : i32 to index
      %get3A_553 = arith.index_cast %mul3A_546 : i32 to index
      %get3A_554 = tpu.vector_load %arg9[%get3A_552, %get3A_553] {strides = array<i32>} : memref<16x1024xf32, #tpu.memory_space<vmem>>, vector<1x16xf32>,
      %get3A_555 = vector.shape_cast %get3A_554 : vector<1x16xf32> to vector<16xf32>
      %add3A_556 = arith.addf %get3A_550, %get3A_555 : vector<16xf32>
      %get3A_557 = arith.constant 15 : i32
      %get3A_558 = arith.index_cast %get3A_557 : i32 to index
      %get3A_559 = arith.index_cast %mul3A_546 : i32 to index
      %get3A_560 = tpu.vector_load %arg11[%get3A_558, %get3A_559] {strides = array<i32>} : memref<16x1024xf32, #tpu.memory_space<vmem>>, vector<1x16xf32>,
      %get3A_561 = vector.shape_cast %get3A_560 : vector<1x16xf32> to vector<16xf32>
      %add3A_562 = arith.addf %add3A_556, %get3A_561 : vector<16xf32>
      %swap3A = arith.constant 15 : i32
      %swap3A_563 = arith.index_cast %swap3A : i32 to index
      %swap3A_564 = arith.index_cast %mul3A_546 : i32 to index
      %swap3A_565 = tpu.vector_load %arg13[%swap3A_563, %swap3A_564] {strides = array<i32>} : memref<16x1024xf32, #tpu.memory_space<vmem>>, vector<1x16xf32>,
      %swap3A_566 = vector.shape_cast %swap3A_565 : vector<1x16xf32> to vector<16xf32>
      %swap3A_567 = vector.shape_cast %add3A_562 : vector<16xf32> to vector<1x16xf32>
      tpu.vector_store %arg13[%swap3A_563, %swap3A_564], %swap3A_567 {strides = array<i32>} : memref<16x1024xf32, #tpu.memory_space<vmem>>, vector<1x16xf32>,
    }
    %scan3A_153 = arith.constant 64 : i32
    %add3A_154 = arith.constant 0 : i32
    %add3A_155 = arith.addi %mul3A_2, %add3A_154 : i32
    "tpu.region"() ({
      %run_scoped3A = tpu.sem_alloc : memref<!tpu.dma_semaphore, #tpu.memory_space<semaphore_mem>>
      %dma_start3A_544 = arith.constant 0 : i32
      %dma_start3A_545 = tpu.memref_slice %arg5[%add3A_155, %dma_start3A_544] : memref<2048x1024xf32, #tpu.memory_space<hbm>> -> memref<16x1024xf32, #tpu.memory_space<hbm>>
      %dma_start3A_546 = arith.constant 0 : i32
      %dma_start3A_547 = tpu.memref_slice %arg5[%add3A_155, %dma_start3A_546] : memref<2048x1024xf32, #tpu.memory_space<hbm>> -> memref<16x1024xf32, #tpu.memory_space<hbm>>
      tpu.enqueue_dma source(%arg13 : memref<16x1024xf32, #tpu.memory_space<vmem>>) target(%dma_start3A_547 : memref<16x1024xf32, #tpu.memory_space<hbm>>) target_semaphore(%run_scoped3A : memref<!tpu.dma_semaphore, #tpu.memory_space<semaphore_mem>>)
      %dma_wait3A_548 = arith.constant 0 : i32
      %dma_wait3A_549 = tpu.memref_slice %arg5[%add3A_155, %dma_wait3A_548] : memref<2048x1024xf32, #tpu.memory_space<hbm>> -> memref<16x1024xf32, #tpu.memory_space<hbm>>
      %dma_wait3A_550 = arith.constant 0 : i32
      %dma_wait3A_551 = tpu.memref_slice %arg5[%add3A_155, %dma_wait3A_550] : memref<2048x1024xf32, #tpu.memory_space<hbm>> -> memref<16x1024xf32, #tpu.memory_space<hbm>>
      tpu.wait_dma2 semaphore(%run_scoped3A : memref<!tpu.dma_semaphore, #tpu.memory_space<semaphore_mem>>) src(%arg13 : memref<16x1024xf32, #tpu.memory_space<vmem>>) dst(%dma_wait3A_551 : memref<16x1024xf32, #tpu.memory_space<hbm>>)
      tpu.yield
    }) : () -> ()
    %dma_start3A_156 = arith.constant 0 : i32
    %dma_start3A_157 = arith.constant 32 : i32
    %dma_start3A_158 = tpu.memref_slice %arg6[%dma_start3A_156, %dma_start3A_157] : memref<2x64xi32, #tpu.memory_space<vmem>> -> memref<1x16xi32, #tpu.memory_space<vmem>>
    %dma_start3A_159 = tpu.memref_squeeze %dma_start3A_158 : memref<1x16xi32, #tpu.memory_space<vmem>> -> memref<16xi32, #tpu.memory_space<vmem>>
    %dma_start3A_160 = arith.constant 0 : i32
    %dma_start3A_161 = arith.constant 0 : i32
    %dma_start3A_162 = tpu.memref_slice %arg2[%dma_start3A_160, %dma_start3A_161] : memref<6144x1024xf32, #tpu.memory_space<hbm>> -> memref<6144x1024xf32, #tpu.memory_space<hbm>>
    tpu.enqueue_indirect_dma source(%dma_start3A_162 : memref<6144x1024xf32, #tpu.memory_space<hbm>>) target(%arg7 : memref<16x1024xf32, #tpu.memory_space<vmem>>) offsets(%dma_start3A_159 : memref<16xi32, #tpu.memory_space<vmem>>) semaphore(%arg14 : memref<!tpu.dma_semaphore, #tpu.memory_space<semaphore_mem>>)
    %dma_start3A_163 = arith.constant 1 : i32
    %dma_start3A_164 = arith.constant 32 : i32
    %dma_start3A_165 = tpu.memref_slice %arg6[%dma_start3A_163, %dma_start3A_164] : memref<2x64xi32, #tpu.memory_space<vmem>> -> memref<1x16xi32, #tpu.memory_space<vmem>>
    %dma_start3A_166 = tpu.memref_squeeze %dma_start3A_165 : memref<1x16xi32, #tpu.memory_space<vmem>> -> memref<16xi32, #tpu.memory_space<vmem>>
    %dma_start3A_167 = arith.constant 0 : i32
    %dma_start3A_168 = arith.constant 0 : i32
    %dma_start3A_169 = tpu.memref_slice %arg2[%dma_start3A_167, %dma_start3A_168] : memref<6144x1024xf32, #tpu.memory_space<hbm>> -> memref<6144x1024xf32, #tpu.memory_space<hbm>>
    tpu.enqueue_indirect_dma source(%dma_start3A_169 : memref<6144x1024xf32, #tpu.memory_space<hbm>>) target(%arg9 : memref<16x1024xf32, #tpu.memory_space<vmem>>) offsets(%dma_start3A_166 : memref<16xi32, #tpu.memory_space<vmem>>) semaphore(%arg15 : memref<!tpu.dma_semaphore, #tpu.memory_space<semaphore_mem>>)
    %add3A_170 = arith.constant 32 : i32
    %add3A_171 = arith.addi %mul3A_2, %add3A_170 : i32
    %dma_start3A_172 = arith.constant 0 : i32
    %dma_start3A_173 = tpu.memref_slice %arg4[%add3A_171, %dma_start3A_172] : memref<2048x1024xf32, #tpu.memory_space<hbm>> -> memref<16x1024xf32, #tpu.memory_space<hbm>>
    %dma_start3A_174 = arith.constant 0 : i32
    %dma_start3A_175 = tpu.memref_slice %arg4[%add3A_171, %dma_start3A_174] : memref<2048x1024xf32, #tpu.memory_space<hbm>> -> memref<16x1024xf32, #tpu.memory_space<hbm>>
    tpu.enqueue_dma source(%dma_start3A_175 : memref<16x1024xf32, #tpu.memory_space<hbm>>) target(%arg11 : memref<16x1024xf32, #tpu.memory_space<vmem>>) target_semaphore(%arg16 : memref<!tpu.dma_semaphore, #tpu.memory_space<semaphore_mem>>)
    %dma_wait3A_176 = arith.constant 0 : i32
    %dma_wait3A_177 = arith.constant 16 : i32
    %dma_wait3A_178 = tpu.memref_slice %arg6[%dma_wait3A_176, %dma_wait3A_177] : memref<2x64xi32, #tpu.memory_space<vmem>> -> memref<1x16xi32, #tpu.memory_space<vmem>>
    %dma_wait3A_179 = tpu.memref_squeeze %dma_wait3A_178 : memref<1x16xi32, #tpu.memory_space<vmem>> -> memref<16xi32, #tpu.memory_space<vmem>>
    %dma_wait3A_180 = arith.constant 0 : i32
    %dma_wait3A_181 = arith.constant 0 : i32
    %dma_wait3A_182 = tpu.memref_slice %arg2[%dma_wait3A_180, %dma_wait3A_181] : memref<6144x1024xf32, #tpu.memory_space<hbm>> -> memref<6144x1024xf32, #tpu.memory_space<hbm>>
    tpu.wait_indirect_dma semaphore(%arg14 : memref<!tpu.dma_semaphore, #tpu.memory_space<semaphore_mem>>) src(%dma_wait3A_182 : memref<6144x1024xf32, #tpu.memory_space<hbm>>) dst(%arg8 : memref<16x1024xf32, #tpu.memory_space<vmem>>)
    %dma_wait3A_183 = arith.constant 1 : i32
    %dma_wait3A_184 = arith.constant 16 : i32
    %dma_wait3A_185 = tpu.memref_slice %arg6[%dma_wait3A_183, %dma_wait3A_184] : memref<2x64xi32, #tpu.memory_space<vmem>> -> memref<1x16xi32, #tpu.memory_space<vmem>>
    %dma_wait3A_186 = tpu.memref_squeeze %dma_wait3A_185 : memref<1x16xi32, #tpu.memory_space<vmem>> -> memref<16xi32, #tpu.memory_space<vmem>>
    %dma_wait3A_187 = arith.constant 0 : i32
    %dma_wait3A_188 = arith.constant 0 : i32
    %dma_wait3A_189 = tpu.memref_slice %arg2[%dma_wait3A_187, %dma_wait3A_188] : memref<6144x1024xf32, #tpu.memory_space<hbm>> -> memref<6144x1024xf32, #tpu.memory_space<hbm>>
    tpu.wait_indirect_dma semaphore(%arg15 : memref<!tpu.dma_semaphore, #tpu.memory_space<semaphore_mem>>) src(%dma_wait3A_189 : memref<6144x1024xf32, #tpu.memory_space<hbm>>) dst(%arg10 : memref<16x1024xf32, #tpu.memory_space<vmem>>)
    %dma_wait3A_190 = arith.constant 0 : i32
    %dma_wait3A_191 = tpu.memref_slice %arg4[%add3A_37, %dma_wait3A_190] : memref<2048x1024xf32, #tpu.memory_space<hbm>> -> memref<16x1024xf32, #tpu.memory_space<hbm>>
    %dma_wait3A_192 = arith.constant 0 : i32
    %dma_wait3A_193 = tpu.memref_slice %arg4[%add3A_37, %dma_wait3A_192] : memref<2048x1024xf32, #tpu.memory_space<hbm>> -> memref<16x1024xf32, #tpu.memory_space<hbm>>
    tpu.wait_dma2 semaphore(%arg16 : memref<!tpu.dma_semaphore, #tpu.memory_space<semaphore_mem>>) src(%dma_wait3A_193 : memref<16x1024xf32, #tpu.memory_space<hbm>>) dst(%arg12 : memref<16x1024xf32, #tpu.memory_space<vmem>>)
    %scan3A_194 = arith.constant 0 : i32
    %scan3A_195 = arith.constant 0 : i32
    %scan3A_196 = arith.constant 64 : i32
    %scan3A_197 = arith.addi %scan3A_195, %scan3A_196 : i32
    %scan3A_198 = arith.constant 1 : i32
    scf.for %scan3A_544 = %scan3A_195 to %scan3A_197 step %scan3A_198  : i32 {
      %mul3A_545 = arith.constant 16 : i32
      %mul3A_546 = arith.muli %scan3A_544, %mul3A_545 : i32
      %get3A = arith.constant 0 : i32
      %get3A_547 = arith.index_cast %get3A : i32 to index
      %get3A_548 = arith.index_cast %mul3A_546 : i32 to index
      %get3A_549 = tpu.vector_load %arg8[%get3A_547, %get3A_548] {strides = array<i32>} : memref<16x1024xf32, #tpu.memory_space<vmem>>, vector<1x16xf32>,
      %get3A_550 = vector.shape_cast %get3A_549 : vector<1x16xf32> to vector<16xf32>
      %get3A_551 = arith.constant 0 : i32
      %get3A_552 = arith.index_cast %get3A_551 : i32 to index
      %get3A_553 = arith.index_cast %mul3A_546 : i32 to index
      %get3A_554 = tpu.vector_load %arg10[%get3A_552, %get3A_553] {strides = array<i32>} : memref<16x1024xf32, #tpu.memory_space<vmem>>, vector<1x16xf32>,
      %get3A_555 = vector.shape_cast %get3A_554 : vector<1x16xf32> to vector<16xf32>
      %add3A_556 = arith.addf %get3A_550, %get3A_555 : vector<16xf32>
      %get3A_557 = arith.constant 0 : i32
      %get3A_558 = arith.index_cast %get3A_557 : i32 to index
      %get3A_559 = arith.index_cast %mul3A_546 : i32 to index
      %get3A_560 = tpu.vector_load %arg12[%get3A_558, %get3A_559] {strides = array<i32>} : memref<16x1024xf32, #tpu.memory_space<vmem>>, vector<1x16xf32>,
      %get3A_561 = vector.shape_cast %get3A_560 : vector<1x16xf32> to vector<16xf32>
      %add3A_562 = arith.addf %add3A_556, %get3A_561 : vector<16xf32>
      %swap3A = arith.constant 0 : i32
      %swap3A_563 = arith.index_cast %swap3A : i32 to index
      %swap3A_564 = arith.index_cast %mul3A_546 : i32 to index
      %swap3A_565 = tpu.vector_load %arg13[%swap3A_563, %swap3A_564] {strides = array<i32>} : memref<16x1024xf32, #tpu.memory_space<vmem>>, vector<1x16xf32>,
      %swap3A_566 = vector.shape_cast %swap3A_565 : vector<1x16xf32> to vector<16xf32>
      %swap3A_567 = vector.shape_cast %add3A_562 : vector<16xf32> to vector<1x16xf32>
      tpu.vector_store %arg13[%swap3A_563, %swap3A_564], %swap3A_567 {strides = array<i32>} : memref<16x1024xf32, #tpu.memory_space<vmem>>, vector<1x16xf32>,
    }
    %scan3A_199 = arith.constant 64 : i32
    %scan3A_200 = arith.constant 0 : i32
    %scan3A_201 = arith.constant 0 : i32
    %scan3A_202 = arith.constant 64 : i32
    %scan3A_203 = arith.addi %scan3A_201, %scan3A_202 : i32
    %scan3A_204 = arith.constant 1 : i32
    scf.for %scan3A_544 = %scan3A_201 to %scan3A_203 step %scan3A_204  : i32 {
      %mul3A_545 = arith.constant 16 : i32
      %mul3A_546 = arith.muli %scan3A_544, %mul3A_545 : i32
      %get3A = arith.constant 1 : i32
      %get3A_547 = arith.index_cast %get3A : i32 to index
      %get3A_548 = arith.index_cast %mul3A_546 : i32 to index
      %get3A_549 = tpu.vector_load %arg8[%get3A_547, %get3A_548] {strides = array<i32>} : memref<16x1024xf32, #tpu.memory_space<vmem>>, vector<1x16xf32>,
      %get3A_550 = vector.shape_cast %get3A_549 : vector<1x16xf32> to vector<16xf32>
      %get3A_551 = arith.constant 1 : i32
      %get3A_552 = arith.index_cast %get3A_551 : i32 to index
      %get3A_553 = arith.index_cast %mul3A_546 : i32 to index
      %get3A_554 = tpu.vector_load %arg10[%get3A_552, %get3A_553] {strides = array<i32>} : memref<16x1024xf32, #tpu.memory_space<vmem>>, vector<1x16xf32>,
      %get3A_555 = vector.shape_cast %get3A_554 : vector<1x16xf32> to vector<16xf32>
      %add3A_556 = arith.addf %get3A_550, %get3A_555 : vector<16xf32>
      %get3A_557 = arith.constant 1 : i32
      %get3A_558 = arith.index_cast %get3A_557 : i32 to index
      %get3A_559 = arith.index_cast %mul3A_546 : i32 to index
      %get3A_560 = tpu.vector_load %arg12[%get3A_558, %get3A_559] {strides = array<i32>} : memref<16x1024xf32, #tpu.memory_space<vmem>>, vector<1x16xf32>,
      %get3A_561 = vector.shape_cast %get3A_560 : vector<1x16xf32> to vector<16xf32>
      %add3A_562 = arith.addf %add3A_556, %get3A_561 : vector<16xf32>
      %swap3A = arith.constant 1 : i32
      %swap3A_563 = arith.index_cast %swap3A : i32 to index
      %swap3A_564 = arith.index_cast %mul3A_546 : i32 to index
      %swap3A_565 = tpu.vector_load %arg13[%swap3A_563, %swap3A_564] {strides = array<i32>} : memref<16x1024xf32, #tpu.memory_space<vmem>>, vector<1x16xf32>,
      %swap3A_566 = vector.shape_cast %swap3A_565 : vector<1x16xf32> to vector<16xf32>
      %swap3A_567 = vector.shape_cast %add3A_562 : vector<16xf32> to vector<1x16xf32>
      tpu.vector_store %arg13[%swap3A_563, %swap3A_564], %swap3A_567 {strides = array<i32>} : memref<16x1024xf32, #tpu.memory_space<vmem>>, vector<1x16xf32>,
    }
    %scan3A_205 = arith.constant 64 : i32
    %scan3A_206 = arith.constant 0 : i32
    %scan3A_207 = arith.constant 0 : i32
    %scan3A_208 = arith.constant 64 : i32
    %scan3A_209 = arith.addi %scan3A_207, %scan3A_208 : i32
    %scan3A_210 = arith.constant 1 : i32
    scf.for %scan3A_544 = %scan3A_207 to %scan3A_209 step %scan3A_210  : i32 {
      %mul3A_545 = arith.constant 16 : i32
      %mul3A_546 = arith.muli %scan3A_544, %mul3A_545 : i32
      %get3A = arith.constant 2 : i32
      %get3A_547 = arith.index_cast %get3A : i32 to index
      %get3A_548 = arith.index_cast %mul3A_546 : i32 to index
      %get3A_549 = tpu.vector_load %arg8[%get3A_547, %get3A_548] {strides = array<i32>} : memref<16x1024xf32, #tpu.memory_space<vmem>>, vector<1x16xf32>,
      %get3A_550 = vector.shape_cast %get3A_549 : vector<1x16xf32> to vector<16xf32>
      %get3A_551 = arith.constant 2 : i32
      %get3A_552 = arith.index_cast %get3A_551 : i32 to index
      %get3A_553 = arith.index_cast %mul3A_546 : i32 to index
      %get3A_554 = tpu.vector_load %arg10[%get3A_552, %get3A_553] {strides = array<i32>} : memref<16x1024xf32, #tpu.memory_space<vmem>>, vector<1x16xf32>,
      %get3A_555 = vector.shape_cast %get3A_554 : vector<1x16xf32> to vector<16xf32>
      %add3A_556 = arith.addf %get3A_550, %get3A_555 : vector<16xf32>
      %get3A_557 = arith.constant 2 : i32
      %get3A_558 = arith.index_cast %get3A_557 : i32 to index
      %get3A_559 = arith.index_cast %mul3A_546 : i32 to index
      %get3A_560 = tpu.vector_load %arg12[%get3A_558, %get3A_559] {strides = array<i32>} : memref<16x1024xf32, #tpu.memory_space<vmem>>, vector<1x16xf32>,
      %get3A_561 = vector.shape_cast %get3A_560 : vector<1x16xf32> to vector<16xf32>
      %add3A_562 = arith.addf %add3A_556, %get3A_561 : vector<16xf32>
      %swap3A = arith.constant 2 : i32
      %swap3A_563 = arith.index_cast %swap3A : i32 to index
      %swap3A_564 = arith.index_cast %mul3A_546 : i32 to index
      %swap3A_565 = tpu.vector_load %arg13[%swap3A_563, %swap3A_564] {strides = array<i32>} : memref<16x1024xf32, #tpu.memory_space<vmem>>, vector<1x16xf32>,
      %swap3A_566 = vector.shape_cast %swap3A_565 : vector<1x16xf32> to vector<16xf32>
      %swap3A_567 = vector.shape_cast %add3A_562 : vector<16xf32> to vector<1x16xf32>
      tpu.vector_store %arg13[%swap3A_563, %swap3A_564], %swap3A_567 {strides = array<i32>} : memref<16x1024xf32, #tpu.memory_space<vmem>>, vector<1x16xf32>,
    }
    %scan3A_211 = arith.constant 64 : i32
    %scan3A_212 = arith.constant 0 : i32
    %scan3A_213 = arith.constant 0 : i32
    %scan3A_214 = arith.constant 64 : i32
    %scan3A_215 = arith.addi %scan3A_213, %scan3A_214 : i32
    %scan3A_216 = arith.constant 1 : i32
    scf.for %scan3A_544 = %scan3A_213 to %scan3A_215 step %scan3A_216  : i32 {
      %mul3A_545 = arith.constant 16 : i32
      %mul3A_546 = arith.muli %scan3A_544, %mul3A_545 : i32
      %get3A = arith.constant 3 : i32
      %get3A_547 = arith.index_cast %get3A : i32 to index
      %get3A_548 = arith.index_cast %mul3A_546 : i32 to index
      %get3A_549 = tpu.vector_load %arg8[%get3A_547, %get3A_548] {strides = array<i32>} : memref<16x1024xf32, #tpu.memory_space<vmem>>, vector<1x16xf32>,
      %get3A_550 = vector.shape_cast %get3A_549 : vector<1x16xf32> to vector<16xf32>
      %get3A_551 = arith.constant 3 : i32
      %get3A_552 = arith.index_cast %get3A_551 : i32 to index
      %get3A_553 = arith.index_cast %mul3A_546 : i32 to index
      %get3A_554 = tpu.vector_load %arg10[%get3A_552, %get3A_553] {strides = array<i32>} : memref<16x1024xf32, #tpu.memory_space<vmem>>, vector<1x16xf32>,
      %get3A_555 = vector.shape_cast %get3A_554 : vector<1x16xf32> to vector<16xf32>
      %add3A_556 = arith.addf %get3A_550, %get3A_555 : vector<16xf32>
      %get3A_557 = arith.constant 3 : i32
      %get3A_558 = arith.index_cast %get3A_557 : i32 to index
      %get3A_559 = arith.index_cast %mul3A_546 : i32 to index
      %get3A_560 = tpu.vector_load %arg12[%get3A_558, %get3A_559] {strides = array<i32>} : memref<16x1024xf32, #tpu.memory_space<vmem>>, vector<1x16xf32>,
      %get3A_561 = vector.shape_cast %get3A_560 : vector<1x16xf32> to vector<16xf32>
      %add3A_562 = arith.addf %add3A_556, %get3A_561 : vector<16xf32>
      %swap3A = arith.constant 3 : i32
      %swap3A_563 = arith.index_cast %swap3A : i32 to index
      %swap3A_564 = arith.index_cast %mul3A_546 : i32 to index
      %swap3A_565 = tpu.vector_load %arg13[%swap3A_563, %swap3A_564] {strides = array<i32>} : memref<16x1024xf32, #tpu.memory_space<vmem>>, vector<1x16xf32>,
      %swap3A_566 = vector.shape_cast %swap3A_565 : vector<1x16xf32> to vector<16xf32>
      %swap3A_567 = vector.shape_cast %add3A_562 : vector<16xf32> to vector<1x16xf32>
      tpu.vector_store %arg13[%swap3A_563, %swap3A_564], %swap3A_567 {strides = array<i32>} : memref<16x1024xf32, #tpu.memory_space<vmem>>, vector<1x16xf32>,
    }
    %scan3A_217 = arith.constant 64 : i32
    %scan3A_218 = arith.constant 0 : i32
    %scan3A_219 = arith.constant 0 : i32
    %scan3A_220 = arith.constant 64 : i32
    %scan3A_221 = arith.addi %scan3A_219, %scan3A_220 : i32
    %scan3A_222 = arith.constant 1 : i32
    scf.for %scan3A_544 = %scan3A_219 to %scan3A_221 step %scan3A_222  : i32 {
      %mul3A_545 = arith.constant 16 : i32
      %mul3A_546 = arith.muli %scan3A_544, %mul3A_545 : i32
      %get3A = arith.constant 4 : i32
      %get3A_547 = arith.index_cast %get3A : i32 to index
      %get3A_548 = arith.index_cast %mul3A_546 : i32 to index
      %get3A_549 = tpu.vector_load %arg8[%get3A_547, %get3A_548] {strides = array<i32>} : memref<16x1024xf32, #tpu.memory_space<vmem>>, vector<1x16xf32>,
      %get3A_550 = vector.shape_cast %get3A_549 : vector<1x16xf32> to vector<16xf32>
      %get3A_551 = arith.constant 4 : i32
      %get3A_552 = arith.index_cast %get3A_551 : i32 to index
      %get3A_553 = arith.index_cast %mul3A_546 : i32 to index
      %get3A_554 = tpu.vector_load %arg10[%get3A_552, %get3A_553] {strides = array<i32>} : memref<16x1024xf32, #tpu.memory_space<vmem>>, vector<1x16xf32>,
      %get3A_555 = vector.shape_cast %get3A_554 : vector<1x16xf32> to vector<16xf32>
      %add3A_556 = arith.addf %get3A_550, %get3A_555 : vector<16xf32>
      %get3A_557 = arith.constant 4 : i32
      %get3A_558 = arith.index_cast %get3A_557 : i32 to index
      %get3A_559 = arith.index_cast %mul3A_546 : i32 to index
      %get3A_560 = tpu.vector_load %arg12[%get3A_558, %get3A_559] {strides = array<i32>} : memref<16x1024xf32, #tpu.memory_space<vmem>>, vector<1x16xf32>,
      %get3A_561 = vector.shape_cast %get3A_560 : vector<1x16xf32> to vector<16xf32>
      %add3A_562 = arith.addf %add3A_556, %get3A_561 : vector<16xf32>
      %swap3A = arith.constant 4 : i32
      %swap3A_563 = arith.index_cast %swap3A : i32 to index
      %swap3A_564 = arith.index_cast %mul3A_546 : i32 to index
      %swap3A_565 = tpu.vector_load %arg13[%swap3A_563, %swap3A_564] {strides = array<i32>} : memref<16x1024xf32, #tpu.memory_space<vmem>>, vector<1x16xf32>,
      %swap3A_566 = vector.shape_cast %swap3A_565 : vector<1x16xf32> to vector<16xf32>
      %swap3A_567 = vector.shape_cast %add3A_562 : vector<16xf32> to vector<1x16xf32>
      tpu.vector_store %arg13[%swap3A_563, %swap3A_564], %swap3A_567 {strides = array<i32>} : memref<16x1024xf32, #tpu.memory_space<vmem>>, vector<1x16xf32>,
    }
    %scan3A_223 = arith.constant 64 : i32
    %scan3A_224 = arith.constant 0 : i32
    %scan3A_225 = arith.constant 0 : i32
    %scan3A_226 = arith.constant 64 : i32
    %scan3A_227 = arith.addi %scan3A_225, %scan3A_226 : i32
    %scan3A_228 = arith.constant 1 : i32
    scf.for %scan3A_544 = %scan3A_225 to %scan3A_227 step %scan3A_228  : i32 {
      %mul3A_545 = arith.constant 16 : i32
      %mul3A_546 = arith.muli %scan3A_544, %mul3A_545 : i32
      %get3A = arith.constant 5 : i32
      %get3A_547 = arith.index_cast %get3A : i32 to index
      %get3A_548 = arith.index_cast %mul3A_546 : i32 to index
      %get3A_549 = tpu.vector_load %arg8[%get3A_547, %get3A_548] {strides = array<i32>} : memref<16x1024xf32, #tpu.memory_space<vmem>>, vector<1x16xf32>,
      %get3A_550 = vector.shape_cast %get3A_549 : vector<1x16xf32> to vector<16xf32>
      %get3A_551 = arith.constant 5 : i32
      %get3A_552 = arith.index_cast %get3A_551 : i32 to index
      %get3A_553 = arith.index_cast %mul3A_546 : i32 to index
      %get3A_554 = tpu.vector_load %arg10[%get3A_552, %get3A_553] {strides = array<i32>} : memref<16x1024xf32, #tpu.memory_space<vmem>>, vector<1x16xf32>,
      %get3A_555 = vector.shape_cast %get3A_554 : vector<1x16xf32> to vector<16xf32>
      %add3A_556 = arith.addf %get3A_550, %get3A_555 : vector<16xf32>
      %get3A_557 = arith.constant 5 : i32
      %get3A_558 = arith.index_cast %get3A_557 : i32 to index
      %get3A_559 = arith.index_cast %mul3A_546 : i32 to index
      %get3A_560 = tpu.vector_load %arg12[%get3A_558, %get3A_559] {strides = array<i32>} : memref<16x1024xf32, #tpu.memory_space<vmem>>, vector<1x16xf32>,
      %get3A_561 = vector.shape_cast %get3A_560 : vector<1x16xf32> to vector<16xf32>
      %add3A_562 = arith.addf %add3A_556, %get3A_561 : vector<16xf32>
      %swap3A = arith.constant 5 : i32
      %swap3A_563 = arith.index_cast %swap3A : i32 to index
      %swap3A_564 = arith.index_cast %mul3A_546 : i32 to index
      %swap3A_565 = tpu.vector_load %arg13[%swap3A_563, %swap3A_564] {strides = array<i32>} : memref<16x1024xf32, #tpu.memory_space<vmem>>, vector<1x16xf32>,
      %swap3A_566 = vector.shape_cast %swap3A_565 : vector<1x16xf32> to vector<16xf32>
      %swap3A_567 = vector.shape_cast %add3A_562 : vector<16xf32> to vector<1x16xf32>
      tpu.vector_store %arg13[%swap3A_563, %swap3A_564], %swap3A_567 {strides = array<i32>} : memref<16x1024xf32, #tpu.memory_space<vmem>>, vector<1x16xf32>,
    }
    %scan3A_229 = arith.constant 64 : i32
    %scan3A_230 = arith.constant 0 : i32
    %scan3A_231 = arith.constant 0 : i32
    %scan3A_232 = arith.constant 64 : i32
    %scan3A_233 = arith.addi %scan3A_231, %scan3A_232 : i32
    %scan3A_234 = arith.constant 1 : i32
    scf.for %scan3A_544 = %scan3A_231 to %scan3A_233 step %scan3A_234  : i32 {
      %mul3A_545 = arith.constant 16 : i32
      %mul3A_546 = arith.muli %scan3A_544, %mul3A_545 : i32
      %get3A = arith.constant 6 : i32
      %get3A_547 = arith.index_cast %get3A : i32 to index
      %get3A_548 = arith.index_cast %mul3A_546 : i32 to index
      %get3A_549 = tpu.vector_load %arg8[%get3A_547, %get3A_548] {strides = array<i32>} : memref<16x1024xf32, #tpu.memory_space<vmem>>, vector<1x16xf32>,
      %get3A_550 = vector.shape_cast %get3A_549 : vector<1x16xf32> to vector<16xf32>
      %get3A_551 = arith.constant 6 : i32
      %get3A_552 = arith.index_cast %get3A_551 : i32 to index
      %get3A_553 = arith.index_cast %mul3A_546 : i32 to index
      %get3A_554 = tpu.vector_load %arg10[%get3A_552, %get3A_553] {strides = array<i32>} : memref<16x1024xf32, #tpu.memory_space<vmem>>, vector<1x16xf32>,
      %get3A_555 = vector.shape_cast %get3A_554 : vector<1x16xf32> to vector<16xf32>
      %add3A_556 = arith.addf %get3A_550, %get3A_555 : vector<16xf32>
      %get3A_557 = arith.constant 6 : i32
      %get3A_558 = arith.index_cast %get3A_557 : i32 to index
      %get3A_559 = arith.index_cast %mul3A_546 : i32 to index
      %get3A_560 = tpu.vector_load %arg12[%get3A_558, %get3A_559] {strides = array<i32>} : memref<16x1024xf32, #tpu.memory_space<vmem>>, vector<1x16xf32>,
      %get3A_561 = vector.shape_cast %get3A_560 : vector<1x16xf32> to vector<16xf32>
      %add3A_562 = arith.addf %add3A_556, %get3A_561 : vector<16xf32>
      %swap3A = arith.constant 6 : i32
      %swap3A_563 = arith.index_cast %swap3A : i32 to index
      %swap3A_564 = arith.index_cast %mul3A_546 : i32 to index
      %swap3A_565 = tpu.vector_load %arg13[%swap3A_563, %swap3A_564] {strides = array<i32>} : memref<16x1024xf32, #tpu.memory_space<vmem>>, vector<1x16xf32>,
      %swap3A_566 = vector.shape_cast %swap3A_565 : vector<1x16xf32> to vector<16xf32>
      %swap3A_567 = vector.shape_cast %add3A_562 : vector<16xf32> to vector<1x16xf32>
      tpu.vector_store %arg13[%swap3A_563, %swap3A_564], %swap3A_567 {strides = array<i32>} : memref<16x1024xf32, #tpu.memory_space<vmem>>, vector<1x16xf32>,
    }
    %scan3A_235 = arith.constant 64 : i32
    %scan3A_236 = arith.constant 0 : i32
    %scan3A_237 = arith.constant 0 : i32
    %scan3A_238 = arith.constant 64 : i32
    %scan3A_239 = arith.addi %scan3A_237, %scan3A_238 : i32
    %scan3A_240 = arith.constant 1 : i32
    scf.for %scan3A_544 = %scan3A_237 to %scan3A_239 step %scan3A_240  : i32 {
      %mul3A_545 = arith.constant 16 : i32
      %mul3A_546 = arith.muli %scan3A_544, %mul3A_545 : i32
      %get3A = arith.constant 7 : i32
      %get3A_547 = arith.index_cast %get3A : i32 to index
      %get3A_548 = arith.index_cast %mul3A_546 : i32 to index
      %get3A_549 = tpu.vector_load %arg8[%get3A_547, %get3A_548] {strides = array<i32>} : memref<16x1024xf32, #tpu.memory_space<vmem>>, vector<1x16xf32>,
      %get3A_550 = vector.shape_cast %get3A_549 : vector<1x16xf32> to vector<16xf32>
      %get3A_551 = arith.constant 7 : i32
      %get3A_552 = arith.index_cast %get3A_551 : i32 to index
      %get3A_553 = arith.index_cast %mul3A_546 : i32 to index
      %get3A_554 = tpu.vector_load %arg10[%get3A_552, %get3A_553] {strides = array<i32>} : memref<16x1024xf32, #tpu.memory_space<vmem>>, vector<1x16xf32>,
      %get3A_555 = vector.shape_cast %get3A_554 : vector<1x16xf32> to vector<16xf32>
      %add3A_556 = arith.addf %get3A_550, %get3A_555 : vector<16xf32>
      %get3A_557 = arith.constant 7 : i32
      %get3A_558 = arith.index_cast %get3A_557 : i32 to index
      %get3A_559 = arith.index_cast %mul3A_546 : i32 to index
      %get3A_560 = tpu.vector_load %arg12[%get3A_558, %get3A_559] {strides = array<i32>} : memref<16x1024xf32, #tpu.memory_space<vmem>>, vector<1x16xf32>,
      %get3A_561 = vector.shape_cast %get3A_560 : vector<1x16xf32> to vector<16xf32>
      %add3A_562 = arith.addf %add3A_556, %get3A_561 : vector<16xf32>
      %swap3A = arith.constant 7 : i32
      %swap3A_563 = arith.index_cast %swap3A : i32 to index
      %swap3A_564 = arith.index_cast %mul3A_546 : i32 to index
      %swap3A_565 = tpu.vector_load %arg13[%swap3A_563, %swap3A_564] {strides = array<i32>} : memref<16x1024xf32, #tpu.memory_space<vmem>>, vector<1x16xf32>,
      %swap3A_566 = vector.shape_cast %swap3A_565 : vector<1x16xf32> to vector<16xf32>
      %swap3A_567 = vector.shape_cast %add3A_562 : vector<16xf32> to vector<1x16xf32>
      tpu.vector_store %arg13[%swap3A_563, %swap3A_564], %swap3A_567 {strides = array<i32>} : memref<16x1024xf32, #tpu.memory_space<vmem>>, vector<1x16xf32>,
    }
    %scan3A_241 = arith.constant 64 : i32
    %scan3A_242 = arith.constant 0 : i32
    %scan3A_243 = arith.constant 0 : i32
    %scan3A_244 = arith.constant 64 : i32
    %scan3A_245 = arith.addi %scan3A_243, %scan3A_244 : i32
    %scan3A_246 = arith.constant 1 : i32
    scf.for %scan3A_544 = %scan3A_243 to %scan3A_245 step %scan3A_246  : i32 {
      %mul3A_545 = arith.constant 16 : i32
      %mul3A_546 = arith.muli %scan3A_544, %mul3A_545 : i32
      %get3A = arith.constant 8 : i32
      %get3A_547 = arith.index_cast %get3A : i32 to index
      %get3A_548 = arith.index_cast %mul3A_546 : i32 to index
      %get3A_549 = tpu.vector_load %arg8[%get3A_547, %get3A_548] {strides = array<i32>} : memref<16x1024xf32, #tpu.memory_space<vmem>>, vector<1x16xf32>,
      %get3A_550 = vector.shape_cast %get3A_549 : vector<1x16xf32> to vector<16xf32>
      %get3A_551 = arith.constant 8 : i32
      %get3A_552 = arith.index_cast %get3A_551 : i32 to index
      %get3A_553 = arith.index_cast %mul3A_546 : i32 to index
      %get3A_554 = tpu.vector_load %arg10[%get3A_552, %get3A_553] {strides = array<i32>} : memref<16x1024xf32, #tpu.memory_space<vmem>>, vector<1x16xf32>,
      %get3A_555 = vector.shape_cast %get3A_554 : vector<1x16xf32> to vector<16xf32>
      %add3A_556 = arith.addf %get3A_550, %get3A_555 : vector<16xf32>
      %get3A_557 = arith.constant 8 : i32
      %get3A_558 = arith.index_cast %get3A_557 : i32 to index
      %get3A_559 = arith.index_cast %mul3A_546 : i32 to index
      %get3A_560 = tpu.vector_load %arg12[%get3A_558, %get3A_559] {strides = array<i32>} : memref<16x1024xf32, #tpu.memory_space<vmem>>, vector<1x16xf32>,
      %get3A_561 = vector.shape_cast %get3A_560 : vector<1x16xf32> to vector<16xf32>
      %add3A_562 = arith.addf %add3A_556, %get3A_561 : vector<16xf32>
      %swap3A = arith.constant 8 : i32
      %swap3A_563 = arith.index_cast %swap3A : i32 to index
      %swap3A_564 = arith.index_cast %mul3A_546 : i32 to index
      %swap3A_565 = tpu.vector_load %arg13[%swap3A_563, %swap3A_564] {strides = array<i32>} : memref<16x1024xf32, #tpu.memory_space<vmem>>, vector<1x16xf32>,
      %swap3A_566 = vector.shape_cast %swap3A_565 : vector<1x16xf32> to vector<16xf32>
      %swap3A_567 = vector.shape_cast %add3A_562 : vector<16xf32> to vector<1x16xf32>
      tpu.vector_store %arg13[%swap3A_563, %swap3A_564], %swap3A_567 {strides = array<i32>} : memref<16x1024xf32, #tpu.memory_space<vmem>>, vector<1x16xf32>,
    }
    %scan3A_247 = arith.constant 64 : i32
    %scan3A_248 = arith.constant 0 : i32
    %scan3A_249 = arith.constant 0 : i32
    %scan3A_250 = arith.constant 64 : i32
    %scan3A_251 = arith.addi %scan3A_249, %scan3A_250 : i32
    %scan3A_252 = arith.constant 1 : i32
    scf.for %scan3A_544 = %scan3A_249 to %scan3A_251 step %scan3A_252  : i32 {
      %mul3A_545 = arith.constant 16 : i32
      %mul3A_546 = arith.muli %scan3A_544, %mul3A_545 : i32
      %get3A = arith.constant 9 : i32
      %get3A_547 = arith.index_cast %get3A : i32 to index
      %get3A_548 = arith.index_cast %mul3A_546 : i32 to index
      %get3A_549 = tpu.vector_load %arg8[%get3A_547, %get3A_548] {strides = array<i32>} : memref<16x1024xf32, #tpu.memory_space<vmem>>, vector<1x16xf32>,
      %get3A_550 = vector.shape_cast %get3A_549 : vector<1x16xf32> to vector<16xf32>
      %get3A_551 = arith.constant 9 : i32
      %get3A_552 = arith.index_cast %get3A_551 : i32 to index
      %get3A_553 = arith.index_cast %mul3A_546 : i32 to index
      %get3A_554 = tpu.vector_load %arg10[%get3A_552, %get3A_553] {strides = array<i32>} : memref<16x1024xf32, #tpu.memory_space<vmem>>, vector<1x16xf32>,
      %get3A_555 = vector.shape_cast %get3A_554 : vector<1x16xf32> to vector<16xf32>
      %add3A_556 = arith.addf %get3A_550, %get3A_555 : vector<16xf32>
      %get3A_557 = arith.constant 9 : i32
      %get3A_558 = arith.index_cast %get3A_557 : i32 to index
      %get3A_559 = arith.index_cast %mul3A_546 : i32 to index
      %get3A_560 = tpu.vector_load %arg12[%get3A_558, %get3A_559] {strides = array<i32>} : memref<16x1024xf32, #tpu.memory_space<vmem>>, vector<1x16xf32>,
      %get3A_561 = vector.shape_cast %get3A_560 : vector<1x16xf32> to vector<16xf32>
      %add3A_562 = arith.addf %add3A_556, %get3A_561 : vector<16xf32>
      %swap3A = arith.constant 9 : i32
      %swap3A_563 = arith.index_cast %swap3A : i32 to index
      %swap3A_564 = arith.index_cast %mul3A_546 : i32 to index
      %swap3A_565 = tpu.vector_load %arg13[%swap3A_563, %swap3A_564] {strides = array<i32>} : memref<16x1024xf32, #tpu.memory_space<vmem>>, vector<1x16xf32>,
      %swap3A_566 = vector.shape_cast %swap3A_565 : vector<1x16xf32> to vector<16xf32>
      %swap3A_567 = vector.shape_cast %add3A_562 : vector<16xf32> to vector<1x16xf32>
      tpu.vector_store %arg13[%swap3A_563, %swap3A_564], %swap3A_567 {strides = array<i32>} : memref<16x1024xf32, #tpu.memory_space<vmem>>, vector<1x16xf32>,
    }
    %scan3A_253 = arith.constant 64 : i32
    %scan3A_254 = arith.constant 0 : i32
    %scan3A_255 = arith.constant 0 : i32
    %scan3A_256 = arith.constant 64 : i32
    %scan3A_257 = arith.addi %scan3A_255, %scan3A_256 : i32
    %scan3A_258 = arith.constant 1 : i32
    scf.for %scan3A_544 = %scan3A_255 to %scan3A_257 step %scan3A_258  : i32 {
      %mul3A_545 = arith.constant 16 : i32
      %mul3A_546 = arith.muli %scan3A_544, %mul3A_545 : i32
      %get3A = arith.constant 10 : i32
      %get3A_547 = arith.index_cast %get3A : i32 to index
      %get3A_548 = arith.index_cast %mul3A_546 : i32 to index
      %get3A_549 = tpu.vector_load %arg8[%get3A_547, %get3A_548] {strides = array<i32>} : memref<16x1024xf32, #tpu.memory_space<vmem>>, vector<1x16xf32>,
      %get3A_550 = vector.shape_cast %get3A_549 : vector<1x16xf32> to vector<16xf32>
      %get3A_551 = arith.constant 10 : i32
      %get3A_552 = arith.index_cast %get3A_551 : i32 to index
      %get3A_553 = arith.index_cast %mul3A_546 : i32 to index
      %get3A_554 = tpu.vector_load %arg10[%get3A_552, %get3A_553] {strides = array<i32>} : memref<16x1024xf32, #tpu.memory_space<vmem>>, vector<1x16xf32>,
      %get3A_555 = vector.shape_cast %get3A_554 : vector<1x16xf32> to vector<16xf32>
      %add3A_556 = arith.addf %get3A_550, %get3A_555 : vector<16xf32>
      %get3A_557 = arith.constant 10 : i32
      %get3A_558 = arith.index_cast %get3A_557 : i32 to index
      %get3A_559 = arith.index_cast %mul3A_546 : i32 to index
      %get3A_560 = tpu.vector_load %arg12[%get3A_558, %get3A_559] {strides = array<i32>} : memref<16x1024xf32, #tpu.memory_space<vmem>>, vector<1x16xf32>,
      %get3A_561 = vector.shape_cast %get3A_560 : vector<1x16xf32> to vector<16xf32>
      %add3A_562 = arith.addf %add3A_556, %get3A_561 : vector<16xf32>
      %swap3A = arith.constant 10 : i32
      %swap3A_563 = arith.index_cast %swap3A : i32 to index
      %swap3A_564 = arith.index_cast %mul3A_546 : i32 to index
      %swap3A_565 = tpu.vector_load %arg13[%swap3A_563, %swap3A_564] {strides = array<i32>} : memref<16x1024xf32, #tpu.memory_space<vmem>>, vector<1x16xf32>,
      %swap3A_566 = vector.shape_cast %swap3A_565 : vector<1x16xf32> to vector<16xf32>
      %swap3A_567 = vector.shape_cast %add3A_562 : vector<16xf32> to vector<1x16xf32>
      tpu.vector_store %arg13[%swap3A_563, %swap3A_564], %swap3A_567 {strides = array<i32>} : memref<16x1024xf32, #tpu.memory_space<vmem>>, vector<1x16xf32>,
    }
    %scan3A_259 = arith.constant 64 : i32
    %scan3A_260 = arith.constant 0 : i32
    %scan3A_261 = arith.constant 0 : i32
    %scan3A_262 = arith.constant 64 : i32
    %scan3A_263 = arith.addi %scan3A_261, %scan3A_262 : i32
    %scan3A_264 = arith.constant 1 : i32
    scf.for %scan3A_544 = %scan3A_261 to %scan3A_263 step %scan3A_264  : i32 {
      %mul3A_545 = arith.constant 16 : i32
      %mul3A_546 = arith.muli %scan3A_544, %mul3A_545 : i32
      %get3A = arith.constant 11 : i32
      %get3A_547 = arith.index_cast %get3A : i32 to index
      %get3A_548 = arith.index_cast %mul3A_546 : i32 to index
      %get3A_549 = tpu.vector_load %arg8[%get3A_547, %get3A_548] {strides = array<i32>} : memref<16x1024xf32, #tpu.memory_space<vmem>>, vector<1x16xf32>,
      %get3A_550 = vector.shape_cast %get3A_549 : vector<1x16xf32> to vector<16xf32>
      %get3A_551 = arith.constant 11 : i32
      %get3A_552 = arith.index_cast %get3A_551 : i32 to index
      %get3A_553 = arith.index_cast %mul3A_546 : i32 to index
      %get3A_554 = tpu.vector_load %arg10[%get3A_552, %get3A_553] {strides = array<i32>} : memref<16x1024xf32, #tpu.memory_space<vmem>>, vector<1x16xf32>,
      %get3A_555 = vector.shape_cast %get3A_554 : vector<1x16xf32> to vector<16xf32>
      %add3A_556 = arith.addf %get3A_550, %get3A_555 : vector<16xf32>
      %get3A_557 = arith.constant 11 : i32
      %get3A_558 = arith.index_cast %get3A_557 : i32 to index
      %get3A_559 = arith.index_cast %mul3A_546 : i32 to index
      %get3A_560 = tpu.vector_load %arg12[%get3A_558, %get3A_559] {strides = array<i32>} : memref<16x1024xf32, #tpu.memory_space<vmem>>, vector<1x16xf32>,
      %get3A_561 = vector.shape_cast %get3A_560 : vector<1x16xf32> to vector<16xf32>
      %add3A_562 = arith.addf %add3A_556, %get3A_561 : vector<16xf32>
      %swap3A = arith.constant 11 : i32
      %swap3A_563 = arith.index_cast %swap3A : i32 to index
      %swap3A_564 = arith.index_cast %mul3A_546 : i32 to index
      %swap3A_565 = tpu.vector_load %arg13[%swap3A_563, %swap3A_564] {strides = array<i32>} : memref<16x1024xf32, #tpu.memory_space<vmem>>, vector<1x16xf32>,
      %swap3A_566 = vector.shape_cast %swap3A_565 : vector<1x16xf32> to vector<16xf32>
      %swap3A_567 = vector.shape_cast %add3A_562 : vector<16xf32> to vector<1x16xf32>
      tpu.vector_store %arg13[%swap3A_563, %swap3A_564], %swap3A_567 {strides = array<i32>} : memref<16x1024xf32, #tpu.memory_space<vmem>>, vector<1x16xf32>,
    }
    %scan3A_265 = arith.constant 64 : i32
    %scan3A_266 = arith.constant 0 : i32
    %scan3A_267 = arith.constant 0 : i32
    %scan3A_268 = arith.constant 64 : i32
    %scan3A_269 = arith.addi %scan3A_267, %scan3A_268 : i32
    %scan3A_270 = arith.constant 1 : i32
    scf.for %scan3A_544 = %scan3A_267 to %scan3A_269 step %scan3A_270  : i32 {
      %mul3A_545 = arith.constant 16 : i32
      %mul3A_546 = arith.muli %scan3A_544, %mul3A_545 : i32
      %get3A = arith.constant 12 : i32
      %get3A_547 = arith.index_cast %get3A : i32 to index
      %get3A_548 = arith.index_cast %mul3A_546 : i32 to index
      %get3A_549 = tpu.vector_load %arg8[%get3A_547, %get3A_548] {strides = array<i32>} : memref<16x1024xf32, #tpu.memory_space<vmem>>, vector<1x16xf32>,
      %get3A_550 = vector.shape_cast %get3A_549 : vector<1x16xf32> to vector<16xf32>
      %get3A_551 = arith.constant 12 : i32
      %get3A_552 = arith.index_cast %get3A_551 : i32 to index
      %get3A_553 = arith.index_cast %mul3A_546 : i32 to index
      %get3A_554 = tpu.vector_load %arg10[%get3A_552, %get3A_553] {strides = array<i32>} : memref<16x1024xf32, #tpu.memory_space<vmem>>, vector<1x16xf32>,
      %get3A_555 = vector.shape_cast %get3A_554 : vector<1x16xf32> to vector<16xf32>
      %add3A_556 = arith.addf %get3A_550, %get3A_555 : vector<16xf32>
      %get3A_557 = arith.constant 12 : i32
      %get3A_558 = arith.index_cast %get3A_557 : i32 to index
      %get3A_559 = arith.index_cast %mul3A_546 : i32 to index
      %get3A_560 = tpu.vector_load %arg12[%get3A_558, %get3A_559] {strides = array<i32>} : memref<16x1024xf32, #tpu.memory_space<vmem>>, vector<1x16xf32>,
      %get3A_561 = vector.shape_cast %get3A_560 : vector<1x16xf32> to vector<16xf32>
      %add3A_562 = arith.addf %add3A_556, %get3A_561 : vector<16xf32>
      %swap3A = arith.constant 12 : i32
      %swap3A_563 = arith.index_cast %swap3A : i32 to index
      %swap3A_564 = arith.index_cast %mul3A_546 : i32 to index
      %swap3A_565 = tpu.vector_load %arg13[%swap3A_563, %swap3A_564] {strides = array<i32>} : memref<16x1024xf32, #tpu.memory_space<vmem>>, vector<1x16xf32>,
      %swap3A_566 = vector.shape_cast %swap3A_565 : vector<1x16xf32> to vector<16xf32>
      %swap3A_567 = vector.shape_cast %add3A_562 : vector<16xf32> to vector<1x16xf32>
      tpu.vector_store %arg13[%swap3A_563, %swap3A_564], %swap3A_567 {strides = array<i32>} : memref<16x1024xf32, #tpu.memory_space<vmem>>, vector<1x16xf32>,
    }
    %scan3A_271 = arith.constant 64 : i32
    %scan3A_272 = arith.constant 0 : i32
    %scan3A_273 = arith.constant 0 : i32
    %scan3A_274 = arith.constant 64 : i32
    %scan3A_275 = arith.addi %scan3A_273, %scan3A_274 : i32
    %scan3A_276 = arith.constant 1 : i32
    scf.for %scan3A_544 = %scan3A_273 to %scan3A_275 step %scan3A_276  : i32 {
      %mul3A_545 = arith.constant 16 : i32
      %mul3A_546 = arith.muli %scan3A_544, %mul3A_545 : i32
      %get3A = arith.constant 13 : i32
      %get3A_547 = arith.index_cast %get3A : i32 to index
      %get3A_548 = arith.index_cast %mul3A_546 : i32 to index
      %get3A_549 = tpu.vector_load %arg8[%get3A_547, %get3A_548] {strides = array<i32>} : memref<16x1024xf32, #tpu.memory_space<vmem>>, vector<1x16xf32>,
      %get3A_550 = vector.shape_cast %get3A_549 : vector<1x16xf32> to vector<16xf32>
      %get3A_551 = arith.constant 13 : i32
      %get3A_552 = arith.index_cast %get3A_551 : i32 to index
      %get3A_553 = arith.index_cast %mul3A_546 : i32 to index
      %get3A_554 = tpu.vector_load %arg10[%get3A_552, %get3A_553] {strides = array<i32>} : memref<16x1024xf32, #tpu.memory_space<vmem>>, vector<1x16xf32>,
      %get3A_555 = vector.shape_cast %get3A_554 : vector<1x16xf32> to vector<16xf32>
      %add3A_556 = arith.addf %get3A_550, %get3A_555 : vector<16xf32>
      %get3A_557 = arith.constant 13 : i32
      %get3A_558 = arith.index_cast %get3A_557 : i32 to index
      %get3A_559 = arith.index_cast %mul3A_546 : i32 to index
      %get3A_560 = tpu.vector_load %arg12[%get3A_558, %get3A_559] {strides = array<i32>} : memref<16x1024xf32, #tpu.memory_space<vmem>>, vector<1x16xf32>,
      %get3A_561 = vector.shape_cast %get3A_560 : vector<1x16xf32> to vector<16xf32>
      %add3A_562 = arith.addf %add3A_556, %get3A_561 : vector<16xf32>
      %swap3A = arith.constant 13 : i32
      %swap3A_563 = arith.index_cast %swap3A : i32 to index
      %swap3A_564 = arith.index_cast %mul3A_546 : i32 to index
      %swap3A_565 = tpu.vector_load %arg13[%swap3A_563, %swap3A_564] {strides = array<i32>} : memref<16x1024xf32, #tpu.memory_space<vmem>>, vector<1x16xf32>,
      %swap3A_566 = vector.shape_cast %swap3A_565 : vector<1x16xf32> to vector<16xf32>
      %swap3A_567 = vector.shape_cast %add3A_562 : vector<16xf32> to vector<1x16xf32>
      tpu.vector_store %arg13[%swap3A_563, %swap3A_564], %swap3A_567 {strides = array<i32>} : memref<16x1024xf32, #tpu.memory_space<vmem>>, vector<1x16xf32>,
    }
    %scan3A_277 = arith.constant 64 : i32
    %scan3A_278 = arith.constant 0 : i32
    %scan3A_279 = arith.constant 0 : i32
    %scan3A_280 = arith.constant 64 : i32
    %scan3A_281 = arith.addi %scan3A_279, %scan3A_280 : i32
    %scan3A_282 = arith.constant 1 : i32
    scf.for %scan3A_544 = %scan3A_279 to %scan3A_281 step %scan3A_282  : i32 {
      %mul3A_545 = arith.constant 16 : i32
      %mul3A_546 = arith.muli %scan3A_544, %mul3A_545 : i32
      %get3A = arith.constant 14 : i32
      %get3A_547 = arith.index_cast %get3A : i32 to index
      %get3A_548 = arith.index_cast %mul3A_546 : i32 to index
      %get3A_549 = tpu.vector_load %arg8[%get3A_547, %get3A_548] {strides = array<i32>} : memref<16x1024xf32, #tpu.memory_space<vmem>>, vector<1x16xf32>,
      %get3A_550 = vector.shape_cast %get3A_549 : vector<1x16xf32> to vector<16xf32>
      %get3A_551 = arith.constant 14 : i32
      %get3A_552 = arith.index_cast %get3A_551 : i32 to index
      %get3A_553 = arith.index_cast %mul3A_546 : i32 to index
      %get3A_554 = tpu.vector_load %arg10[%get3A_552, %get3A_553] {strides = array<i32>} : memref<16x1024xf32, #tpu.memory_space<vmem>>, vector<1x16xf32>,
      %get3A_555 = vector.shape_cast %get3A_554 : vector<1x16xf32> to vector<16xf32>
      %add3A_556 = arith.addf %get3A_550, %get3A_555 : vector<16xf32>
      %get3A_557 = arith.constant 14 : i32
      %get3A_558 = arith.index_cast %get3A_557 : i32 to index
      %get3A_559 = arith.index_cast %mul3A_546 : i32 to index
      %get3A_560 = tpu.vector_load %arg12[%get3A_558, %get3A_559] {strides = array<i32>} : memref<16x1024xf32, #tpu.memory_space<vmem>>, vector<1x16xf32>,
      %get3A_561 = vector.shape_cast %get3A_560 : vector<1x16xf32> to vector<16xf32>
      %add3A_562 = arith.addf %add3A_556, %get3A_561 : vector<16xf32>
      %swap3A = arith.constant 14 : i32
      %swap3A_563 = arith.index_cast %swap3A : i32 to index
      %swap3A_564 = arith.index_cast %mul3A_546 : i32 to index
      %swap3A_565 = tpu.vector_load %arg13[%swap3A_563, %swap3A_564] {strides = array<i32>} : memref<16x1024xf32, #tpu.memory_space<vmem>>, vector<1x16xf32>,
      %swap3A_566 = vector.shape_cast %swap3A_565 : vector<1x16xf32> to vector<16xf32>
      %swap3A_567 = vector.shape_cast %add3A_562 : vector<16xf32> to vector<1x16xf32>
      tpu.vector_store %arg13[%swap3A_563, %swap3A_564], %swap3A_567 {strides = array<i32>} : memref<16x1024xf32, #tpu.memory_space<vmem>>, vector<1x16xf32>,
    }
    %scan3A_283 = arith.constant 64 : i32
    %scan3A_284 = arith.constant 0 : i32
    %scan3A_285 = arith.constant 0 : i32
    %scan3A_286 = arith.constant 64 : i32
    %scan3A_287 = arith.addi %scan3A_285, %scan3A_286 : i32
    %scan3A_288 = arith.constant 1 : i32
    scf.for %scan3A_544 = %scan3A_285 to %scan3A_287 step %scan3A_288  : i32 {
      %mul3A_545 = arith.constant 16 : i32
      %mul3A_546 = arith.muli %scan3A_544, %mul3A_545 : i32
      %get3A = arith.constant 15 : i32
      %get3A_547 = arith.index_cast %get3A : i32 to index
      %get3A_548 = arith.index_cast %mul3A_546 : i32 to index
      %get3A_549 = tpu.vector_load %arg8[%get3A_547, %get3A_548] {strides = array<i32>} : memref<16x1024xf32, #tpu.memory_space<vmem>>, vector<1x16xf32>,
      %get3A_550 = vector.shape_cast %get3A_549 : vector<1x16xf32> to vector<16xf32>
      %get3A_551 = arith.constant 15 : i32
      %get3A_552 = arith.index_cast %get3A_551 : i32 to index
      %get3A_553 = arith.index_cast %mul3A_546 : i32 to index
      %get3A_554 = tpu.vector_load %arg10[%get3A_552, %get3A_553] {strides = array<i32>} : memref<16x1024xf32, #tpu.memory_space<vmem>>, vector<1x16xf32>,
      %get3A_555 = vector.shape_cast %get3A_554 : vector<1x16xf32> to vector<16xf32>
      %add3A_556 = arith.addf %get3A_550, %get3A_555 : vector<16xf32>
      %get3A_557 = arith.constant 15 : i32
      %get3A_558 = arith.index_cast %get3A_557 : i32 to index
      %get3A_559 = arith.index_cast %mul3A_546 : i32 to index
      %get3A_560 = tpu.vector_load %arg12[%get3A_558, %get3A_559] {strides = array<i32>} : memref<16x1024xf32, #tpu.memory_space<vmem>>, vector<1x16xf32>,
      %get3A_561 = vector.shape_cast %get3A_560 : vector<1x16xf32> to vector<16xf32>
      %add3A_562 = arith.addf %add3A_556, %get3A_561 : vector<16xf32>
      %swap3A = arith.constant 15 : i32
      %swap3A_563 = arith.index_cast %swap3A : i32 to index
      %swap3A_564 = arith.index_cast %mul3A_546 : i32 to index
      %swap3A_565 = tpu.vector_load %arg13[%swap3A_563, %swap3A_564] {strides = array<i32>} : memref<16x1024xf32, #tpu.memory_space<vmem>>, vector<1x16xf32>,
      %swap3A_566 = vector.shape_cast %swap3A_565 : vector<1x16xf32> to vector<16xf32>
      %swap3A_567 = vector.shape_cast %add3A_562 : vector<16xf32> to vector<1x16xf32>
      tpu.vector_store %arg13[%swap3A_563, %swap3A_564], %swap3A_567 {strides = array<i32>} : memref<16x1024xf32, #tpu.memory_space<vmem>>, vector<1x16xf32>,
    }
    %scan3A_289 = arith.constant 64 : i32
    %add3A_290 = arith.constant 16 : i32
    %add3A_291 = arith.addi %mul3A_2, %add3A_290 : i32
    "tpu.region"() ({
      %run_scoped3A = tpu.sem_alloc : memref<!tpu.dma_semaphore, #tpu.memory_space<semaphore_mem>>
      %dma_start3A_544 = arith.constant 0 : i32
      %dma_start3A_545 = tpu.memref_slice %arg5[%add3A_291, %dma_start3A_544] : memref<2048x1024xf32, #tpu.memory_space<hbm>> -> memref<16x1024xf32, #tpu.memory_space<hbm>>
      %dma_start3A_546 = arith.constant 0 : i32
      %dma_start3A_547 = tpu.memref_slice %arg5[%add3A_291, %dma_start3A_546] : memref<2048x1024xf32, #tpu.memory_space<hbm>> -> memref<16x1024xf32, #tpu.memory_space<hbm>>
      tpu.enqueue_dma source(%arg13 : memref<16x1024xf32, #tpu.memory_space<vmem>>) target(%dma_start3A_547 : memref<16x1024xf32, #tpu.memory_space<hbm>>) target_semaphore(%run_scoped3A : memref<!tpu.dma_semaphore, #tpu.memory_space<semaphore_mem>>)
      %dma_wait3A_548 = arith.constant 0 : i32
      %dma_wait3A_549 = tpu.memref_slice %arg5[%add3A_291, %dma_wait3A_548] : memref<2048x1024xf32, #tpu.memory_space<hbm>> -> memref<16x1024xf32, #tpu.memory_space<hbm>>
      %dma_wait3A_550 = arith.constant 0 : i32
      %dma_wait3A_551 = tpu.memref_slice %arg5[%add3A_291, %dma_wait3A_550] : memref<2048x1024xf32, #tpu.memory_space<hbm>> -> memref<16x1024xf32, #tpu.memory_space<hbm>>
      tpu.wait_dma2 semaphore(%run_scoped3A : memref<!tpu.dma_semaphore, #tpu.memory_space<semaphore_mem>>) src(%arg13 : memref<16x1024xf32, #tpu.memory_space<vmem>>) dst(%dma_wait3A_551 : memref<16x1024xf32, #tpu.memory_space<hbm>>)
      tpu.yield
    }) : () -> ()
    %dma_start3A_292 = arith.constant 0 : i32
    %dma_start3A_293 = arith.constant 48 : i32
    %dma_start3A_294 = tpu.memref_slice %arg6[%dma_start3A_292, %dma_start3A_293] : memref<2x64xi32, #tpu.memory_space<vmem>> -> memref<1x16xi32, #tpu.memory_space<vmem>>
    %dma_start3A_295 = tpu.memref_squeeze %dma_start3A_294 : memref<1x16xi32, #tpu.memory_space<vmem>> -> memref<16xi32, #tpu.memory_space<vmem>>
    %dma_start3A_296 = arith.constant 0 : i32
    %dma_start3A_297 = arith.constant 0 : i32
    %dma_start3A_298 = tpu.memref_slice %arg2[%dma_start3A_296, %dma_start3A_297] : memref<6144x1024xf32, #tpu.memory_space<hbm>> -> memref<6144x1024xf32, #tpu.memory_space<hbm>>
    tpu.enqueue_indirect_dma source(%dma_start3A_298 : memref<6144x1024xf32, #tpu.memory_space<hbm>>) target(%arg8 : memref<16x1024xf32, #tpu.memory_space<vmem>>) offsets(%dma_start3A_295 : memref<16xi32, #tpu.memory_space<vmem>>) semaphore(%arg14 : memref<!tpu.dma_semaphore, #tpu.memory_space<semaphore_mem>>)
    %dma_start3A_299 = arith.constant 1 : i32
    %dma_start3A_300 = arith.constant 48 : i32
    %dma_start3A_301 = tpu.memref_slice %arg6[%dma_start3A_299, %dma_start3A_300] : memref<2x64xi32, #tpu.memory_space<vmem>> -> memref<1x16xi32, #tpu.memory_space<vmem>>
    %dma_start3A_302 = tpu.memref_squeeze %dma_start3A_301 : memref<1x16xi32, #tpu.memory_space<vmem>> -> memref<16xi32, #tpu.memory_space<vmem>>
    %dma_start3A_303 = arith.constant 0 : i32
    %dma_start3A_304 = arith.constant 0 : i32
    %dma_start3A_305 = tpu.memref_slice %arg2[%dma_start3A_303, %dma_start3A_304] : memref<6144x1024xf32, #tpu.memory_space<hbm>> -> memref<6144x1024xf32, #tpu.memory_space<hbm>>
    tpu.enqueue_indirect_dma source(%dma_start3A_305 : memref<6144x1024xf32, #tpu.memory_space<hbm>>) target(%arg10 : memref<16x1024xf32, #tpu.memory_space<vmem>>) offsets(%dma_start3A_302 : memref<16xi32, #tpu.memory_space<vmem>>) semaphore(%arg15 : memref<!tpu.dma_semaphore, #tpu.memory_space<semaphore_mem>>)
    %add3A_306 = arith.constant 48 : i32
    %add3A_307 = arith.addi %mul3A_2, %add3A_306 : i32
    %dma_start3A_308 = arith.constant 0 : i32
    %dma_start3A_309 = tpu.memref_slice %arg4[%add3A_307, %dma_start3A_308] : memref<2048x1024xf32, #tpu.memory_space<hbm>> -> memref<16x1024xf32, #tpu.memory_space<hbm>>
    %dma_start3A_310 = arith.constant 0 : i32
    %dma_start3A_311 = tpu.memref_slice %arg4[%add3A_307, %dma_start3A_310] : memref<2048x1024xf32, #tpu.memory_space<hbm>> -> memref<16x1024xf32, #tpu.memory_space<hbm>>
    tpu.enqueue_dma source(%dma_start3A_311 : memref<16x1024xf32, #tpu.memory_space<hbm>>) target(%arg12 : memref<16x1024xf32, #tpu.memory_space<vmem>>) target_semaphore(%arg16 : memref<!tpu.dma_semaphore, #tpu.memory_space<semaphore_mem>>)
    %dma_wait3A_312 = arith.constant 0 : i32
    %dma_wait3A_313 = arith.constant 32 : i32
    %dma_wait3A_314 = tpu.memref_slice %arg6[%dma_wait3A_312, %dma_wait3A_313] : memref<2x64xi32, #tpu.memory_space<vmem>> -> memref<1x16xi32, #tpu.memory_space<vmem>>
    %dma_wait3A_315 = tpu.memref_squeeze %dma_wait3A_314 : memref<1x16xi32, #tpu.memory_space<vmem>> -> memref<16xi32, #tpu.memory_space<vmem>>
    %dma_wait3A_316 = arith.constant 0 : i32
    %dma_wait3A_317 = arith.constant 0 : i32
    %dma_wait3A_318 = tpu.memref_slice %arg2[%dma_wait3A_316, %dma_wait3A_317] : memref<6144x1024xf32, #tpu.memory_space<hbm>> -> memref<6144x1024xf32, #tpu.memory_space<hbm>>
    tpu.wait_indirect_dma semaphore(%arg14 : memref<!tpu.dma_semaphore, #tpu.memory_space<semaphore_mem>>) src(%dma_wait3A_318 : memref<6144x1024xf32, #tpu.memory_space<hbm>>) dst(%arg7 : memref<16x1024xf32, #tpu.memory_space<vmem>>)
    %dma_wait3A_319 = arith.constant 1 : i32
    %dma_wait3A_320 = arith.constant 32 : i32
    %dma_wait3A_321 = tpu.memref_slice %arg6[%dma_wait3A_319, %dma_wait3A_320] : memref<2x64xi32, #tpu.memory_space<vmem>> -> memref<1x16xi32, #tpu.memory_space<vmem>>
    %dma_wait3A_322 = tpu.memref_squeeze %dma_wait3A_321 : memref<1x16xi32, #tpu.memory_space<vmem>> -> memref<16xi32, #tpu.memory_space<vmem>>
    %dma_wait3A_323 = arith.constant 0 : i32
    %dma_wait3A_324 = arith.constant 0 : i32
    %dma_wait3A_325 = tpu.memref_slice %arg2[%dma_wait3A_323, %dma_wait3A_324] : memref<6144x1024xf32, #tpu.memory_space<hbm>> -> memref<6144x1024xf32, #tpu.memory_space<hbm>>
    tpu.wait_indirect_dma semaphore(%arg15 : memref<!tpu.dma_semaphore, #tpu.memory_space<semaphore_mem>>) src(%dma_wait3A_325 : memref<6144x1024xf32, #tpu.memory_space<hbm>>) dst(%arg9 : memref<16x1024xf32, #tpu.memory_space<vmem>>)
    %dma_wait3A_326 = arith.constant 0 : i32
    %dma_wait3A_327 = tpu.memref_slice %arg4[%add3A_171, %dma_wait3A_326] : memref<2048x1024xf32, #tpu.memory_space<hbm>> -> memref<16x1024xf32, #tpu.memory_space<hbm>>
    %dma_wait3A_328 = arith.constant 0 : i32
    %dma_wait3A_329 = tpu.memref_slice %arg4[%add3A_171, %dma_wait3A_328] : memref<2048x1024xf32, #tpu.memory_space<hbm>> -> memref<16x1024xf32, #tpu.memory_space<hbm>>
    tpu.wait_dma2 semaphore(%arg16 : memref<!tpu.dma_semaphore, #tpu.memory_space<semaphore_mem>>) src(%dma_wait3A_329 : memref<16x1024xf32, #tpu.memory_space<hbm>>) dst(%arg11 : memref<16x1024xf32, #tpu.memory_space<vmem>>)
    %scan3A_330 = arith.constant 0 : i32
    %scan3A_331 = arith.constant 0 : i32
    %scan3A_332 = arith.constant 64 : i32
    %scan3A_333 = arith.addi %scan3A_331, %scan3A_332 : i32
    %scan3A_334 = arith.constant 1 : i32
    scf.for %scan3A_544 = %scan3A_331 to %scan3A_333 step %scan3A_334  : i32 {
      %mul3A_545 = arith.constant 16 : i32
      %mul3A_546 = arith.muli %scan3A_544, %mul3A_545 : i32
      %get3A = arith.constant 0 : i32
      %get3A_547 = arith.index_cast %get3A : i32 to index
      %get3A_548 = arith.index_cast %mul3A_546 : i32 to index
      %get3A_549 = tpu.vector_load %arg7[%get3A_547, %get3A_548] {strides = array<i32>} : memref<16x1024xf32, #tpu.memory_space<vmem>>, vector<1x16xf32>,
      %get3A_550 = vector.shape_cast %get3A_549 : vector<1x16xf32> to vector<16xf32>
      %get3A_551 = arith.constant 0 : i32
      %get3A_552 = arith.index_cast %get3A_551 : i32 to index
      %get3A_553 = arith.index_cast %mul3A_546 : i32 to index
      %get3A_554 = tpu.vector_load %arg9[%get3A_552, %get3A_553] {strides = array<i32>} : memref<16x1024xf32, #tpu.memory_space<vmem>>, vector<1x16xf32>,
      %get3A_555 = vector.shape_cast %get3A_554 : vector<1x16xf32> to vector<16xf32>
      %add3A_556 = arith.addf %get3A_550, %get3A_555 : vector<16xf32>
      %get3A_557 = arith.constant 0 : i32
      %get3A_558 = arith.index_cast %get3A_557 : i32 to index
      %get3A_559 = arith.index_cast %mul3A_546 : i32 to index
      %get3A_560 = tpu.vector_load %arg11[%get3A_558, %get3A_559] {strides = array<i32>} : memref<16x1024xf32, #tpu.memory_space<vmem>>, vector<1x16xf32>,
      %get3A_561 = vector.shape_cast %get3A_560 : vector<1x16xf32> to vector<16xf32>
      %add3A_562 = arith.addf %add3A_556, %get3A_561 : vector<16xf32>
      %swap3A = arith.constant 0 : i32
      %swap3A_563 = arith.index_cast %swap3A : i32 to index
      %swap3A_564 = arith.index_cast %mul3A_546 : i32 to index
      %swap3A_565 = tpu.vector_load %arg13[%swap3A_563, %swap3A_564] {strides = array<i32>} : memref<16x1024xf32, #tpu.memory_space<vmem>>, vector<1x16xf32>,
      %swap3A_566 = vector.shape_cast %swap3A_565 : vector<1x16xf32> to vector<16xf32>
      %swap3A_567 = vector.shape_cast %add3A_562 : vector<16xf32> to vector<1x16xf32>
      tpu.vector_store %arg13[%swap3A_563, %swap3A_564], %swap3A_567 {strides = array<i32>} : memref<16x1024xf32, #tpu.memory_space<vmem>>, vector<1x16xf32>,
    }
    %scan3A_335 = arith.constant 64 : i32
    %scan3A_336 = arith.constant 0 : i32
    %scan3A_337 = arith.constant 0 : i32
    %scan3A_338 = arith.constant 64 : i32
    %scan3A_339 = arith.addi %scan3A_337, %scan3A_338 : i32
    %scan3A_340 = arith.constant 1 : i32
    scf.for %scan3A_544 = %scan3A_337 to %scan3A_339 step %scan3A_340  : i32 {
      %mul3A_545 = arith.constant 16 : i32
      %mul3A_546 = arith.muli %scan3A_544, %mul3A_545 : i32
      %get3A = arith.constant 1 : i32
      %get3A_547 = arith.index_cast %get3A : i32 to index
      %get3A_548 = arith.index_cast %mul3A_546 : i32 to index
      %get3A_549 = tpu.vector_load %arg7[%get3A_547, %get3A_548] {strides = array<i32>} : memref<16x1024xf32, #tpu.memory_space<vmem>>, vector<1x16xf32>,
      %get3A_550 = vector.shape_cast %get3A_549 : vector<1x16xf32> to vector<16xf32>
      %get3A_551 = arith.constant 1 : i32
      %get3A_552 = arith.index_cast %get3A_551 : i32 to index
      %get3A_553 = arith.index_cast %mul3A_546 : i32 to index
      %get3A_554 = tpu.vector_load %arg9[%get3A_552, %get3A_553] {strides = array<i32>} : memref<16x1024xf32, #tpu.memory_space<vmem>>, vector<1x16xf32>,
      %get3A_555 = vector.shape_cast %get3A_554 : vector<1x16xf32> to vector<16xf32>
      %add3A_556 = arith.addf %get3A_550, %get3A_555 : vector<16xf32>
      %get3A_557 = arith.constant 1 : i32
      %get3A_558 = arith.index_cast %get3A_557 : i32 to index
      %get3A_559 = arith.index_cast %mul3A_546 : i32 to index
      %get3A_560 = tpu.vector_load %arg11[%get3A_558, %get3A_559] {strides = array<i32>} : memref<16x1024xf32, #tpu.memory_space<vmem>>, vector<1x16xf32>,
      %get3A_561 = vector.shape_cast %get3A_560 : vector<1x16xf32> to vector<16xf32>
      %add3A_562 = arith.addf %add3A_556, %get3A_561 : vector<16xf32>
      %swap3A = arith.constant 1 : i32
      %swap3A_563 = arith.index_cast %swap3A : i32 to index
      %swap3A_564 = arith.index_cast %mul3A_546 : i32 to index
      %swap3A_565 = tpu.vector_load %arg13[%swap3A_563, %swap3A_564] {strides = array<i32>} : memref<16x1024xf32, #tpu.memory_space<vmem>>, vector<1x16xf32>,
      %swap3A_566 = vector.shape_cast %swap3A_565 : vector<1x16xf32> to vector<16xf32>
      %swap3A_567 = vector.shape_cast %add3A_562 : vector<16xf32> to vector<1x16xf32>
      tpu.vector_store %arg13[%swap3A_563, %swap3A_564], %swap3A_567 {strides = array<i32>} : memref<16x1024xf32, #tpu.memory_space<vmem>>, vector<1x16xf32>,
    }
    %scan3A_341 = arith.constant 64 : i32
    %scan3A_342 = arith.constant 0 : i32
    %scan3A_343 = arith.constant 0 : i32
    %scan3A_344 = arith.constant 64 : i32
    %scan3A_345 = arith.addi %scan3A_343, %scan3A_344 : i32
    %scan3A_346 = arith.constant 1 : i32
    scf.for %scan3A_544 = %scan3A_343 to %scan3A_345 step %scan3A_346  : i32 {
      %mul3A_545 = arith.constant 16 : i32
      %mul3A_546 = arith.muli %scan3A_544, %mul3A_545 : i32
      %get3A = arith.constant 2 : i32
      %get3A_547 = arith.index_cast %get3A : i32 to index
      %get3A_548 = arith.index_cast %mul3A_546 : i32 to index
      %get3A_549 = tpu.vector_load %arg7[%get3A_547, %get3A_548] {strides = array<i32>} : memref<16x1024xf32, #tpu.memory_space<vmem>>, vector<1x16xf32>,
      %get3A_550 = vector.shape_cast %get3A_549 : vector<1x16xf32> to vector<16xf32>
      %get3A_551 = arith.constant 2 : i32
      %get3A_552 = arith.index_cast %get3A_551 : i32 to index
      %get3A_553 = arith.index_cast %mul3A_546 : i32 to index
      %get3A_554 = tpu.vector_load %arg9[%get3A_552, %get3A_553] {strides = array<i32>} : memref<16x1024xf32, #tpu.memory_space<vmem>>, vector<1x16xf32>,
      %get3A_555 = vector.shape_cast %get3A_554 : vector<1x16xf32> to vector<16xf32>
      %add3A_556 = arith.addf %get3A_550, %get3A_555 : vector<16xf32>
      %get3A_557 = arith.constant 2 : i32
      %get3A_558 = arith.index_cast %get3A_557 : i32 to index
      %get3A_559 = arith.index_cast %mul3A_546 : i32 to index
      %get3A_560 = tpu.vector_load %arg11[%get3A_558, %get3A_559] {strides = array<i32>} : memref<16x1024xf32, #tpu.memory_space<vmem>>, vector<1x16xf32>,
      %get3A_561 = vector.shape_cast %get3A_560 : vector<1x16xf32> to vector<16xf32>
      %add3A_562 = arith.addf %add3A_556, %get3A_561 : vector<16xf32>
      %swap3A = arith.constant 2 : i32
      %swap3A_563 = arith.index_cast %swap3A : i32 to index
      %swap3A_564 = arith.index_cast %mul3A_546 : i32 to index
      %swap3A_565 = tpu.vector_load %arg13[%swap3A_563, %swap3A_564] {strides = array<i32>} : memref<16x1024xf32, #tpu.memory_space<vmem>>, vector<1x16xf32>,
      %swap3A_566 = vector.shape_cast %swap3A_565 : vector<1x16xf32> to vector<16xf32>
      %swap3A_567 = vector.shape_cast %add3A_562 : vector<16xf32> to vector<1x16xf32>
      tpu.vector_store %arg13[%swap3A_563, %swap3A_564], %swap3A_567 {strides = array<i32>} : memref<16x1024xf32, #tpu.memory_space<vmem>>, vector<1x16xf32>,
    }
    %scan3A_347 = arith.constant 64 : i32
    %scan3A_348 = arith.constant 0 : i32
    %scan3A_349 = arith.constant 0 : i32
    %scan3A_350 = arith.constant 64 : i32
    %scan3A_351 = arith.addi %scan3A_349, %scan3A_350 : i32
    %scan3A_352 = arith.constant 1 : i32
    scf.for %scan3A_544 = %scan3A_349 to %scan3A_351 step %scan3A_352  : i32 {
      %mul3A_545 = arith.constant 16 : i32
      %mul3A_546 = arith.muli %scan3A_544, %mul3A_545 : i32
      %get3A = arith.constant 3 : i32
      %get3A_547 = arith.index_cast %get3A : i32 to index
      %get3A_548 = arith.index_cast %mul3A_546 : i32 to index
      %get3A_549 = tpu.vector_load %arg7[%get3A_547, %get3A_548] {strides = array<i32>} : memref<16x1024xf32, #tpu.memory_space<vmem>>, vector<1x16xf32>,
      %get3A_550 = vector.shape_cast %get3A_549 : vector<1x16xf32> to vector<16xf32>
      %get3A_551 = arith.constant 3 : i32
      %get3A_552 = arith.index_cast %get3A_551 : i32 to index
      %get3A_553 = arith.index_cast %mul3A_546 : i32 to index
      %get3A_554 = tpu.vector_load %arg9[%get3A_552, %get3A_553] {strides = array<i32>} : memref<16x1024xf32, #tpu.memory_space<vmem>>, vector<1x16xf32>,
      %get3A_555 = vector.shape_cast %get3A_554 : vector<1x16xf32> to vector<16xf32>
      %add3A_556 = arith.addf %get3A_550, %get3A_555 : vector<16xf32>
      %get3A_557 = arith.constant 3 : i32
      %get3A_558 = arith.index_cast %get3A_557 : i32 to index
      %get3A_559 = arith.index_cast %mul3A_546 : i32 to index
      %get3A_560 = tpu.vector_load %arg11[%get3A_558, %get3A_559] {strides = array<i32>} : memref<16x1024xf32, #tpu.memory_space<vmem>>, vector<1x16xf32>,
      %get3A_561 = vector.shape_cast %get3A_560 : vector<1x16xf32> to vector<16xf32>
      %add3A_562 = arith.addf %add3A_556, %get3A_561 : vector<16xf32>
      %swap3A = arith.constant 3 : i32
      %swap3A_563 = arith.index_cast %swap3A : i32 to index
      %swap3A_564 = arith.index_cast %mul3A_546 : i32 to index
      %swap3A_565 = tpu.vector_load %arg13[%swap3A_563, %swap3A_564] {strides = array<i32>} : memref<16x1024xf32, #tpu.memory_space<vmem>>, vector<1x16xf32>,
      %swap3A_566 = vector.shape_cast %swap3A_565 : vector<1x16xf32> to vector<16xf32>
      %swap3A_567 = vector.shape_cast %add3A_562 : vector<16xf32> to vector<1x16xf32>
      tpu.vector_store %arg13[%swap3A_563, %swap3A_564], %swap3A_567 {strides = array<i32>} : memref<16x1024xf32, #tpu.memory_space<vmem>>, vector<1x16xf32>,
    }
    %scan3A_353 = arith.constant 64 : i32
    %scan3A_354 = arith.constant 0 : i32
    %scan3A_355 = arith.constant 0 : i32
    %scan3A_356 = arith.constant 64 : i32
    %scan3A_357 = arith.addi %scan3A_355, %scan3A_356 : i32
    %scan3A_358 = arith.constant 1 : i32
    scf.for %scan3A_544 = %scan3A_355 to %scan3A_357 step %scan3A_358  : i32 {
      %mul3A_545 = arith.constant 16 : i32
      %mul3A_546 = arith.muli %scan3A_544, %mul3A_545 : i32
      %get3A = arith.constant 4 : i32
      %get3A_547 = arith.index_cast %get3A : i32 to index
      %get3A_548 = arith.index_cast %mul3A_546 : i32 to index
      %get3A_549 = tpu.vector_load %arg7[%get3A_547, %get3A_548] {strides = array<i32>} : memref<16x1024xf32, #tpu.memory_space<vmem>>, vector<1x16xf32>,
      %get3A_550 = vector.shape_cast %get3A_549 : vector<1x16xf32> to vector<16xf32>
      %get3A_551 = arith.constant 4 : i32
      %get3A_552 = arith.index_cast %get3A_551 : i32 to index
      %get3A_553 = arith.index_cast %mul3A_546 : i32 to index
      %get3A_554 = tpu.vector_load %arg9[%get3A_552, %get3A_553] {strides = array<i32>} : memref<16x1024xf32, #tpu.memory_space<vmem>>, vector<1x16xf32>,
      %get3A_555 = vector.shape_cast %get3A_554 : vector<1x16xf32> to vector<16xf32>
      %add3A_556 = arith.addf %get3A_550, %get3A_555 : vector<16xf32>
      %get3A_557 = arith.constant 4 : i32
      %get3A_558 = arith.index_cast %get3A_557 : i32 to index
      %get3A_559 = arith.index_cast %mul3A_546 : i32 to index
      %get3A_560 = tpu.vector_load %arg11[%get3A_558, %get3A_559] {strides = array<i32>} : memref<16x1024xf32, #tpu.memory_space<vmem>>, vector<1x16xf32>,
      %get3A_561 = vector.shape_cast %get3A_560 : vector<1x16xf32> to vector<16xf32>
      %add3A_562 = arith.addf %add3A_556, %get3A_561 : vector<16xf32>
      %swap3A = arith.constant 4 : i32
      %swap3A_563 = arith.index_cast %swap3A : i32 to index
      %swap3A_564 = arith.index_cast %mul3A_546 : i32 to index
      %swap3A_565 = tpu.vector_load %arg13[%swap3A_563, %swap3A_564] {strides = array<i32>} : memref<16x1024xf32, #tpu.memory_space<vmem>>, vector<1x16xf32>,
      %swap3A_566 = vector.shape_cast %swap3A_565 : vector<1x16xf32> to vector<16xf32>
      %swap3A_567 = vector.shape_cast %add3A_562 : vector<16xf32> to vector<1x16xf32>
      tpu.vector_store %arg13[%swap3A_563, %swap3A_564], %swap3A_567 {strides = array<i32>} : memref<16x1024xf32, #tpu.memory_space<vmem>>, vector<1x16xf32>,
    }
    %scan3A_359 = arith.constant 64 : i32
    %scan3A_360 = arith.constant 0 : i32
    %scan3A_361 = arith.constant 0 : i32
    %scan3A_362 = arith.constant 64 : i32
    %scan3A_363 = arith.addi %scan3A_361, %scan3A_362 : i32
    %scan3A_364 = arith.constant 1 : i32
    scf.for %scan3A_544 = %scan3A_361 to %scan3A_363 step %scan3A_364  : i32 {
      %mul3A_545 = arith.constant 16 : i32
      %mul3A_546 = arith.muli %scan3A_544, %mul3A_545 : i32
      %get3A = arith.constant 5 : i32
      %get3A_547 = arith.index_cast %get3A : i32 to index
      %get3A_548 = arith.index_cast %mul3A_546 : i32 to index
      %get3A_549 = tpu.vector_load %arg7[%get3A_547, %get3A_548] {strides = array<i32>} : memref<16x1024xf32, #tpu.memory_space<vmem>>, vector<1x16xf32>,
      %get3A_550 = vector.shape_cast %get3A_549 : vector<1x16xf32> to vector<16xf32>
      %get3A_551 = arith.constant 5 : i32
      %get3A_552 = arith.index_cast %get3A_551 : i32 to index
      %get3A_553 = arith.index_cast %mul3A_546 : i32 to index
      %get3A_554 = tpu.vector_load %arg9[%get3A_552, %get3A_553] {strides = array<i32>} : memref<16x1024xf32, #tpu.memory_space<vmem>>, vector<1x16xf32>,
      %get3A_555 = vector.shape_cast %get3A_554 : vector<1x16xf32> to vector<16xf32>
      %add3A_556 = arith.addf %get3A_550, %get3A_555 : vector<16xf32>
      %get3A_557 = arith.constant 5 : i32
      %get3A_558 = arith.index_cast %get3A_557 : i32 to index
      %get3A_559 = arith.index_cast %mul3A_546 : i32 to index
      %get3A_560 = tpu.vector_load %arg11[%get3A_558, %get3A_559] {strides = array<i32>} : memref<16x1024xf32, #tpu.memory_space<vmem>>, vector<1x16xf32>,
      %get3A_561 = vector.shape_cast %get3A_560 : vector<1x16xf32> to vector<16xf32>
      %add3A_562 = arith.addf %add3A_556, %get3A_561 : vector<16xf32>
      %swap3A = arith.constant 5 : i32
      %swap3A_563 = arith.index_cast %swap3A : i32 to index
      %swap3A_564 = arith.index_cast %mul3A_546 : i32 to index
      %swap3A_565 = tpu.vector_load %arg13[%swap3A_563, %swap3A_564] {strides = array<i32>} : memref<16x1024xf32, #tpu.memory_space<vmem>>, vector<1x16xf32>,
      %swap3A_566 = vector.shape_cast %swap3A_565 : vector<1x16xf32> to vector<16xf32>
      %swap3A_567 = vector.shape_cast %add3A_562 : vector<16xf32> to vector<1x16xf32>
      tpu.vector_store %arg13[%swap3A_563, %swap3A_564], %swap3A_567 {strides = array<i32>} : memref<16x1024xf32, #tpu.memory_space<vmem>>, vector<1x16xf32>,
    }
    %scan3A_365 = arith.constant 64 : i32
    %scan3A_366 = arith.constant 0 : i32
    %scan3A_367 = arith.constant 0 : i32
    %scan3A_368 = arith.constant 64 : i32
    %scan3A_369 = arith.addi %scan3A_367, %scan3A_368 : i32
    %scan3A_370 = arith.constant 1 : i32
    scf.for %scan3A_544 = %scan3A_367 to %scan3A_369 step %scan3A_370  : i32 {
      %mul3A_545 = arith.constant 16 : i32
      %mul3A_546 = arith.muli %scan3A_544, %mul3A_545 : i32
      %get3A = arith.constant 6 : i32
      %get3A_547 = arith.index_cast %get3A : i32 to index
      %get3A_548 = arith.index_cast %mul3A_546 : i32 to index
      %get3A_549 = tpu.vector_load %arg7[%get3A_547, %get3A_548] {strides = array<i32>} : memref<16x1024xf32, #tpu.memory_space<vmem>>, vector<1x16xf32>,
      %get3A_550 = vector.shape_cast %get3A_549 : vector<1x16xf32> to vector<16xf32>
      %get3A_551 = arith.constant 6 : i32
      %get3A_552 = arith.index_cast %get3A_551 : i32 to index
      %get3A_553 = arith.index_cast %mul3A_546 : i32 to index
      %get3A_554 = tpu.vector_load %arg9[%get3A_552, %get3A_553] {strides = array<i32>} : memref<16x1024xf32, #tpu.memory_space<vmem>>, vector<1x16xf32>,
      %get3A_555 = vector.shape_cast %get3A_554 : vector<1x16xf32> to vector<16xf32>
      %add3A_556 = arith.addf %get3A_550, %get3A_555 : vector<16xf32>
      %get3A_557 = arith.constant 6 : i32
      %get3A_558 = arith.index_cast %get3A_557 : i32 to index
      %get3A_559 = arith.index_cast %mul3A_546 : i32 to index
      %get3A_560 = tpu.vector_load %arg11[%get3A_558, %get3A_559] {strides = array<i32>} : memref<16x1024xf32, #tpu.memory_space<vmem>>, vector<1x16xf32>,
      %get3A_561 = vector.shape_cast %get3A_560 : vector<1x16xf32> to vector<16xf32>
      %add3A_562 = arith.addf %add3A_556, %get3A_561 : vector<16xf32>
      %swap3A = arith.constant 6 : i32
      %swap3A_563 = arith.index_cast %swap3A : i32 to index
      %swap3A_564 = arith.index_cast %mul3A_546 : i32 to index
      %swap3A_565 = tpu.vector_load %arg13[%swap3A_563, %swap3A_564] {strides = array<i32>} : memref<16x1024xf32, #tpu.memory_space<vmem>>, vector<1x16xf32>,
      %swap3A_566 = vector.shape_cast %swap3A_565 : vector<1x16xf32> to vector<16xf32>
      %swap3A_567 = vector.shape_cast %add3A_562 : vector<16xf32> to vector<1x16xf32>
      tpu.vector_store %arg13[%swap3A_563, %swap3A_564], %swap3A_567 {strides = array<i32>} : memref<16x1024xf32, #tpu.memory_space<vmem>>, vector<1x16xf32>,
    }
    %scan3A_371 = arith.constant 64 : i32
    %scan3A_372 = arith.constant 0 : i32
    %scan3A_373 = arith.constant 0 : i32
    %scan3A_374 = arith.constant 64 : i32
    %scan3A_375 = arith.addi %scan3A_373, %scan3A_374 : i32
    %scan3A_376 = arith.constant 1 : i32
    scf.for %scan3A_544 = %scan3A_373 to %scan3A_375 step %scan3A_376  : i32 {
      %mul3A_545 = arith.constant 16 : i32
      %mul3A_546 = arith.muli %scan3A_544, %mul3A_545 : i32
      %get3A = arith.constant 7 : i32
      %get3A_547 = arith.index_cast %get3A : i32 to index
      %get3A_548 = arith.index_cast %mul3A_546 : i32 to index
      %get3A_549 = tpu.vector_load %arg7[%get3A_547, %get3A_548] {strides = array<i32>} : memref<16x1024xf32, #tpu.memory_space<vmem>>, vector<1x16xf32>,
      %get3A_550 = vector.shape_cast %get3A_549 : vector<1x16xf32> to vector<16xf32>
      %get3A_551 = arith.constant 7 : i32
      %get3A_552 = arith.index_cast %get3A_551 : i32 to index
      %get3A_553 = arith.index_cast %mul3A_546 : i32 to index
      %get3A_554 = tpu.vector_load %arg9[%get3A_552, %get3A_553] {strides = array<i32>} : memref<16x1024xf32, #tpu.memory_space<vmem>>, vector<1x16xf32>,
      %get3A_555 = vector.shape_cast %get3A_554 : vector<1x16xf32> to vector<16xf32>
      %add3A_556 = arith.addf %get3A_550, %get3A_555 : vector<16xf32>
      %get3A_557 = arith.constant 7 : i32
      %get3A_558 = arith.index_cast %get3A_557 : i32 to index
      %get3A_559 = arith.index_cast %mul3A_546 : i32 to index
      %get3A_560 = tpu.vector_load %arg11[%get3A_558, %get3A_559] {strides = array<i32>} : memref<16x1024xf32, #tpu.memory_space<vmem>>, vector<1x16xf32>,
      %get3A_561 = vector.shape_cast %get3A_560 : vector<1x16xf32> to vector<16xf32>
      %add3A_562 = arith.addf %add3A_556, %get3A_561 : vector<16xf32>
      %swap3A = arith.constant 7 : i32
      %swap3A_563 = arith.index_cast %swap3A : i32 to index
      %swap3A_564 = arith.index_cast %mul3A_546 : i32 to index
      %swap3A_565 = tpu.vector_load %arg13[%swap3A_563, %swap3A_564] {strides = array<i32>} : memref<16x1024xf32, #tpu.memory_space<vmem>>, vector<1x16xf32>,
      %swap3A_566 = vector.shape_cast %swap3A_565 : vector<1x16xf32> to vector<16xf32>
      %swap3A_567 = vector.shape_cast %add3A_562 : vector<16xf32> to vector<1x16xf32>
      tpu.vector_store %arg13[%swap3A_563, %swap3A_564], %swap3A_567 {strides = array<i32>} : memref<16x1024xf32, #tpu.memory_space<vmem>>, vector<1x16xf32>,
    }
    %scan3A_377 = arith.constant 64 : i32
    %scan3A_378 = arith.constant 0 : i32
    %scan3A_379 = arith.constant 0 : i32
    %scan3A_380 = arith.constant 64 : i32
    %scan3A_381 = arith.addi %scan3A_379, %scan3A_380 : i32
    %scan3A_382 = arith.constant 1 : i32
    scf.for %scan3A_544 = %scan3A_379 to %scan3A_381 step %scan3A_382  : i32 {
      %mul3A_545 = arith.constant 16 : i32
      %mul3A_546 = arith.muli %scan3A_544, %mul3A_545 : i32
      %get3A = arith.constant 8 : i32
      %get3A_547 = arith.index_cast %get3A : i32 to index
      %get3A_548 = arith.index_cast %mul3A_546 : i32 to index
      %get3A_549 = tpu.vector_load %arg7[%get3A_547, %get3A_548] {strides = array<i32>} : memref<16x1024xf32, #tpu.memory_space<vmem>>, vector<1x16xf32>,
      %get3A_550 = vector.shape_cast %get3A_549 : vector<1x16xf32> to vector<16xf32>
      %get3A_551 = arith.constant 8 : i32
      %get3A_552 = arith.index_cast %get3A_551 : i32 to index
      %get3A_553 = arith.index_cast %mul3A_546 : i32 to index
      %get3A_554 = tpu.vector_load %arg9[%get3A_552, %get3A_553] {strides = array<i32>} : memref<16x1024xf32, #tpu.memory_space<vmem>>, vector<1x16xf32>,
      %get3A_555 = vector.shape_cast %get3A_554 : vector<1x16xf32> to vector<16xf32>
      %add3A_556 = arith.addf %get3A_550, %get3A_555 : vector<16xf32>
      %get3A_557 = arith.constant 8 : i32
      %get3A_558 = arith.index_cast %get3A_557 : i32 to index
      %get3A_559 = arith.index_cast %mul3A_546 : i32 to index
      %get3A_560 = tpu.vector_load %arg11[%get3A_558, %get3A_559] {strides = array<i32>} : memref<16x1024xf32, #tpu.memory_space<vmem>>, vector<1x16xf32>,
      %get3A_561 = vector.shape_cast %get3A_560 : vector<1x16xf32> to vector<16xf32>
      %add3A_562 = arith.addf %add3A_556, %get3A_561 : vector<16xf32>
      %swap3A = arith.constant 8 : i32
      %swap3A_563 = arith.index_cast %swap3A : i32 to index
      %swap3A_564 = arith.index_cast %mul3A_546 : i32 to index
      %swap3A_565 = tpu.vector_load %arg13[%swap3A_563, %swap3A_564] {strides = array<i32>} : memref<16x1024xf32, #tpu.memory_space<vmem>>, vector<1x16xf32>,
      %swap3A_566 = vector.shape_cast %swap3A_565 : vector<1x16xf32> to vector<16xf32>
      %swap3A_567 = vector.shape_cast %add3A_562 : vector<16xf32> to vector<1x16xf32>
      tpu.vector_store %arg13[%swap3A_563, %swap3A_564], %swap3A_567 {strides = array<i32>} : memref<16x1024xf32, #tpu.memory_space<vmem>>, vector<1x16xf32>,
    }
    %scan3A_383 = arith.constant 64 : i32
    %scan3A_384 = arith.constant 0 : i32
    %scan3A_385 = arith.constant 0 : i32
    %scan3A_386 = arith.constant 64 : i32
    %scan3A_387 = arith.addi %scan3A_385, %scan3A_386 : i32
    %scan3A_388 = arith.constant 1 : i32
    scf.for %scan3A_544 = %scan3A_385 to %scan3A_387 step %scan3A_388  : i32 {
      %mul3A_545 = arith.constant 16 : i32
      %mul3A_546 = arith.muli %scan3A_544, %mul3A_545 : i32
      %get3A = arith.constant 9 : i32
      %get3A_547 = arith.index_cast %get3A : i32 to index
      %get3A_548 = arith.index_cast %mul3A_546 : i32 to index
      %get3A_549 = tpu.vector_load %arg7[%get3A_547, %get3A_548] {strides = array<i32>} : memref<16x1024xf32, #tpu.memory_space<vmem>>, vector<1x16xf32>,
      %get3A_550 = vector.shape_cast %get3A_549 : vector<1x16xf32> to vector<16xf32>
      %get3A_551 = arith.constant 9 : i32
      %get3A_552 = arith.index_cast %get3A_551 : i32 to index
      %get3A_553 = arith.index_cast %mul3A_546 : i32 to index
      %get3A_554 = tpu.vector_load %arg9[%get3A_552, %get3A_553] {strides = array<i32>} : memref<16x1024xf32, #tpu.memory_space<vmem>>, vector<1x16xf32>,
      %get3A_555 = vector.shape_cast %get3A_554 : vector<1x16xf32> to vector<16xf32>
      %add3A_556 = arith.addf %get3A_550, %get3A_555 : vector<16xf32>
      %get3A_557 = arith.constant 9 : i32
      %get3A_558 = arith.index_cast %get3A_557 : i32 to index
      %get3A_559 = arith.index_cast %mul3A_546 : i32 to index
      %get3A_560 = tpu.vector_load %arg11[%get3A_558, %get3A_559] {strides = array<i32>} : memref<16x1024xf32, #tpu.memory_space<vmem>>, vector<1x16xf32>,
      %get3A_561 = vector.shape_cast %get3A_560 : vector<1x16xf32> to vector<16xf32>
      %add3A_562 = arith.addf %add3A_556, %get3A_561 : vector<16xf32>
      %swap3A = arith.constant 9 : i32
      %swap3A_563 = arith.index_cast %swap3A : i32 to index
      %swap3A_564 = arith.index_cast %mul3A_546 : i32 to index
      %swap3A_565 = tpu.vector_load %arg13[%swap3A_563, %swap3A_564] {strides = array<i32>} : memref<16x1024xf32, #tpu.memory_space<vmem>>, vector<1x16xf32>,
      %swap3A_566 = vector.shape_cast %swap3A_565 : vector<1x16xf32> to vector<16xf32>
      %swap3A_567 = vector.shape_cast %add3A_562 : vector<16xf32> to vector<1x16xf32>
      tpu.vector_store %arg13[%swap3A_563, %swap3A_564], %swap3A_567 {strides = array<i32>} : memref<16x1024xf32, #tpu.memory_space<vmem>>, vector<1x16xf32>,
    }
    %scan3A_389 = arith.constant 64 : i32
    %scan3A_390 = arith.constant 0 : i32
    %scan3A_391 = arith.constant 0 : i32
    %scan3A_392 = arith.constant 64 : i32
    %scan3A_393 = arith.addi %scan3A_391, %scan3A_392 : i32
    %scan3A_394 = arith.constant 1 : i32
    scf.for %scan3A_544 = %scan3A_391 to %scan3A_393 step %scan3A_394  : i32 {
      %mul3A_545 = arith.constant 16 : i32
      %mul3A_546 = arith.muli %scan3A_544, %mul3A_545 : i32
      %get3A = arith.constant 10 : i32
      %get3A_547 = arith.index_cast %get3A : i32 to index
      %get3A_548 = arith.index_cast %mul3A_546 : i32 to index
      %get3A_549 = tpu.vector_load %arg7[%get3A_547, %get3A_548] {strides = array<i32>} : memref<16x1024xf32, #tpu.memory_space<vmem>>, vector<1x16xf32>,
      %get3A_550 = vector.shape_cast %get3A_549 : vector<1x16xf32> to vector<16xf32>
      %get3A_551 = arith.constant 10 : i32
      %get3A_552 = arith.index_cast %get3A_551 : i32 to index
      %get3A_553 = arith.index_cast %mul3A_546 : i32 to index
      %get3A_554 = tpu.vector_load %arg9[%get3A_552, %get3A_553] {strides = array<i32>} : memref<16x1024xf32, #tpu.memory_space<vmem>>, vector<1x16xf32>,
      %get3A_555 = vector.shape_cast %get3A_554 : vector<1x16xf32> to vector<16xf32>
      %add3A_556 = arith.addf %get3A_550, %get3A_555 : vector<16xf32>
      %get3A_557 = arith.constant 10 : i32
      %get3A_558 = arith.index_cast %get3A_557 : i32 to index
      %get3A_559 = arith.index_cast %mul3A_546 : i32 to index
      %get3A_560 = tpu.vector_load %arg11[%get3A_558, %get3A_559] {strides = array<i32>} : memref<16x1024xf32, #tpu.memory_space<vmem>>, vector<1x16xf32>,
      %get3A_561 = vector.shape_cast %get3A_560 : vector<1x16xf32> to vector<16xf32>
      %add3A_562 = arith.addf %add3A_556, %get3A_561 : vector<16xf32>
      %swap3A = arith.constant 10 : i32
      %swap3A_563 = arith.index_cast %swap3A : i32 to index
      %swap3A_564 = arith.index_cast %mul3A_546 : i32 to index
      %swap3A_565 = tpu.vector_load %arg13[%swap3A_563, %swap3A_564] {strides = array<i32>} : memref<16x1024xf32, #tpu.memory_space<vmem>>, vector<1x16xf32>,
      %swap3A_566 = vector.shape_cast %swap3A_565 : vector<1x16xf32> to vector<16xf32>
      %swap3A_567 = vector.shape_cast %add3A_562 : vector<16xf32> to vector<1x16xf32>
      tpu.vector_store %arg13[%swap3A_563, %swap3A_564], %swap3A_567 {strides = array<i32>} : memref<16x1024xf32, #tpu.memory_space<vmem>>, vector<1x16xf32>,
    }
    %scan3A_395 = arith.constant 64 : i32
    %scan3A_396 = arith.constant 0 : i32
    %scan3A_397 = arith.constant 0 : i32
    %scan3A_398 = arith.constant 64 : i32
    %scan3A_399 = arith.addi %scan3A_397, %scan3A_398 : i32
    %scan3A_400 = arith.constant 1 : i32
    scf.for %scan3A_544 = %scan3A_397 to %scan3A_399 step %scan3A_400  : i32 {
      %mul3A_545 = arith.constant 16 : i32
      %mul3A_546 = arith.muli %scan3A_544, %mul3A_545 : i32
      %get3A = arith.constant 11 : i32
      %get3A_547 = arith.index_cast %get3A : i32 to index
      %get3A_548 = arith.index_cast %mul3A_546 : i32 to index
      %get3A_549 = tpu.vector_load %arg7[%get3A_547, %get3A_548] {strides = array<i32>} : memref<16x1024xf32, #tpu.memory_space<vmem>>, vector<1x16xf32>,
      %get3A_550 = vector.shape_cast %get3A_549 : vector<1x16xf32> to vector<16xf32>
      %get3A_551 = arith.constant 11 : i32
      %get3A_552 = arith.index_cast %get3A_551 : i32 to index
      %get3A_553 = arith.index_cast %mul3A_546 : i32 to index
      %get3A_554 = tpu.vector_load %arg9[%get3A_552, %get3A_553] {strides = array<i32>} : memref<16x1024xf32, #tpu.memory_space<vmem>>, vector<1x16xf32>,
      %get3A_555 = vector.shape_cast %get3A_554 : vector<1x16xf32> to vector<16xf32>
      %add3A_556 = arith.addf %get3A_550, %get3A_555 : vector<16xf32>
      %get3A_557 = arith.constant 11 : i32
      %get3A_558 = arith.index_cast %get3A_557 : i32 to index
      %get3A_559 = arith.index_cast %mul3A_546 : i32 to index
      %get3A_560 = tpu.vector_load %arg11[%get3A_558, %get3A_559] {strides = array<i32>} : memref<16x1024xf32, #tpu.memory_space<vmem>>, vector<1x16xf32>,
      %get3A_561 = vector.shape_cast %get3A_560 : vector<1x16xf32> to vector<16xf32>
      %add3A_562 = arith.addf %add3A_556, %get3A_561 : vector<16xf32>
      %swap3A = arith.constant 11 : i32
      %swap3A_563 = arith.index_cast %swap3A : i32 to index
      %swap3A_564 = arith.index_cast %mul3A_546 : i32 to index
      %swap3A_565 = tpu.vector_load %arg13[%swap3A_563, %swap3A_564] {strides = array<i32>} : memref<16x1024xf32, #tpu.memory_space<vmem>>, vector<1x16xf32>,
      %swap3A_566 = vector.shape_cast %swap3A_565 : vector<1x16xf32> to vector<16xf32>
      %swap3A_567 = vector.shape_cast %add3A_562 : vector<16xf32> to vector<1x16xf32>
      tpu.vector_store %arg13[%swap3A_563, %swap3A_564], %swap3A_567 {strides = array<i32>} : memref<16x1024xf32, #tpu.memory_space<vmem>>, vector<1x16xf32>,
    }
    %scan3A_401 = arith.constant 64 : i32
    %scan3A_402 = arith.constant 0 : i32
    %scan3A_403 = arith.constant 0 : i32
    %scan3A_404 = arith.constant 64 : i32
    %scan3A_405 = arith.addi %scan3A_403, %scan3A_404 : i32
    %scan3A_406 = arith.constant 1 : i32
    scf.for %scan3A_544 = %scan3A_403 to %scan3A_405 step %scan3A_406  : i32 {
      %mul3A_545 = arith.constant 16 : i32
      %mul3A_546 = arith.muli %scan3A_544, %mul3A_545 : i32
      %get3A = arith.constant 12 : i32
      %get3A_547 = arith.index_cast %get3A : i32 to index
      %get3A_548 = arith.index_cast %mul3A_546 : i32 to index
      %get3A_549 = tpu.vector_load %arg7[%get3A_547, %get3A_548] {strides = array<i32>} : memref<16x1024xf32, #tpu.memory_space<vmem>>, vector<1x16xf32>,
      %get3A_550 = vector.shape_cast %get3A_549 : vector<1x16xf32> to vector<16xf32>
      %get3A_551 = arith.constant 12 : i32
      %get3A_552 = arith.index_cast %get3A_551 : i32 to index
      %get3A_553 = arith.index_cast %mul3A_546 : i32 to index
      %get3A_554 = tpu.vector_load %arg9[%get3A_552, %get3A_553] {strides = array<i32>} : memref<16x1024xf32, #tpu.memory_space<vmem>>, vector<1x16xf32>,
      %get3A_555 = vector.shape_cast %get3A_554 : vector<1x16xf32> to vector<16xf32>
      %add3A_556 = arith.addf %get3A_550, %get3A_555 : vector<16xf32>
      %get3A_557 = arith.constant 12 : i32
      %get3A_558 = arith.index_cast %get3A_557 : i32 to index
      %get3A_559 = arith.index_cast %mul3A_546 : i32 to index
      %get3A_560 = tpu.vector_load %arg11[%get3A_558, %get3A_559] {strides = array<i32>} : memref<16x1024xf32, #tpu.memory_space<vmem>>, vector<1x16xf32>,
      %get3A_561 = vector.shape_cast %get3A_560 : vector<1x16xf32> to vector<16xf32>
      %add3A_562 = arith.addf %add3A_556, %get3A_561 : vector<16xf32>
      %swap3A = arith.constant 12 : i32
      %swap3A_563 = arith.index_cast %swap3A : i32 to index
      %swap3A_564 = arith.index_cast %mul3A_546 : i32 to index
      %swap3A_565 = tpu.vector_load %arg13[%swap3A_563, %swap3A_564] {strides = array<i32>} : memref<16x1024xf32, #tpu.memory_space<vmem>>, vector<1x16xf32>,
      %swap3A_566 = vector.shape_cast %swap3A_565 : vector<1x16xf32> to vector<16xf32>
      %swap3A_567 = vector.shape_cast %add3A_562 : vector<16xf32> to vector<1x16xf32>
      tpu.vector_store %arg13[%swap3A_563, %swap3A_564], %swap3A_567 {strides = array<i32>} : memref<16x1024xf32, #tpu.memory_space<vmem>>, vector<1x16xf32>,
    }
    %scan3A_407 = arith.constant 64 : i32
    %scan3A_408 = arith.constant 0 : i32
    %scan3A_409 = arith.constant 0 : i32
    %scan3A_410 = arith.constant 64 : i32
    %scan3A_411 = arith.addi %scan3A_409, %scan3A_410 : i32
    %scan3A_412 = arith.constant 1 : i32
    scf.for %scan3A_544 = %scan3A_409 to %scan3A_411 step %scan3A_412  : i32 {
      %mul3A_545 = arith.constant 16 : i32
      %mul3A_546 = arith.muli %scan3A_544, %mul3A_545 : i32
      %get3A = arith.constant 13 : i32
      %get3A_547 = arith.index_cast %get3A : i32 to index
      %get3A_548 = arith.index_cast %mul3A_546 : i32 to index
      %get3A_549 = tpu.vector_load %arg7[%get3A_547, %get3A_548] {strides = array<i32>} : memref<16x1024xf32, #tpu.memory_space<vmem>>, vector<1x16xf32>,
      %get3A_550 = vector.shape_cast %get3A_549 : vector<1x16xf32> to vector<16xf32>
      %get3A_551 = arith.constant 13 : i32
      %get3A_552 = arith.index_cast %get3A_551 : i32 to index
      %get3A_553 = arith.index_cast %mul3A_546 : i32 to index
      %get3A_554 = tpu.vector_load %arg9[%get3A_552, %get3A_553] {strides = array<i32>} : memref<16x1024xf32, #tpu.memory_space<vmem>>, vector<1x16xf32>,
      %get3A_555 = vector.shape_cast %get3A_554 : vector<1x16xf32> to vector<16xf32>
      %add3A_556 = arith.addf %get3A_550, %get3A_555 : vector<16xf32>
      %get3A_557 = arith.constant 13 : i32
      %get3A_558 = arith.index_cast %get3A_557 : i32 to index
      %get3A_559 = arith.index_cast %mul3A_546 : i32 to index
      %get3A_560 = tpu.vector_load %arg11[%get3A_558, %get3A_559] {strides = array<i32>} : memref<16x1024xf32, #tpu.memory_space<vmem>>, vector<1x16xf32>,
      %get3A_561 = vector.shape_cast %get3A_560 : vector<1x16xf32> to vector<16xf32>
      %add3A_562 = arith.addf %add3A_556, %get3A_561 : vector<16xf32>
      %swap3A = arith.constant 13 : i32
      %swap3A_563 = arith.index_cast %swap3A : i32 to index
      %swap3A_564 = arith.index_cast %mul3A_546 : i32 to index
      %swap3A_565 = tpu.vector_load %arg13[%swap3A_563, %swap3A_564] {strides = array<i32>} : memref<16x1024xf32, #tpu.memory_space<vmem>>, vector<1x16xf32>,
      %swap3A_566 = vector.shape_cast %swap3A_565 : vector<1x16xf32> to vector<16xf32>
      %swap3A_567 = vector.shape_cast %add3A_562 : vector<16xf32> to vector<1x16xf32>
      tpu.vector_store %arg13[%swap3A_563, %swap3A_564], %swap3A_567 {strides = array<i32>} : memref<16x1024xf32, #tpu.memory_space<vmem>>, vector<1x16xf32>,
    }
    %scan3A_413 = arith.constant 64 : i32
    %scan3A_414 = arith.constant 0 : i32
    %scan3A_415 = arith.constant 0 : i32
    %scan3A_416 = arith.constant 64 : i32
    %scan3A_417 = arith.addi %scan3A_415, %scan3A_416 : i32
    %scan3A_418 = arith.constant 1 : i32
    scf.for %scan3A_544 = %scan3A_415 to %scan3A_417 step %scan3A_418  : i32 {
      %mul3A_545 = arith.constant 16 : i32
      %mul3A_546 = arith.muli %scan3A_544, %mul3A_545 : i32
      %get3A = arith.constant 14 : i32
      %get3A_547 = arith.index_cast %get3A : i32 to index
      %get3A_548 = arith.index_cast %mul3A_546 : i32 to index
      %get3A_549 = tpu.vector_load %arg7[%get3A_547, %get3A_548] {strides = array<i32>} : memref<16x1024xf32, #tpu.memory_space<vmem>>, vector<1x16xf32>,
      %get3A_550 = vector.shape_cast %get3A_549 : vector<1x16xf32> to vector<16xf32>
      %get3A_551 = arith.constant 14 : i32
      %get3A_552 = arith.index_cast %get3A_551 : i32 to index
      %get3A_553 = arith.index_cast %mul3A_546 : i32 to index
      %get3A_554 = tpu.vector_load %arg9[%get3A_552, %get3A_553] {strides = array<i32>} : memref<16x1024xf32, #tpu.memory_space<vmem>>, vector<1x16xf32>,
      %get3A_555 = vector.shape_cast %get3A_554 : vector<1x16xf32> to vector<16xf32>
      %add3A_556 = arith.addf %get3A_550, %get3A_555 : vector<16xf32>
      %get3A_557 = arith.constant 14 : i32
      %get3A_558 = arith.index_cast %get3A_557 : i32 to index
      %get3A_559 = arith.index_cast %mul3A_546 : i32 to index
      %get3A_560 = tpu.vector_load %arg11[%get3A_558, %get3A_559] {strides = array<i32>} : memref<16x1024xf32, #tpu.memory_space<vmem>>, vector<1x16xf32>,
      %get3A_561 = vector.shape_cast %get3A_560 : vector<1x16xf32> to vector<16xf32>
      %add3A_562 = arith.addf %add3A_556, %get3A_561 : vector<16xf32>
      %swap3A = arith.constant 14 : i32
      %swap3A_563 = arith.index_cast %swap3A : i32 to index
      %swap3A_564 = arith.index_cast %mul3A_546 : i32 to index
      %swap3A_565 = tpu.vector_load %arg13[%swap3A_563, %swap3A_564] {strides = array<i32>} : memref<16x1024xf32, #tpu.memory_space<vmem>>, vector<1x16xf32>,
      %swap3A_566 = vector.shape_cast %swap3A_565 : vector<1x16xf32> to vector<16xf32>
      %swap3A_567 = vector.shape_cast %add3A_562 : vector<16xf32> to vector<1x16xf32>
      tpu.vector_store %arg13[%swap3A_563, %swap3A_564], %swap3A_567 {strides = array<i32>} : memref<16x1024xf32, #tpu.memory_space<vmem>>, vector<1x16xf32>,
    }
    %scan3A_419 = arith.constant 64 : i32
    %scan3A_420 = arith.constant 0 : i32
    %scan3A_421 = arith.constant 0 : i32
    %scan3A_422 = arith.constant 64 : i32
    %scan3A_423 = arith.addi %scan3A_421, %scan3A_422 : i32
    %scan3A_424 = arith.constant 1 : i32
    scf.for %scan3A_544 = %scan3A_421 to %scan3A_423 step %scan3A_424  : i32 {
      %mul3A_545 = arith.constant 16 : i32
      %mul3A_546 = arith.muli %scan3A_544, %mul3A_545 : i32
      %get3A = arith.constant 15 : i32
      %get3A_547 = arith.index_cast %get3A : i32 to index
      %get3A_548 = arith.index_cast %mul3A_546 : i32 to index
      %get3A_549 = tpu.vector_load %arg7[%get3A_547, %get3A_548] {strides = array<i32>} : memref<16x1024xf32, #tpu.memory_space<vmem>>, vector<1x16xf32>,
      %get3A_550 = vector.shape_cast %get3A_549 : vector<1x16xf32> to vector<16xf32>
      %get3A_551 = arith.constant 15 : i32
      %get3A_552 = arith.index_cast %get3A_551 : i32 to index
      %get3A_553 = arith.index_cast %mul3A_546 : i32 to index
      %get3A_554 = tpu.vector_load %arg9[%get3A_552, %get3A_553] {strides = array<i32>} : memref<16x1024xf32, #tpu.memory_space<vmem>>, vector<1x16xf32>,
      %get3A_555 = vector.shape_cast %get3A_554 : vector<1x16xf32> to vector<16xf32>
      %add3A_556 = arith.addf %get3A_550, %get3A_555 : vector<16xf32>
      %get3A_557 = arith.constant 15 : i32
      %get3A_558 = arith.index_cast %get3A_557 : i32 to index
      %get3A_559 = arith.index_cast %mul3A_546 : i32 to index
      %get3A_560 = tpu.vector_load %arg11[%get3A_558, %get3A_559] {strides = array<i32>} : memref<16x1024xf32, #tpu.memory_space<vmem>>, vector<1x16xf32>,
      %get3A_561 = vector.shape_cast %get3A_560 : vector<1x16xf32> to vector<16xf32>
      %add3A_562 = arith.addf %add3A_556, %get3A_561 : vector<16xf32>
      %swap3A = arith.constant 15 : i32
      %swap3A_563 = arith.index_cast %swap3A : i32 to index
      %swap3A_564 = arith.index_cast %mul3A_546 : i32 to index
      %swap3A_565 = tpu.vector_load %arg13[%swap3A_563, %swap3A_564] {strides = array<i32>} : memref<16x1024xf32, #tpu.memory_space<vmem>>, vector<1x16xf32>,
      %swap3A_566 = vector.shape_cast %swap3A_565 : vector<1x16xf32> to vector<16xf32>
      %swap3A_567 = vector.shape_cast %add3A_562 : vector<16xf32> to vector<1x16xf32>
      tpu.vector_store %arg13[%swap3A_563, %swap3A_564], %swap3A_567 {strides = array<i32>} : memref<16x1024xf32, #tpu.memory_space<vmem>>, vector<1x16xf32>,
    }
    %scan3A_425 = arith.constant 64 : i32
    %add3A_426 = arith.constant 32 : i32
    %add3A_427 = arith.addi %mul3A_2, %add3A_426 : i32
    "tpu.region"() ({
      %run_scoped3A = tpu.sem_alloc : memref<!tpu.dma_semaphore, #tpu.memory_space<semaphore_mem>>
      %dma_start3A_544 = arith.constant 0 : i32
      %dma_start3A_545 = tpu.memref_slice %arg5[%add3A_427, %dma_start3A_544] : memref<2048x1024xf32, #tpu.memory_space<hbm>> -> memref<16x1024xf32, #tpu.memory_space<hbm>>
      %dma_start3A_546 = arith.constant 0 : i32
      %dma_start3A_547 = tpu.memref_slice %arg5[%add3A_427, %dma_start3A_546] : memref<2048x1024xf32, #tpu.memory_space<hbm>> -> memref<16x1024xf32, #tpu.memory_space<hbm>>
      tpu.enqueue_dma source(%arg13 : memref<16x1024xf32, #tpu.memory_space<vmem>>) target(%dma_start3A_547 : memref<16x1024xf32, #tpu.memory_space<hbm>>) target_semaphore(%run_scoped3A : memref<!tpu.dma_semaphore, #tpu.memory_space<semaphore_mem>>)
      %dma_wait3A_548 = arith.constant 0 : i32
      %dma_wait3A_549 = tpu.memref_slice %arg5[%add3A_427, %dma_wait3A_548] : memref<2048x1024xf32, #tpu.memory_space<hbm>> -> memref<16x1024xf32, #tpu.memory_space<hbm>>
      %dma_wait3A_550 = arith.constant 0 : i32
      %dma_wait3A_551 = tpu.memref_slice %arg5[%add3A_427, %dma_wait3A_550] : memref<2048x1024xf32, #tpu.memory_space<hbm>> -> memref<16x1024xf32, #tpu.memory_space<hbm>>
      tpu.wait_dma2 semaphore(%run_scoped3A : memref<!tpu.dma_semaphore, #tpu.memory_space<semaphore_mem>>) src(%arg13 : memref<16x1024xf32, #tpu.memory_space<vmem>>) dst(%dma_wait3A_551 : memref<16x1024xf32, #tpu.memory_space<hbm>>)
      tpu.yield
    }) : () -> ()
    %dma_wait3A_428 = arith.constant 0 : i32
    %dma_wait3A_429 = arith.constant 48 : i32
    %dma_wait3A_430 = tpu.memref_slice %arg6[%dma_wait3A_428, %dma_wait3A_429] : memref<2x64xi32, #tpu.memory_space<vmem>> -> memref<1x16xi32, #tpu.memory_space<vmem>>
    %dma_wait3A_431 = tpu.memref_squeeze %dma_wait3A_430 : memref<1x16xi32, #tpu.memory_space<vmem>> -> memref<16xi32, #tpu.memory_space<vmem>>
    %dma_wait3A_432 = arith.constant 0 : i32
    %dma_wait3A_433 = arith.constant 0 : i32
    %dma_wait3A_434 = tpu.memref_slice %arg2[%dma_wait3A_432, %dma_wait3A_433] : memref<6144x1024xf32, #tpu.memory_space<hbm>> -> memref<6144x1024xf32, #tpu.memory_space<hbm>>
    tpu.wait_indirect_dma semaphore(%arg14 : memref<!tpu.dma_semaphore, #tpu.memory_space<semaphore_mem>>) src(%dma_wait3A_434 : memref<6144x1024xf32, #tpu.memory_space<hbm>>) dst(%arg8 : memref<16x1024xf32, #tpu.memory_space<vmem>>)
    %dma_wait3A_435 = arith.constant 1 : i32
    %dma_wait3A_436 = arith.constant 48 : i32
    %dma_wait3A_437 = tpu.memref_slice %arg6[%dma_wait3A_435, %dma_wait3A_436] : memref<2x64xi32, #tpu.memory_space<vmem>> -> memref<1x16xi32, #tpu.memory_space<vmem>>
    %dma_wait3A_438 = tpu.memref_squeeze %dma_wait3A_437 : memref<1x16xi32, #tpu.memory_space<vmem>> -> memref<16xi32, #tpu.memory_space<vmem>>
    %dma_wait3A_439 = arith.constant 0 : i32
    %dma_wait3A_440 = arith.constant 0 : i32
    %dma_wait3A_441 = tpu.memref_slice %arg2[%dma_wait3A_439, %dma_wait3A_440] : memref<6144x1024xf32, #tpu.memory_space<hbm>> -> memref<6144x1024xf32, #tpu.memory_space<hbm>>
    tpu.wait_indirect_dma semaphore(%arg15 : memref<!tpu.dma_semaphore, #tpu.memory_space<semaphore_mem>>) src(%dma_wait3A_441 : memref<6144x1024xf32, #tpu.memory_space<hbm>>) dst(%arg10 : memref<16x1024xf32, #tpu.memory_space<vmem>>)
    %dma_wait3A_442 = arith.constant 0 : i32
    %dma_wait3A_443 = tpu.memref_slice %arg4[%add3A_307, %dma_wait3A_442] : memref<2048x1024xf32, #tpu.memory_space<hbm>> -> memref<16x1024xf32, #tpu.memory_space<hbm>>
    %dma_wait3A_444 = arith.constant 0 : i32
    %dma_wait3A_445 = tpu.memref_slice %arg4[%add3A_307, %dma_wait3A_444] : memref<2048x1024xf32, #tpu.memory_space<hbm>> -> memref<16x1024xf32, #tpu.memory_space<hbm>>
    tpu.wait_dma2 semaphore(%arg16 : memref<!tpu.dma_semaphore, #tpu.memory_space<semaphore_mem>>) src(%dma_wait3A_445 : memref<16x1024xf32, #tpu.memory_space<hbm>>) dst(%arg12 : memref<16x1024xf32, #tpu.memory_space<vmem>>)
    %scan3A_446 = arith.constant 0 : i32
    %scan3A_447 = arith.constant 0 : i32
    %scan3A_448 = arith.constant 64 : i32
    %scan3A_449 = arith.addi %scan3A_447, %scan3A_448 : i32
    %scan3A_450 = arith.constant 1 : i32
    scf.for %scan3A_544 = %scan3A_447 to %scan3A_449 step %scan3A_450  : i32 {
      %mul3A_545 = arith.constant 16 : i32
      %mul3A_546 = arith.muli %scan3A_544, %mul3A_545 : i32
      %get3A = arith.constant 0 : i32
      %get3A_547 = arith.index_cast %get3A : i32 to index
      %get3A_548 = arith.index_cast %mul3A_546 : i32 to index
      %get3A_549 = tpu.vector_load %arg8[%get3A_547, %get3A_548] {strides = array<i32>} : memref<16x1024xf32, #tpu.memory_space<vmem>>, vector<1x16xf32>,
      %get3A_550 = vector.shape_cast %get3A_549 : vector<1x16xf32> to vector<16xf32>
      %get3A_551 = arith.constant 0 : i32
      %get3A_552 = arith.index_cast %get3A_551 : i32 to index
      %get3A_553 = arith.index_cast %mul3A_546 : i32 to index
      %get3A_554 = tpu.vector_load %arg10[%get3A_552, %get3A_553] {strides = array<i32>} : memref<16x1024xf32, #tpu.memory_space<vmem>>, vector<1x16xf32>,
      %get3A_555 = vector.shape_cast %get3A_554 : vector<1x16xf32> to vector<16xf32>
      %add3A_556 = arith.addf %get3A_550, %get3A_555 : vector<16xf32>
      %get3A_557 = arith.constant 0 : i32
      %get3A_558 = arith.index_cast %get3A_557 : i32 to index
      %get3A_559 = arith.index_cast %mul3A_546 : i32 to index
      %get3A_560 = tpu.vector_load %arg12[%get3A_558, %get3A_559] {strides = array<i32>} : memref<16x1024xf32, #tpu.memory_space<vmem>>, vector<1x16xf32>,
      %get3A_561 = vector.shape_cast %get3A_560 : vector<1x16xf32> to vector<16xf32>
      %add3A_562 = arith.addf %add3A_556, %get3A_561 : vector<16xf32>
      %swap3A = arith.constant 0 : i32
      %swap3A_563 = arith.index_cast %swap3A : i32 to index
      %swap3A_564 = arith.index_cast %mul3A_546 : i32 to index
      %swap3A_565 = tpu.vector_load %arg13[%swap3A_563, %swap3A_564] {strides = array<i32>} : memref<16x1024xf32, #tpu.memory_space<vmem>>, vector<1x16xf32>,
      %swap3A_566 = vector.shape_cast %swap3A_565 : vector<1x16xf32> to vector<16xf32>
      %swap3A_567 = vector.shape_cast %add3A_562 : vector<16xf32> to vector<1x16xf32>
      tpu.vector_store %arg13[%swap3A_563, %swap3A_564], %swap3A_567 {strides = array<i32>} : memref<16x1024xf32, #tpu.memory_space<vmem>>, vector<1x16xf32>,
    }
    %scan3A_451 = arith.constant 64 : i32
    %scan3A_452 = arith.constant 0 : i32
    %scan3A_453 = arith.constant 0 : i32
    %scan3A_454 = arith.constant 64 : i32
    %scan3A_455 = arith.addi %scan3A_453, %scan3A_454 : i32
    %scan3A_456 = arith.constant 1 : i32
    scf.for %scan3A_544 = %scan3A_453 to %scan3A_455 step %scan3A_456  : i32 {
      %mul3A_545 = arith.constant 16 : i32
      %mul3A_546 = arith.muli %scan3A_544, %mul3A_545 : i32
      %get3A = arith.constant 1 : i32
      %get3A_547 = arith.index_cast %get3A : i32 to index
      %get3A_548 = arith.index_cast %mul3A_546 : i32 to index
      %get3A_549 = tpu.vector_load %arg8[%get3A_547, %get3A_548] {strides = array<i32>} : memref<16x1024xf32, #tpu.memory_space<vmem>>, vector<1x16xf32>,
      %get3A_550 = vector.shape_cast %get3A_549 : vector<1x16xf32> to vector<16xf32>
      %get3A_551 = arith.constant 1 : i32
      %get3A_552 = arith.index_cast %get3A_551 : i32 to index
      %get3A_553 = arith.index_cast %mul3A_546 : i32 to index
      %get3A_554 = tpu.vector_load %arg10[%get3A_552, %get3A_553] {strides = array<i32>} : memref<16x1024xf32, #tpu.memory_space<vmem>>, vector<1x16xf32>,
      %get3A_555 = vector.shape_cast %get3A_554 : vector<1x16xf32> to vector<16xf32>
      %add3A_556 = arith.addf %get3A_550, %get3A_555 : vector<16xf32>
      %get3A_557 = arith.constant 1 : i32
      %get3A_558 = arith.index_cast %get3A_557 : i32 to index
      %get3A_559 = arith.index_cast %mul3A_546 : i32 to index
      %get3A_560 = tpu.vector_load %arg12[%get3A_558, %get3A_559] {strides = array<i32>} : memref<16x1024xf32, #tpu.memory_space<vmem>>, vector<1x16xf32>,
      %get3A_561 = vector.shape_cast %get3A_560 : vector<1x16xf32> to vector<16xf32>
      %add3A_562 = arith.addf %add3A_556, %get3A_561 : vector<16xf32>
      %swap3A = arith.constant 1 : i32
      %swap3A_563 = arith.index_cast %swap3A : i32 to index
      %swap3A_564 = arith.index_cast %mul3A_546 : i32 to index
      %swap3A_565 = tpu.vector_load %arg13[%swap3A_563, %swap3A_564] {strides = array<i32>} : memref<16x1024xf32, #tpu.memory_space<vmem>>, vector<1x16xf32>,
      %swap3A_566 = vector.shape_cast %swap3A_565 : vector<1x16xf32> to vector<16xf32>
      %swap3A_567 = vector.shape_cast %add3A_562 : vector<16xf32> to vector<1x16xf32>
      tpu.vector_store %arg13[%swap3A_563, %swap3A_564], %swap3A_567 {strides = array<i32>} : memref<16x1024xf32, #tpu.memory_space<vmem>>, vector<1x16xf32>,
    }
    %scan3A_457 = arith.constant 64 : i32
    %scan3A_458 = arith.constant 0 : i32
    %scan3A_459 = arith.constant 0 : i32
    %scan3A_460 = arith.constant 64 : i32
    %scan3A_461 = arith.addi %scan3A_459, %scan3A_460 : i32
    %scan3A_462 = arith.constant 1 : i32
    scf.for %scan3A_544 = %scan3A_459 to %scan3A_461 step %scan3A_462  : i32 {
      %mul3A_545 = arith.constant 16 : i32
      %mul3A_546 = arith.muli %scan3A_544, %mul3A_545 : i32
      %get3A = arith.constant 2 : i32
      %get3A_547 = arith.index_cast %get3A : i32 to index
      %get3A_548 = arith.index_cast %mul3A_546 : i32 to index
      %get3A_549 = tpu.vector_load %arg8[%get3A_547, %get3A_548] {strides = array<i32>} : memref<16x1024xf32, #tpu.memory_space<vmem>>, vector<1x16xf32>,
      %get3A_550 = vector.shape_cast %get3A_549 : vector<1x16xf32> to vector<16xf32>
      %get3A_551 = arith.constant 2 : i32
      %get3A_552 = arith.index_cast %get3A_551 : i32 to index
      %get3A_553 = arith.index_cast %mul3A_546 : i32 to index
      %get3A_554 = tpu.vector_load %arg10[%get3A_552, %get3A_553] {strides = array<i32>} : memref<16x1024xf32, #tpu.memory_space<vmem>>, vector<1x16xf32>,
      %get3A_555 = vector.shape_cast %get3A_554 : vector<1x16xf32> to vector<16xf32>
      %add3A_556 = arith.addf %get3A_550, %get3A_555 : vector<16xf32>
      %get3A_557 = arith.constant 2 : i32
      %get3A_558 = arith.index_cast %get3A_557 : i32 to index
      %get3A_559 = arith.index_cast %mul3A_546 : i32 to index
      %get3A_560 = tpu.vector_load %arg12[%get3A_558, %get3A_559] {strides = array<i32>} : memref<16x1024xf32, #tpu.memory_space<vmem>>, vector<1x16xf32>,
      %get3A_561 = vector.shape_cast %get3A_560 : vector<1x16xf32> to vector<16xf32>
      %add3A_562 = arith.addf %add3A_556, %get3A_561 : vector<16xf32>
      %swap3A = arith.constant 2 : i32
      %swap3A_563 = arith.index_cast %swap3A : i32 to index
      %swap3A_564 = arith.index_cast %mul3A_546 : i32 to index
      %swap3A_565 = tpu.vector_load %arg13[%swap3A_563, %swap3A_564] {strides = array<i32>} : memref<16x1024xf32, #tpu.memory_space<vmem>>, vector<1x16xf32>,
      %swap3A_566 = vector.shape_cast %swap3A_565 : vector<1x16xf32> to vector<16xf32>
      %swap3A_567 = vector.shape_cast %add3A_562 : vector<16xf32> to vector<1x16xf32>
      tpu.vector_store %arg13[%swap3A_563, %swap3A_564], %swap3A_567 {strides = array<i32>} : memref<16x1024xf32, #tpu.memory_space<vmem>>, vector<1x16xf32>,
    }
    %scan3A_463 = arith.constant 64 : i32
    %scan3A_464 = arith.constant 0 : i32
    %scan3A_465 = arith.constant 0 : i32
    %scan3A_466 = arith.constant 64 : i32
    %scan3A_467 = arith.addi %scan3A_465, %scan3A_466 : i32
    %scan3A_468 = arith.constant 1 : i32
    scf.for %scan3A_544 = %scan3A_465 to %scan3A_467 step %scan3A_468  : i32 {
      %mul3A_545 = arith.constant 16 : i32
      %mul3A_546 = arith.muli %scan3A_544, %mul3A_545 : i32
      %get3A = arith.constant 3 : i32
      %get3A_547 = arith.index_cast %get3A : i32 to index
      %get3A_548 = arith.index_cast %mul3A_546 : i32 to index
      %get3A_549 = tpu.vector_load %arg8[%get3A_547, %get3A_548] {strides = array<i32>} : memref<16x1024xf32, #tpu.memory_space<vmem>>, vector<1x16xf32>,
      %get3A_550 = vector.shape_cast %get3A_549 : vector<1x16xf32> to vector<16xf32>
      %get3A_551 = arith.constant 3 : i32
      %get3A_552 = arith.index_cast %get3A_551 : i32 to index
      %get3A_553 = arith.index_cast %mul3A_546 : i32 to index
      %get3A_554 = tpu.vector_load %arg10[%get3A_552, %get3A_553] {strides = array<i32>} : memref<16x1024xf32, #tpu.memory_space<vmem>>, vector<1x16xf32>,
      %get3A_555 = vector.shape_cast %get3A_554 : vector<1x16xf32> to vector<16xf32>
      %add3A_556 = arith.addf %get3A_550, %get3A_555 : vector<16xf32>
      %get3A_557 = arith.constant 3 : i32
      %get3A_558 = arith.index_cast %get3A_557 : i32 to index
      %get3A_559 = arith.index_cast %mul3A_546 : i32 to index
      %get3A_560 = tpu.vector_load %arg12[%get3A_558, %get3A_559] {strides = array<i32>} : memref<16x1024xf32, #tpu.memory_space<vmem>>, vector<1x16xf32>,
      %get3A_561 = vector.shape_cast %get3A_560 : vector<1x16xf32> to vector<16xf32>
      %add3A_562 = arith.addf %add3A_556, %get3A_561 : vector<16xf32>
      %swap3A = arith.constant 3 : i32
      %swap3A_563 = arith.index_cast %swap3A : i32 to index
      %swap3A_564 = arith.index_cast %mul3A_546 : i32 to index
      %swap3A_565 = tpu.vector_load %arg13[%swap3A_563, %swap3A_564] {strides = array<i32>} : memref<16x1024xf32, #tpu.memory_space<vmem>>, vector<1x16xf32>,
      %swap3A_566 = vector.shape_cast %swap3A_565 : vector<1x16xf32> to vector<16xf32>
      %swap3A_567 = vector.shape_cast %add3A_562 : vector<16xf32> to vector<1x16xf32>
      tpu.vector_store %arg13[%swap3A_563, %swap3A_564], %swap3A_567 {strides = array<i32>} : memref<16x1024xf32, #tpu.memory_space<vmem>>, vector<1x16xf32>,
    }
    %scan3A_469 = arith.constant 64 : i32
    %scan3A_470 = arith.constant 0 : i32
    %scan3A_471 = arith.constant 0 : i32
    %scan3A_472 = arith.constant 64 : i32
    %scan3A_473 = arith.addi %scan3A_471, %scan3A_472 : i32
    %scan3A_474 = arith.constant 1 : i32
    scf.for %scan3A_544 = %scan3A_471 to %scan3A_473 step %scan3A_474  : i32 {
      %mul3A_545 = arith.constant 16 : i32
      %mul3A_546 = arith.muli %scan3A_544, %mul3A_545 : i32
      %get3A = arith.constant 4 : i32
      %get3A_547 = arith.index_cast %get3A : i32 to index
      %get3A_548 = arith.index_cast %mul3A_546 : i32 to index
      %get3A_549 = tpu.vector_load %arg8[%get3A_547, %get3A_548] {strides = array<i32>} : memref<16x1024xf32, #tpu.memory_space<vmem>>, vector<1x16xf32>,
      %get3A_550 = vector.shape_cast %get3A_549 : vector<1x16xf32> to vector<16xf32>
      %get3A_551 = arith.constant 4 : i32
      %get3A_552 = arith.index_cast %get3A_551 : i32 to index
      %get3A_553 = arith.index_cast %mul3A_546 : i32 to index
      %get3A_554 = tpu.vector_load %arg10[%get3A_552, %get3A_553] {strides = array<i32>} : memref<16x1024xf32, #tpu.memory_space<vmem>>, vector<1x16xf32>,
      %get3A_555 = vector.shape_cast %get3A_554 : vector<1x16xf32> to vector<16xf32>
      %add3A_556 = arith.addf %get3A_550, %get3A_555 : vector<16xf32>
      %get3A_557 = arith.constant 4 : i32
      %get3A_558 = arith.index_cast %get3A_557 : i32 to index
      %get3A_559 = arith.index_cast %mul3A_546 : i32 to index
      %get3A_560 = tpu.vector_load %arg12[%get3A_558, %get3A_559] {strides = array<i32>} : memref<16x1024xf32, #tpu.memory_space<vmem>>, vector<1x16xf32>,
      %get3A_561 = vector.shape_cast %get3A_560 : vector<1x16xf32> to vector<16xf32>
      %add3A_562 = arith.addf %add3A_556, %get3A_561 : vector<16xf32>
      %swap3A = arith.constant 4 : i32
      %swap3A_563 = arith.index_cast %swap3A : i32 to index
      %swap3A_564 = arith.index_cast %mul3A_546 : i32 to index
      %swap3A_565 = tpu.vector_load %arg13[%swap3A_563, %swap3A_564] {strides = array<i32>} : memref<16x1024xf32, #tpu.memory_space<vmem>>, vector<1x16xf32>,
      %swap3A_566 = vector.shape_cast %swap3A_565 : vector<1x16xf32> to vector<16xf32>
      %swap3A_567 = vector.shape_cast %add3A_562 : vector<16xf32> to vector<1x16xf32>
      tpu.vector_store %arg13[%swap3A_563, %swap3A_564], %swap3A_567 {strides = array<i32>} : memref<16x1024xf32, #tpu.memory_space<vmem>>, vector<1x16xf32>,
    }
    %scan3A_475 = arith.constant 64 : i32
    %scan3A_476 = arith.constant 0 : i32
    %scan3A_477 = arith.constant 0 : i32
    %scan3A_478 = arith.constant 64 : i32
    %scan3A_479 = arith.addi %scan3A_477, %scan3A_478 : i32
    %scan3A_480 = arith.constant 1 : i32
    scf.for %scan3A_544 = %scan3A_477 to %scan3A_479 step %scan3A_480  : i32 {
      %mul3A_545 = arith.constant 16 : i32
      %mul3A_546 = arith.muli %scan3A_544, %mul3A_545 : i32
      %get3A = arith.constant 5 : i32
      %get3A_547 = arith.index_cast %get3A : i32 to index
      %get3A_548 = arith.index_cast %mul3A_546 : i32 to index
      %get3A_549 = tpu.vector_load %arg8[%get3A_547, %get3A_548] {strides = array<i32>} : memref<16x1024xf32, #tpu.memory_space<vmem>>, vector<1x16xf32>,
      %get3A_550 = vector.shape_cast %get3A_549 : vector<1x16xf32> to vector<16xf32>
      %get3A_551 = arith.constant 5 : i32
      %get3A_552 = arith.index_cast %get3A_551 : i32 to index
      %get3A_553 = arith.index_cast %mul3A_546 : i32 to index
      %get3A_554 = tpu.vector_load %arg10[%get3A_552, %get3A_553] {strides = array<i32>} : memref<16x1024xf32, #tpu.memory_space<vmem>>, vector<1x16xf32>,
      %get3A_555 = vector.shape_cast %get3A_554 : vector<1x16xf32> to vector<16xf32>
      %add3A_556 = arith.addf %get3A_550, %get3A_555 : vector<16xf32>
      %get3A_557 = arith.constant 5 : i32
      %get3A_558 = arith.index_cast %get3A_557 : i32 to index
      %get3A_559 = arith.index_cast %mul3A_546 : i32 to index
      %get3A_560 = tpu.vector_load %arg12[%get3A_558, %get3A_559] {strides = array<i32>} : memref<16x1024xf32, #tpu.memory_space<vmem>>, vector<1x16xf32>,
      %get3A_561 = vector.shape_cast %get3A_560 : vector<1x16xf32> to vector<16xf32>
      %add3A_562 = arith.addf %add3A_556, %get3A_561 : vector<16xf32>
      %swap3A = arith.constant 5 : i32
      %swap3A_563 = arith.index_cast %swap3A : i32 to index
      %swap3A_564 = arith.index_cast %mul3A_546 : i32 to index
      %swap3A_565 = tpu.vector_load %arg13[%swap3A_563, %swap3A_564] {strides = array<i32>} : memref<16x1024xf32, #tpu.memory_space<vmem>>, vector<1x16xf32>,
      %swap3A_566 = vector.shape_cast %swap3A_565 : vector<1x16xf32> to vector<16xf32>
      %swap3A_567 = vector.shape_cast %add3A_562 : vector<16xf32> to vector<1x16xf32>
      tpu.vector_store %arg13[%swap3A_563, %swap3A_564], %swap3A_567 {strides = array<i32>} : memref<16x1024xf32, #tpu.memory_space<vmem>>, vector<1x16xf32>,
    }
    %scan3A_481 = arith.constant 64 : i32
    %scan3A_482 = arith.constant 0 : i32
    %scan3A_483 = arith.constant 0 : i32
    %scan3A_484 = arith.constant 64 : i32
    %scan3A_485 = arith.addi %scan3A_483, %scan3A_484 : i32
    %scan3A_486 = arith.constant 1 : i32
    scf.for %scan3A_544 = %scan3A_483 to %scan3A_485 step %scan3A_486  : i32 {
      %mul3A_545 = arith.constant 16 : i32
      %mul3A_546 = arith.muli %scan3A_544, %mul3A_545 : i32
      %get3A = arith.constant 6 : i32
      %get3A_547 = arith.index_cast %get3A : i32 to index
      %get3A_548 = arith.index_cast %mul3A_546 : i32 to index
      %get3A_549 = tpu.vector_load %arg8[%get3A_547, %get3A_548] {strides = array<i32>} : memref<16x1024xf32, #tpu.memory_space<vmem>>, vector<1x16xf32>,
      %get3A_550 = vector.shape_cast %get3A_549 : vector<1x16xf32> to vector<16xf32>
      %get3A_551 = arith.constant 6 : i32
      %get3A_552 = arith.index_cast %get3A_551 : i32 to index
      %get3A_553 = arith.index_cast %mul3A_546 : i32 to index
      %get3A_554 = tpu.vector_load %arg10[%get3A_552, %get3A_553] {strides = array<i32>} : memref<16x1024xf32, #tpu.memory_space<vmem>>, vector<1x16xf32>,
      %get3A_555 = vector.shape_cast %get3A_554 : vector<1x16xf32> to vector<16xf32>
      %add3A_556 = arith.addf %get3A_550, %get3A_555 : vector<16xf32>
      %get3A_557 = arith.constant 6 : i32
      %get3A_558 = arith.index_cast %get3A_557 : i32 to index
      %get3A_559 = arith.index_cast %mul3A_546 : i32 to index
      %get3A_560 = tpu.vector_load %arg12[%get3A_558, %get3A_559] {strides = array<i32>} : memref<16x1024xf32, #tpu.memory_space<vmem>>, vector<1x16xf32>,
      %get3A_561 = vector.shape_cast %get3A_560 : vector<1x16xf32> to vector<16xf32>
      %add3A_562 = arith.addf %add3A_556, %get3A_561 : vector<16xf32>
      %swap3A = arith.constant 6 : i32
      %swap3A_563 = arith.index_cast %swap3A : i32 to index
      %swap3A_564 = arith.index_cast %mul3A_546 : i32 to index
      %swap3A_565 = tpu.vector_load %arg13[%swap3A_563, %swap3A_564] {strides = array<i32>} : memref<16x1024xf32, #tpu.memory_space<vmem>>, vector<1x16xf32>,
      %swap3A_566 = vector.shape_cast %swap3A_565 : vector<1x16xf32> to vector<16xf32>
      %swap3A_567 = vector.shape_cast %add3A_562 : vector<16xf32> to vector<1x16xf32>
      tpu.vector_store %arg13[%swap3A_563, %swap3A_564], %swap3A_567 {strides = array<i32>} : memref<16x1024xf32, #tpu.memory_space<vmem>>, vector<1x16xf32>,
    }
    %scan3A_487 = arith.constant 64 : i32
    %scan3A_488 = arith.constant 0 : i32
    %scan3A_489 = arith.constant 0 : i32
    %scan3A_490 = arith.constant 64 : i32
    %scan3A_491 = arith.addi %scan3A_489, %scan3A_490 : i32
    %scan3A_492 = arith.constant 1 : i32
    scf.for %scan3A_544 = %scan3A_489 to %scan3A_491 step %scan3A_492  : i32 {
      %mul3A_545 = arith.constant 16 : i32
      %mul3A_546 = arith.muli %scan3A_544, %mul3A_545 : i32
      %get3A = arith.constant 7 : i32
      %get3A_547 = arith.index_cast %get3A : i32 to index
      %get3A_548 = arith.index_cast %mul3A_546 : i32 to index
      %get3A_549 = tpu.vector_load %arg8[%get3A_547, %get3A_548] {strides = array<i32>} : memref<16x1024xf32, #tpu.memory_space<vmem>>, vector<1x16xf32>,
      %get3A_550 = vector.shape_cast %get3A_549 : vector<1x16xf32> to vector<16xf32>
      %get3A_551 = arith.constant 7 : i32
      %get3A_552 = arith.index_cast %get3A_551 : i32 to index
      %get3A_553 = arith.index_cast %mul3A_546 : i32 to index
      %get3A_554 = tpu.vector_load %arg10[%get3A_552, %get3A_553] {strides = array<i32>} : memref<16x1024xf32, #tpu.memory_space<vmem>>, vector<1x16xf32>,
      %get3A_555 = vector.shape_cast %get3A_554 : vector<1x16xf32> to vector<16xf32>
      %add3A_556 = arith.addf %get3A_550, %get3A_555 : vector<16xf32>
      %get3A_557 = arith.constant 7 : i32
      %get3A_558 = arith.index_cast %get3A_557 : i32 to index
      %get3A_559 = arith.index_cast %mul3A_546 : i32 to index
      %get3A_560 = tpu.vector_load %arg12[%get3A_558, %get3A_559] {strides = array<i32>} : memref<16x1024xf32, #tpu.memory_space<vmem>>, vector<1x16xf32>,
      %get3A_561 = vector.shape_cast %get3A_560 : vector<1x16xf32> to vector<16xf32>
      %add3A_562 = arith.addf %add3A_556, %get3A_561 : vector<16xf32>
      %swap3A = arith.constant 7 : i32
      %swap3A_563 = arith.index_cast %swap3A : i32 to index
      %swap3A_564 = arith.index_cast %mul3A_546 : i32 to index
      %swap3A_565 = tpu.vector_load %arg13[%swap3A_563, %swap3A_564] {strides = array<i32>} : memref<16x1024xf32, #tpu.memory_space<vmem>>, vector<1x16xf32>,
      %swap3A_566 = vector.shape_cast %swap3A_565 : vector<1x16xf32> to vector<16xf32>
      %swap3A_567 = vector.shape_cast %add3A_562 : vector<16xf32> to vector<1x16xf32>
      tpu.vector_store %arg13[%swap3A_563, %swap3A_564], %swap3A_567 {strides = array<i32>} : memref<16x1024xf32, #tpu.memory_space<vmem>>, vector<1x16xf32>,
    }
    %scan3A_493 = arith.constant 64 : i32
    %scan3A_494 = arith.constant 0 : i32
    %scan3A_495 = arith.constant 0 : i32
    %scan3A_496 = arith.constant 64 : i32
    %scan3A_497 = arith.addi %scan3A_495, %scan3A_496 : i32
    %scan3A_498 = arith.constant 1 : i32
    scf.for %scan3A_544 = %scan3A_495 to %scan3A_497 step %scan3A_498  : i32 {
      %mul3A_545 = arith.constant 16 : i32
      %mul3A_546 = arith.muli %scan3A_544, %mul3A_545 : i32
      %get3A = arith.constant 8 : i32
      %get3A_547 = arith.index_cast %get3A : i32 to index
      %get3A_548 = arith.index_cast %mul3A_546 : i32 to index
      %get3A_549 = tpu.vector_load %arg8[%get3A_547, %get3A_548] {strides = array<i32>} : memref<16x1024xf32, #tpu.memory_space<vmem>>, vector<1x16xf32>,
      %get3A_550 = vector.shape_cast %get3A_549 : vector<1x16xf32> to vector<16xf32>
      %get3A_551 = arith.constant 8 : i32
      %get3A_552 = arith.index_cast %get3A_551 : i32 to index
      %get3A_553 = arith.index_cast %mul3A_546 : i32 to index
      %get3A_554 = tpu.vector_load %arg10[%get3A_552, %get3A_553] {strides = array<i32>} : memref<16x1024xf32, #tpu.memory_space<vmem>>, vector<1x16xf32>,
      %get3A_555 = vector.shape_cast %get3A_554 : vector<1x16xf32> to vector<16xf32>
      %add3A_556 = arith.addf %get3A_550, %get3A_555 : vector<16xf32>
      %get3A_557 = arith.constant 8 : i32
      %get3A_558 = arith.index_cast %get3A_557 : i32 to index
      %get3A_559 = arith.index_cast %mul3A_546 : i32 to index
      %get3A_560 = tpu.vector_load %arg12[%get3A_558, %get3A_559] {strides = array<i32>} : memref<16x1024xf32, #tpu.memory_space<vmem>>, vector<1x16xf32>,
      %get3A_561 = vector.shape_cast %get3A_560 : vector<1x16xf32> to vector<16xf32>
      %add3A_562 = arith.addf %add3A_556, %get3A_561 : vector<16xf32>
      %swap3A = arith.constant 8 : i32
      %swap3A_563 = arith.index_cast %swap3A : i32 to index
      %swap3A_564 = arith.index_cast %mul3A_546 : i32 to index
      %swap3A_565 = tpu.vector_load %arg13[%swap3A_563, %swap3A_564] {strides = array<i32>} : memref<16x1024xf32, #tpu.memory_space<vmem>>, vector<1x16xf32>,
      %swap3A_566 = vector.shape_cast %swap3A_565 : vector<1x16xf32> to vector<16xf32>
      %swap3A_567 = vector.shape_cast %add3A_562 : vector<16xf32> to vector<1x16xf32>
      tpu.vector_store %arg13[%swap3A_563, %swap3A_564], %swap3A_567 {strides = array<i32>} : memref<16x1024xf32, #tpu.memory_space<vmem>>, vector<1x16xf32>,
    }
    %scan3A_499 = arith.constant 64 : i32
    %scan3A_500 = arith.constant 0 : i32
    %scan3A_501 = arith.constant 0 : i32
    %scan3A_502 = arith.constant 64 : i32
    %scan3A_503 = arith.addi %scan3A_501, %scan3A_502 : i32
    %scan3A_504 = arith.constant 1 : i32
    scf.for %scan3A_544 = %scan3A_501 to %scan3A_503 step %scan3A_504  : i32 {
      %mul3A_545 = arith.constant 16 : i32
      %mul3A_546 = arith.muli %scan3A_544, %mul3A_545 : i32
      %get3A = arith.constant 9 : i32
      %get3A_547 = arith.index_cast %get3A : i32 to index
      %get3A_548 = arith.index_cast %mul3A_546 : i32 to index
      %get3A_549 = tpu.vector_load %arg8[%get3A_547, %get3A_548] {strides = array<i32>} : memref<16x1024xf32, #tpu.memory_space<vmem>>, vector<1x16xf32>,
      %get3A_550 = vector.shape_cast %get3A_549 : vector<1x16xf32> to vector<16xf32>
      %get3A_551 = arith.constant 9 : i32
      %get3A_552 = arith.index_cast %get3A_551 : i32 to index
      %get3A_553 = arith.index_cast %mul3A_546 : i32 to index
      %get3A_554 = tpu.vector_load %arg10[%get3A_552, %get3A_553] {strides = array<i32>} : memref<16x1024xf32, #tpu.memory_space<vmem>>, vector<1x16xf32>,
      %get3A_555 = vector.shape_cast %get3A_554 : vector<1x16xf32> to vector<16xf32>
      %add3A_556 = arith.addf %get3A_550, %get3A_555 : vector<16xf32>
      %get3A_557 = arith.constant 9 : i32
      %get3A_558 = arith.index_cast %get3A_557 : i32 to index
      %get3A_559 = arith.index_cast %mul3A_546 : i32 to index
      %get3A_560 = tpu.vector_load %arg12[%get3A_558, %get3A_559] {strides = array<i32>} : memref<16x1024xf32, #tpu.memory_space<vmem>>, vector<1x16xf32>,
      %get3A_561 = vector.shape_cast %get3A_560 : vector<1x16xf32> to vector<16xf32>
      %add3A_562 = arith.addf %add3A_556, %get3A_561 : vector<16xf32>
      %swap3A = arith.constant 9 : i32
      %swap3A_563 = arith.index_cast %swap3A : i32 to index
      %swap3A_564 = arith.index_cast %mul3A_546 : i32 to index
      %swap3A_565 = tpu.vector_load %arg13[%swap3A_563, %swap3A_564] {strides = array<i32>} : memref<16x1024xf32, #tpu.memory_space<vmem>>, vector<1x16xf32>,
      %swap3A_566 = vector.shape_cast %swap3A_565 : vector<1x16xf32> to vector<16xf32>
      %swap3A_567 = vector.shape_cast %add3A_562 : vector<16xf32> to vector<1x16xf32>
      tpu.vector_store %arg13[%swap3A_563, %swap3A_564], %swap3A_567 {strides = array<i32>} : memref<16x1024xf32, #tpu.memory_space<vmem>>, vector<1x16xf32>,
    }
    %scan3A_505 = arith.constant 64 : i32
    %scan3A_506 = arith.constant 0 : i32
    %scan3A_507 = arith.constant 0 : i32
    %scan3A_508 = arith.constant 64 : i32
    %scan3A_509 = arith.addi %scan3A_507, %scan3A_508 : i32
    %scan3A_510 = arith.constant 1 : i32
    scf.for %scan3A_544 = %scan3A_507 to %scan3A_509 step %scan3A_510  : i32 {
      %mul3A_545 = arith.constant 16 : i32
      %mul3A_546 = arith.muli %scan3A_544, %mul3A_545 : i32
      %get3A = arith.constant 10 : i32
      %get3A_547 = arith.index_cast %get3A : i32 to index
      %get3A_548 = arith.index_cast %mul3A_546 : i32 to index
      %get3A_549 = tpu.vector_load %arg8[%get3A_547, %get3A_548] {strides = array<i32>} : memref<16x1024xf32, #tpu.memory_space<vmem>>, vector<1x16xf32>,
      %get3A_550 = vector.shape_cast %get3A_549 : vector<1x16xf32> to vector<16xf32>
      %get3A_551 = arith.constant 10 : i32
      %get3A_552 = arith.index_cast %get3A_551 : i32 to index
      %get3A_553 = arith.index_cast %mul3A_546 : i32 to index
      %get3A_554 = tpu.vector_load %arg10[%get3A_552, %get3A_553] {strides = array<i32>} : memref<16x1024xf32, #tpu.memory_space<vmem>>, vector<1x16xf32>,
      %get3A_555 = vector.shape_cast %get3A_554 : vector<1x16xf32> to vector<16xf32>
      %add3A_556 = arith.addf %get3A_550, %get3A_555 : vector<16xf32>
      %get3A_557 = arith.constant 10 : i32
      %get3A_558 = arith.index_cast %get3A_557 : i32 to index
      %get3A_559 = arith.index_cast %mul3A_546 : i32 to index
      %get3A_560 = tpu.vector_load %arg12[%get3A_558, %get3A_559] {strides = array<i32>} : memref<16x1024xf32, #tpu.memory_space<vmem>>, vector<1x16xf32>,
      %get3A_561 = vector.shape_cast %get3A_560 : vector<1x16xf32> to vector<16xf32>
      %add3A_562 = arith.addf %add3A_556, %get3A_561 : vector<16xf32>
      %swap3A = arith.constant 10 : i32
      %swap3A_563 = arith.index_cast %swap3A : i32 to index
      %swap3A_564 = arith.index_cast %mul3A_546 : i32 to index
      %swap3A_565 = tpu.vector_load %arg13[%swap3A_563, %swap3A_564] {strides = array<i32>} : memref<16x1024xf32, #tpu.memory_space<vmem>>, vector<1x16xf32>,
      %swap3A_566 = vector.shape_cast %swap3A_565 : vector<1x16xf32> to vector<16xf32>
      %swap3A_567 = vector.shape_cast %add3A_562 : vector<16xf32> to vector<1x16xf32>
      tpu.vector_store %arg13[%swap3A_563, %swap3A_564], %swap3A_567 {strides = array<i32>} : memref<16x1024xf32, #tpu.memory_space<vmem>>, vector<1x16xf32>,
    }
    %scan3A_511 = arith.constant 64 : i32
    %scan3A_512 = arith.constant 0 : i32
    %scan3A_513 = arith.constant 0 : i32
    %scan3A_514 = arith.constant 64 : i32
    %scan3A_515 = arith.addi %scan3A_513, %scan3A_514 : i32
    %scan3A_516 = arith.constant 1 : i32
    scf.for %scan3A_544 = %scan3A_513 to %scan3A_515 step %scan3A_516  : i32 {
      %mul3A_545 = arith.constant 16 : i32
      %mul3A_546 = arith.muli %scan3A_544, %mul3A_545 : i32
      %get3A = arith.constant 11 : i32
      %get3A_547 = arith.index_cast %get3A : i32 to index
      %get3A_548 = arith.index_cast %mul3A_546 : i32 to index
      %get3A_549 = tpu.vector_load %arg8[%get3A_547, %get3A_548] {strides = array<i32>} : memref<16x1024xf32, #tpu.memory_space<vmem>>, vector<1x16xf32>,
      %get3A_550 = vector.shape_cast %get3A_549 : vector<1x16xf32> to vector<16xf32>
      %get3A_551 = arith.constant 11 : i32
      %get3A_552 = arith.index_cast %get3A_551 : i32 to index
      %get3A_553 = arith.index_cast %mul3A_546 : i32 to index
      %get3A_554 = tpu.vector_load %arg10[%get3A_552, %get3A_553] {strides = array<i32>} : memref<16x1024xf32, #tpu.memory_space<vmem>>, vector<1x16xf32>,
      %get3A_555 = vector.shape_cast %get3A_554 : vector<1x16xf32> to vector<16xf32>
      %add3A_556 = arith.addf %get3A_550, %get3A_555 : vector<16xf32>
      %get3A_557 = arith.constant 11 : i32
      %get3A_558 = arith.index_cast %get3A_557 : i32 to index
      %get3A_559 = arith.index_cast %mul3A_546 : i32 to index
      %get3A_560 = tpu.vector_load %arg12[%get3A_558, %get3A_559] {strides = array<i32>} : memref<16x1024xf32, #tpu.memory_space<vmem>>, vector<1x16xf32>,
      %get3A_561 = vector.shape_cast %get3A_560 : vector<1x16xf32> to vector<16xf32>
      %add3A_562 = arith.addf %add3A_556, %get3A_561 : vector<16xf32>
      %swap3A = arith.constant 11 : i32
      %swap3A_563 = arith.index_cast %swap3A : i32 to index
      %swap3A_564 = arith.index_cast %mul3A_546 : i32 to index
      %swap3A_565 = tpu.vector_load %arg13[%swap3A_563, %swap3A_564] {strides = array<i32>} : memref<16x1024xf32, #tpu.memory_space<vmem>>, vector<1x16xf32>,
      %swap3A_566 = vector.shape_cast %swap3A_565 : vector<1x16xf32> to vector<16xf32>
      %swap3A_567 = vector.shape_cast %add3A_562 : vector<16xf32> to vector<1x16xf32>
      tpu.vector_store %arg13[%swap3A_563, %swap3A_564], %swap3A_567 {strides = array<i32>} : memref<16x1024xf32, #tpu.memory_space<vmem>>, vector<1x16xf32>,
    }
    %scan3A_517 = arith.constant 64 : i32
    %scan3A_518 = arith.constant 0 : i32
    %scan3A_519 = arith.constant 0 : i32
    %scan3A_520 = arith.constant 64 : i32
    %scan3A_521 = arith.addi %scan3A_519, %scan3A_520 : i32
    %scan3A_522 = arith.constant 1 : i32
    scf.for %scan3A_544 = %scan3A_519 to %scan3A_521 step %scan3A_522  : i32 {
      %mul3A_545 = arith.constant 16 : i32
      %mul3A_546 = arith.muli %scan3A_544, %mul3A_545 : i32
      %get3A = arith.constant 12 : i32
      %get3A_547 = arith.index_cast %get3A : i32 to index
      %get3A_548 = arith.index_cast %mul3A_546 : i32 to index
      %get3A_549 = tpu.vector_load %arg8[%get3A_547, %get3A_548] {strides = array<i32>} : memref<16x1024xf32, #tpu.memory_space<vmem>>, vector<1x16xf32>,
      %get3A_550 = vector.shape_cast %get3A_549 : vector<1x16xf32> to vector<16xf32>
      %get3A_551 = arith.constant 12 : i32
      %get3A_552 = arith.index_cast %get3A_551 : i32 to index
      %get3A_553 = arith.index_cast %mul3A_546 : i32 to index
      %get3A_554 = tpu.vector_load %arg10[%get3A_552, %get3A_553] {strides = array<i32>} : memref<16x1024xf32, #tpu.memory_space<vmem>>, vector<1x16xf32>,
      %get3A_555 = vector.shape_cast %get3A_554 : vector<1x16xf32> to vector<16xf32>
      %add3A_556 = arith.addf %get3A_550, %get3A_555 : vector<16xf32>
      %get3A_557 = arith.constant 12 : i32
      %get3A_558 = arith.index_cast %get3A_557 : i32 to index
      %get3A_559 = arith.index_cast %mul3A_546 : i32 to index
      %get3A_560 = tpu.vector_load %arg12[%get3A_558, %get3A_559] {strides = array<i32>} : memref<16x1024xf32, #tpu.memory_space<vmem>>, vector<1x16xf32>,
      %get3A_561 = vector.shape_cast %get3A_560 : vector<1x16xf32> to vector<16xf32>
      %add3A_562 = arith.addf %add3A_556, %get3A_561 : vector<16xf32>
      %swap3A = arith.constant 12 : i32
      %swap3A_563 = arith.index_cast %swap3A : i32 to index
      %swap3A_564 = arith.index_cast %mul3A_546 : i32 to index
      %swap3A_565 = tpu.vector_load %arg13[%swap3A_563, %swap3A_564] {strides = array<i32>} : memref<16x1024xf32, #tpu.memory_space<vmem>>, vector<1x16xf32>,
      %swap3A_566 = vector.shape_cast %swap3A_565 : vector<1x16xf32> to vector<16xf32>
      %swap3A_567 = vector.shape_cast %add3A_562 : vector<16xf32> to vector<1x16xf32>
      tpu.vector_store %arg13[%swap3A_563, %swap3A_564], %swap3A_567 {strides = array<i32>} : memref<16x1024xf32, #tpu.memory_space<vmem>>, vector<1x16xf32>,
    }
    %scan3A_523 = arith.constant 64 : i32
    %scan3A_524 = arith.constant 0 : i32
    %scan3A_525 = arith.constant 0 : i32
    %scan3A_526 = arith.constant 64 : i32
    %scan3A_527 = arith.addi %scan3A_525, %scan3A_526 : i32
    %scan3A_528 = arith.constant 1 : i32
    scf.for %scan3A_544 = %scan3A_525 to %scan3A_527 step %scan3A_528  : i32 {
      %mul3A_545 = arith.constant 16 : i32
      %mul3A_546 = arith.muli %scan3A_544, %mul3A_545 : i32
      %get3A = arith.constant 13 : i32
      %get3A_547 = arith.index_cast %get3A : i32 to index
      %get3A_548 = arith.index_cast %mul3A_546 : i32 to index
      %get3A_549 = tpu.vector_load %arg8[%get3A_547, %get3A_548] {strides = array<i32>} : memref<16x1024xf32, #tpu.memory_space<vmem>>, vector<1x16xf32>,
      %get3A_550 = vector.shape_cast %get3A_549 : vector<1x16xf32> to vector<16xf32>
      %get3A_551 = arith.constant 13 : i32
      %get3A_552 = arith.index_cast %get3A_551 : i32 to index
      %get3A_553 = arith.index_cast %mul3A_546 : i32 to index
      %get3A_554 = tpu.vector_load %arg10[%get3A_552, %get3A_553] {strides = array<i32>} : memref<16x1024xf32, #tpu.memory_space<vmem>>, vector<1x16xf32>,
      %get3A_555 = vector.shape_cast %get3A_554 : vector<1x16xf32> to vector<16xf32>
      %add3A_556 = arith.addf %get3A_550, %get3A_555 : vector<16xf32>
      %get3A_557 = arith.constant 13 : i32
      %get3A_558 = arith.index_cast %get3A_557 : i32 to index
      %get3A_559 = arith.index_cast %mul3A_546 : i32 to index
      %get3A_560 = tpu.vector_load %arg12[%get3A_558, %get3A_559] {strides = array<i32>} : memref<16x1024xf32, #tpu.memory_space<vmem>>, vector<1x16xf32>,
      %get3A_561 = vector.shape_cast %get3A_560 : vector<1x16xf32> to vector<16xf32>
      %add3A_562 = arith.addf %add3A_556, %get3A_561 : vector<16xf32>
      %swap3A = arith.constant 13 : i32
      %swap3A_563 = arith.index_cast %swap3A : i32 to index
      %swap3A_564 = arith.index_cast %mul3A_546 : i32 to index
      %swap3A_565 = tpu.vector_load %arg13[%swap3A_563, %swap3A_564] {strides = array<i32>} : memref<16x1024xf32, #tpu.memory_space<vmem>>, vector<1x16xf32>,
      %swap3A_566 = vector.shape_cast %swap3A_565 : vector<1x16xf32> to vector<16xf32>
      %swap3A_567 = vector.shape_cast %add3A_562 : vector<16xf32> to vector<1x16xf32>
      tpu.vector_store %arg13[%swap3A_563, %swap3A_564], %swap3A_567 {strides = array<i32>} : memref<16x1024xf32, #tpu.memory_space<vmem>>, vector<1x16xf32>,
    }
    %scan3A_529 = arith.constant 64 : i32
    %scan3A_530 = arith.constant 0 : i32
    %scan3A_531 = arith.constant 0 : i32
    %scan3A_532 = arith.constant 64 : i32
    %scan3A_533 = arith.addi %scan3A_531, %scan3A_532 : i32
    %scan3A_534 = arith.constant 1 : i32
    scf.for %scan3A_544 = %scan3A_531 to %scan3A_533 step %scan3A_534  : i32 {
      %mul3A_545 = arith.constant 16 : i32
      %mul3A_546 = arith.muli %scan3A_544, %mul3A_545 : i32
      %get3A = arith.constant 14 : i32
      %get3A_547 = arith.index_cast %get3A : i32 to index
      %get3A_548 = arith.index_cast %mul3A_546 : i32 to index
      %get3A_549 = tpu.vector_load %arg8[%get3A_547, %get3A_548] {strides = array<i32>} : memref<16x1024xf32, #tpu.memory_space<vmem>>, vector<1x16xf32>,
      %get3A_550 = vector.shape_cast %get3A_549 : vector<1x16xf32> to vector<16xf32>
      %get3A_551 = arith.constant 14 : i32
      %get3A_552 = arith.index_cast %get3A_551 : i32 to index
      %get3A_553 = arith.index_cast %mul3A_546 : i32 to index
      %get3A_554 = tpu.vector_load %arg10[%get3A_552, %get3A_553] {strides = array<i32>} : memref<16x1024xf32, #tpu.memory_space<vmem>>, vector<1x16xf32>,
      %get3A_555 = vector.shape_cast %get3A_554 : vector<1x16xf32> to vector<16xf32>
      %add3A_556 = arith.addf %get3A_550, %get3A_555 : vector<16xf32>
      %get3A_557 = arith.constant 14 : i32
      %get3A_558 = arith.index_cast %get3A_557 : i32 to index
      %get3A_559 = arith.index_cast %mul3A_546 : i32 to index
      %get3A_560 = tpu.vector_load %arg12[%get3A_558, %get3A_559] {strides = array<i32>} : memref<16x1024xf32, #tpu.memory_space<vmem>>, vector<1x16xf32>,
      %get3A_561 = vector.shape_cast %get3A_560 : vector<1x16xf32> to vector<16xf32>
      %add3A_562 = arith.addf %add3A_556, %get3A_561 : vector<16xf32>
      %swap3A = arith.constant 14 : i32
      %swap3A_563 = arith.index_cast %swap3A : i32 to index
      %swap3A_564 = arith.index_cast %mul3A_546 : i32 to index
      %swap3A_565 = tpu.vector_load %arg13[%swap3A_563, %swap3A_564] {strides = array<i32>} : memref<16x1024xf32, #tpu.memory_space<vmem>>, vector<1x16xf32>,
      %swap3A_566 = vector.shape_cast %swap3A_565 : vector<1x16xf32> to vector<16xf32>
      %swap3A_567 = vector.shape_cast %add3A_562 : vector<16xf32> to vector<1x16xf32>
      tpu.vector_store %arg13[%swap3A_563, %swap3A_564], %swap3A_567 {strides = array<i32>} : memref<16x1024xf32, #tpu.memory_space<vmem>>, vector<1x16xf32>,
    }
    %scan3A_535 = arith.constant 64 : i32
    %scan3A_536 = arith.constant 0 : i32
    %scan3A_537 = arith.constant 0 : i32
    %scan3A_538 = arith.constant 64 : i32
    %scan3A_539 = arith.addi %scan3A_537, %scan3A_538 : i32
    %scan3A_540 = arith.constant 1 : i32
    scf.for %scan3A_544 = %scan3A_537 to %scan3A_539 step %scan3A_540  : i32 {
      %mul3A_545 = arith.constant 16 : i32
      %mul3A_546 = arith.muli %scan3A_544, %mul3A_545 : i32
      %get3A = arith.constant 15 : i32
      %get3A_547 = arith.index_cast %get3A : i32 to index
      %get3A_548 = arith.index_cast %mul3A_546 : i32 to index
      %get3A_549 = tpu.vector_load %arg8[%get3A_547, %get3A_548] {strides = array<i32>} : memref<16x1024xf32, #tpu.memory_space<vmem>>, vector<1x16xf32>,
      %get3A_550 = vector.shape_cast %get3A_549 : vector<1x16xf32> to vector<16xf32>
      %get3A_551 = arith.constant 15 : i32
      %get3A_552 = arith.index_cast %get3A_551 : i32 to index
      %get3A_553 = arith.index_cast %mul3A_546 : i32 to index
      %get3A_554 = tpu.vector_load %arg10[%get3A_552, %get3A_553] {strides = array<i32>} : memref<16x1024xf32, #tpu.memory_space<vmem>>, vector<1x16xf32>,
      %get3A_555 = vector.shape_cast %get3A_554 : vector<1x16xf32> to vector<16xf32>
      %add3A_556 = arith.addf %get3A_550, %get3A_555 : vector<16xf32>
      %get3A_557 = arith.constant 15 : i32
      %get3A_558 = arith.index_cast %get3A_557 : i32 to index
      %get3A_559 = arith.index_cast %mul3A_546 : i32 to index
      %get3A_560 = tpu.vector_load %arg12[%get3A_558, %get3A_559] {strides = array<i32>} : memref<16x1024xf32, #tpu.memory_space<vmem>>, vector<1x16xf32>,
      %get3A_561 = vector.shape_cast %get3A_560 : vector<1x16xf32> to vector<16xf32>
      %add3A_562 = arith.addf %add3A_556, %get3A_561 : vector<16xf32>
      %swap3A = arith.constant 15 : i32
      %swap3A_563 = arith.index_cast %swap3A : i32 to index
      %swap3A_564 = arith.index_cast %mul3A_546 : i32 to index
      %swap3A_565 = tpu.vector_load %arg13[%swap3A_563, %swap3A_564] {strides = array<i32>} : memref<16x1024xf32, #tpu.memory_space<vmem>>, vector<1x16xf32>,
      %swap3A_566 = vector.shape_cast %swap3A_565 : vector<1x16xf32> to vector<16xf32>
      %swap3A_567 = vector.shape_cast %add3A_562 : vector<16xf32> to vector<1x16xf32>
      tpu.vector_store %arg13[%swap3A_563, %swap3A_564], %swap3A_567 {strides = array<i32>} : memref<16x1024xf32, #tpu.memory_space<vmem>>, vector<1x16xf32>,
    }
    %scan3A_541 = arith.constant 64 : i32
    %add3A_542 = arith.constant 48 : i32
    %add3A_543 = arith.addi %mul3A_2, %add3A_542 : i32
    "tpu.region"() ({
      %run_scoped3A = tpu.sem_alloc : memref<!tpu.dma_semaphore, #tpu.memory_space<semaphore_mem>>
      %dma_start3A_544 = arith.constant 0 : i32
      %dma_start3A_545 = tpu.memref_slice %arg5[%add3A_543, %dma_start3A_544] : memref<2048x1024xf32, #tpu.memory_space<hbm>> -> memref<16x1024xf32, #tpu.memory_space<hbm>>
      %dma_start3A_546 = arith.constant 0 : i32
      %dma_start3A_547 = tpu.memref_slice %arg5[%add3A_543, %dma_start3A_546] : memref<2048x1024xf32, #tpu.memory_space<hbm>> -> memref<16x1024xf32, #tpu.memory_space<hbm>>
      tpu.enqueue_dma source(%arg13 : memref<16x1024xf32, #tpu.memory_space<vmem>>) target(%dma_start3A_547 : memref<16x1024xf32, #tpu.memory_space<hbm>>) target_semaphore(%run_scoped3A : memref<!tpu.dma_semaphore, #tpu.memory_space<semaphore_mem>>)
      %dma_wait3A_548 = arith.constant 0 : i32
      %dma_wait3A_549 = tpu.memref_slice %arg5[%add3A_543, %dma_wait3A_548] : memref<2048x1024xf32, #tpu.memory_space<hbm>> -> memref<16x1024xf32, #tpu.memory_space<hbm>>
      %dma_wait3A_550 = arith.constant 0 : i32
      %dma_wait3A_551 = tpu.memref_slice %arg5[%add3A_543, %dma_wait3A_550] : memref<2048x1024xf32, #tpu.memory_space<hbm>> -> memref<16x1024xf32, #tpu.memory_space<hbm>>
      tpu.wait_dma2 semaphore(%run_scoped3A : memref<!tpu.dma_semaphore, #tpu.memory_space<semaphore_mem>>) src(%arg13 : memref<16x1024xf32, #tpu.memory_space<vmem>>) dst(%dma_wait3A_551 : memref<16x1024xf32, #tpu.memory_space<hbm>>)
      tpu.yield
    }) : () -> ()
    return
  }
}

#map = affine_map<(d0, d1) -> (0, 0)>
#map1 = affine_map<(d0, d1) -> (0, 0, 0)>
#map2 = affine_map<(d0, d1) -> (0, 0, 0, 0)>
module attributes {stable_mosaic.version = 14 : i64} {
  func.func @_scatter_kernel(%arg0: i32, %arg1: i32, %arg2: memref<2048x1024xf32, #tpu.memory_space<hbm>>, %arg3: memref<32x2x64xi32, #tpu.memory_space<hbm>>, %arg4: memref<32x2x64x128xf32, #tpu.memory_space<hbm>>, %arg5: memref<6144x1024xf32, #tpu.memory_space<hbm>>, %arg6: memref<6144x128xf32, #tpu.memory_space<hbm>>, %arg7: memref<64x1024xf32, #tpu.memory_space<vmem>>, %arg8: memref<2x64xi32, #tpu.memory_space<vmem>>, %arg9: memref<2x64x128xf32, #tpu.memory_space<vmem>>, %arg10: memref<!tpu.dma_semaphore, #tpu.memory_space<semaphore_mem>>, %arg11: memref<!tpu.dma_semaphore, #tpu.memory_space<semaphore_mem>>, %arg12: memref<!tpu.dma_semaphore, #tpu.memory_space<semaphore_mem>>, %arg13: memref<!tpu.dma_semaphore, #tpu.memory_space<semaphore_mem>>) attributes {dimension_semantics = [#tpu.dimension_semantics<core_parallel>, #tpu.dimension_semantics<subcore_parallel>], iteration_bounds = array<i64: 2, 16>, scalar_prefetch = 0 : i64, scratch_operands = 7 : i64, tpu.core_type = #tpu.core_type<sc_vector_subcore>, window_params = [{transform_indices = #map}, {transform_indices = #map1}, {transform_indices = #map2}, {transform_indices = #map}, {transform_indices = #map}]} {
    %mul3A = arith.constant 2 : i32
    %mul3A_0 = arith.muli %arg1, %mul3A : i32
    %add3A = arith.addi %mul3A_0, %arg0 : i32
    %mul3A_1 = arith.constant 64 : i32
    %mul3A_2 = arith.muli %add3A, %mul3A_1 : i32
    "tpu.region"() ({
      %run_scoped3A = tpu.sem_alloc : memref<!tpu.dma_semaphore, #tpu.memory_space<semaphore_mem>>
      %dma_start3A_77 = arith.constant 0 : i32
      %dma_start3A_78 = tpu.memref_slice %arg2[%mul3A_2, %dma_start3A_77] : memref<2048x1024xf32, #tpu.memory_space<hbm>> -> memref<64x1024xf32, #tpu.memory_space<hbm>>
      %dma_start3A_79 = arith.constant 0 : i32
      %dma_start3A_80 = tpu.memref_slice %arg2[%mul3A_2, %dma_start3A_79] : memref<2048x1024xf32, #tpu.memory_space<hbm>> -> memref<64x1024xf32, #tpu.memory_space<hbm>>
      tpu.enqueue_dma source(%dma_start3A_80 : memref<64x1024xf32, #tpu.memory_space<hbm>>) target(%arg7 : memref<64x1024xf32, #tpu.memory_space<vmem>>) target_semaphore(%run_scoped3A : memref<!tpu.dma_semaphore, #tpu.memory_space<semaphore_mem>>)
      %dma_wait3A_81 = arith.constant 0 : i32
      %dma_wait3A_82 = tpu.memref_slice %arg2[%mul3A_2, %dma_wait3A_81] : memref<2048x1024xf32, #tpu.memory_space<hbm>> -> memref<64x1024xf32, #tpu.memory_space<hbm>>
      %dma_wait3A_83 = arith.constant 0 : i32
      %dma_wait3A_84 = tpu.memref_slice %arg2[%mul3A_2, %dma_wait3A_83] : memref<2048x1024xf32, #tpu.memory_space<hbm>> -> memref<64x1024xf32, #tpu.memory_space<hbm>>
      tpu.wait_dma2 semaphore(%run_scoped3A : memref<!tpu.dma_semaphore, #tpu.memory_space<semaphore_mem>>) src(%dma_wait3A_84 : memref<64x1024xf32, #tpu.memory_space<hbm>>) dst(%arg7 : memref<64x1024xf32, #tpu.memory_space<vmem>>)
      tpu.yield
    }) : () -> ()
    "tpu.region"() ({
      %run_scoped3A = tpu.sem_alloc : memref<!tpu.dma_semaphore, #tpu.memory_space<semaphore_mem>>
      %dma_start3A_77 = arith.constant 0 : i32
      %dma_start3A_78 = arith.constant 0 : i32
      %dma_start3A_79 = tpu.memref_slice %arg3[%add3A, %dma_start3A_77, %dma_start3A_78] : memref<32x2x64xi32, #tpu.memory_space<hbm>> -> memref<1x2x64xi32, #tpu.memory_space<hbm>>
      %dma_start3A_80 = tpu.memref_squeeze %dma_start3A_79 : memref<1x2x64xi32, #tpu.memory_space<hbm>> -> memref<2x64xi32, #tpu.memory_space<hbm>>
      %dma_start3A_81 = arith.constant 0 : i32
      %dma_start3A_82 = arith.constant 0 : i32
      %dma_start3A_83 = tpu.memref_slice %arg3[%add3A, %dma_start3A_81, %dma_start3A_82] : memref<32x2x64xi32, #tpu.memory_space<hbm>> -> memref<1x2x64xi32, #tpu.memory_space<hbm>>
      %dma_start3A_84 = tpu.memref_squeeze %dma_start3A_83 : memref<1x2x64xi32, #tpu.memory_space<hbm>> -> memref<2x64xi32, #tpu.memory_space<hbm>>
      tpu.enqueue_dma source(%dma_start3A_84 : memref<2x64xi32, #tpu.memory_space<hbm>>) target(%arg8 : memref<2x64xi32, #tpu.memory_space<vmem>>) target_semaphore(%run_scoped3A : memref<!tpu.dma_semaphore, #tpu.memory_space<semaphore_mem>>)
      %dma_wait3A_85 = arith.constant 0 : i32
      %dma_wait3A_86 = arith.constant 0 : i32
      %dma_wait3A_87 = tpu.memref_slice %arg3[%add3A, %dma_wait3A_85, %dma_wait3A_86] : memref<32x2x64xi32, #tpu.memory_space<hbm>> -> memref<1x2x64xi32, #tpu.memory_space<hbm>>
      %dma_wait3A_88 = tpu.memref_squeeze %dma_wait3A_87 : memref<1x2x64xi32, #tpu.memory_space<hbm>> -> memref<2x64xi32, #tpu.memory_space<hbm>>
      %dma_wait3A_89 = arith.constant 0 : i32
      %dma_wait3A_90 = arith.constant 0 : i32
      %dma_wait3A_91 = tpu.memref_slice %arg3[%add3A, %dma_wait3A_89, %dma_wait3A_90] : memref<32x2x64xi32, #tpu.memory_space<hbm>> -> memref<1x2x64xi32, #tpu.memory_space<hbm>>
      %dma_wait3A_92 = tpu.memref_squeeze %dma_wait3A_91 : memref<1x2x64xi32, #tpu.memory_space<hbm>> -> memref<2x64xi32, #tpu.memory_space<hbm>>
      tpu.wait_dma2 semaphore(%run_scoped3A : memref<!tpu.dma_semaphore, #tpu.memory_space<semaphore_mem>>) src(%dma_wait3A_92 : memref<2x64xi32, #tpu.memory_space<hbm>>) dst(%arg8 : memref<2x64xi32, #tpu.memory_space<vmem>>)
      tpu.yield
    }) : () -> ()
    "tpu.region"() ({
      %run_scoped3A = tpu.sem_alloc : memref<!tpu.dma_semaphore, #tpu.memory_space<semaphore_mem>>
      %dma_start3A_77 = arith.constant 0 : i32
      %dma_start3A_78 = arith.constant 0 : i32
      %dma_start3A_79 = arith.constant 0 : i32
      %dma_start3A_80 = tpu.memref_slice %arg4[%add3A, %dma_start3A_77, %dma_start3A_78, %dma_start3A_79] : memref<32x2x64x128xf32, #tpu.memory_space<hbm>> -> memref<1x2x64x128xf32, #tpu.memory_space<hbm>>
      %dma_start3A_81 = tpu.memref_squeeze %dma_start3A_80 : memref<1x2x64x128xf32, #tpu.memory_space<hbm>> -> memref<2x64x128xf32, #tpu.memory_space<hbm>>
      %dma_start3A_82 = arith.constant 0 : i32
      %dma_start3A_83 = arith.constant 0 : i32
      %dma_start3A_84 = arith.constant 0 : i32
      %dma_start3A_85 = tpu.memref_slice %arg4[%add3A, %dma_start3A_82, %dma_start3A_83, %dma_start3A_84] : memref<32x2x64x128xf32, #tpu.memory_space<hbm>> -> memref<1x2x64x128xf32, #tpu.memory_space<hbm>>
      %dma_start3A_86 = tpu.memref_squeeze %dma_start3A_85 : memref<1x2x64x128xf32, #tpu.memory_space<hbm>> -> memref<2x64x128xf32, #tpu.memory_space<hbm>>
      tpu.enqueue_dma source(%dma_start3A_86 : memref<2x64x128xf32, #tpu.memory_space<hbm>>) target(%arg9 : memref<2x64x128xf32, #tpu.memory_space<vmem>>) target_semaphore(%run_scoped3A : memref<!tpu.dma_semaphore, #tpu.memory_space<semaphore_mem>>)
      %dma_wait3A_87 = arith.constant 0 : i32
      %dma_wait3A_88 = arith.constant 0 : i32
      %dma_wait3A_89 = arith.constant 0 : i32
      %dma_wait3A_90 = tpu.memref_slice %arg4[%add3A, %dma_wait3A_87, %dma_wait3A_88, %dma_wait3A_89] : memref<32x2x64x128xf32, #tpu.memory_space<hbm>> -> memref<1x2x64x128xf32, #tpu.memory_space<hbm>>
      %dma_wait3A_91 = tpu.memref_squeeze %dma_wait3A_90 : memref<1x2x64x128xf32, #tpu.memory_space<hbm>> -> memref<2x64x128xf32, #tpu.memory_space<hbm>>
      %dma_wait3A_92 = arith.constant 0 : i32
      %dma_wait3A_93 = arith.constant 0 : i32
      %dma_wait3A_94 = arith.constant 0 : i32
      %dma_wait3A_95 = tpu.memref_slice %arg4[%add3A, %dma_wait3A_92, %dma_wait3A_93, %dma_wait3A_94] : memref<32x2x64x128xf32, #tpu.memory_space<hbm>> -> memref<1x2x64x128xf32, #tpu.memory_space<hbm>>
      %dma_wait3A_96 = tpu.memref_squeeze %dma_wait3A_95 : memref<1x2x64x128xf32, #tpu.memory_space<hbm>> -> memref<2x64x128xf32, #tpu.memory_space<hbm>>
      tpu.wait_dma2 semaphore(%run_scoped3A : memref<!tpu.dma_semaphore, #tpu.memory_space<semaphore_mem>>) src(%dma_wait3A_96 : memref<2x64x128xf32, #tpu.memory_space<hbm>>) dst(%arg9 : memref<2x64x128xf32, #tpu.memory_space<vmem>>)
      tpu.yield
    }) : () -> ()
    %dma_start3A = arith.constant 0 : i32
    %dma_start3A_3 = arith.constant 0 : i32
    %dma_start3A_4 = tpu.memref_slice %arg8[%dma_start3A, %dma_start3A_3] : memref<2x64xi32, #tpu.memory_space<vmem>> -> memref<1x64xi32, #tpu.memory_space<vmem>>
    %dma_start3A_5 = tpu.memref_squeeze %dma_start3A_4 : memref<1x64xi32, #tpu.memory_space<vmem>> -> memref<64xi32, #tpu.memory_space<vmem>>
    %dma_start3A_6 = arith.constant 0 : i32
    %dma_start3A_7 = arith.constant 0 : i32
    %dma_start3A_8 = tpu.memref_slice %arg5[%dma_start3A_6, %dma_start3A_7] : memref<6144x1024xf32, #tpu.memory_space<hbm>> -> memref<6144x1024xf32, #tpu.memory_space<hbm>>
    tpu.enqueue_indirect_dma source(%arg7 : memref<64x1024xf32, #tpu.memory_space<vmem>>) target(%dma_start3A_8 : memref<6144x1024xf32, #tpu.memory_space<hbm>>) offsets(%dma_start3A_5 : memref<64xi32, #tpu.memory_space<vmem>>) semaphore(%arg10 : memref<!tpu.dma_semaphore, #tpu.memory_space<semaphore_mem>>)
    %dma_start3A_9 = arith.constant 1 : i32
    %dma_start3A_10 = arith.constant 0 : i32
    %dma_start3A_11 = tpu.memref_slice %arg8[%dma_start3A_9, %dma_start3A_10] : memref<2x64xi32, #tpu.memory_space<vmem>> -> memref<1x64xi32, #tpu.memory_space<vmem>>
    %dma_start3A_12 = tpu.memref_squeeze %dma_start3A_11 : memref<1x64xi32, #tpu.memory_space<vmem>> -> memref<64xi32, #tpu.memory_space<vmem>>
    %dma_start3A_13 = arith.constant 0 : i32
    %dma_start3A_14 = arith.constant 0 : i32
    %dma_start3A_15 = tpu.memref_slice %arg5[%dma_start3A_13, %dma_start3A_14] : memref<6144x1024xf32, #tpu.memory_space<hbm>> -> memref<6144x1024xf32, #tpu.memory_space<hbm>>
    tpu.enqueue_indirect_dma source(%arg7 : memref<64x1024xf32, #tpu.memory_space<vmem>>) target(%dma_start3A_15 : memref<6144x1024xf32, #tpu.memory_space<hbm>>) offsets(%dma_start3A_12 : memref<64xi32, #tpu.memory_space<vmem>>) semaphore(%arg11 : memref<!tpu.dma_semaphore, #tpu.memory_space<semaphore_mem>>)
    %dma_start3A_16 = arith.constant 0 : i32
    %dma_start3A_17 = arith.constant 0 : i32
    %dma_start3A_18 = arith.constant 0 : i32
    %dma_start3A_19 = arith.constant 0 : i32
    %dma_start3A_20 = tpu.memref_slice %arg9[%dma_start3A_16, %dma_start3A_18, %dma_start3A_19] : memref<2x64x128xf32, #tpu.memory_space<vmem>> -> memref<1x64x128xf32, #tpu.memory_space<vmem>>
    %dma_start3A_21 = tpu.memref_squeeze %dma_start3A_20 : memref<1x64x128xf32, #tpu.memory_space<vmem>> -> memref<64x128xf32, #tpu.memory_space<vmem>>
    %dma_start3A_22 = arith.constant 0 : i32
    %dma_start3A_23 = tpu.memref_slice %arg8[%dma_start3A_17, %dma_start3A_22] : memref<2x64xi32, #tpu.memory_space<vmem>> -> memref<1x64xi32, #tpu.memory_space<vmem>>
    %dma_start3A_24 = tpu.memref_squeeze %dma_start3A_23 : memref<1x64xi32, #tpu.memory_space<vmem>> -> memref<64xi32, #tpu.memory_space<vmem>>
    %dma_start3A_25 = arith.constant 0 : i32
    %dma_start3A_26 = arith.constant 0 : i32
    %dma_start3A_27 = tpu.memref_slice %arg6[%dma_start3A_25, %dma_start3A_26] : memref<6144x128xf32, #tpu.memory_space<hbm>> -> memref<6144x128xf32, #tpu.memory_space<hbm>>
    tpu.enqueue_indirect_dma source(%dma_start3A_21 : memref<64x128xf32, #tpu.memory_space<vmem>>) target(%dma_start3A_27 : memref<6144x128xf32, #tpu.memory_space<hbm>>) offsets(%dma_start3A_24 : memref<64xi32, #tpu.memory_space<vmem>>) semaphore(%arg12 : memref<!tpu.dma_semaphore, #tpu.memory_space<semaphore_mem>>)
    %dma_start3A_28 = arith.constant 1 : i32
    %dma_start3A_29 = arith.constant 1 : i32
    %dma_start3A_30 = arith.constant 0 : i32
    %dma_start3A_31 = arith.constant 0 : i32
    %dma_start3A_32 = tpu.memref_slice %arg9[%dma_start3A_28, %dma_start3A_30, %dma_start3A_31] : memref<2x64x128xf32, #tpu.memory_space<vmem>> -> memref<1x64x128xf32, #tpu.memory_space<vmem>>
    %dma_start3A_33 = tpu.memref_squeeze %dma_start3A_32 : memref<1x64x128xf32, #tpu.memory_space<vmem>> -> memref<64x128xf32, #tpu.memory_space<vmem>>
    %dma_start3A_34 = arith.constant 0 : i32
    %dma_start3A_35 = tpu.memref_slice %arg8[%dma_start3A_29, %dma_start3A_34] : memref<2x64xi32, #tpu.memory_space<vmem>> -> memref<1x64xi32, #tpu.memory_space<vmem>>
    %dma_start3A_36 = tpu.memref_squeeze %dma_start3A_35 : memref<1x64xi32, #tpu.memory_space<vmem>> -> memref<64xi32, #tpu.memory_space<vmem>>
    %dma_start3A_37 = arith.constant 0 : i32
    %dma_start3A_38 = arith.constant 0 : i32
    %dma_start3A_39 = tpu.memref_slice %arg6[%dma_start3A_37, %dma_start3A_38] : memref<6144x128xf32, #tpu.memory_space<hbm>> -> memref<6144x128xf32, #tpu.memory_space<hbm>>
    tpu.enqueue_indirect_dma source(%dma_start3A_33 : memref<64x128xf32, #tpu.memory_space<vmem>>) target(%dma_start3A_39 : memref<6144x128xf32, #tpu.memory_space<hbm>>) offsets(%dma_start3A_36 : memref<64xi32, #tpu.memory_space<vmem>>) semaphore(%arg13 : memref<!tpu.dma_semaphore, #tpu.memory_space<semaphore_mem>>)
    %dma_wait3A = arith.constant 0 : i32
    %dma_wait3A_40 = arith.constant 0 : i32
    %dma_wait3A_41 = tpu.memref_slice %arg8[%dma_wait3A, %dma_wait3A_40] : memref<2x64xi32, #tpu.memory_space<vmem>> -> memref<1x64xi32, #tpu.memory_space<vmem>>
    %dma_wait3A_42 = tpu.memref_squeeze %dma_wait3A_41 : memref<1x64xi32, #tpu.memory_space<vmem>> -> memref<64xi32, #tpu.memory_space<vmem>>
    %dma_wait3A_43 = arith.constant 0 : i32
    %dma_wait3A_44 = arith.constant 0 : i32
    %dma_wait3A_45 = tpu.memref_slice %arg5[%dma_wait3A_43, %dma_wait3A_44] : memref<6144x1024xf32, #tpu.memory_space<hbm>> -> memref<6144x1024xf32, #tpu.memory_space<hbm>>
    tpu.wait_indirect_dma semaphore(%arg10 : memref<!tpu.dma_semaphore, #tpu.memory_space<semaphore_mem>>) src(%arg7 : memref<64x1024xf32, #tpu.memory_space<vmem>>) dst(%dma_wait3A_45 : memref<6144x1024xf32, #tpu.memory_space<hbm>>)
    %dma_wait3A_46 = arith.constant 1 : i32
    %dma_wait3A_47 = arith.constant 0 : i32
    %dma_wait3A_48 = tpu.memref_slice %arg8[%dma_wait3A_46, %dma_wait3A_47] : memref<2x64xi32, #tpu.memory_space<vmem>> -> memref<1x64xi32, #tpu.memory_space<vmem>>
    %dma_wait3A_49 = tpu.memref_squeeze %dma_wait3A_48 : memref<1x64xi32, #tpu.memory_space<vmem>> -> memref<64xi32, #tpu.memory_space<vmem>>
    %dma_wait3A_50 = arith.constant 0 : i32
    %dma_wait3A_51 = arith.constant 0 : i32
    %dma_wait3A_52 = tpu.memref_slice %arg5[%dma_wait3A_50, %dma_wait3A_51] : memref<6144x1024xf32, #tpu.memory_space<hbm>> -> memref<6144x1024xf32, #tpu.memory_space<hbm>>
    tpu.wait_indirect_dma semaphore(%arg11 : memref<!tpu.dma_semaphore, #tpu.memory_space<semaphore_mem>>) src(%arg7 : memref<64x1024xf32, #tpu.memory_space<vmem>>) dst(%dma_wait3A_52 : memref<6144x1024xf32, #tpu.memory_space<hbm>>)
    %dma_wait3A_53 = arith.constant 0 : i32
    %dma_wait3A_54 = arith.constant 0 : i32
    %dma_wait3A_55 = arith.constant 0 : i32
    %dma_wait3A_56 = arith.constant 0 : i32
    %dma_wait3A_57 = tpu.memref_slice %arg9[%dma_wait3A_53, %dma_wait3A_55, %dma_wait3A_56] : memref<2x64x128xf32, #tpu.memory_space<vmem>> -> memref<1x64x128xf32, #tpu.memory_space<vmem>>
    %dma_wait3A_58 = tpu.memref_squeeze %dma_wait3A_57 : memref<1x64x128xf32, #tpu.memory_space<vmem>> -> memref<64x128xf32, #tpu.memory_space<vmem>>
    %dma_wait3A_59 = arith.constant 0 : i32
    %dma_wait3A_60 = tpu.memref_slice %arg8[%dma_wait3A_54, %dma_wait3A_59] : memref<2x64xi32, #tpu.memory_space<vmem>> -> memref<1x64xi32, #tpu.memory_space<vmem>>
    %dma_wait3A_61 = tpu.memref_squeeze %dma_wait3A_60 : memref<1x64xi32, #tpu.memory_space<vmem>> -> memref<64xi32, #tpu.memory_space<vmem>>
    %dma_wait3A_62 = arith.constant 0 : i32
    %dma_wait3A_63 = arith.constant 0 : i32
    %dma_wait3A_64 = tpu.memref_slice %arg6[%dma_wait3A_62, %dma_wait3A_63] : memref<6144x128xf32, #tpu.memory_space<hbm>> -> memref<6144x128xf32, #tpu.memory_space<hbm>>
    tpu.wait_indirect_dma semaphore(%arg12 : memref<!tpu.dma_semaphore, #tpu.memory_space<semaphore_mem>>) src(%dma_wait3A_58 : memref<64x128xf32, #tpu.memory_space<vmem>>) dst(%dma_wait3A_64 : memref<6144x128xf32, #tpu.memory_space<hbm>>)
    %dma_wait3A_65 = arith.constant 1 : i32
    %dma_wait3A_66 = arith.constant 1 : i32
    %dma_wait3A_67 = arith.constant 0 : i32
    %dma_wait3A_68 = arith.constant 0 : i32
    %dma_wait3A_69 = tpu.memref_slice %arg9[%dma_wait3A_65, %dma_wait3A_67, %dma_wait3A_68] : memref<2x64x128xf32, #tpu.memory_space<vmem>> -> memref<1x64x128xf32, #tpu.memory_space<vmem>>
    %dma_wait3A_70 = tpu.memref_squeeze %dma_wait3A_69 : memref<1x64x128xf32, #tpu.memory_space<vmem>> -> memref<64x128xf32, #tpu.memory_space<vmem>>
    %dma_wait3A_71 = arith.constant 0 : i32
    %dma_wait3A_72 = tpu.memref_slice %arg8[%dma_wait3A_66, %dma_wait3A_71] : memref<2x64xi32, #tpu.memory_space<vmem>> -> memref<1x64xi32, #tpu.memory_space<vmem>>
    %dma_wait3A_73 = tpu.memref_squeeze %dma_wait3A_72 : memref<1x64xi32, #tpu.memory_space<vmem>> -> memref<64xi32, #tpu.memory_space<vmem>>
    %dma_wait3A_74 = arith.constant 0 : i32
    %dma_wait3A_75 = arith.constant 0 : i32
    %dma_wait3A_76 = tpu.memref_slice %arg6[%dma_wait3A_74, %dma_wait3A_75] : memref<6144x128xf32, #tpu.memory_space<hbm>> -> memref<6144x128xf32, #tpu.memory_space<hbm>>
    tpu.wait_indirect_dma semaphore(%arg13 : memref<!tpu.dma_semaphore, #tpu.memory_space<semaphore_mem>>) src(%dma_wait3A_70 : memref<64x128xf32, #tpu.memory_space<vmem>>) dst(%dma_wait3A_76 : memref<6144x128xf32, #tpu.memory_space<hbm>>)
    return
  }
}

module attributes {stable_mosaic.version = 14 : i64} {
  func.func @_mm_kernel(%arg0: i32, %arg1: memref<64x4xi32, #tpu.memory_space<smem>>, %arg2: memref<256x1024xf32, #tpu.memory_space<vmem>>, %arg3: memref<1x1024x1024xf32, #tpu.memory_space<vmem>>, %arg4: memref<256x128xf32, #tpu.memory_space<vmem>>, %arg5: memref<256x1024xf32, #tpu.memory_space<vmem>>) attributes {dimension_semantics = [#tpu.dimension_semantics<arbitrary>], iteration_bounds = array<i64: 24>, scalar_prefetch = 1 : i64, scratch_operands = 0 : i64, tpu.core_type = #tpu.core_type<tc>, window_params = [{transform_indices = @transform_0, window_bounds = array<i64: 256, 1024>}, {transform_indices = @transform_1, window_bounds = array<i64: 1, 1024, 1024>}, {transform_indices = @transform_2, window_bounds = array<i64: 256, 128>}, {transform_indices = @transform_3, window_bounds = array<i64: 256, 1024>}]} {
    %get3A = arith.constant 0 : index
    %get3A_0 = arith.constant 2 : index
    %get3A_1 = memref.load %arg1[%get3A, %get3A_0] : memref<64x4xi32, #tpu.memory_space<smem>>
    %lt3A = arith.cmpi slt, %arg0, %get3A_1 : i32
    %convert_element_type3A = arith.extui %lt3A : i1 to i32
    %cond3A = arith.constant 0 : i32
    %cond3A_2 = arith.cmpi ne, %convert_element_type3A, %cond3A : i32
    scf.if %cond3A_2 {
      %get3A_3 = arith.constant 0 : index
      %get3A_4 = arith.constant 0 : index
      %get3A_5 = vector.load %arg2[%get3A_3, %get3A_4] : memref<256x1024xf32, #tpu.memory_space<vmem>>, vector<256x1024xf32>
      %convert_element_type3A_6 = arith.truncf %get3A_5 : vector<256x1024xf32> to vector<256x1024xbf16>
      %get3A_7 = arith.constant 0 : index
      %get3A_8 = arith.constant 0 : index
      %get3A_9 = arith.constant 0 : index
      %get3A_10 = vector.load %arg3[%get3A_7, %get3A_8, %get3A_9] : memref<1x1024x1024xf32, #tpu.memory_space<vmem>>, vector<1x1024x1024xf32>
      %get3A_11 = vector.shape_cast %get3A_10 : vector<1x1024x1024xf32> to vector<1024x1024xf32>
      %dot_general3A = arith.constant dense<0.000000e+00> : vector<256x1024xf32>
      %dot_general3A_12 = tpu.matmul %convert_element_type3A_6, %get3A_11, %dot_general3A {dimension_numbers = #tpu.dot_dimension_numbers<[1], [1], [0], [0], [0, 0, 1, 0], [], []>, transpose_lhs_hint = false} : vector<256x1024xbf16>, vector<1024x1024xf32>, vector<256x1024xf32> -> vector<256x1024xf32>
      %get3A_13 = arith.constant 0 : index
      %get3A_14 = arith.constant 0 : index
      %get3A_15 = vector.load %arg4[%get3A_13, %get3A_14] : memref<256x128xf32, #tpu.memory_space<vmem>>, vector<256x128xf32>
      %slice3A = vector.extract_strided_slice %get3A_15 {offsets = [0, 0], sizes = [256, 1], strides = [1, 1]} : vector<256x128xf32> to vector<256x1xf32>
      %mul3A = vector.broadcast %slice3A : vector<256x1xf32> to vector<256x1024xf32>
      %mul3A_16 = arith.mulf %mul3A, %dot_general3A_12 : vector<256x1024xf32>
      %swap3A = arith.constant 0 : index
      %swap3A_17 = arith.constant 0 : index
      %swap3A_18 = vector.load %arg5[%swap3A, %swap3A_17] : memref<256x1024xf32, #tpu.memory_space<vmem>>, vector<256x1024xf32>
      tpu.vector_store %arg5[%swap3A, %swap3A_17], %mul3A_16 {strides = array<i32>} : memref<256x1024xf32, #tpu.memory_space<vmem>>, vector<256x1024xf32>,
    } else {
    }
    return
  }
  func.func @transform_0(%arg0: i32, %arg1: memref<64x4xi32, #tpu.memory_space<smem>>) -> (i32, i32) {
    %get3A = arith.index_cast %arg0 : i32 to index
    %get3A_0 = arith.constant 1 : index
    %get3A_1 = memref.load %arg1[%get3A, %get3A_0] : memref<64x4xi32, #tpu.memory_space<smem>>
    %c0_i32 = arith.constant 0 : i32
    %c0_i32_2 = arith.constant 0 : i32
    return %get3A_1, %c0_i32 : i32, i32
  }
  func.func @transform_1(%arg0: i32, %arg1: memref<64x4xi32, #tpu.memory_space<smem>>) -> (i32, i32, i32) {
    %get3A = arith.index_cast %arg0 : i32 to index
    %get3A_0 = arith.constant 0 : index
    %get3A_1 = memref.load %arg1[%get3A, %get3A_0] : memref<64x4xi32, #tpu.memory_space<smem>>
    %c0_i32 = arith.constant 0 : i32
    %c0_i32_2 = arith.constant 0 : i32
    %c0_i32_3 = arith.constant 0 : i32
    return %get3A_1, %c0_i32, %c0_i32_2 : i32, i32, i32
  }
  func.func @transform_2(%arg0: i32, %arg1: memref<64x4xi32, #tpu.memory_space<smem>>) -> (i32, i32) {
    %get3A = arith.index_cast %arg0 : i32 to index
    %get3A_0 = arith.constant 1 : index
    %get3A_1 = memref.load %arg1[%get3A, %get3A_0] : memref<64x4xi32, #tpu.memory_space<smem>>
    %c0_i32 = arith.constant 0 : i32
    %c0_i32_2 = arith.constant 0 : i32
    return %get3A_1, %c0_i32 : i32, i32
  }
  func.func @transform_3(%arg0: i32, %arg1: memref<64x4xi32, #tpu.memory_space<smem>>) -> (i32, i32) {
    %c0_i32 = arith.constant 0 : i32
    %c0_i32_0 = arith.constant 0 : i32
    return %arg0, %c0_i32 : i32, i32
  }
}

module attributes {stable_mosaic.version = 14 : i64} {
  func.func @_gate_kernel(%arg0: memref<2048x1024xf32, #tpu.memory_space<vmem>>, %arg1: memref<8x1024xf32, #tpu.memory_space<vmem>>, %arg2: memref<8x1024xf32, #tpu.memory_space<vmem>>, %arg3: memref<32x2x64xi32, #tpu.memory_space<vmem>>, %arg4: memref<32x2x64x128xf32, #tpu.memory_space<vmem>>, %arg5: memref<64x4xi32, #tpu.memory_space<vmem>>, %arg6: memref<2048x1024xf32, #tpu.memory_space<vmem>>, %arg7: memref<1x1xf32, #tpu.memory_space<vmem>>) attributes {dimension_semantics = [], scalar_prefetch = 0 : i64, scratch_operands = 0 : i64, tpu.core_type = #tpu.core_type<tc>} {
    %get3A = arith.constant 0 : index
    %get3A_0 = arith.constant 0 : index
    %get3A_1 = vector.load %arg0[%get3A, %get3A_0] : memref<2048x1024xf32, #tpu.memory_space<vmem>>, vector<2048x1024xf32>
    %get3A_2 = arith.constant 0 : index
    %get3A_3 = arith.constant 0 : index
    %get3A_4 = vector.load %arg1[%get3A_2, %get3A_3] : memref<8x1024xf32, #tpu.memory_space<vmem>>, vector<8x1024xf32>
    %dot_general3A = arith.constant dense<0.000000e+00> : vector<2048x8xf32>
    %dot_general3A_5 = tpu.matmul %get3A_1, %get3A_4, %dot_general3A {dimension_numbers = #tpu.dot_dimension_numbers<[1], [1], [0], [0], [0, 0, 1, 0], [], []>, transpose_lhs_hint = false} : vector<2048x1024xf32>, vector<8x1024xf32>, vector<2048x8xf32> -> vector<2048x8xf32>
    %iota3A = tpu.iota {dimensions = array<i32: 1>} : vector<2048x8xi32>
    %reduce_max3A = arith.constant dense<0xFF800000> : vector<2048xf32>
    %reduce_max3A_6 = vector.multi_reduction <maximumf>, %dot_general3A_5, %reduce_max3A [1] : vector<2048x8xf32> to vector<2048xf32>
    %broadcast_in_dim3A = vector.shape_cast %reduce_max3A_6 : vector<2048xf32> to vector<2048x1xf32>
    %eq3A = vector.broadcast %broadcast_in_dim3A : vector<2048x1xf32> to vector<2048x8xf32>
    %eq3A_7 = arith.cmpf oeq, %dot_general3A_5, %eq3A : vector<2048x8xf32>
    %jit3A = arith.constant 8 : i32
    %broadcast_in_dim3A_8 = vector.broadcast %jit3A : i32 to vector<2048x8xi32>
    %select_n3A = arith.select %eq3A_7, %iota3A, %broadcast_in_dim3A_8 : vector<2048x8xi1>, vector<2048x8xi32>
    %reduce_min3A = arith.constant dense<2147483647> : vector<2048xi32>
    %reduce_min3A_9 = vector.multi_reduction <minsi>, %select_n3A, %reduce_min3A [1] : vector<2048x8xi32> to vector<2048xi32>
    %broadcast_in_dim3A_10 = vector.shape_cast %reduce_min3A_9 : vector<2048xi32> to vector<2048x1xi32>
    %eq3A_11 = vector.broadcast %broadcast_in_dim3A_10 : vector<2048x1xi32> to vector<2048x8xi32>
    %eq3A_12 = arith.cmpi eq, %iota3A, %eq3A_11 : vector<2048x8xi32>
    %jit3A_13 = arith.constant 0xFF800000 : f32
    %broadcast_in_dim3A_14 = vector.broadcast %jit3A_13 : f32 to vector<2048x8xf32>
    %select_n3A_15 = arith.select %eq3A_12, %broadcast_in_dim3A_14, %dot_general3A_5 : vector<2048x8xi1>, vector<2048x8xf32>
    %reduce_max3A_16 = arith.constant dense<0xFF800000> : vector<2048xf32>
    %reduce_max3A_17 = vector.multi_reduction <maximumf>, %select_n3A_15, %reduce_max3A_16 [1] : vector<2048x8xf32> to vector<2048xf32>
    %broadcast_in_dim3A_18 = vector.shape_cast %reduce_max3A_17 : vector<2048xf32> to vector<2048x1xf32>
    %eq3A_19 = vector.broadcast %broadcast_in_dim3A_18 : vector<2048x1xf32> to vector<2048x8xf32>
    %eq3A_20 = arith.cmpf oeq, %select_n3A_15, %eq3A_19 : vector<2048x8xf32>
    %jit3A_21 = arith.constant 8 : i32
    %broadcast_in_dim3A_22 = vector.broadcast %jit3A_21 : i32 to vector<2048x8xi32>
    %select_n3A_23 = arith.select %eq3A_20, %iota3A, %broadcast_in_dim3A_22 : vector<2048x8xi1>, vector<2048x8xi32>
    %reduce_min3A_24 = arith.constant dense<2147483647> : vector<2048xi32>
    %reduce_min3A_25 = vector.multi_reduction <minsi>, %select_n3A_23, %reduce_min3A_24 [1] : vector<2048x8xi32> to vector<2048xi32>
    %broadcast_in_dim3A_26 = vector.shape_cast %reduce_min3A_25 : vector<2048xi32> to vector<2048x1xi32>
    %sub3A = arith.subf %broadcast_in_dim3A_18, %broadcast_in_dim3A : vector<2048x1xf32>
    %exp3A = math.exp %sub3A : vector<2048x1xf32>
    %add3A = arith.constant 1.000000e+00 : f32
    %add3A_27 = vector.broadcast %add3A : f32 to vector<2048x1xf32>
    %add3A_28 = arith.addf %add3A_27, %exp3A : vector<2048x1xf32>
    %div3A = arith.constant 1.000000e+00 : f32
    %div3A_29 = vector.broadcast %div3A : f32 to vector<2048x1xf32>
    %div3A_30 = arith.divf %div3A_29, %add3A_28 : vector<2048x1xf32>
    %div3A_31 = arith.divf %exp3A, %add3A_28 : vector<2048x1xf32>
    %eq3A_32 = vector.broadcast %broadcast_in_dim3A_10 : vector<2048x1xi32> to vector<2048x8xi32>
    %eq3A_33 = arith.cmpi eq, %iota3A, %eq3A_32 : vector<2048x8xi32>
    %jit3A_34 = arith.constant 0.000000e+00 : f32
    %broadcast_in_dim3A_35 = vector.shape_cast %div3A_30 : vector<2048x1xf32> to vector<2048x1xf32>
    %broadcast_in_dim3A_36 = vector.broadcast %broadcast_in_dim3A_35 : vector<2048x1xf32> to vector<2048x8xf32>
    %broadcast_in_dim3A_37 = vector.broadcast %jit3A_34 : f32 to vector<2048x8xf32>
    %select_n3A_38 = arith.select %eq3A_33, %broadcast_in_dim3A_36, %broadcast_in_dim3A_37 : vector<2048x8xi1>, vector<2048x8xf32>
    %eq3A_39 = vector.broadcast %broadcast_in_dim3A_26 : vector<2048x1xi32> to vector<2048x8xi32>
    %eq3A_40 = arith.cmpi eq, %iota3A, %eq3A_39 : vector<2048x8xi32>
    %jit3A_41 = arith.constant 0.000000e+00 : f32
    %broadcast_in_dim3A_42 = vector.shape_cast %div3A_31 : vector<2048x1xf32> to vector<2048x1xf32>
    %broadcast_in_dim3A_43 = vector.broadcast %broadcast_in_dim3A_42 : vector<2048x1xf32> to vector<2048x8xf32>
    %broadcast_in_dim3A_44 = vector.broadcast %jit3A_41 : f32 to vector<2048x8xf32>
    %select_n3A_45 = arith.select %eq3A_40, %broadcast_in_dim3A_43, %broadcast_in_dim3A_44 : vector<2048x8xi1>, vector<2048x8xf32>
    %add3A_46 = arith.addf %select_n3A_38, %select_n3A_45 : vector<2048x8xf32>
    %reduce_sum3A = arith.constant dense<0.000000e+00> : vector<8xf32>
    %reduce_sum3A_47 = vector.multi_reduction <add>, %add3A_46, %reduce_sum3A [0] : vector<2048x8xf32> to vector<8xf32>
    %gt3A = arith.constant 0.000000e+00 : f32
    %gt3A_48 = vector.broadcast %gt3A : f32 to vector<2048x8xf32>
    %gt3A_49 = arith.cmpf ogt, %add3A_46, %gt3A_48 : vector<2048x8xf32>
    %convert_element_type3A = arith.extui %gt3A_49 : vector<2048x8xi1> to vector<2048x8xi32>
    %convert_element_type3A_50 = arith.sitofp %convert_element_type3A : vector<2048x8xi32> to vector<2048x8xf32>
    %reduce_sum3A_51 = arith.constant dense<0.000000e+00> : vector<8xf32>
    %reduce_sum3A_52 = vector.multi_reduction <add>, %convert_element_type3A_50, %reduce_sum3A_51 [0] : vector<2048x8xf32> to vector<8xf32>
    %reduce_sum3A_53 = vector.shape_cast %reduce_sum3A_47 : vector<8xf32> to vector<1x8xf32>
    %reduce_sum3A_54 = arith.constant dense<0.000000e+00> : vector<1xf32>
    %reduce_sum3A_55 = vector.multi_reduction <add>, %reduce_sum3A_53, %reduce_sum3A_54 [1] : vector<1x8xf32> to vector<1xf32>
    %reduce_sum3A_56 = vector.shape_cast %reduce_sum3A_55 : vector<1xf32> to vector<1x1xf32>
    %reduce_sum3A_57 = vector.extract %reduce_sum3A_56[0, 0] : f32 from vector<1x1xf32>
    %div3A_58 = arith.constant 8.000000e+00 : f32
    %div3A_59 = arith.divf %reduce_sum3A_57, %div3A_58 : f32
    %sub3A_60 = vector.broadcast %div3A_59 : f32 to vector<8xf32>
    %sub3A_61 = arith.subf %reduce_sum3A_47, %sub3A_60 : vector<8xf32>
    %integer_pow3A = arith.mulf %sub3A_61, %sub3A_61 : vector<8xf32>
    %reduce_sum3A_62 = vector.shape_cast %integer_pow3A : vector<8xf32> to vector<1x8xf32>
    %reduce_sum3A_63 = arith.constant dense<0.000000e+00> : vector<1xf32>
    %reduce_sum3A_64 = vector.multi_reduction <add>, %reduce_sum3A_62, %reduce_sum3A_63 [1] : vector<1x8xf32> to vector<1xf32>
    %reduce_sum3A_65 = vector.shape_cast %reduce_sum3A_64 : vector<1xf32> to vector<1x1xf32>
    %reduce_sum3A_66 = vector.extract %reduce_sum3A_65[0, 0] : f32 from vector<1x1xf32>
    %div3A_67 = arith.constant 7.000000e+00 : f32
    %div3A_68 = arith.divf %reduce_sum3A_66, %div3A_67 : f32
    %mul3A = arith.mulf %div3A_59, %div3A_59 : f32
    %add3A_69 = arith.constant 1.000000e-10 : f32
    %add3A_70 = arith.addf %mul3A, %add3A_69 : f32
    %div3A_71 = arith.divf %div3A_68, %add3A_70 : f32
    %reduce_sum3A_72 = vector.shape_cast %reduce_sum3A_52 : vector<8xf32> to vector<1x8xf32>
    %reduce_sum3A_73 = arith.constant dense<0.000000e+00> : vector<1xf32>
    %reduce_sum3A_74 = vector.multi_reduction <add>, %reduce_sum3A_72, %reduce_sum3A_73 [1] : vector<1x8xf32> to vector<1xf32>
    %reduce_sum3A_75 = vector.shape_cast %reduce_sum3A_74 : vector<1xf32> to vector<1x1xf32>
    %reduce_sum3A_76 = vector.extract %reduce_sum3A_75[0, 0] : f32 from vector<1x1xf32>
    %div3A_77 = arith.constant 8.000000e+00 : f32
    %div3A_78 = arith.divf %reduce_sum3A_76, %div3A_77 : f32
    %sub3A_79 = vector.broadcast %div3A_78 : f32 to vector<8xf32>
    %sub3A_80 = arith.subf %reduce_sum3A_52, %sub3A_79 : vector<8xf32>
    %integer_pow3A_81 = arith.mulf %sub3A_80, %sub3A_80 : vector<8xf32>
    %reduce_sum3A_82 = vector.shape_cast %integer_pow3A_81 : vector<8xf32> to vector<1x8xf32>
    %reduce_sum3A_83 = arith.constant dense<0.000000e+00> : vector<1xf32>
    %reduce_sum3A_84 = vector.multi_reduction <add>, %reduce_sum3A_82, %reduce_sum3A_83 [1] : vector<1x8xf32> to vector<1xf32>
    %reduce_sum3A_85 = vector.shape_cast %reduce_sum3A_84 : vector<1xf32> to vector<1x1xf32>
    %reduce_sum3A_86 = vector.extract %reduce_sum3A_85[0, 0] : f32 from vector<1x1xf32>
    %div3A_87 = arith.constant 7.000000e+00 : f32
    %div3A_88 = arith.divf %reduce_sum3A_86, %div3A_87 : f32
    %mul3A_89 = arith.mulf %div3A_78, %div3A_78 : f32
    %add3A_90 = arith.constant 1.000000e-10 : f32
    %add3A_91 = arith.addf %mul3A_89, %add3A_90 : f32
    %div3A_92 = arith.divf %div3A_88, %add3A_91 : f32
    %add3A_93 = arith.addf %div3A_71, %div3A_92 : f32
    %mul3A_94 = arith.constant 0.00999999977 : f32
    %mul3A_95 = arith.mulf %mul3A_94, %add3A_93 : f32
    %reshape3A = vector.broadcast %mul3A_95 : f32 to vector<1x1xf32>
    %swap3A = arith.constant 0 : index
    %swap3A_96 = arith.constant 0 : index
    %swap3A_97 = vector.load %arg7[%swap3A, %swap3A_96] : memref<1x1xf32, #tpu.memory_space<vmem>>, vector<1x1xf32>
    tpu.vector_store %arg7[%swap3A, %swap3A_96], %reshape3A {strides = array<i32>} : memref<1x1xf32, #tpu.memory_space<vmem>>, vector<1x1xf32>,
    %get3A_98 = arith.constant 0 : index
    %get3A_99 = arith.constant 0 : index
    %get3A_100 = vector.load %arg2[%get3A_98, %get3A_99] : memref<8x1024xf32, #tpu.memory_space<vmem>>, vector<8x1024xf32>
    %dot_general3A_101 = arith.constant dense<0.000000e+00> : vector<2048x1024xf32>
    %dot_general3A_102 = tpu.matmul %add3A_46, %get3A_100, %dot_general3A_101 {dimension_numbers = #tpu.dot_dimension_numbers<[1], [0], [0], [1], [0, 0, 1, 1], [], []>, transpose_lhs_hint = false} : vector<2048x8xf32>, vector<8x1024xf32>, vector<2048x1024xf32> -> vector<2048x1024xf32>
    %swap3A_103 = arith.constant 0 : index
    %swap3A_104 = arith.constant 0 : index
    %swap3A_105 = vector.load %arg6[%swap3A_103, %swap3A_104] : memref<2048x1024xf32, #tpu.memory_space<vmem>>, vector<2048x1024xf32>
    tpu.vector_store %arg6[%swap3A_103, %swap3A_104], %dot_general3A_102 {strides = array<i32>} : memref<2048x1024xf32, #tpu.memory_space<vmem>>, vector<2048x1024xf32>,
    %eq3A_106 = vector.broadcast %broadcast_in_dim3A_10 : vector<2048x1xi32> to vector<2048x8xi32>
    %eq3A_107 = arith.cmpi eq, %iota3A, %eq3A_106 : vector<2048x8xi32>
    %eq3A_108 = vector.broadcast %broadcast_in_dim3A_26 : vector<2048x1xi32> to vector<2048x8xi32>
    %eq3A_109 = arith.cmpi eq, %iota3A, %eq3A_108 : vector<2048x8xi32>
    %or3A = arith.ori %eq3A_107, %eq3A_109 : vector<2048x8xi1>
    %convert_element_type3A_110 = arith.extui %or3A : vector<2048x8xi1> to vector<2048x8xi32>
    %broadcast_in_dim3A_111 = arith.constant 0 : i32
    %broadcast_in_dim3A_112 = vector.broadcast %broadcast_in_dim3A_111 : i32 to vector<1x8xi32>
    %slice3A = vector.extract_strided_slice %convert_element_type3A_110 {offsets = [0, 0], sizes = [2047, 8], strides = [1, 1]} : vector<2048x8xi32> to vector<2047x8xi32>
    %concatenate3A = tpu.concatenate %broadcast_in_dim3A_112, %slice3A in 0 : vector<1x8xi32>, vector<2047x8xi32> -> vector<2048x8xi32>
    %add3A_113 = arith.addi %convert_element_type3A_110, %concatenate3A : vector<2048x8xi32>
    %broadcast_in_dim3A_114 = arith.constant 0 : i32
    %broadcast_in_dim3A_115 = vector.broadcast %broadcast_in_dim3A_114 : i32 to vector<2x8xi32>
    %slice3A_116 = vector.extract_strided_slice %add3A_113 {offsets = [0, 0], sizes = [2046, 8], strides = [1, 1]} : vector<2048x8xi32> to vector<2046x8xi32>
    %concatenate3A_117 = tpu.concatenate %broadcast_in_dim3A_115, %slice3A_116 in 0 : vector<2x8xi32>, vector<2046x8xi32> -> vector<2048x8xi32>
    %add3A_118 = arith.addi %add3A_113, %concatenate3A_117 : vector<2048x8xi32>
    %broadcast_in_dim3A_119 = arith.constant 0 : i32
    %broadcast_in_dim3A_120 = vector.broadcast %broadcast_in_dim3A_119 : i32 to vector<4x8xi32>
    %slice3A_121 = vector.extract_strided_slice %add3A_118 {offsets = [0, 0], sizes = [2044, 8], strides = [1, 1]} : vector<2048x8xi32> to vector<2044x8xi32>
    %concatenate3A_122 = tpu.concatenate %broadcast_in_dim3A_120, %slice3A_121 in 0 : vector<4x8xi32>, vector<2044x8xi32> -> vector<2048x8xi32>
    %add3A_123 = arith.addi %add3A_118, %concatenate3A_122 : vector<2048x8xi32>
    %broadcast_in_dim3A_124 = arith.constant 0 : i32
    %broadcast_in_dim3A_125 = vector.broadcast %broadcast_in_dim3A_124 : i32 to vector<8x8xi32>
    %slice3A_126 = vector.extract_strided_slice %add3A_123 {offsets = [0, 0], sizes = [2040, 8], strides = [1, 1]} : vector<2048x8xi32> to vector<2040x8xi32>
    %concatenate3A_127 = tpu.concatenate %broadcast_in_dim3A_125, %slice3A_126 in 0 : vector<8x8xi32>, vector<2040x8xi32> -> vector<2048x8xi32>
    %add3A_128 = arith.addi %add3A_123, %concatenate3A_127 : vector<2048x8xi32>
    %broadcast_in_dim3A_129 = arith.constant 0 : i32
    %broadcast_in_dim3A_130 = vector.broadcast %broadcast_in_dim3A_129 : i32 to vector<16x8xi32>
    %slice3A_131 = vector.extract_strided_slice %add3A_128 {offsets = [0, 0], sizes = [2032, 8], strides = [1, 1]} : vector<2048x8xi32> to vector<2032x8xi32>
    %concatenate3A_132 = tpu.concatenate %broadcast_in_dim3A_130, %slice3A_131 in 0 : vector<16x8xi32>, vector<2032x8xi32> -> vector<2048x8xi32>
    %add3A_133 = arith.addi %add3A_128, %concatenate3A_132 : vector<2048x8xi32>
    %broadcast_in_dim3A_134 = arith.constant 0 : i32
    %broadcast_in_dim3A_135 = vector.broadcast %broadcast_in_dim3A_134 : i32 to vector<32x8xi32>
    %slice3A_136 = vector.extract_strided_slice %add3A_133 {offsets = [0, 0], sizes = [2016, 8], strides = [1, 1]} : vector<2048x8xi32> to vector<2016x8xi32>
    %concatenate3A_137 = tpu.concatenate %broadcast_in_dim3A_135, %slice3A_136 in 0 : vector<32x8xi32>, vector<2016x8xi32> -> vector<2048x8xi32>
    %add3A_138 = arith.addi %add3A_133, %concatenate3A_137 : vector<2048x8xi32>
    %broadcast_in_dim3A_139 = arith.constant 0 : i32
    %broadcast_in_dim3A_140 = vector.broadcast %broadcast_in_dim3A_139 : i32 to vector<64x8xi32>
    %slice3A_141 = vector.extract_strided_slice %add3A_138 {offsets = [0, 0], sizes = [1984, 8], strides = [1, 1]} : vector<2048x8xi32> to vector<1984x8xi32>
    %concatenate3A_142 = tpu.concatenate %broadcast_in_dim3A_140, %slice3A_141 in 0 : vector<64x8xi32>, vector<1984x8xi32> -> vector<2048x8xi32>
    %add3A_143 = arith.addi %add3A_138, %concatenate3A_142 : vector<2048x8xi32>
    %broadcast_in_dim3A_144 = arith.constant 0 : i32
    %broadcast_in_dim3A_145 = vector.broadcast %broadcast_in_dim3A_144 : i32 to vector<128x8xi32>
    %slice3A_146 = vector.extract_strided_slice %add3A_143 {offsets = [0, 0], sizes = [1920, 8], strides = [1, 1]} : vector<2048x8xi32> to vector<1920x8xi32>
    %concatenate3A_147 = tpu.concatenate %broadcast_in_dim3A_145, %slice3A_146 in 0 : vector<128x8xi32>, vector<1920x8xi32> -> vector<2048x8xi32>
    %add3A_148 = arith.addi %add3A_143, %concatenate3A_147 : vector<2048x8xi32>
    %broadcast_in_dim3A_149 = arith.constant 0 : i32
    %broadcast_in_dim3A_150 = vector.broadcast %broadcast_in_dim3A_149 : i32 to vector<256x8xi32>
    %slice3A_151 = vector.extract_strided_slice %add3A_148 {offsets = [0, 0], sizes = [1792, 8], strides = [1, 1]} : vector<2048x8xi32> to vector<1792x8xi32>
    %concatenate3A_152 = tpu.concatenate %broadcast_in_dim3A_150, %slice3A_151 in 0 : vector<256x8xi32>, vector<1792x8xi32> -> vector<2048x8xi32>
    %add3A_153 = arith.addi %add3A_148, %concatenate3A_152 : vector<2048x8xi32>
    %broadcast_in_dim3A_154 = arith.constant 0 : i32
    %broadcast_in_dim3A_155 = vector.broadcast %broadcast_in_dim3A_154 : i32 to vector<512x8xi32>
    %slice3A_156 = vector.extract_strided_slice %add3A_153 {offsets = [0, 0], sizes = [1536, 8], strides = [1, 1]} : vector<2048x8xi32> to vector<1536x8xi32>
    %concatenate3A_157 = tpu.concatenate %broadcast_in_dim3A_155, %slice3A_156 in 0 : vector<512x8xi32>, vector<1536x8xi32> -> vector<2048x8xi32>
    %add3A_158 = arith.addi %add3A_153, %concatenate3A_157 : vector<2048x8xi32>
    %broadcast_in_dim3A_159 = arith.constant 0 : i32
    %broadcast_in_dim3A_160 = vector.broadcast %broadcast_in_dim3A_159 : i32 to vector<1024x8xi32>
    %slice3A_161 = vector.extract_strided_slice %add3A_158 {offsets = [0, 0], sizes = [1024, 8], strides = [1, 1]} : vector<2048x8xi32> to vector<1024x8xi32>
    %concatenate3A_162 = tpu.concatenate %broadcast_in_dim3A_160, %slice3A_161 in 0 : vector<1024x8xi32>, vector<1024x8xi32> -> vector<2048x8xi32>
    %add3A_163 = arith.addi %add3A_158, %concatenate3A_162 : vector<2048x8xi32>
    %sub3A_164 = arith.subi %add3A_163, %convert_element_type3A_110 : vector<2048x8xi32>
    %slice3A_165 = vector.extract_strided_slice %add3A_163 {offsets = [2047, 0], sizes = [1, 8], strides = [1, 1]} : vector<2048x8xi32> to vector<1x8xi32>
    %add3A_166 = arith.constant 255 : i32
    %add3A_167 = vector.broadcast %add3A_166 : i32 to vector<1x8xi32>
    %add3A_168 = arith.addi %slice3A_165, %add3A_167 : vector<1x8xi32>
    %jit3A_169 = arith.constant 256 : i32
    %div3A_170 = vector.broadcast %jit3A_169 : i32 to vector<1x8xi32>
    %div3A_171 = arith.divsi %add3A_168, %div3A_170 : vector<1x8xi32>
    %sign3A = arith.constant 0 : i32
    %sign3A_172 = vector.broadcast %sign3A : i32 to vector<1x8xi32>
    %sign3A_173 = arith.cmpi sgt, %add3A_168, %sign3A_172 : vector<1x8xi32>
    %sign3A_174 = arith.extui %sign3A_173 : vector<1x8xi1> to vector<1x8xi32>
    %sign3A_175 = arith.constant 0 : i32
    %sign3A_176 = vector.broadcast %sign3A_175 : i32 to vector<1x8xi32>
    %sign3A_177 = arith.cmpi slt, %add3A_168, %sign3A_176 : vector<1x8xi32>
    %sign3A_178 = arith.extui %sign3A_177 : vector<1x8xi1> to vector<1x8xi32>
    %sign3A_179 = arith.subi %sign3A_174, %sign3A_178 : vector<1x8xi32>
    %sign3A_180 = arith.constant 0 : i32
    %sign3A_181 = arith.cmpi sgt, %jit3A_169, %sign3A_180 : i32
    %sign3A_182 = arith.extui %sign3A_181 : i1 to i32
    %sign3A_183 = arith.constant 0 : i32
    %sign3A_184 = arith.cmpi slt, %jit3A_169, %sign3A_183 : i32
    %sign3A_185 = arith.extui %sign3A_184 : i1 to i32
    %sign3A_186 = arith.subi %sign3A_182, %sign3A_185 : i32
    %ne3A = vector.broadcast %sign3A_186 : i32 to vector<1x8xi32>
    %ne3A_187 = arith.cmpi ne, %sign3A_179, %ne3A : vector<1x8xi32>
    %rem3A = vector.broadcast %jit3A_169 : i32 to vector<1x8xi32>
    %rem3A_188 = arith.remsi %add3A_168, %rem3A : vector<1x8xi32>
    %ne3A_189 = arith.constant 0 : i32
    %ne3A_190 = vector.broadcast %ne3A_189 : i32 to vector<1x8xi32>
    %ne3A_191 = arith.cmpi ne, %rem3A_188, %ne3A_190 : vector<1x8xi32>
    %and3A = arith.andi %ne3A_187, %ne3A_191 : vector<1x8xi1>
    %sub3A_192 = arith.constant 1 : i32
    %sub3A_193 = vector.broadcast %sub3A_192 : i32 to vector<1x8xi32>
    %sub3A_194 = arith.subi %div3A_171, %sub3A_193 : vector<1x8xi32>
    %select_n3A_195 = arith.select %and3A, %sub3A_194, %div3A_171 : vector<1x8xi1>, vector<1x8xi32>
    %iota3A_196 = tpu.iota {dimensions = array<i32: 0>} : vector<8x8xi32>
    %iota3A_197 = tpu.iota {dimensions = array<i32: 1>} : vector<8x8xi32>
    %lt3A = arith.cmpi slt, %iota3A_197, %iota3A_196 : vector<8x8xi32>
    %broadcast_in_dim3A_198 = vector.shape_cast %select_n3A_195 : vector<1x8xi32> to vector<1x8xi32>
    %broadcast_in_dim3A_199 = vector.broadcast %broadcast_in_dim3A_198 : vector<1x8xi32> to vector<8x8xi32>
    %jit3A_200 = arith.constant 0 : i32
    %broadcast_in_dim3A_201 = vector.broadcast %jit3A_200 : i32 to vector<8x8xi32>
    %select_n3A_202 = arith.select %lt3A, %broadcast_in_dim3A_199, %broadcast_in_dim3A_201 : vector<8x8xi1>, vector<8x8xi32>
    %reduce_sum3A_203 = arith.constant dense<0> : vector<8xi32>
    %reduce_sum3A_204 = vector.multi_reduction <add>, %select_n3A_202, %reduce_sum3A_203 [1] : vector<8x8xi32> to vector<8xi32>
    %broadcast_in_dim3A_205 = vector.shape_cast %reduce_sum3A_204 : vector<8xi32> to vector<1x8xi32>
    %reduce_sum3A_206 = vector.shape_cast %select_n3A_195 : vector<1x8xi32> to vector<1x1x8xi32>
    %reduce_sum3A_207 = arith.constant dense<0> : vector<1xi32>
    %reduce_sum3A_208 = vector.multi_reduction <add>, %reduce_sum3A_206, %reduce_sum3A_207 [1, 2] : vector<1x1x8xi32> to vector<1xi32>
    %reduce_sum3A_209 = vector.shape_cast %reduce_sum3A_208 : vector<1xi32> to vector<1x1x1xi32>
    %reduce_sum3A_210 = vector.extract %reduce_sum3A_209[0, 0, 0] : i32 from vector<1x1x1xi32>
    %mul3A_211 = arith.constant 256 : i32
    %mul3A_212 = vector.broadcast %mul3A_211 : i32 to vector<1x8xi32>
    %mul3A_213 = arith.muli %broadcast_in_dim3A_205, %mul3A_212 : vector<1x8xi32>
    %eq3A_214 = vector.broadcast %broadcast_in_dim3A_10 : vector<2048x1xi32> to vector<2048x8xi32>
    %eq3A_215 = arith.cmpi eq, %iota3A, %eq3A_214 : vector<2048x8xi32>
    %convert_element_type3A_216 = arith.extui %eq3A_215 : vector<2048x8xi1> to vector<2048x8xi32>
    %add3A_217 = vector.broadcast %mul3A_213 : vector<1x8xi32> to vector<2048x8xi32>
    %add3A_218 = arith.addi %sub3A_164, %add3A_217 : vector<2048x8xi32>
    %mul3A_219 = arith.muli %convert_element_type3A_216, %add3A_218 : vector<2048x8xi32>
    %reduce_sum3A_220 = arith.constant dense<0> : vector<2048xi32>
    %reduce_sum3A_221 = vector.multi_reduction <add>, %mul3A_219, %reduce_sum3A_220 [1] : vector<2048x8xi32> to vector<2048xi32>
    %broadcast_in_dim3A_222 = vector.shape_cast %reduce_sum3A_221 : vector<2048xi32> to vector<2048x1xi32>
    %reshape3A_223 = vector.shape_cast %broadcast_in_dim3A_222 : vector<2048x1xi32> to vector<32x64xi32>
    %swap3A_224 = arith.constant 0 : index
    %swap3A_225 = arith.constant 0 : index
    %swap3A_226 = arith.constant 0 : index
    %swap3A_227 = vector.load %arg3[%swap3A_224, %swap3A_225, %swap3A_226] : memref<32x2x64xi32, #tpu.memory_space<vmem>>, vector<32x1x64xi32>
    %swap3A_228 = vector.shape_cast %swap3A_227 : vector<32x1x64xi32> to vector<32x64xi32>
    %swap3A_229 = vector.shape_cast %reshape3A_223 : vector<32x64xi32> to vector<32x1x64xi32>
    tpu.vector_store %arg3[%swap3A_224, %swap3A_225, %swap3A_226], %swap3A_229 {strides = array<i32>} : memref<32x2x64xi32, #tpu.memory_space<vmem>>, vector<32x1x64xi32>,
    %eq3A_230 = vector.broadcast %broadcast_in_dim3A_26 : vector<2048x1xi32> to vector<2048x8xi32>
    %eq3A_231 = arith.cmpi eq, %iota3A, %eq3A_230 : vector<2048x8xi32>
    %convert_element_type3A_232 = arith.extui %eq3A_231 : vector<2048x8xi1> to vector<2048x8xi32>
    %add3A_233 = vector.broadcast %mul3A_213 : vector<1x8xi32> to vector<2048x8xi32>
    %add3A_234 = arith.addi %sub3A_164, %add3A_233 : vector<2048x8xi32>
    %mul3A_235 = arith.muli %convert_element_type3A_232, %add3A_234 : vector<2048x8xi32>
    %reduce_sum3A_236 = arith.constant dense<0> : vector<2048xi32>
    %reduce_sum3A_237 = vector.multi_reduction <add>, %mul3A_235, %reduce_sum3A_236 [1] : vector<2048x8xi32> to vector<2048xi32>
    %broadcast_in_dim3A_238 = vector.shape_cast %reduce_sum3A_237 : vector<2048xi32> to vector<2048x1xi32>
    %reshape3A_239 = vector.shape_cast %broadcast_in_dim3A_238 : vector<2048x1xi32> to vector<32x64xi32>
    %swap3A_240 = arith.constant 0 : index
    %swap3A_241 = arith.constant 1 : index
    %swap3A_242 = arith.constant 0 : index
    %swap3A_243 = vector.load %arg3[%swap3A_240, %swap3A_241, %swap3A_242] : memref<32x2x64xi32, #tpu.memory_space<vmem>>, vector<32x1x64xi32>
    %swap3A_244 = vector.shape_cast %swap3A_243 : vector<32x1x64xi32> to vector<32x64xi32>
    %swap3A_245 = vector.shape_cast %reshape3A_239 : vector<32x64xi32> to vector<32x1x64xi32>
    tpu.vector_store %arg3[%swap3A_240, %swap3A_241, %swap3A_242], %swap3A_245 {strides = array<i32>} : memref<32x2x64xi32, #tpu.memory_space<vmem>>, vector<32x1x64xi32>,
    %broadcast_in_dim3A_246 = arith.constant 1.000000e+00 : f32
    %broadcast_in_dim3A_247 = vector.broadcast %broadcast_in_dim3A_246 : f32 to vector<1x128xf32>
    %mul3A_248 = vector.broadcast %div3A_30 : vector<2048x1xf32> to vector<2048x128xf32>
    %mul3A_249 = vector.broadcast %broadcast_in_dim3A_247 : vector<1x128xf32> to vector<2048x128xf32>
    %mul3A_250 = arith.mulf %mul3A_248, %mul3A_249 : vector<2048x128xf32>
    %reshape3A_251 = vector.shape_cast %mul3A_250 : vector<2048x128xf32> to vector<32x64x128xf32>
    %swap3A_252 = arith.constant 0 : index
    %swap3A_253 = arith.constant 0 : index
    %swap3A_254 = arith.constant 0 : index
    %swap3A_255 = arith.constant 0 : index
    %swap3A_256 = vector.load %arg4[%swap3A_252, %swap3A_253, %swap3A_254, %swap3A_255] : memref<32x2x64x128xf32, #tpu.memory_space<vmem>>, vector<32x1x64x128xf32>
    %swap3A_257 = vector.shape_cast %swap3A_256 : vector<32x1x64x128xf32> to vector<32x64x128xf32>
    %swap3A_258 = vector.shape_cast %reshape3A_251 : vector<32x64x128xf32> to vector<32x1x64x128xf32>
    tpu.vector_store %arg4[%swap3A_252, %swap3A_253, %swap3A_254, %swap3A_255], %swap3A_258 {strides = array<i32>} : memref<32x2x64x128xf32, #tpu.memory_space<vmem>>, vector<32x1x64x128xf32>,
    %mul3A_259 = vector.broadcast %div3A_31 : vector<2048x1xf32> to vector<2048x128xf32>
    %mul3A_260 = vector.broadcast %broadcast_in_dim3A_247 : vector<1x128xf32> to vector<2048x128xf32>
    %mul3A_261 = arith.mulf %mul3A_259, %mul3A_260 : vector<2048x128xf32>
    %reshape3A_262 = vector.shape_cast %mul3A_261 : vector<2048x128xf32> to vector<32x64x128xf32>
    %swap3A_263 = arith.constant 0 : index
    %swap3A_264 = arith.constant 1 : index
    %swap3A_265 = arith.constant 0 : index
    %swap3A_266 = arith.constant 0 : index
    %swap3A_267 = vector.load %arg4[%swap3A_263, %swap3A_264, %swap3A_265, %swap3A_266] : memref<32x2x64x128xf32, #tpu.memory_space<vmem>>, vector<32x1x64x128xf32>
    %swap3A_268 = vector.shape_cast %swap3A_267 : vector<32x1x64x128xf32> to vector<32x64x128xf32>
    %swap3A_269 = vector.shape_cast %reshape3A_262 : vector<32x64x128xf32> to vector<32x1x64x128xf32>
    tpu.vector_store %arg4[%swap3A_263, %swap3A_264, %swap3A_265, %swap3A_266], %swap3A_269 {strides = array<i32>} : memref<32x2x64x128xf32, #tpu.memory_space<vmem>>, vector<32x1x64x128xf32>,
    %iota3A_270 = tpu.iota {dimensions = array<i32: 0>} : vector<64x8xi32>
    %broadcast_in_dim3A_271 = vector.shape_cast %broadcast_in_dim3A_205 : vector<1x8xi32> to vector<1x8xi32>
    %broadcast_in_dim3A_272 = vector.broadcast %broadcast_in_dim3A_271 : vector<1x8xi32> to vector<64x8xi32>
    %ge3A = arith.cmpi sge, %iota3A_270, %broadcast_in_dim3A_272 : vector<64x8xi32>
    %convert_element_type3A_273 = arith.extui %ge3A : vector<64x8xi1> to vector<64x8xi32>
    %reduce_sum3A_274 = arith.constant dense<0> : vector<64xi32>
    %reduce_sum3A_275 = vector.multi_reduction <add>, %convert_element_type3A_273, %reduce_sum3A_274 [1] : vector<64x8xi32> to vector<64xi32>
    %broadcast_in_dim3A_276 = vector.shape_cast %reduce_sum3A_275 : vector<64xi32> to vector<64x1xi32>
    %sub3A_277 = arith.constant 1 : i32
    %sub3A_278 = vector.broadcast %sub3A_277 : i32 to vector<64x1xi32>
    %sub3A_279 = arith.subi %broadcast_in_dim3A_276, %sub3A_278 : vector<64x1xi32>
    %iota3A_280 = tpu.iota {dimensions = array<i32: 0>} : vector<64x1xi32>
    %swap3A_281 = arith.constant 0 : index
    %swap3A_282 = arith.constant 0 : index
    %swap3A_283 = vector.load %arg5[%swap3A_281, %swap3A_282] : memref<64x4xi32, #tpu.memory_space<vmem>>, vector<64x1xi32>
    tpu.vector_store %arg5[%swap3A_281, %swap3A_282], %sub3A_279 {strides = array<i32>} : memref<64x4xi32, #tpu.memory_space<vmem>>, vector<64x1xi32>,
    %sub3A_284 = arith.constant 1 : i32
    %sub3A_285 = arith.subi %reduce_sum3A_210, %sub3A_284 : i32
    %min3A = vector.broadcast %sub3A_285 : i32 to vector<64x1xi32>
    %min3A_286 = arith.minsi %iota3A_280, %min3A : vector<64x1xi32>
    %swap3A_287 = arith.constant 0 : index
    %swap3A_288 = arith.constant 1 : index
    %swap3A_289 = vector.load %arg5[%swap3A_287, %swap3A_288] : memref<64x4xi32, #tpu.memory_space<vmem>>, vector<64x1xi32>
    tpu.vector_store %arg5[%swap3A_287, %swap3A_288], %min3A_286 {strides = array<i32>} : memref<64x4xi32, #tpu.memory_space<vmem>>, vector<64x1xi32>,
    %broadcast_in_dim3A_290 = arith.constant 0 : i32
    %broadcast_in_dim3A_291 = vector.broadcast %broadcast_in_dim3A_290 : i32 to vector<64x1xi32>
    %add3A_292 = vector.broadcast %reduce_sum3A_210 : i32 to vector<64x1xi32>
    %add3A_293 = arith.addi %broadcast_in_dim3A_291, %add3A_292 : vector<64x1xi32>
    %swap3A_294 = arith.constant 0 : index
    %swap3A_295 = arith.constant 2 : index
    %swap3A_296 = vector.load %arg5[%swap3A_294, %swap3A_295] : memref<64x4xi32, #tpu.memory_space<vmem>>, vector<64x1xi32>
    tpu.vector_store %arg5[%swap3A_294, %swap3A_295], %add3A_293 {strides = array<i32>} : memref<64x4xi32, #tpu.memory_space<vmem>>, vector<64x1xi32>,
    return
  }
}

</mosaic_0001>

<sc_bundles>
// kernel: _run.6.cloned.1.call-start
scs
__scs_entry_jumppad:
0x0: {  	(pc) =	sbr.rel $0x88, $3  }
0x1: {  	(tag) =	ssettag $0x0;
	lr =	simm.s32 $0x1  }
0x2: {  	[smem:$0x3F9D] =	sst lr;
	_ =	strace $0xD0000000  }
0x3: {  	_ = 	snop  }
0x4: {  	_ = 	snop  }
0x5: {  	_ = 	snop  }
0x6: {  	_ = 	snop  }
0x7: {  	_ = 	snop  }
__scs_overlays_trampoline_lowered:
0x8: {  	[smem:$0x3FAC] =	sst s0  }
0x9: {  	[smem:$0x3FAD] =	sst s1  }
0xa: {  	[smem:$0x3FAE] =	sst s2  }
0xb: {  	[smem:$0x3FAF] =	sst s3  }
0xc: {  	[smem:$0x3FB0] =	sst s4  }
0xd: {  	[smem:$0x3FB1] =	sst s5  }
0xe: {  	[smem:$0x3FB2] =	sst s6  }
0xf: {  	[smem:$0x3FB3] =	sst s7  }
0x10: {  	[smem:$0x3FB4] =	sst s8  }
0x11: {  	[smem:$0x3FB5] =	sst s9;
	s0 =	simm.s32 @!p0 $0x0  }
0x12: {  	s1 =	sld [smem:$0x3F9B];
	s0 =	simm.s32 @p0 $0x1  }
0x13: {  	[smem:$0x3FB6] =	sst s0;
	s0 =	simm.s32 @!p1 $0x0  }
0x14: {  	s2 =	sld [smem:$0x3F9A];
	s0 =	simm.s32 @p1 $0x1  }
0x15: {  	[smem:$0x3FB7] =	sst s0;
	s0 =	simm.s32 @!p2 $0x0  }
0x16: {  	s3 =	sld [smem:$0x3FDB];
	s0 =	simm.s32 @p2 $0x1  }
0x17: {  	s4 =	simm.s32 $0x1BF5;
	[smem:$0x3FB9] =	sst s0  }
0x18: {  	s0 =	sld [smem:$0x3F9C];
	_ =	swait.ge [sflag:s4], $0x0  }
0x19: {  	s7 =	sld [smem:$0x3F9D]  }
0x1a: {  	s8 =	sadd.s32 $0xFFFFE003, lr  }
0x1b: {  	s9 =	sadd.s32 $0xFFFFFEF7, lr;
	s5 =	simm.s32 $0xFFFFFFFF;
	p2 =	slt.u32 s8, $0xFFFFF086  }
0x1c: {  	p1 =	slt.u32 s9, $0xF7A;
	s5 =	simm.s32 @!p2 $0x0  }
0x1d: {  	s5 =	simm.s32 @p1 $0x1;
	p0 =	seq.s32 s7, s2  }
0x1e: {  	s7 =	smul.u32 @!p0 $0xF7A, s2;
	p2 =	seq.s32 @!p0 s5, $0x0  }
0x1f: {  	s9 =	smul.u32 $0xF7A, s1;
	s8 =	simm.s32 @!p0 $0x1BF5;
	p2 =	por !p2, p0  }
0x20: {  	[sflag:s8] =	ssyncset.s32 @!p0 $0xFFFFF086;
	s6 =	sadd.s32 @!p0 s3, s7;
	s7 =	simm.s32 @!p0 $0x108  }
0x21: {  	s3 =	sadd.s32 s3, s9;
	s6 =	sadd.s32 @!p0 $0x88, s6;
	s7 =	simm.s32 @p2 $0x1082  }
0x22: {  	[simem:s7], [sflag:s8] =	dma.local @!p0 [hbm:s6], $0xF7A  }
0x23: {  	s9 =	sor.u32 $0xD0000000, s2;
	s6 =	simm.s32 $0x108;
	_ =	swait.ge @!p0 [sflag:s8], $0x0  }
0x24: {  	s3 =	sadd.s32 $0x88, s3;
	s6 =	simm.s32 @!p1 $0x1082;
	[sflag:s4] =	ssyncset.s32 $0xFFFFF086  }
0x25: {  	[simem:s6], [sflag:s4] =	dma.local [hbm:s3], $0xF7A  }
0x26: {  	[smem:$0x3F9D] =	sst s1;
	(tag) =	ssettag s2;
	_ =	strace s9  }
0x27: {  	s1 =	sld [smem:$0x3FAD]  }
0x28: {  	s2 =	sld [smem:$0x3FAE]  }
0x29: {  	s4 =	sld [smem:$0x3FB0]  }
0x2a: {  	p0 =	seq.s32 s5, $0x0;
	s5 =	sld [smem:$0x3FB1]  }
0x2b: {  	s6 =	sld [smem:$0x3FB2]  }
0x2c: {  	s7 =	sld [smem:$0x3FB3]  }
0x2d: {  	s3 =	simm.s32 $0x108;
	s8 =	sld [smem:$0x3FB4]  }
0x2e: {  	s3 =	simm.s32 @!p0 $0x1082;
	s9 =	sld [smem:$0x3FB5]  }
0x2f: {  	lr =	sadd.s32 s0, s3;
	s0 =	sld [smem:$0x3FAC]  }
0x30: {  	s3 =	sld [smem:$0x3FAF]  }
0x31: {  	[smem:$0x3FB8] =	sst s10  }
0x32: {  	s10 =	sld [smem:$0x3FB6];
	_ =	sdelay $0x3  }
0x33: {  	p0 =	seq.s32 s10, $0x1;
	s10 =	sld [smem:$0x3FB8];
	_ =	sdelay $0x3  }
0x34: {  	[smem:$0x3FB8] =	sst s10  }
0x35: {  	s10 =	sld [smem:$0x3FB7];
	_ =	sdelay $0x3  }
0x36: {  	p1 =	seq.s32 s10, $0x1;
	s10 =	sld [smem:$0x3FB8];
	_ =	sdelay $0x3  }
0x37: {  	[smem:$0x3FB8] =	sst s10  }
0x38: {  	s10 =	sld [smem:$0x3FB9]  }
0x39: {  	_ = 	snop;
	(pc) =	sbr.ind lr, $3  }
0x3a: {  	_ = 	snop  }
0x3b: {  	_ = 	snop  }
0x3c: {  	p2 =	seq.s32 s10, $0x1;
	s10 =	sld [smem:$0x3FB8]  }
0x3d: {  	_ =	shalt  }
0x3e: {  	_ =	shalt  }
0x3f: {  	_ =	shalt  }
0x40: {  	_ =	shalt  }
0x41: {  	_ =	shalt  }
0x42: {  	_ =	shalt  }
0x43: {  	_ =	shalt  }
0x44: {  	_ =	shalt  }
0x45: {  	_ =	shalt  }
0x46: {  	_ =	shalt  }
0x47: {  	_ =	shalt  }
0x48: {  	_ =	shalt  }
0x49: {  	_ =	shalt  }
0x4a: {  	_ =	shalt  }
0x4b: {  	_ =	shalt  }
0x4c: {  	_ =	shalt  }
0x4d: {  	_ =	shalt  }
0x4e: {  	_ =	shalt  }
0x4f: {  	_ =	shalt  }
0x50: {  	_ =	shalt  }
0x51: {  	_ =	shalt  }
0x52: {  	_ =	shalt  }
0x53: {  	_ =	shalt  }
0x54: {  	_ =	shalt  }
0x55: {  	_ =	shalt  }
0x56: {  	_ =	shalt  }
0x57: {  	_ =	shalt  }
0x58: {  	_ =	shalt  }
0x59: {  	_ =	shalt  }
0x5a: {  	_ =	shalt  }
0x5b: {  	_ =	shalt  }
0x5c: {  	_ =	shalt  }
0x5d: {  	_ =	shalt  }
0x5e: {  	_ =	shalt  }
0x5f: {  	_ =	shalt  }
0x60: {  	_ =	shalt  }
0x61: {  	_ =	shalt  }
0x62: {  	_ =	shalt  }
0x63: {  	_ =	shalt  }
0x64: {  	_ =	shalt  }
0x65: {  	_ =	shalt  }
0x66: {  	_ =	shalt  }
0x67: {  	_ =	shalt  }
0x68: {  	_ =	shalt  }
0x69: {  	_ =	shalt  }
0x6a: {  	_ =	shalt  }
0x6b: {  	_ =	shalt  }
0x6c: {  	_ =	shalt  }
0x6d: {  	_ =	shalt  }
0x6e: {  	_ =	shalt  }
0x6f: {  	_ =	shalt  }
0x70: {  	_ =	shalt  }
0x71: {  	_ =	shalt  }
0x72: {  	_ =	shalt  }
0x73: {  	_ =	shalt  }
0x74: {  	_ =	shalt  }
0x75: {  	_ =	shalt  }
0x76: {  	_ =	shalt  }
0x77: {  	_ =	shalt  }
0x78: {  	_ =	shalt  }
0x79: {  	_ =	shalt  }
0x7a: {  	_ =	shalt  }
0x7b: {  	_ =	shalt  }
0x7c: {  	_ =	shalt  }
0x7d: {  	_ =	shalt  }
0x7e: {  	_ =	shalt  }
0x7f: {  	_ =	shalt  }
0x80: {  	_ =	shalt  }
0x81: {  	_ =	shalt  }
0x82: {  	_ =	shalt  }
0x83: {  	_ =	shalt  }
0x84: {  	_ =	shalt  }
0x85: {  	_ =	shalt  }
0x86: {  	_ =	shalt  }
0x87: {  	_ =	shalt  }
.Lfunc_end0:
.L_simem_size_0:
called_computation_lowered:
.L_overlay_start_0:
0x88: {  	s2 =	sld [smem:$0x3FD9]  }
0x89: {  	s3 =	sld [smem:$0x3FFE];
	_ =	sdelay $0x1  }
0x8a: {  	s1 =	srdreg.scid  }
0x8b: {  	s0 =	sand.u32 $0x1, s1  }
0x8c: {  	s14 =	sshll.u32 s0, $0xA;
	s2 =	sadd.s32 s3, s2  }
0x8d: {  	s2 =	sadd.s32 s2, s14  }
0x8e: {  	[smem:$0x3FC4] =	sst s2  }
0x8f: {  	_ = 	snop  }
0x90: {  	s2 =	sld [smem:$0x3FD0];
	_ =	sdelay $0x2  }
0x91: {  	s4 =	simm.s32 $0xA;
	s5 =	simm.s32 $0x10;
	s15 =	sld [smem:$0x3FC9]  }
0x92: {  	[smem:s5], [sflag:s4] =	dma.local [hbm:s2], $0x1  }
0x93: {  	_ =	swait.eq [sflag:s4], $0x1  }
0x94: {  	[sflag:s4] =	ssyncset.done $0x0  }
0x95: {  	[sflag:s4] =	ssyncadd.s32 $0xFFFFFFFF  }
0x96: {  	s16 =	sld [smem:$0x10];
	(tm) =	ssettm $0x1  }
0x97: {  	s17 =	sld [smem:$0x3FFB];
	_ =	sdelay $0x3  }
0x98: {  	_ =	strace s17  }
0x99: {  	s4 =	sld [smem:$0x3FFC];
	_ =	sdelay $0x3  }
0x9a: {  	_ =	strace s4  }
0x9b: {  	s4 =	sld [smem:$0x3FFD];
	_ =	sdelay $0x3  }
0x9c: {  	_ =	strace s4  }
0x9d: {  	_ =	strace $0x8FFFFFFF  }
0x9e: {  	s18 =	sld [smem:$0x3FDB];
	_ =	sdelay $0x1  }
0x9f: {  	s19 =	simm.s32 $_scs_section_size  }
0xa0: {  	s6 =	simm.s32 $_size__tile_overlayer_lowered;
	s7 =	simm.s32 $_tile_overlayer_lowered  }
0xa1: {  	s22 =	simm.s32 $0x1BFF;
	s21 =	sshll.u32 s7, $0x1;
	s4 =	sadd.s32 s19, s18  }
0xa2: {  	s8 =	simm.s32 $0x0;
	s20 =	sshll.u32 s6, $0x1;
	s6 =	sadd.s32 s21, s4  }
0xa3: {  	[timem:s8], [sflag:s22] =	dma.local [hbm:s6], s20  }
0xa4: {  	_ =	swait.ge [sflag:s22], s20  }
0xa5: {  	s5 =	ssub.s32 $0x0, s20;
	[sflag:s22] =	ssyncset.done $0x0  }
0xa6: {  	[sflag:s22] =	ssyncadd.s32 s5;
	_ =	sdelay $0x1  }
0xa7: {  	s23 =	simm.s32 $0x1B8B  }
0xa8: {  	_ =	swait.ge [sflag:s23], $0x1  }
0xa9: {  	[sflag:s23] =	ssyncset.done $0x0  }
0xaa: {  	s25 =	simm.s32 $0x1B8E;
	s24 =	sld [smem:$0x3FFE];
	[sflag:s23] =	ssyncadd.s32 $0xFFFFFFFF  }
0xab: {  	s26 =	simm.s32 $execute0_lowered;
	[smem:$0x3FD2] =	sst s25  }
0xac: {  	s6 =	sshll.u32 s26, $0x1;
	_ =	strace $0x80000046;
	[dreg:$0x1] =	wrdreg $0xFFFFFFFF  }
0xad: {  	s28 =	simm.s32 $_size_execute0_lowered;
	s4 =	sadd.s32 s4, s6;
	[dreg:$0x0] =	wrdreg $0x0  }
0xae: {  	s6 =	sshll.u32 s28, $0x1;
	[dreg:$0x2] =	wrdreg s4  }
0xaf: {  	[dreg:$0x3] =	wrdreg s6  }
0xb0: {  	[dreg:$0x4] =	wrdreg $0xC0  }
0xb1: {  	_ =	task [dreg:s8], $0x5FFFF  }
0xb2: {  	[dreg:$0x1] =	wrdreg $0xFFFFFFFF  }
0xb3: {  	[dreg:$0x0] =	wrdreg $0x60  }
0xb4: {  	[dreg:$0x2] =	wrdreg s15  }
0xb5: {  	[dreg:$0x3] =	wrdreg s24  }
0xb6: {  	[dreg:$0x4] =	wrdreg s16  }
0xb7: {  	[dreg:$0x5] =	wrdreg $0x9  }
0xb8: {  	_ =	task.clear_ibuf [dreg:s8], $0x6FFFF;
	_ =	strace $0x90000046  }
0xb9: {  	s29 =	simm.s32 $0x9;
	_ =	strace $0x80000048  }
0xba: {  	_ =	swait.ge [sflag:s29], $0x1  }
0xbb: {  	[sflag:s29] =	ssyncadd.s32 $0xFFFFFFFF  }
0xbc: {  	_ =	strace $0x90000048  }
0xbd: {  	_ =	sfence  }
0xbe: {  	s30 =	sld [smem:$0x0];
	_ =	sdelay $0x2  }
0xbf: {  	s31 =	sshll.u32 s1, $0xD;
	s1 =	sshrl.u32 s1, $0x2  }
0xc0: {  	s3 =	sand.u32 $0x4000, s31;
	s1 =	sadd.s32 s1, s30  }
0xc1: {  	s0 =	sor.u32 s3, s0;
	s1 =	sshll.u32 s1, $0x11  }
0xc2: {  	s0 =	sor.u32 s1, s0  }
0xc3: {  	s0 =	sadd.s32 $0x8F2B, s0  }
0xc4: {  	[sflag:s0] =	ssyncadd.remote.s32 $0x1  }
0xc5: {  	_ =	sfence.sel $0xFFFF  }
0xc6: {  	[dreg:$0x0] =	wrdreg $0xFFFFFFFF;
	(pc) =	sbr.abs _section_cstart, $3  }
0xc7: {  	[dreg:$0x1] =	wrdreg $0xFFFFFFFF  }
0xc8: {  	_ =	task.clear_ibuf [dreg:s8], $0x2FFFF;
	_ =	strace $0x9FFFFFFF  }
0xc9: {  	(tm) =	ssettm $0x7FFFFFFF  }
tec
execute0_lowered:
.L_overlay_start_1:
0x0: {  	(tag) =	ssettag $0x1  }
0x1: {  	s0 =	rddreg [dreg:$0x0]  }
0x2: {  	s1 =	rddreg [dreg:$0x1]  }
0x3: {  	s2 =	srdreg.scid;
	s4 =	stileid.u32  }
0x4: {  	s3 =	simm.s32 $0x0;
	s9 =	simm.s32 $0x5;
	s25 =	simm.s32 $0x10080  }
0x5: {  	s26 =	simm.s32 $0x12100;
	s30 =	simm.s32 $0x2000;
	s31 =	simm.s32 $0x2800  }
0x6: {  	s10 =	simm.s32 $0x4800;
	s11 =	simm.s32 $0x5000;
	s12 =	simm.s32 $0x5800  }
0x7: {  	s13 =	simm.s32 $0x6000;
	s14 =	simm.s32 $0x6800;
	s15 =	simm.s32 $0x7000  }
0x8: {  	s16 =	simm.s32 $0x7800;
	s17 =	simm.s32 $0x8000;
	s18 =	simm.s32 $0x8800  }
0x9: {  	s19 =	simm.s32 $0x9000;
	s20 =	simm.s32 $0x9800;
	s21 =	simm.s32 $0xA000  }
0xa: {  	s28 =	simm.s32 $0xB800;
	s2 =	sand.u32 $0x1, s2;
	s4 =	sshll.u32 s4, $0x1  }
0xb: {  	s29 =	simm.s32 $0xC000;
	[smem:$0x7FF] =	sst s3;
	s4 =	sor.u32 s2, s4  }
0xc: {  	_ =	strace $0x80000047;
	s2 =	ssub.s32 $0x2, s2;
	[dreg:$0x7] =	wrdreg s25  }
0xd: {  	[dreg:$0x8] =	wrdreg s26;
	s5 =	sshll.u32 s4, $0x5;
	s6 =	sshll.u32 s4, $0xB  }
0xe: {  	s7 =	sshll.u32 s4, $0xD;
	s4 =	sadd.s32 $0x52000, s1;
	s22 =	sshrl.u32 s2, $0x1  }
0xf: {  	s5 =	sadd.s32 s5, s1;
	s6 =	sadd.s32 s6, s1;
	s0 =	sadd.s32 s0, s7  }
0x10: {  	s2 =	ssub.s32 s2, s22;
	s7 =	sadd.s32 $0x52300, s1;
	s22 =	simm.s32 $0xA800  }
0x11: {  	v2 =	vlaneseq.u32;
	[dreg:$0x4] =	wrdreg s0;
	s23 =	sadd.s32 $0x11C00, s5;
	s24 =	sadd.s32 $0x1C00, s6  }
0x12: {  	vm0 =	vmmov $0xffff;
	v1 =	vshrl.u32 v2, $0x3;
	s5 =	sadd.s32 $0x52100, s1;
	s6 =	sadd.s32 $0x52200, s1;
	[dreg:$0x5] =	wrdreg s23  }
0x13: {  	v0 =	vand.u32 $0x7, v2;
	v2 =	vor.u32 $0x8, v2;
	v1 =	vmul.u32 $0x8, v1;
	s8 =	smax.u32 s2, $0x1;
	[dreg:$0x6] =	wrdreg s24;
	s23 =	simm.s32 $0xB000  }
.LBB2_1:
0x14: {  	s24 =	rddreg [dreg:$0x4]  }
0x15: {  	[tilespmem:s3], [sflag:$0x5] =	stream.linear.gather [hbm4b:s24+s3], $0x10000, $0x38;
	[tilespmem:$0x14100] =	vst v63  }
0x16: {  	_ =	swait.ge [sflag:s9], $0x10000  }
0x17: {  	[sflag:s9] =	ssyncset.done $0x0  }
0x18: {  	s0 =	simm.s32 $0x10000;
	s26 =	rddreg [dreg:$0x5];
	[sflag:s9] =	ssyncadd.s32 $0xFFFF0000  }
0x19: {  	[tilespmem:s0], [sflag:$0x5] =	stream.linear.gather [hbm4b:s26+s3], $0x100, $0x38;
	[tilespmem:$0x14100] =	vst v63  }
0x1a: {  	_ =	swait.ge [sflag:s9], $0x100  }
0x1b: {  	[sflag:s9] =	ssyncset.done $0x0  }
0x1c: {  	s1 =	simm.s32 $0x10100;
	s0 =	rddreg [dreg:$0x6];
	[sflag:s9] =	ssyncadd.s32 $0xFFFFFF00  }
0x1d: {  	[tilespmem:s1], [sflag:$0x5] =	stream.linear.gather [hbm4b:s0+s3], $0x4000, $0x38;
	[tilespmem:$0x14100] =	vst v63  }
0x1e: {  	_ =	swait.ge [sflag:s9], $0x4000  }
0x1f: {  	[sflag:s9] =	ssyncset.done $0x0  }
0x20: {  	[sflag:s9] =	ssyncadd.s32 $0xFFFFC000  }
0x21: {  	v3 =	vld [tilespmem:$0x10000];
	_ =	sdelay $0x4  }
0x22: {  	v4 =	vshll.u32 v3, $0x3  }
0x23: {  	v3 =	vand.u32 $0x7, v3;
	v4 =	vand.u32 $0xFFFFFFC0, v4  }
0x24: {  	v3 =	vor.u32 v3, v4  }
0x25: {  	v4 =	vperm.xlane v3, v0;
	_ =	sdelay $0x1  }
0x26: {  	v4 =	vadd.s32 v1, v4;
	_ =	sdelay $0x4  }
0x27: {  	[hbm4b:s4+s3] =	stream.indirect_vreg.scatter [tilespmem:s3], [sflag:$0x1], $0x80, v4, vm0, $0xb8;
	[tilespmem:$0x14100] =	vst v63  }
0x28: {  	s24 =	simm.s32 $0x800;
	v3 =	vperm.xlane v3, v2  }
0x29: {  	[hbm4b:s5+s3] =	stream.indirect_vreg.scatter [tilespmem:s24], [sflag:$0x1], $0x80, v4, vm0, $0xb8;
	[tilespmem:$0x14100] =	vst v63  }
0x2a: {  	s25 =	simm.s32 $0x1000;
	v3 =	vadd.s32 v1, v3  }
0x2b: {  	[hbm4b:s6+s3] =	stream.indirect_vreg.scatter [tilespmem:s25], [sflag:$0x1], $0x80, v4, vm0, $0xb8;
	[tilespmem:$0x14100] =	vst v63  }
0x2c: {  	s26 =	simm.s32 $0x1800  }
0x2d: {  	[hbm4b:s7+s3] =	stream.indirect_vreg.scatter [tilespmem:s26], [sflag:$0x1], $0x80, v4, vm0, $0xb8;
	[tilespmem:$0x14100] =	vst v63  }
0x2e: {  	_ = 	snop  }
0x2f: {  	[hbm4b:s4+s3] =	stream.indirect_vreg.scatter [tilespmem:s30], [sflag:$0x1], $0x80, v3, vm0, $0xb8;
	[tilespmem:$0x14100] =	vst v63  }
0x30: {  	_ = 	snop  }
0x31: {  	[hbm4b:s5+s3] =	stream.indirect_vreg.scatter [tilespmem:s31], [sflag:$0x1], $0x80, v3, vm0, $0xb8;
	[tilespmem:$0x14100] =	vst v63  }
0x32: {  	s2 =	simm.s32 $0x3000  }
0x33: {  	[hbm4b:s6+s3] =	stream.indirect_vreg.scatter [tilespmem:s2], [sflag:$0x1], $0x80, v3, vm0, $0xb8;
	[tilespmem:$0x14100] =	vst v63  }
0x34: {  	s1 =	simm.s32 $0x3800  }
0x35: {  	[hbm4b:s7+s3] =	stream.indirect_vreg.scatter [tilespmem:s1], [sflag:$0x1], $0x80, v3, vm0, $0xb8;
	[tilespmem:$0x14100] =	vst v63  }
0x36: {  	v3 =	vld [tilespmem:$0x10010];
	_ =	sdelay $0x4  }
0x37: {  	v57 =	vshll.u32 v3, $0x3  }
0x38: {  	v3 =	vand.u32 $0x7, v3;
	v4 =	vand.u32 $0xFFFFFFC0, v57  }
0x39: {  	v3 =	vor.u32 v3, v4  }
0x3a: {  	v4 =	vperm.xlane v3, v0;
	_ =	sdelay $0x1  }
0x3b: {  	v4 =	vadd.s32 v1, v4;
	_ =	sdelay $0x3  }
0x3c: {  	s2 =	simm.s32 $0x4000  }
0x3d: {  	[hbm4b:s4+s3] =	stream.indirect_vreg.scatter [tilespmem:s2], [sflag:$0x1], $0x80, v4, vm0, $0xb8;
	[tilespmem:$0x14100] =	vst v63  }
0x3e: {  	v3 =	vperm.xlane v3, v2  }
0x3f: {  	[hbm4b:s5+s3] =	stream.indirect_vreg.scatter [tilespmem:s10], [sflag:$0x1], $0x80, v4, vm0, $0xb8;
	[tilespmem:$0x14100] =	vst v63  }
0x40: {  	v3 =	vadd.s32 v1, v3  }
0x41: {  	[hbm4b:s6+s3] =	stream.indirect_vreg.scatter [tilespmem:s11], [sflag:$0x1], $0x80, v4, vm0, $0xb8;
	[tilespmem:$0x14100] =	vst v63  }
0x42: {  	_ = 	snop  }
0x43: {  	[hbm4b:s7+s3] =	stream.indirect_vreg.scatter [tilespmem:s12], [sflag:$0x1], $0x80, v4, vm0, $0xb8;
	[tilespmem:$0x14100] =	vst v63  }
0x44: {  	_ = 	snop  }
0x45: {  	[hbm4b:s4+s3] =	stream.indirect_vreg.scatter [tilespmem:s13], [sflag:$0x1], $0x80, v3, vm0, $0xb8;
	[tilespmem:$0x14100] =	vst v63  }
0x46: {  	_ = 	snop  }
0x47: {  	[hbm4b:s5+s3] =	stream.indirect_vreg.scatter [tilespmem:s14], [sflag:$0x1], $0x80, v3, vm0, $0xb8;
	[tilespmem:$0x14100] =	vst v63  }
0x48: {  	_ = 	snop  }
0x49: {  	[hbm4b:s6+s3] =	stream.indirect_vreg.scatter [tilespmem:s15], [sflag:$0x1], $0x80, v3, vm0, $0xb8;
	[tilespmem:$0x14100] =	vst v63  }
0x4a: {  	_ = 	snop  }
0x4b: {  	[hbm4b:s7+s3] =	stream.indirect_vreg.scatter [tilespmem:s16], [sflag:$0x1], $0x80, v3, vm0, $0xb8;
	[tilespmem:$0x14100] =	vst v63  }
0x4c: {  	v3 =	vld [tilespmem:$0x10020];
	_ =	sdelay $0x4  }
0x4d: {  	v58 =	vshll.u32 v3, $0x3  }
0x4e: {  	v3 =	vand.u32 $0x7, v3;
	v4 =	vand.u32 $0xFFFFFFC0, v58  }
0x4f: {  	v3 =	vor.u32 v3, v4  }
0x50: {  	v4 =	vperm.xlane v3, v0;
	_ =	sdelay $0x1  }
0x51: {  	v4 =	vadd.s32 v1, v4;
	_ =	sdelay $0x4  }
0x52: {  	[hbm4b:s4+s3] =	stream.indirect_vreg.scatter [tilespmem:s17], [sflag:$0x1], $0x80, v4, vm0, $0xb8;
	[tilespmem:$0x14100] =	vst v63  }
0x53: {  	v3 =	vperm.xlane v3, v2  }
0x54: {  	[hbm4b:s5+s3] =	stream.indirect_vreg.scatter [tilespmem:s18], [sflag:$0x1], $0x80, v4, vm0, $0xb8;
	[tilespmem:$0x14100] =	vst v63  }
0x55: {  	v3 =	vadd.s32 v1, v3  }
0x56: {  	[hbm4b:s6+s3] =	stream.indirect_vreg.scatter [tilespmem:s19], [sflag:$0x1], $0x80, v4, vm0, $0xb8;
	[tilespmem:$0x14100] =	vst v63  }
0x57: {  	_ = 	snop  }
0x58: {  	[hbm4b:s7+s3] =	stream.indirect_vreg.scatter [tilespmem:s20], [sflag:$0x1], $0x80, v4, vm0, $0xb8;
	[tilespmem:$0x14100] =	vst v63  }
0x59: {  	_ = 	snop  }
0x5a: {  	[hbm4b:s4+s3] =	stream.indirect_vreg.scatter [tilespmem:s21], [sflag:$0x1], $0x80, v3, vm0, $0xb8;
	[tilespmem:$0x14100] =	vst v63  }
0x5b: {  	_ = 	snop  }
0x5c: {  	[hbm4b:s5+s3] =	stream.indirect_vreg.scatter [tilespmem:s22], [sflag:$0x1], $0x80, v3, vm0, $0xb8;
	[tilespmem:$0x14100] =	vst v63  }
0x5d: {  	_ = 	snop  }
0x5e: {  	[hbm4b:s6+s3] =	stream.indirect_vreg.scatter [tilespmem:s23], [sflag:$0x1], $0x80, v3, vm0, $0xb8;
	[tilespmem:$0x14100] =	vst v63  }
0x5f: {  	_ = 	snop  }
0x60: {  	[hbm4b:s7+s3] =	stream.indirect_vreg.scatter [tilespmem:s28], [sflag:$0x1], $0x80, v3, vm0, $0xb8;
	[tilespmem:$0x14100] =	vst v63  }
0x61: {  	v3 =	vld [tilespmem:$0x10030];
	_ =	sdelay $0x4  }
0x62: {  	v59 =	vshll.u32 v3, $0x3  }
0x63: {  	v3 =	vand.u32 $0x7, v3;
	v4 =	vand.u32 $0xFFFFFFC0, v59  }
0x64: {  	v3 =	vor.u32 v3, v4  }
0x65: {  	v4 =	vperm.xlane v3, v0;
	_ =	sdelay $0x1  }
0x66: {  	v4 =	vadd.s32 v1, v4;
	_ =	sdelay $0x4  }
0x67: {  	[hbm4b:s4+s3] =	stream.indirect_vreg.scatter [tilespmem:s29], [sflag:$0x1], $0x80, v4, vm0, $0xb8;
	[tilespmem:$0x14100] =	vst v63  }
0x68: {  	s0 =	simm.s32 $0xC800;
	v3 =	vperm.xlane v3, v2  }
0x69: {  	[hbm4b:s5+s3] =	stream.indirect_vreg.scatter [tilespmem:s0], [sflag:$0x1], $0x80, v4, vm0, $0xb8;
	[tilespmem:$0x14100] =	vst v63  }
0x6a: {  	v3 =	vadd.s32 v1, v3;
	s0 =	simm.s32 $0xD000  }
0x6b: {  	[hbm4b:s6+s3] =	stream.indirect_vreg.scatter [tilespmem:s0], [sflag:$0x1], $0x80, v4, vm0, $0xb8;
	[tilespmem:$0x14100] =	vst v63  }
0x6c: {  	s0 =	simm.s32 $0xD800  }
0x6d: {  	[hbm4b:s7+s3] =	stream.indirect_vreg.scatter [tilespmem:s0], [sflag:$0x1], $0x80, v4, vm0, $0xb8;
	[tilespmem:$0x14100] =	vst v63  }
0x6e: {  	s0 =	simm.s32 $0xE000  }
0x6f: {  	[hbm4b:s4+s3] =	stream.indirect_vreg.scatter [tilespmem:s0], [sflag:$0x1], $0x80, v3, vm0, $0xb8;
	[tilespmem:$0x14100] =	vst v63  }
0x70: {  	s0 =	simm.s32 $0xE800  }
0x71: {  	[hbm4b:s5+s3] =	stream.indirect_vreg.scatter [tilespmem:s0], [sflag:$0x1], $0x80, v3, vm0, $0xb8;
	[tilespmem:$0x14100] =	vst v63  }
0x72: {  	s0 =	simm.s32 $0xF000  }
0x73: {  	[hbm4b:s6+s3] =	stream.indirect_vreg.scatter [tilespmem:s0], [sflag:$0x1], $0x80, v3, vm0, $0xb8;
	[tilespmem:$0x14100] =	vst v63  }
0x74: {  	s0 =	simm.s32 $0xF800  }
0x75: {  	[hbm4b:s7+s3] =	stream.indirect_vreg.scatter [tilespmem:s0], [sflag:$0x1], $0x80, v3, vm0, $0xb8;
	[tilespmem:$0x14100] =	vst v63  }
0x76: {  	v3 =	vld [tilespmem:$0x10080];
	_ =	sdelay $0x4  }
0x77: {  	v60 =	vshll.u32 v3, $0x3  }
0x78: {  	v3 =	vand.u32 $0x7, v3;
	v4 =	vand.u32 $0xFFFFFFC0, v60  }
0x79: {  	v3 =	vor.u32 v3, v4  }
0x7a: {  	v4 =	vperm.xlane v3, v0;
	_ =	sdelay $0x1  }
0x7b: {  	v4 =	vadd.s32 v1, v4;
	_ =	sdelay $0x4  }
0x7c: {  	[hbm4b:s4+s3] =	stream.indirect_vreg.scatter [tilespmem:s3], [sflag:$0x2], $0x80, v4, vm0, $0xb8;
	[tilespmem:$0x14100] =	vst v63  }
0x7d: {  	v3 =	vperm.xlane v3, v2  }
0x7e: {  	[hbm4b:s5+s3] =	stream.indirect_vreg.scatter [tilespmem:s24], [sflag:$0x2], $0x80, v4, vm0, $0xb8;
	[tilespmem:$0x14100] =	vst v63  }
0x7f: {  	v3 =	vadd.s32 v1, v3  }
0x80: {  	[hbm4b:s6+s3] =	stream.indirect_vreg.scatter [tilespmem:s25], [sflag:$0x2], $0x80, v4, vm0, $0xb8;
	[tilespmem:$0x14100] =	vst v63  }
0x81: {  	_ = 	snop  }
0x82: {  	[hbm4b:s7+s3] =	stream.indirect_vreg.scatter [tilespmem:s26], [sflag:$0x2], $0x80, v4, vm0, $0xb8;
	[tilespmem:$0x14100] =	vst v63  }
0x83: {  	_ = 	snop  }
0x84: {  	[hbm4b:s4+s3] =	stream.indirect_vreg.scatter [tilespmem:s30], [sflag:$0x2], $0x80, v3, vm0, $0xb8;
	[tilespmem:$0x14100] =	vst v63  }
0x85: {  	_ = 	snop  }
0x86: {  	[hbm4b:s5+s3] =	stream.indirect_vreg.scatter [tilespmem:s31], [sflag:$0x2], $0x80, v3, vm0, $0xb8;
	[tilespmem:$0x14100] =	vst v63  }
0x87: {  	s25 =	simm.s32 $0x3000  }
0x88: {  	[hbm4b:s6+s3] =	stream.indirect_vreg.scatter [tilespmem:s25], [sflag:$0x2], $0x80, v3, vm0, $0xb8;
	[tilespmem:$0x14100] =	vst v63  }
0x89: {  	_ = 	snop  }
0x8a: {  	[hbm4b:s7+s3] =	stream.indirect_vreg.scatter [tilespmem:s1], [sflag:$0x2], $0x80, v3, vm0, $0xb8;
	[tilespmem:$0x14100] =	vst v63  }
0x8b: {  	v3 =	vld [tilespmem:$0x10090];
	_ =	sdelay $0x4  }
0x8c: {  	v61 =	vshll.u32 v3, $0x3  }
0x8d: {  	v3 =	vand.u32 $0x7, v3;
	v4 =	vand.u32 $0xFFFFFFC0, v61  }
0x8e: {  	v3 =	vor.u32 v3, v4  }
0x8f: {  	v4 =	vperm.xlane v3, v0;
	_ =	sdelay $0x1  }
0x90: {  	v4 =	vadd.s32 v1, v4;
	_ =	sdelay $0x4  }
0x91: {  	[hbm4b:s4+s3] =	stream.indirect_vreg.scatter [tilespmem:s2], [sflag:$0x2], $0x80, v4, vm0, $0xb8;
	[tilespmem:$0x14100] =	vst v63  }
0x92: {  	v3 =	vperm.xlane v3, v2  }
0x93: {  	[hbm4b:s5+s3] =	stream.indirect_vreg.scatter [tilespmem:s10], [sflag:$0x2], $0x80, v4, vm0, $0xb8;
	[tilespmem:$0x14100] =	vst v63  }
0x94: {  	v3 =	vadd.s32 v1, v3  }
0x95: {  	[hbm4b:s6+s3] =	stream.indirect_vreg.scatter [tilespmem:s11], [sflag:$0x2], $0x80, v4, vm0, $0xb8;
	[tilespmem:$0x14100] =	vst v63  }
0x96: {  	_ = 	snop  }
0x97: {  	[hbm4b:s7+s3] =	stream.indirect_vreg.scatter [tilespmem:s12], [sflag:$0x2], $0x80, v4, vm0, $0xb8;
	[tilespmem:$0x14100] =	vst v63  }
0x98: {  	_ = 	snop  }
0x99: {  	[hbm4b:s4+s3] =	stream.indirect_vreg.scatter [tilespmem:s13], [sflag:$0x2], $0x80, v3, vm0, $0xb8;
	[tilespmem:$0x14100] =	vst v63  }
0x9a: {  	_ = 	snop  }
0x9b: {  	[hbm4b:s5+s3] =	stream.indirect_vreg.scatter [tilespmem:s14], [sflag:$0x2], $0x80, v3, vm0, $0xb8;
	[tilespmem:$0x14100] =	vst v63  }
0x9c: {  	_ = 	snop  }
0x9d: {  	[hbm4b:s6+s3] =	stream.indirect_vreg.scatter [tilespmem:s15], [sflag:$0x2], $0x80, v3, vm0, $0xb8;
	[tilespmem:$0x14100] =	vst v63  }
0x9e: {  	_ = 	snop  }
0x9f: {  	[hbm4b:s7+s3] =	stream.indirect_vreg.scatter [tilespmem:s16], [sflag:$0x2], $0x80, v3, vm0, $0xb8;
	[tilespmem:$0x14100] =	vst v63  }
0xa0: {  	v3 =	vld [tilespmem:$0x100A0];
	_ =	sdelay $0x4  }
0xa1: {  	v62 =	vshll.u32 v3, $0x3  }
0xa2: {  	v3 =	vand.u32 $0x7, v3;
	v4 =	vand.u32 $0xFFFFFFC0, v62  }
0xa3: {  	v3 =	vor.u32 v3, v4  }
0xa4: {  	v4 =	vperm.xlane v3, v0;
	_ =	sdelay $0x1  }
0xa5: {  	v4 =	vadd.s32 v1, v4;
	_ =	sdelay $0x4  }
0xa6: {  	[hbm4b:s4+s3] =	stream.indirect_vreg.scatter [tilespmem:s17], [sflag:$0x2], $0x80, v4, vm0, $0xb8;
	[tilespmem:$0x14100] =	vst v63  }
0xa7: {  	v3 =	vperm.xlane v3, v2  }
0xa8: {  	[hbm4b:s5+s3] =	stream.indirect_vreg.scatter [tilespmem:s18], [sflag:$0x2], $0x80, v4, vm0, $0xb8;
	[tilespmem:$0x14100] =	vst v63  }
0xa9: {  	v3 =	vadd.s32 v1, v3  }
0xaa: {  	[hbm4b:s6+s3] =	stream.indirect_vreg.scatter [tilespmem:s19], [sflag:$0x2], $0x80, v4, vm0, $0xb8;
	[tilespmem:$0x14100] =	vst v63  }
0xab: {  	_ = 	snop  }
0xac: {  	[hbm4b:s7+s3] =	stream.indirect_vreg.scatter [tilespmem:s20], [sflag:$0x2], $0x80, v4, vm0, $0xb8;
	[tilespmem:$0x14100] =	vst v63  }
0xad: {  	_ = 	snop  }
0xae: {  	[hbm4b:s4+s3] =	stream.indirect_vreg.scatter [tilespmem:s21], [sflag:$0x2], $0x80, v3, vm0, $0xb8;
	[tilespmem:$0x14100] =	vst v63  }
0xaf: {  	_ = 	snop  }
0xb0: {  	[hbm4b:s5+s3] =	stream.indirect_vreg.scatter [tilespmem:s22], [sflag:$0x2], $0x80, v3, vm0, $0xb8;
	[tilespmem:$0x14100] =	vst v63  }
0xb1: {  	_ = 	snop  }
0xb2: {  	[hbm4b:s6+s3] =	stream.indirect_vreg.scatter [tilespmem:s23], [sflag:$0x2], $0x80, v3, vm0, $0xb8;
	[tilespmem:$0x14100] =	vst v63  }
0xb3: {  	_ = 	snop  }
0xb4: {  	[hbm4b:s7+s3] =	stream.indirect_vreg.scatter [tilespmem:s28], [sflag:$0x2], $0x80, v3, vm0, $0xb8;
	[tilespmem:$0x14100] =	vst v63  }
0xb5: {  	v3 =	vld [tilespmem:$0x100B0];
	_ =	sdelay $0x4  }
0xb6: {  	v63 =	vshll.u32 v3, $0x3  }
0xb7: {  	v3 =	vand.u32 $0x7, v3;
	v4 =	vand.u32 $0xFFFFFFC0, v63  }
0xb8: {  	v3 =	vor.u32 v3, v4  }
0xb9: {  	v4 =	vperm.xlane v3, v0;
	_ =	sdelay $0x1  }
0xba: {  	v4 =	vadd.s32 v1, v4;
	_ =	sdelay $0x4  }
0xbb: {  	[hbm4b:s4+s3] =	stream.indirect_vreg.scatter [tilespmem:s29], [sflag:$0x2], $0x80, v4, vm0, $0xb8;
	[tilespmem:$0x14100] =	vst v63  }
0xbc: {  	s26 =	simm.s32 $0xC800;
	v3 =	vperm.xlane v3, v2  }
0xbd: {  	[hbm4b:s5+s3] =	stream.indirect_vreg.scatter [tilespmem:s26], [sflag:$0x2], $0x80, v4, vm0, $0xb8;
	[tilespmem:$0x14100] =	vst v63  }
0xbe: {  	s1 =	simm.s32 $0xD000;
	v3 =	vadd.s32 v1, v3  }
0xbf: {  	[hbm4b:s6+s3] =	stream.indirect_vreg.scatter [tilespmem:s1], [sflag:$0x2], $0x80, v4, vm0, $0xb8;
	[tilespmem:$0x14100] =	vst v63  }
0xc0: {  	s2 =	simm.s32 $0xD800  }
0xc1: {  	[hbm4b:s7+s3] =	stream.indirect_vreg.scatter [tilespmem:s2], [sflag:$0x2], $0x80, v4, vm0, $0xb8;
	[tilespmem:$0x14100] =	vst v63  }
0xc2: {  	s24 =	simm.s32 $0xE000  }
0xc3: {  	[hbm4b:s4+s3] =	stream.indirect_vreg.scatter [tilespmem:s24], [sflag:$0x2], $0x80, v3, vm0, $0xb8;
	[tilespmem:$0x14100] =	vst v63  }
0xc4: {  	s25 =	simm.s32 $0xE800  }
0xc5: {  	[hbm4b:s5+s3] =	stream.indirect_vreg.scatter [tilespmem:s25], [sflag:$0x2], $0x80, v3, vm0, $0xb8;
	[tilespmem:$0x14100] =	vst v63  }
0xc6: {  	s26 =	simm.s32 $0xF000  }
0xc7: {  	[hbm4b:s6+s3] =	stream.indirect_vreg.scatter [tilespmem:s26], [sflag:$0x2], $0x80, v3, vm0, $0xb8;
	[tilespmem:$0x14100] =	vst v63  }
0xc8: {  	s0 =	simm.s32 $0x40;
	s1 =	simm.s32 $0xF800;
	s24 =	rddreg [dreg:$0x7]  }
0xc9: {  	[hbm4b:s7+s3] =	stream.indirect_vreg.scatter [tilespmem:s1], [sflag:$0x2], $0x80, v3, vm0, $0xb8;
	[tilespmem:$0x14100] =	vst v63  }
0xca: {  	s2 =	simm.s32 $0x10100;
	s26 =	rddreg [dreg:$0x2];
	s1 =	simm.s32 $0x10000  }
0xcb: {  	[hbm4b:s26+s0] =	stream.indirect.scatter [tilespmem:s2], [sflag:$0x3], $0x80, s1, s0, $0xb8;
	[tilespmem:$0x14100] =	vst v63  }
0xcc: {  	s25 =	rddreg [dreg:$0x8];
	s2 =	simm.s32 $0x1  }
0xcd: {  	[hbm4b:s26+s0] =	stream.indirect.scatter [tilespmem:s25], [sflag:$0x4], $0x80, s24, s0, $0xb8;
	[tilespmem:$0x14100] =	vst v63  }
0xce: {  	_ =	swait.ge [sflag:s2], $0x10000  }
0xcf: {  	[sflag:s2] =	ssyncset.done $0x0  }
0xd0: {  	s24 =	simm.s32 $0x2;
	[sflag:s2] =	ssyncadd.s32 $0xFFFF0000  }
0xd1: {  	_ =	swait.ge [sflag:s24], $0x10000  }
0xd2: {  	[sflag:s24] =	ssyncset.done $0x0  }
0xd3: {  	s25 =	simm.s32 $0x3;
	[sflag:s24] =	ssyncadd.s32 $0xFFFF0000  }
0xd4: {  	p0 =	sne.s32 s8, $0x1;
	_ =	swait.ge [sflag:s25], $0x2000  }
.Ltmp0:
0xd5: {  	[sflag:s25] =	ssyncset.done $0x0;
	(pc) =	sbr.rel @p0 .LBB2_1-.Ltmp0, $4  }
0xd6: {  	s26 =	simm.s32 $0x4;
	[sflag:s25] =	ssyncadd.s32 $0xFFFFE000  }
0xd7: {  	_ =	swait.ge [sflag:s26], $0x2000  }
0xd8: {  	[sflag:s26] =	ssyncset.done $0x0  }
0xd9: {  	s8 =	sadd.s32 $0xFFFFFFFF, s8;
	[sflag:s26] =	ssyncadd.s32 $0xFFFFE000  }
0xda: {  	_ =	sfence.sel $0x180000  }
0xdb: {  	[bflag:$0x0] =	sbarrier.arrive $0xFFFF  }
0xdc: {  	_ =	strace $0x90000047  }
0xdd: {  	s0 =	stileid.u32;
	[bflag:$0x2] =	sbarrier.arrive $0xFFFF  }
0xde: {  	p0 =	sne.s32 s0, $0x0;
	s0 =	rddreg [dreg:$0x3]  }
0xdf: {  	s0 =	sadd.s32 @!p0 $0x100000, s0  }
0xe0: {  	[sflag:s0] =	ssyncadd.tile.s32 @!p0 $0x1;
	_ =	shalt  }
.Lfunc_end2:
_tile_overlayer_lowered:
.L_overlay_start_2:
0xe1: {  	(tag) =	ssettag $0x2  }
0xe2: {  	s0 =	rddreg [dreg:$0x0];
	s2 =	stileid.u32  }
0xe3: {  	s1 =	rddreg [dreg:$0x1];
	p0 =	sne.s32 s2, $0x0  }
0xe4: {  	s3 =	rddreg [dreg:$0x2];
	[bflag:$0x3] =	sbarrier.arrive $0xFFFF;
	s2 =	simm.s32 @!p0 $0x1C05  }
0xe5: {  	[timem:s3], [sflag:s2] =	dma.local @!p0 [hbm:s0], s1  }
0xe6: {  	s0 =	simm.s32 @!p0 $0x5  }
0xe7: {  	_ =	swait.ge @!p0 [sflag:s0], s1  }
0xe8: {  	s1 =	ssub.s32 @!p0 $0x0, s1;
	[sflag:s0] =	ssyncset.done @!p0 $0x0  }
0xe9: {  	[sflag:s0] =	ssyncadd.s32 @!p0 s1  }
0xea: {  	[bflag:$0x3] =	sbarrier.arrive $0xFFFF  }
0xeb: {  	_ =	shalt  }

// kernel: _run.9.cloned.1.call-start
scs
__scs_entry_jumppad:
0x0: {  	(pc) =	sbr.rel $0x88, $3  }
0x1: {  	(tag) =	ssettag $0x0;
	lr =	simm.s32 $0x1  }
0x2: {  	[smem:$0x3F9D] =	sst lr;
	_ =	strace $0xD0000000  }
0x3: {  	_ = 	snop  }
0x4: {  	_ = 	snop  }
0x5: {  	_ = 	snop  }
0x6: {  	_ = 	snop  }
0x7: {  	_ = 	snop  }
__scs_overlays_trampoline_lowered:
0x8: {  	[smem:$0x3FAC] =	sst s0  }
0x9: {  	[smem:$0x3FAD] =	sst s1  }
0xa: {  	[smem:$0x3FAE] =	sst s2  }
0xb: {  	[smem:$0x3FAF] =	sst s3  }
0xc: {  	[smem:$0x3FB0] =	sst s4  }
0xd: {  	[smem:$0x3FB1] =	sst s5  }
0xe: {  	[smem:$0x3FB2] =	sst s6  }
0xf: {  	[smem:$0x3FB3] =	sst s7  }
0x10: {  	[smem:$0x3FB4] =	sst s8  }
0x11: {  	[smem:$0x3FB5] =	sst s9;
	s0 =	simm.s32 @!p0 $0x0  }
0x12: {  	s1 =	sld [smem:$0x3F9B];
	s0 =	simm.s32 @p0 $0x1  }
0x13: {  	[smem:$0x3FB6] =	sst s0;
	s0 =	simm.s32 @!p1 $0x0  }
0x14: {  	s2 =	sld [smem:$0x3F9A];
	s0 =	simm.s32 @p1 $0x1  }
0x15: {  	[smem:$0x3FB7] =	sst s0;
	s0 =	simm.s32 @!p2 $0x0  }
0x16: {  	s3 =	sld [smem:$0x3FDB];
	s0 =	simm.s32 @p2 $0x1  }
0x17: {  	s4 =	simm.s32 $0x1BF5;
	[smem:$0x3FB9] =	sst s0  }
0x18: {  	s0 =	sld [smem:$0x3F9C];
	_ =	swait.ge [sflag:s4], $0x0  }
0x19: {  	s7 =	sld [smem:$0x3F9D]  }
0x1a: {  	s8 =	sadd.s32 $0xFFFFE003, lr  }
0x1b: {  	s9 =	sadd.s32 $0xFFFFFEF7, lr;
	s5 =	simm.s32 $0xFFFFFFFF;
	p2 =	slt.u32 s8, $0xFFFFF086  }
0x1c: {  	p1 =	slt.u32 s9, $0xF7A;
	s5 =	simm.s32 @!p2 $0x0  }
0x1d: {  	s5 =	simm.s32 @p1 $0x1;
	p0 =	seq.s32 s7, s2  }
0x1e: {  	s7 =	smul.u32 @!p0 $0xF7A, s2;
	p2 =	seq.s32 @!p0 s5, $0x0  }
0x1f: {  	s9 =	smul.u32 $0xF7A, s1;
	s8 =	simm.s32 @!p0 $0x1BF5;
	p2 =	por !p2, p0  }
0x20: {  	[sflag:s8] =	ssyncset.s32 @!p0 $0xFFFFF086;
	s6 =	sadd.s32 @!p0 s3, s7;
	s7 =	simm.s32 @!p0 $0x108  }
0x21: {  	s3 =	sadd.s32 s3, s9;
	s6 =	sadd.s32 @!p0 $0x88, s6;
	s7 =	simm.s32 @p2 $0x1082  }
0x22: {  	[simem:s7], [sflag:s8] =	dma.local @!p0 [hbm:s6], $0xF7A  }
0x23: {  	s9 =	sor.u32 $0xD0000000, s2;
	s6 =	simm.s32 $0x108;
	_ =	swait.ge @!p0 [sflag:s8], $0x0  }
0x24: {  	s3 =	sadd.s32 $0x88, s3;
	s6 =	simm.s32 @!p1 $0x1082;
	[sflag:s4] =	ssyncset.s32 $0xFFFFF086  }
0x25: {  	[simem:s6], [sflag:s4] =	dma.local [hbm:s3], $0xF7A  }
0x26: {  	[smem:$0x3F9D] =	sst s1;
	(tag) =	ssettag s2;
	_ =	strace s9  }
0x27: {  	s1 =	sld [smem:$0x3FAD]  }
0x28: {  	s2 =	sld [smem:$0x3FAE]  }
0x29: {  	s4 =	sld [smem:$0x3FB0]  }
0x2a: {  	p0 =	seq.s32 s5, $0x0;
	s5 =	sld [smem:$0x3FB1]  }
0x2b: {  	s6 =	sld [smem:$0x3FB2]  }
0x2c: {  	s7 =	sld [smem:$0x3FB3]  }
0x2d: {  	s3 =	simm.s32 $0x108;
	s8 =	sld [smem:$0x3FB4]  }
0x2e: {  	s3 =	simm.s32 @!p0 $0x1082;
	s9 =	sld [smem:$0x3FB5]  }
0x2f: {  	lr =	sadd.s32 s0, s3;
	s0 =	sld [smem:$0x3FAC]  }
0x30: {  	s3 =	sld [smem:$0x3FAF]  }
0x31: {  	[smem:$0x3FB8] =	sst s10  }
0x32: {  	s10 =	sld [smem:$0x3FB6];
	_ =	sdelay $0x3  }
0x33: {  	p0 =	seq.s32 s10, $0x1;
	s10 =	sld [smem:$0x3FB8];
	_ =	sdelay $0x3  }
0x34: {  	[smem:$0x3FB8] =	sst s10  }
0x35: {  	s10 =	sld [smem:$0x3FB7];
	_ =	sdelay $0x3  }
0x36: {  	p1 =	seq.s32 s10, $0x1;
	s10 =	sld [smem:$0x3FB8];
	_ =	sdelay $0x3  }
0x37: {  	[smem:$0x3FB8] =	sst s10  }
0x38: {  	s10 =	sld [smem:$0x3FB9]  }
0x39: {  	_ = 	snop;
	(pc) =	sbr.ind lr, $3  }
0x3a: {  	_ = 	snop  }
0x3b: {  	_ = 	snop  }
0x3c: {  	p2 =	seq.s32 s10, $0x1;
	s10 =	sld [smem:$0x3FB8]  }
0x3d: {  	_ =	shalt  }
0x3e: {  	_ =	shalt  }
0x3f: {  	_ =	shalt  }
0x40: {  	_ =	shalt  }
0x41: {  	_ =	shalt  }
0x42: {  	_ =	shalt  }
0x43: {  	_ =	shalt  }
0x44: {  	_ =	shalt  }
0x45: {  	_ =	shalt  }
0x46: {  	_ =	shalt  }
0x47: {  	_ =	shalt  }
0x48: {  	_ =	shalt  }
0x49: {  	_ =	shalt  }
0x4a: {  	_ =	shalt  }
0x4b: {  	_ =	shalt  }
0x4c: {  	_ =	shalt  }
0x4d: {  	_ =	shalt  }
0x4e: {  	_ =	shalt  }
0x4f: {  	_ =	shalt  }
0x50: {  	_ =	shalt  }
0x51: {  	_ =	shalt  }
0x52: {  	_ =	shalt  }
0x53: {  	_ =	shalt  }
0x54: {  	_ =	shalt  }
0x55: {  	_ =	shalt  }
0x56: {  	_ =	shalt  }
0x57: {  	_ =	shalt  }
0x58: {  	_ =	shalt  }
0x59: {  	_ =	shalt  }
0x5a: {  	_ =	shalt  }
0x5b: {  	_ =	shalt  }
0x5c: {  	_ =	shalt  }
0x5d: {  	_ =	shalt  }
0x5e: {  	_ =	shalt  }
0x5f: {  	_ =	shalt  }
0x60: {  	_ =	shalt  }
0x61: {  	_ =	shalt  }
0x62: {  	_ =	shalt  }
0x63: {  	_ =	shalt  }
0x64: {  	_ =	shalt  }
0x65: {  	_ =	shalt  }
0x66: {  	_ =	shalt  }
0x67: {  	_ =	shalt  }
0x68: {  	_ =	shalt  }
0x69: {  	_ =	shalt  }
0x6a: {  	_ =	shalt  }
0x6b: {  	_ =	shalt  }
0x6c: {  	_ =	shalt  }
0x6d: {  	_ =	shalt  }
0x6e: {  	_ =	shalt  }
0x6f: {  	_ =	shalt  }
0x70: {  	_ =	shalt  }
0x71: {  	_ =	shalt  }
0x72: {  	_ =	shalt  }
0x73: {  	_ =	shalt  }
0x74: {  	_ =	shalt  }
0x75: {  	_ =	shalt  }
0x76: {  	_ =	shalt  }
0x77: {  	_ =	shalt  }
0x78: {  	_ =	shalt  }
0x79: {  	_ =	shalt  }
0x7a: {  	_ =	shalt  }
0x7b: {  	_ =	shalt  }
0x7c: {  	_ =	shalt  }
0x7d: {  	_ =	shalt  }
0x7e: {  	_ =	shalt  }
0x7f: {  	_ =	shalt  }
0x80: {  	_ =	shalt  }
0x81: {  	_ =	shalt  }
0x82: {  	_ =	shalt  }
0x83: {  	_ =	shalt  }
0x84: {  	_ =	shalt  }
0x85: {  	_ =	shalt  }
0x86: {  	_ =	shalt  }
0x87: {  	_ =	shalt  }
.Lfunc_end0:
.L_simem_size_0:
called_computation.1_lowered:
.L_overlay_start_0:
0x88: {  	s2 =	sld [smem:$0x3FD9]  }
0x89: {  	s3 =	sld [smem:$0x3FFE];
	_ =	sdelay $0x1  }
0x8a: {  	s1 =	srdreg.scid  }
0x8b: {  	s0 =	sand.u32 $0x1, s1  }
0x8c: {  	s14 =	sshll.u32 s0, $0xA;
	s2 =	sadd.s32 s3, s2  }
0x8d: {  	s2 =	sadd.s32 s2, s14  }
0x8e: {  	[smem:$0x3FC4] =	sst s2  }
0x8f: {  	_ = 	snop  }
0x90: {  	s2 =	sld [smem:$0x3FD0];
	_ =	sdelay $0x2  }
0x91: {  	s15 =	simm.s32 $0xA;
	s4 =	simm.s32 $0x10  }
0x92: {  	[smem:s4], [sflag:s15] =	dma.local [hbm:s2], $0x1  }
0x93: {  	_ =	swait.eq [sflag:s15], $0x1  }
0x94: {  	[sflag:s15] =	ssyncset.done $0x0  }
0x95: {  	[sflag:s15] =	ssyncadd.s32 $0xFFFFFFFF  }
0x96: {  	s16 =	sld [smem:$0x10];
	(tm) =	ssettm $0x1  }
0x97: {  	s17 =	sld [smem:$0x3FFB];
	_ =	sdelay $0x3  }
0x98: {  	_ =	strace s17  }
0x99: {  	s3 =	sld [smem:$0x3FFC];
	_ =	sdelay $0x3  }
0x9a: {  	_ =	strace s3  }
0x9b: {  	s3 =	sld [smem:$0x3FFD];
	_ =	sdelay $0x3  }
0x9c: {  	_ =	strace s3  }
0x9d: {  	_ =	strace $0x8FFFFFFF  }
0x9e: {  	s18 =	sld [smem:$0x3FDB];
	_ =	sdelay $0x1  }
0x9f: {  	s19 =	simm.s32 $_scs_section_size  }
0xa0: {  	s5 =	simm.s32 $_size__tile_overlayer_lowered;
	s6 =	simm.s32 $_tile_overlayer_lowered  }
0xa1: {  	s22 =	simm.s32 $0x1BFF;
	s21 =	sshll.u32 s6, $0x1;
	s3 =	sadd.s32 s19, s18  }
0xa2: {  	s7 =	simm.s32 $0x0;
	s20 =	sshll.u32 s5, $0x1;
	s5 =	sadd.s32 s21, s3  }
0xa3: {  	[timem:s7], [sflag:s22] =	dma.local [hbm:s5], s20  }
0xa4: {  	_ =	swait.ge [sflag:s22], s20  }
0xa5: {  	s4 =	ssub.s32 $0x0, s20;
	[sflag:s22] =	ssyncset.done $0x0  }
0xa6: {  	[sflag:s22] =	ssyncadd.s32 s4;
	_ =	sdelay $0x1  }
0xa7: {  	s23 =	simm.s32 $0x1B8B  }
0xa8: {  	_ =	swait.ge [sflag:s23], $0x1  }
0xa9: {  	[sflag:s23] =	ssyncset.done $0x0  }
0xaa: {  	s25 =	simm.s32 $0x1B8E;
	s24 =	sld [smem:$0x3FFE];
	[sflag:s23] =	ssyncadd.s32 $0xFFFFFFFF  }
0xab: {  	s26 =	simm.s32 $execute0_lowered;
	[smem:$0x3FD2] =	sst s25  }
0xac: {  	s5 =	sshll.u32 s26, $0x1;
	_ =	strace $0x80000049;
	[dreg:$0x1] =	wrdreg $0xFFFFFFFF  }
0xad: {  	s28 =	simm.s32 $_size_execute0_lowered;
	s3 =	sadd.s32 s3, s5;
	[dreg:$0x0] =	wrdreg $0x0  }
0xae: {  	s5 =	sshll.u32 s28, $0x1;
	[dreg:$0x2] =	wrdreg s3  }
0xaf: {  	[dreg:$0x3] =	wrdreg s5  }
0xb0: {  	[dreg:$0x4] =	wrdreg $0xC0  }
0xb1: {  	_ =	task [dreg:s7], $0x5FFFF  }
0xb2: {  	[dreg:$0x1] =	wrdreg $0xFFFFFFFF  }
0xb3: {  	[dreg:$0x0] =	wrdreg $0x60  }
0xb4: {  	[dreg:$0x2] =	wrdreg s24  }
0xb5: {  	[dreg:$0x3] =	wrdreg s16  }
0xb6: {  	[dreg:$0x4] =	wrdreg $0x9  }
0xb7: {  	_ =	task.clear_ibuf [dreg:s7], $0x5FFFF;
	_ =	strace $0x90000049  }
0xb8: {  	s29 =	simm.s32 $0x9;
	_ =	strace $0x8000004B  }
0xb9: {  	_ =	swait.ge [sflag:s29], $0x1  }
0xba: {  	[sflag:s29] =	ssyncadd.s32 $0xFFFFFFFF  }
0xbb: {  	_ =	strace $0x9000004B  }
0xbc: {  	_ =	sfence  }
0xbd: {  	s30 =	sld [smem:$0x0];
	_ =	sdelay $0x2  }
0xbe: {  	s31 =	sshll.u32 s1, $0xD;
	s1 =	sshrl.u32 s1, $0x2  }
0xbf: {  	s3 =	sand.u32 $0x4000, s31;
	s1 =	sadd.s32 s1, s30  }
0xc0: {  	s0 =	sor.u32 s3, s0;
	s1 =	sshll.u32 s1, $0x11  }
0xc1: {  	s0 =	sor.u32 s1, s0  }
0xc2: {  	s0 =	sadd.s32 $0x8F2B, s0  }
0xc3: {  	[sflag:s0] =	ssyncadd.remote.s32 $0x1  }
0xc4: {  	_ =	sfence.sel $0xFFFF  }
0xc5: {  	[dreg:$0x0] =	wrdreg $0xFFFFFFFF;
	(pc) =	sbr.abs _section_cstart, $3  }
0xc6: {  	[dreg:$0x1] =	wrdreg $0xFFFFFFFF  }
0xc7: {  	_ =	task.clear_ibuf [dreg:s7], $0x2FFFF;
	_ =	strace $0x9FFFFFFF  }
0xc8: {  	(tm) =	ssettm $0x7FFFFFFF  }
0xc9: {  	_ =	shalt  }
tec
execute0_lowered:
.L_overlay_start_1:
0x0: {  	(tag) =	ssettag $0x1  }
0x1: {  	s0 =	rddreg [dreg:$0x0]  }
0x2: {  	s1 =	rddreg [dreg:$0x1]  }
0x3: {  	s3 =	srdreg.scid;
	s5 =	stileid.u32  }
0x4: {  	s2 =	simm.s32 $0x0;
	s17 =	simm.s32 $0x4;
	s20 =	simm.s32 $0x100  }
0x5: {  	s21 =	simm.s32 $0x14100;
	s22 =	simm.s32 $0x1;
	s23 =	simm.s32 $0x2  }
0x6: {  	s24 =	simm.s32 $0x3;
	s25 =	simm.s32 $0x18100;
	s26 =	simm.s32 $0x0  }
0x7: {  	s4 =	sand.u32 $0x1, s3;
	s28 =	sshll.u32 s5, $0x1;
	[smem:$0x7FF] =	sst s2  }
0x8: {  	s3 =	sadd.s32 $0x112000, s0;
	s13 =	sadd.s32 $0x12000, s0;
	s5 =	sadd.s32 $0x112200, s0  }
0x9: {  	s6 =	sor.u32 s4, s28;
	_ =	strace $0x8000004A;
	s30 =	ssub.s32 $0x2, s4  }
0xa: {  	s4 =	sadd.s32 $0x112100, s0;
	s29 =	sshll.u32 s6, $0x5;
	s8 =	sshrl.u32 s30, $0x1  }
0xb: {  	s6 =	sshll.u32 s6, $0xD;
	s7 =	sadd.s32 s29, s0;
	s16 =	ssub.s32 s30, s8  }
0xc: {  	s31 =	sor.u32 $0x800, s6;
	s8 =	sadd.s32 s13, s6;
	s14 =	sor.u32 $0x1000, s6  }
0xd: {  	s10 =	sadd.s32 s1, s6;
	s6 =	sor.u32 $0x1800, s6;
	s7 =	sadd.s32 $0x11C00, s7  }
0xe: {  	v2 =	vlaneseq.u32;
	s9 =	sadd.s32 s13, s31;
	s11 =	sadd.s32 s13, s14;
	s12 =	sadd.s32 s1, s31  }
0xf: {  	vm0 =	vmmov $0xffff;
	v1 =	vshrl.u32 v2, $0x3;
	s13 =	sadd.s32 s13, s6;
	s14 =	sadd.s32 s1, s14;
	s15 =	sadd.s32 s1, s6  }
0x10: {  	v0 =	vand.u32 $0x7, v2;
	v2 =	vor.u32 $0x8, v2;
	v1 =	vmul.u32 $0x8, v1;
	s16 =	smax.u32 s16, $0x1;
	[dreg:$0x3] =	wrdreg s7;
	s7 =	sadd.s32 $0x112300, s0  }
.LBB2_1:
0x11: {  	s0 =	rddreg [dreg:$0x3]  }
0x12: {  	[tilespmem:s2], [sflag:$0x4] =	stream.linear.gather [hbm4b:s0+s2], $0x100, $0x38;
	[tilespmem:$0x1C100] =	vst v63  }
0x13: {  	_ =	swait.ge [sflag:s17], $0x100  }
0x14: {  	[sflag:s17] =	ssyncset.done $0x0  }
0x15: {  	[sflag:s17] =	ssyncadd.s32 $0xFFFFFF00  }
0x16: {  	v3 =	vld [tilespmem:$0x0];
	_ =	sdelay $0x4  }
0x17: {  	v4 =	vshll.u32 v3, $0x3  }
0x18: {  	v3 =	vand.u32 $0x7, v3;
	v4 =	vand.u32 $0xFFFFFFC0, v4  }
0x19: {  	v3 =	vor.u32 v3, v4  }
0x1a: {  	v4 =	vperm.xlane v3, v0;
	_ =	sdelay $0x1  }
0x1b: {  	v4 =	vadd.s32 v1, v4;
	_ =	sdelay $0x4  }
0x1c: {  	[tilespmem:s20], [sflag:$0x1] =	stream.indirect_vreg.gather [hbm4b:s3+s2], $0x80, v4, vm0, $0xb8;
	[tilespmem:$0x1C100] =	vst v63  }
0x1d: {  	s1 =	simm.s32 $0x900;
	v3 =	vperm.xlane v3, v2  }
0x1e: {  	[tilespmem:s1], [sflag:$0x1] =	stream.indirect_vreg.gather [hbm4b:s4+s2], $0x80, v4, vm0, $0xb8;
	[tilespmem:$0x1C100] =	vst v63  }
0x1f: {  	s6 =	simm.s32 $0x1100;
	v3 =	vadd.s32 v1, v3  }
0x20: {  	[tilespmem:s6], [sflag:$0x1] =	stream.indirect_vreg.gather [hbm4b:s5+s2], $0x80, v4, vm0, $0xb8;
	[tilespmem:$0x1C100] =	vst v63  }
0x21: {  	s18 =	simm.s32 $0x1900  }
0x22: {  	[tilespmem:s18], [sflag:$0x1] =	stream.indirect_vreg.gather [hbm4b:s7+s2], $0x80, v4, vm0, $0xb8;
	[tilespmem:$0x1C100] =	vst v63  }
0x23: {  	s19 =	simm.s32 $0x2100  }
0x24: {  	[tilespmem:s19], [sflag:$0x1] =	stream.indirect_vreg.gather [hbm4b:s3+s2], $0x80, v3, vm0, $0xb8;
	[tilespmem:$0x1C100] =	vst v63  }
0x25: {  	s29 =	simm.s32 $0x2900  }
0x26: {  	[tilespmem:s29], [sflag:$0x1] =	stream.indirect_vreg.gather [hbm4b:s4+s2], $0x80, v3, vm0, $0xb8;
	[tilespmem:$0x1C100] =	vst v63  }
0x27: {  	s30 =	simm.s32 $0x3100  }
0x28: {  	[tilespmem:s30], [sflag:$0x1] =	stream.indirect_vreg.gather [hbm4b:s5+s2], $0x80, v3, vm0, $0xb8;
	[tilespmem:$0x1C100] =	vst v63  }
0x29: {  	s31 =	simm.s32 $0x3900  }
0x2a: {  	[tilespmem:s31], [sflag:$0x1] =	stream.indirect_vreg.gather [hbm4b:s7+s2], $0x80, v3, vm0, $0xb8;
	[tilespmem:$0x1C100] =	vst v63  }
0x2b: {  	v3 =	vld [tilespmem:$0x80];
	_ =	sdelay $0x4  }
0x2c: {  	v4 =	vshll.u32 v3, $0x3  }
0x2d: {  	v3 =	vand.u32 $0x7, v3;
	v4 =	vand.u32 $0xFFFFFFC0, v4  }
0x2e: {  	v3 =	vor.u32 v3, v4  }
0x2f: {  	v4 =	vperm.xlane v3, v0;
	_ =	sdelay $0x1  }
0x30: {  	v4 =	vadd.s32 v1, v4;
	_ =	sdelay $0x3  }
0x31: {  	s1 =	simm.s32 $0x8100  }
0x32: {  	[tilespmem:s1], [sflag:$0x2] =	stream.indirect_vreg.gather [hbm4b:s3+s2], $0x80, v4, vm0, $0xb8;
	[tilespmem:$0x1C100] =	vst v63  }
0x33: {  	s6 =	simm.s32 $0x8900;
	v3 =	vperm.xlane v3, v2  }
0x34: {  	[tilespmem:s6], [sflag:$0x2] =	stream.indirect_vreg.gather [hbm4b:s4+s2], $0x80, v4, vm0, $0xb8;
	[tilespmem:$0x1C100] =	vst v63  }
0x35: {  	s18 =	simm.s32 $0x9100;
	v3 =	vadd.s32 v1, v3  }
0x36: {  	[tilespmem:s18], [sflag:$0x2] =	stream.indirect_vreg.gather [hbm4b:s5+s2], $0x80, v4, vm0, $0xb8;
	[tilespmem:$0x1C100] =	vst v63  }
0x37: {  	s19 =	simm.s32 $0x9900  }
0x38: {  	[tilespmem:s19], [sflag:$0x2] =	stream.indirect_vreg.gather [hbm4b:s7+s2], $0x80, v4, vm0, $0xb8;
	[tilespmem:$0x1C100] =	vst v63  }
0x39: {  	s29 =	simm.s32 $0xA100  }
0x3a: {  	[tilespmem:s29], [sflag:$0x2] =	stream.indirect_vreg.gather [hbm4b:s3+s2], $0x80, v3, vm0, $0xb8;
	[tilespmem:$0x1C100] =	vst v63  }
0x3b: {  	s30 =	simm.s32 $0xA900  }
0x3c: {  	[tilespmem:s30], [sflag:$0x2] =	stream.indirect_vreg.gather [hbm4b:s4+s2], $0x80, v3, vm0, $0xb8;
	[tilespmem:$0x1C100] =	vst v63  }
0x3d: {  	s31 =	simm.s32 $0xB100  }
0x3e: {  	[tilespmem:s31], [sflag:$0x2] =	stream.indirect_vreg.gather [hbm4b:s5+s2], $0x80, v3, vm0, $0xb8;
	[tilespmem:$0x1C100] =	vst v63  }
0x3f: {  	s1 =	simm.s32 $0xB900  }
0x40: {  	[tilespmem:s1], [sflag:$0x2] =	stream.indirect_vreg.gather [hbm4b:s7+s2], $0x80, v3, vm0, $0xb8;
	[tilespmem:$0x1C100] =	vst v63  }
0x41: {  	s6 =	simm.s32 $0x10100  }
0x42: {  	[tilespmem:s6], [sflag:$0x3] =	stream.linear.gather [hbm4b:s8+s2], $0x4000, $0x38;
	[tilespmem:$0x1C100] =	vst v63  }
0x43: {  	v3 =	vld [tilespmem:$0x10];
	_ =	sdelay $0x4  }
0x44: {  	v4 =	vshll.u32 v3, $0x3  }
0x45: {  	v3 =	vand.u32 $0x7, v3;
	v4 =	vand.u32 $0xFFFFFFC0, v4  }
0x46: {  	v3 =	vor.u32 v3, v4  }
0x47: {  	v4 =	vperm.xlane v3, v0;
	_ =	sdelay $0x1  }
0x48: {  	v4 =	vadd.s32 v1, v4;
	_ =	sdelay $0x3  }
0x49: {  	s18 =	simm.s32 $0x4100  }
0x4a: {  	[tilespmem:s18], [sflag:$0x1] =	stream.indirect_vreg.gather [hbm4b:s3+s2], $0x80, v4, vm0, $0xb8;
	[tilespmem:$0x1C100] =	vst v63  }
0x4b: {  	s19 =	simm.s32 $0x4900;
	v3 =	vperm.xlane v3, v2  }
0x4c: {  	[tilespmem:s19], [sflag:$0x1] =	stream.indirect_vreg.gather [hbm4b:s4+s2], $0x80, v4, vm0, $0xb8;
	[tilespmem:$0x1C100] =	vst v63  }
0x4d: {  	s29 =	simm.s32 $0x5100;
	v3 =	vadd.s32 v1, v3  }
0x4e: {  	[tilespmem:s29], [sflag:$0x1] =	stream.indirect_vreg.gather [hbm4b:s5+s2], $0x80, v4, vm0, $0xb8;
	[tilespmem:$0x1C100] =	vst v63  }
0x4f: {  	s30 =	simm.s32 $0x5900  }
0x50: {  	[tilespmem:s30], [sflag:$0x1] =	stream.indirect_vreg.gather [hbm4b:s7+s2], $0x80, v4, vm0, $0xb8;
	[tilespmem:$0x1C100] =	vst v63  }
0x51: {  	s31 =	simm.s32 $0x6100  }
0x52: {  	[tilespmem:s31], [sflag:$0x1] =	stream.indirect_vreg.gather [hbm4b:s3+s2], $0x80, v3, vm0, $0xb8;
	[tilespmem:$0x1C100] =	vst v63  }
0x53: {  	s1 =	simm.s32 $0x6900  }
0x54: {  	[tilespmem:s1], [sflag:$0x1] =	stream.indirect_vreg.gather [hbm4b:s4+s2], $0x80, v3, vm0, $0xb8;
	[tilespmem:$0x1C100] =	vst v63  }
0x55: {  	s6 =	simm.s32 $0x7100  }
0x56: {  	[tilespmem:s6], [sflag:$0x1] =	stream.indirect_vreg.gather [hbm4b:s5+s2], $0x80, v3, vm0, $0xb8;
	[tilespmem:$0x1C100] =	vst v63  }
0x57: {  	s18 =	simm.s32 $0x7900  }
0x58: {  	[tilespmem:s18], [sflag:$0x1] =	stream.indirect_vreg.gather [hbm4b:s7+s2], $0x80, v3, vm0, $0xb8;
	[tilespmem:$0x1C100] =	vst v63  }
0x59: {  	v3 =	vld [tilespmem:$0x90];
	_ =	sdelay $0x4  }
0x5a: {  	v4 =	vshll.u32 v3, $0x3  }
0x5b: {  	v3 =	vand.u32 $0x7, v3;
	v4 =	vand.u32 $0xFFFFFFC0, v4  }
0x5c: {  	v3 =	vor.u32 v3, v4  }
0x5d: {  	v4 =	vperm.xlane v3, v0;
	_ =	sdelay $0x1  }
0x5e: {  	v4 =	vadd.s32 v1, v4;
	_ =	sdelay $0x3  }
0x5f: {  	s19 =	simm.s32 $0xC100  }
0x60: {  	[tilespmem:s19], [sflag:$0x2] =	stream.indirect_vreg.gather [hbm4b:s3+s2], $0x80, v4, vm0, $0xb8;
	[tilespmem:$0x1C100] =	vst v63  }
0x61: {  	s29 =	simm.s32 $0xC900;
	v3 =	vperm.xlane v3, v2  }
0x62: {  	[tilespmem:s29], [sflag:$0x2] =	stream.indirect_vreg.gather [hbm4b:s4+s2], $0x80, v4, vm0, $0xb8;
	[tilespmem:$0x1C100] =	vst v63  }
0x63: {  	s30 =	simm.s32 $0xD100;
	v3 =	vadd.s32 v1, v3  }
0x64: {  	[tilespmem:s30], [sflag:$0x2] =	stream.indirect_vreg.gather [hbm4b:s5+s2], $0x80, v4, vm0, $0xb8;
	[tilespmem:$0x1C100] =	vst v63  }
0x65: {  	s31 =	simm.s32 $0xD900  }
0x66: {  	[tilespmem:s31], [sflag:$0x2] =	stream.indirect_vreg.gather [hbm4b:s7+s2], $0x80, v4, vm0, $0xb8;
	[tilespmem:$0x1C100] =	vst v63  }
0x67: {  	s1 =	simm.s32 $0xE100  }
0x68: {  	[tilespmem:s1], [sflag:$0x2] =	stream.indirect_vreg.gather [hbm4b:s3+s2], $0x80, v3, vm0, $0xb8;
	[tilespmem:$0x1C100] =	vst v63  }
0x69: {  	s6 =	simm.s32 $0xE900  }
0x6a: {  	[tilespmem:s6], [sflag:$0x2] =	stream.indirect_vreg.gather [hbm4b:s4+s2], $0x80, v3, vm0, $0xb8;
	[tilespmem:$0x1C100] =	vst v63  }
0x6b: {  	s18 =	simm.s32 $0xF100  }
0x6c: {  	[tilespmem:s18], [sflag:$0x2] =	stream.indirect_vreg.gather [hbm4b:s5+s2], $0x80, v3, vm0, $0xb8;
	[tilespmem:$0x1C100] =	vst v63  }
0x6d: {  	s19 =	simm.s32 $0xF900  }
0x6e: {  	[tilespmem:s19], [sflag:$0x2] =	stream.indirect_vreg.gather [hbm4b:s7+s2], $0x80, v3, vm0, $0xb8;
	[tilespmem:$0x1C100] =	vst v63  }
0x6f: {  	_ = 	snop  }
0x70: {  	[tilespmem:s21], [sflag:$0x3] =	stream.linear.gather [hbm4b:s9+s2], $0x4000, $0x38;
	[tilespmem:$0x1C100] =	vst v63  }
0x71: {  	_ =	swait.ge [sflag:s22], $0x4000  }
0x72: {  	[sflag:s22] =	ssyncset.done $0x0  }
0x73: {  	[sflag:s22] =	ssyncadd.s32 $0xFFFFC000  }
0x74: {  	_ =	swait.ge [sflag:s23], $0x4000  }
0x75: {  	[sflag:s23] =	ssyncset.done $0x0  }
0x76: {  	[sflag:s23] =	ssyncadd.s32 $0xFFFFC000  }
0x77: {  	_ =	swait.ge [sflag:s24], $0x4000  }
0x78: {  	s29 =	sand.u32 $0x70, s2;
	s1 =	sand.u32 $0x1C00, s2;
	[sflag:s24] =	ssyncset.done $0x0  }
0x79: {  	s28 =	sor.u32 s29, s1;
	[sflag:s24] =	ssyncadd.s32 $0xFFFFC000  }
0x7a: {  	v4 =	vld [tilespmem:s28+$0x100]  }
0x7b: {  	v5 =	vld [tilespmem:s28+$0x8100];
	_ =	sdelay $0x1  }
0x7c: {  	s30 =	simm.s32 $0x10;
	s31 =	simm.s32 $0x80;
	v6 =	vld [tilespmem:s28+$0x10100]  }
0x7d: {  	s0 =	sand.u32 $0x70, s30;
	s1 =	sand.u32 $0x1C00, s31  }
0x7e: {  	s0 =	sor.u32 s0, s1  }
0x7f: {  	v3 =	vld [tilespmem:s0+$0x100];
	v4 =	vadd.f32 v5, v4  }
0x80: {  	v5 =	vld [tilespmem:s0+$0x8100]  }
0x81: {  	v6 =	vadd.f32 v6, v4  }
0x82: {  	s1 =	simm.s32 $0x20;
	s18 =	simm.s32 $0x100;
	v4 =	vld [tilespmem:s0+$0x10100]  }
.LBB2_2:
0x83: {  	s6 =	sand.u32 $0x70, s1;
	s29 =	sand.u32 $0x1C00, s18;
	[tilespmem:s28+$0x18100] =	vst v6;
	p0 =	sne.s32 s1, $0x3F0  }
.Ltmp0:
0x84: {  	s1 =	sadd.s32 $0x10, s1;
	s6 =	sor.u32 s6, s29;
	(pc) =	sbr.rel @p0 .LBB2_2-.Ltmp0, $4  }
0x85: {  	s28 =	smov.u32 s0;
	v6 =	vadd.f32 v5, v3;
	v3 =	vld [tilespmem:s6+$0x100];
	s0 =	smov.u32 s6  }
0x86: {  	v5 =	vld [tilespmem:s0+$0x8100]  }
0x87: {  	v6 =	vadd.f32 v4, v6  }
0x88: {  	s18 =	sadd.s32 $0x80, s18;
	v4 =	vld [tilespmem:s0+$0x10100]  }
0x89: {  	_ =	sdelay $0x1  }
0x8a: {  	v3 =	vadd.f32 v5, v3;
	_ =	sdelay $0x1  }
0x8b: {  	s1 =	simm.s32 $0x0;
	v3 =	vadd.f32 v4, v3  }
0x8c: {  	[tilespmem:s28+$0x18100] =	vst v6;
	s6 =	sand.u32 $0x70, s1;
	s1 =	sand.u32 $0x1C00, s1  }
0x8d: {  	s28 =	sor.u32 s1, s6;
	[tilespmem:s0+$0x18100] =	vst v3  }
0x8e: {  	v4 =	vld [tilespmem:s28+$0x180]  }
0x8f: {  	v5 =	vld [tilespmem:s28+$0x8180];
	_ =	sdelay $0x1  }
0x90: {  	s18 =	simm.s32 $0x10;
	s19 =	simm.s32 $0x80;
	v6 =	vld [tilespmem:s28+$0x10180]  }
0x91: {  	s29 =	sand.u32 $0x70, s18;
	s30 =	sand.u32 $0x1C00, s19  }
0x92: {  	s0 =	sor.u32 s30, s29  }
0x93: {  	v3 =	vld [tilespmem:s0+$0x180];
	v5 =	vadd.f32 v5, v4  }
0x94: {  	v4 =	vld [tilespmem:s0+$0x8180]  }
0x95: {  	s31 =	simm.s32 $0x100;
	s1 =	simm.s32 $0x20;
	s18 =	smov.u32 s28;
	v6 =	vadd.f32 v6, v5;
	v5 =	vld [tilespmem:s0+$0x10180]  }
.LBB2_4:
0x96: {  	s6 =	sand.u32 $0x70, s1  }
0x97: {  	s19 =	sand.u32 $0x1C00, s31;
	[tilespmem:s18+$0x18180] =	vst v6;
	s18 =	smov.u32 s0;
	p0 =	sne.s32 s1, $0x3F0  }
.Ltmp1:
0x98: {  	s1 =	sadd.s32 $0x10, s1;
	s0 =	sor.u32 s19, s6;
	(pc) =	sbr.rel @p0 .LBB2_4-.Ltmp1, $4  }
0x99: {  	v6 =	vadd.f32 v4, v3;
	v3 =	vld [tilespmem:s0+$0x180]  }
0x9a: {  	v4 =	vld [tilespmem:s0+$0x8180]  }
0x9b: {  	v6 =	vadd.f32 v5, v6  }
0x9c: {  	s31 =	sadd.s32 $0x80, s31;
	v5 =	vld [tilespmem:s0+$0x10180]  }
0x9d: {  	_ =	sdelay $0x1  }
0x9e: {  	v3 =	vadd.f32 v4, v3;
	_ =	sdelay $0x1  }
0x9f: {  	v3 =	vadd.f32 v5, v3  }
0xa0: {  	[tilespmem:s18+$0x18180] =	vst v6  }
0xa1: {  	[tilespmem:s0+$0x18180] =	vst v3  }
0xa2: {  	v4 =	vld [tilespmem:s28+$0x200]  }
0xa3: {  	v5 =	vld [tilespmem:s28+$0x8200];
	_ =	sdelay $0x1  }
0xa4: {  	v6 =	vld [tilespmem:s28+$0x10200];
	_ =	sdelay $0x1  }
0xa5: {  	s0 =	sor.u32 s30, s29  }
0xa6: {  	v3 =	vld [tilespmem:s0+$0x200];
	v4 =	vadd.f32 v5, v4  }
0xa7: {  	v5 =	vld [tilespmem:s0+$0x8200]  }
0xa8: {  	v6 =	vadd.f32 v6, v4  }
0xa9: {  	s1 =	simm.s32 $0x20;
	s18 =	simm.s32 $0x100;
	v4 =	vld [tilespmem:s0+$0x10200]  }
.LBB2_6:
0xaa: {  	s6 =	sand.u32 $0x70, s1;
	s19 =	sand.u32 $0x1C00, s18;
	[tilespmem:s28+$0x18200] =	vst v6;
	p0 =	sne.s32 s1, $0x3F0  }
.Ltmp2:
0xab: {  	s1 =	sadd.s32 $0x10, s1;
	s6 =	sor.u32 s19, s6;
	(pc) =	sbr.rel @p0 .LBB2_6-.Ltmp2, $4  }
0xac: {  	s28 =	smov.u32 s0;
	v6 =	vadd.f32 v5, v3;
	v3 =	vld [tilespmem:s6+$0x200];
	s0 =	smov.u32 s6  }
0xad: {  	v5 =	vld [tilespmem:s0+$0x8200]  }
0xae: {  	v6 =	vadd.f32 v4, v6  }
0xaf: {  	s18 =	sadd.s32 $0x80, s18;
	v4 =	vld [tilespmem:s0+$0x10200]  }
0xb0: {  	_ =	sdelay $0x1  }
0xb1: {  	v3 =	vadd.f32 v5, v3;
	_ =	sdelay $0x1  }
0xb2: {  	s1 =	simm.s32 $0x0;
	v3 =	vadd.f32 v4, v3  }
0xb3: {  	[tilespmem:s28+$0x18200] =	vst v6;
	s6 =	sand.u32 $0x70, s1;
	s1 =	sand.u32 $0x1C00, s1  }
0xb4: {  	s28 =	sor.u32 s1, s6;
	[tilespmem:s0+$0x18200] =	vst v3  }
0xb5: {  	v4 =	vld [tilespmem:s28+$0x280]  }
0xb6: {  	v5 =	vld [tilespmem:s28+$0x8280];
	_ =	sdelay $0x1  }
0xb7: {  	s18 =	simm.s32 $0x10;
	s19 =	simm.s32 $0x80;
	v6 =	vld [tilespmem:s28+$0x10280]  }
0xb8: {  	s29 =	sand.u32 $0x70, s18;
	s30 =	sand.u32 $0x1C00, s19  }
0xb9: {  	s0 =	sor.u32 s30, s29  }
0xba: {  	v3 =	vld [tilespmem:s0+$0x280];
	v5 =	vadd.f32 v5, v4  }
0xbb: {  	v4 =	vld [tilespmem:s0+$0x8280]  }
0xbc: {  	s31 =	simm.s32 $0x100;
	s1 =	simm.s32 $0x20;
	s18 =	smov.u32 s28;
	v6 =	vadd.f32 v6, v5;
	v5 =	vld [tilespmem:s0+$0x10280]  }
.LBB2_8:
0xbd: {  	s6 =	sand.u32 $0x70, s1  }
0xbe: {  	s19 =	sand.u32 $0x1C00, s31;
	[tilespmem:s18+$0x18280] =	vst v6;
	s18 =	smov.u32 s0;
	p0 =	sne.s32 s1, $0x3F0  }
.Ltmp3:
0xbf: {  	s1 =	sadd.s32 $0x10, s1;
	s0 =	sor.u32 s19, s6;
	(pc) =	sbr.rel @p0 .LBB2_8-.Ltmp3, $4  }
0xc0: {  	v6 =	vadd.f32 v4, v3;
	v3 =	vld [tilespmem:s0+$0x280]  }
0xc1: {  	v4 =	vld [tilespmem:s0+$0x8280]  }
0xc2: {  	v6 =	vadd.f32 v5, v6  }
0xc3: {  	s31 =	sadd.s32 $0x80, s31;
	v5 =	vld [tilespmem:s0+$0x10280]  }
0xc4: {  	_ =	sdelay $0x1  }
0xc5: {  	v3 =	vadd.f32 v4, v3;
	_ =	sdelay $0x1  }
0xc6: {  	v3 =	vadd.f32 v5, v3  }
0xc7: {  	[tilespmem:s18+$0x18280] =	vst v6  }
0xc8: {  	[tilespmem:s0+$0x18280] =	vst v3  }
0xc9: {  	v4 =	vld [tilespmem:s28+$0x300]  }
0xca: {  	v5 =	vld [tilespmem:s28+$0x8300];
	_ =	sdelay $0x1  }
0xcb: {  	v6 =	vld [tilespmem:s28+$0x10300];
	_ =	sdelay $0x1  }
0xcc: {  	s0 =	sor.u32 s30, s29  }
0xcd: {  	v3 =	vld [tilespmem:s0+$0x300];
	v4 =	vadd.f32 v5, v4  }
0xce: {  	v5 =	vld [tilespmem:s0+$0x8300]  }
0xcf: {  	v6 =	vadd.f32 v6, v4  }
0xd0: {  	s1 =	simm.s32 $0x20;
	s18 =	simm.s32 $0x100;
	v4 =	vld [tilespmem:s0+$0x10300]  }
.LBB2_10:
0xd1: {  	s6 =	sand.u32 $0x70, s1;
	s19 =	sand.u32 $0x1C00, s18;
	[tilespmem:s28+$0x18300] =	vst v6;
	p0 =	sne.s32 s1, $0x3F0  }
.Ltmp4:
0xd2: {  	s1 =	sadd.s32 $0x10, s1;
	s6 =	sor.u32 s19, s6;
	(pc) =	sbr.rel @p0 .LBB2_10-.Ltmp4, $4  }
0xd3: {  	s28 =	smov.u32 s0;
	v6 =	vadd.f32 v5, v3;
	v3 =	vld [tilespmem:s6+$0x300];
	s0 =	smov.u32 s6  }
0xd4: {  	v5 =	vld [tilespmem:s0+$0x8300]  }
0xd5: {  	v6 =	vadd.f32 v4, v6  }
0xd6: {  	s18 =	sadd.s32 $0x80, s18;
	v4 =	vld [tilespmem:s0+$0x10300]  }
0xd7: {  	_ =	sdelay $0x1  }
0xd8: {  	v3 =	vadd.f32 v5, v3;
	_ =	sdelay $0x1  }
0xd9: {  	s1 =	simm.s32 $0x0;
	v3 =	vadd.f32 v4, v3  }
0xda: {  	[tilespmem:s28+$0x18300] =	vst v6;
	s6 =	sand.u32 $0x70, s1;
	s1 =	sand.u32 $0x1C00, s1  }
0xdb: {  	s28 =	sor.u32 s1, s6;
	[tilespmem:s0+$0x18300] =	vst v3  }
0xdc: {  	v4 =	vld [tilespmem:s28+$0x380]  }
0xdd: {  	v5 =	vld [tilespmem:s28+$0x8380];
	_ =	sdelay $0x1  }
0xde: {  	s18 =	simm.s32 $0x10;
	s19 =	simm.s32 $0x80;
	v6 =	vld [tilespmem:s28+$0x10380]  }
0xdf: {  	s29 =	sand.u32 $0x70, s18;
	s30 =	sand.u32 $0x1C00, s19  }
0xe0: {  	s0 =	sor.u32 s30, s29  }
0xe1: {  	v3 =	vld [tilespmem:s0+$0x380];
	v5 =	vadd.f32 v5, v4  }
0xe2: {  	v4 =	vld [tilespmem:s0+$0x8380]  }
0xe3: {  	s31 =	simm.s32 $0x100;
	s1 =	simm.s32 $0x20;
	s18 =	smov.u32 s28;
	v6 =	vadd.f32 v6, v5;
	v5 =	vld [tilespmem:s0+$0x10380]  }
.LBB2_12:
0xe4: {  	s6 =	sand.u32 $0x70, s1  }
0xe5: {  	s19 =	sand.u32 $0x1C00, s31;
	[tilespmem:s18+$0x18380] =	vst v6;
	s18 =	smov.u32 s0;
	p0 =	sne.s32 s1, $0x3F0  }
.Ltmp5:
0xe6: {  	s1 =	sadd.s32 $0x10, s1;
	s0 =	sor.u32 s19, s6;
	(pc) =	sbr.rel @p0 .LBB2_12-.Ltmp5, $4  }
0xe7: {  	v6 =	vadd.f32 v4, v3;
	v3 =	vld [tilespmem:s0+$0x380]  }
0xe8: {  	v4 =	vld [tilespmem:s0+$0x8380]  }
0xe9: {  	v6 =	vadd.f32 v5, v6  }
0xea: {  	s31 =	sadd.s32 $0x80, s31;
	v5 =	vld [tilespmem:s0+$0x10380]  }
0xeb: {  	_ =	sdelay $0x1  }
0xec: {  	v3 =	vadd.f32 v4, v3;
	_ =	sdelay $0x1  }
0xed: {  	v3 =	vadd.f32 v5, v3  }
0xee: {  	[tilespmem:s18+$0x18380] =	vst v6  }
0xef: {  	[tilespmem:s0+$0x18380] =	vst v3  }
0xf0: {  	v4 =	vld [tilespmem:s28+$0x400]  }
0xf1: {  	v5 =	vld [tilespmem:s28+$0x8400];
	_ =	sdelay $0x1  }
0xf2: {  	v6 =	vld [tilespmem:s28+$0x10400];
	_ =	sdelay $0x1  }
0xf3: {  	s0 =	sor.u32 s30, s29  }
0xf4: {  	v3 =	vld [tilespmem:s0+$0x400];
	v4 =	vadd.f32 v5, v4  }
0xf5: {  	v5 =	vld [tilespmem:s0+$0x8400]  }
0xf6: {  	v6 =	vadd.f32 v6, v4  }
0xf7: {  	s1 =	simm.s32 $0x20;
	s18 =	simm.s32 $0x100;
	v4 =	vld [tilespmem:s0+$0x10400]  }
.LBB2_14:
0xf8: {  	s6 =	sand.u32 $0x70, s1;
	s19 =	sand.u32 $0x1C00, s18;
	[tilespmem:s28+$0x18400] =	vst v6;
	p0 =	sne.s32 s1, $0x3F0  }
.Ltmp6:
0xf9: {  	s1 =	sadd.s32 $0x10, s1;
	s6 =	sor.u32 s19, s6;
	(pc) =	sbr.rel @p0 .LBB2_14-.Ltmp6, $4  }
0xfa: {  	s28 =	smov.u32 s0;
	v6 =	vadd.f32 v5, v3;
	v3 =	vld [tilespmem:s6+$0x400];
	s0 =	smov.u32 s6  }
0xfb: {  	v5 =	vld [tilespmem:s0+$0x8400]  }
0xfc: {  	v6 =	vadd.f32 v4, v6  }
0xfd: {  	s18 =	sadd.s32 $0x80, s18;
	v4 =	vld [tilespmem:s0+$0x10400]  }
0xfe: {  	_ =	sdelay $0x1  }
0xff: {  	v3 =	vadd.f32 v5, v3;
	_ =	sdelay $0x1  }
0x100: {  	s29 =	simm.s32 $0x0;
	v3 =	vadd.f32 v4, v3  }
0x101: {  	[tilespmem:s28+$0x18400] =	vst v6;
	s1 =	sor.u32 s29, s29  }
0x102: {  	[tilespmem:s0+$0x18400] =	vst v3;
	s0 =	sor.u32 $0x380, s1  }
0x103: {  	v4 =	vld [tilespmem:s0+$0x100]  }
0x104: {  	v5 =	vld [tilespmem:s0+$0x8100];
	_ =	sdelay $0x1  }
0x105: {  	s28 =	simm.s32 $0x10;
	s30 =	simm.s32 $0x80;
	v6 =	vld [tilespmem:s0+$0x10100]  }
0x106: {  	s19 =	sor.u32 s30, s28  }
0x107: {  	s31 =	sor.u32 $0x380, s19  }
0x108: {  	v3 =	vld [tilespmem:s31+$0x100];
	v5 =	vadd.f32 v5, v4  }
0x109: {  	v4 =	vld [tilespmem:s31+$0x8100]  }
0x10a: {  	v6 =	vadd.f32 v6, v5  }
0x10b: {  	s6 =	simm.s32 $0x100;
	s1 =	simm.s32 $0x20;
	v5 =	vld [tilespmem:s31+$0x10100]  }
.LBB2_16:
0x10c: {  	s18 =	sor.u32 s6, s1;
	[tilespmem:s0+$0x18100] =	vst v6;
	s0 =	smov.u32 s31;
	p0 =	sne.s32 s1, $0x3F0  }
.Ltmp7:
0x10d: {  	s1 =	sadd.s32 $0x10, s1;
	s31 =	sor.u32 $0x380, s18;
	(pc) =	sbr.rel @p0 .LBB2_16-.Ltmp7, $4  }
0x10e: {  	v6 =	vadd.f32 v4, v3;
	v3 =	vld [tilespmem:s31+$0x100]  }
0x10f: {  	v4 =	vld [tilespmem:s31+$0x8100]  }
0x110: {  	v6 =	vadd.f32 v5, v6  }
0x111: {  	s6 =	sadd.s32 $0x80, s6;
	v5 =	vld [tilespmem:s31+$0x10100]  }
0x112: {  	_ =	sdelay $0x1  }
0x113: {  	v3 =	vadd.f32 v4, v3;
	_ =	sdelay $0x1  }
0x114: {  	v3 =	vadd.f32 v5, v3  }
0x115: {  	[tilespmem:s0+$0x18100] =	vst v6;
	s19 =	sand.u32 $0x70, s29;
	s1 =	sand.u32 $0x1C00, s29  }
0x116: {  	s29 =	sor.u32 s1, s19;
	[tilespmem:s31+$0x18100] =	vst v3  }
0x117: {  	v4 =	vld [tilespmem:s29+$0x2100]  }
0x118: {  	v5 =	vld [tilespmem:s29+$0xA100];
	_ =	sdelay $0x1  }
0x119: {  	v6 =	vld [tilespmem:s29+$0x12100]  }
0x11a: {  	s28 =	sand.u32 $0x70, s28;
	s31 =	sand.u32 $0x1C00, s30  }
0x11b: {  	s0 =	sor.u32 s31, s28  }
0x11c: {  	v3 =	vld [tilespmem:s0+$0x2100];
	v4 =	vadd.f32 v5, v4  }
0x11d: {  	v5 =	vld [tilespmem:s0+$0xA100]  }
0x11e: {  	v6 =	vadd.f32 v6, v4  }
0x11f: {  	s18 =	simm.s32 $0x100;
	s1 =	simm.s32 $0x20;
	v4 =	vld [tilespmem:s0+$0x12100]  }
.LBB2_18:
0x120: {  	s6 =	sand.u32 $0x70, s1;
	s19 =	sand.u32 $0x1C00, s18;
	[tilespmem:s29+$0x1A100] =	vst v6;
	p0 =	sne.s32 s1, $0x3F0  }
.Ltmp8:
0x121: {  	s1 =	sadd.s32 $0x10, s1;
	s6 =	sor.u32 s19, s6;
	(pc) =	sbr.rel @p0 .LBB2_18-.Ltmp8, $4  }
0x122: {  	s29 =	smov.u32 s0;
	v6 =	vadd.f32 v5, v3;
	v3 =	vld [tilespmem:s6+$0x2100];
	s0 =	smov.u32 s6  }
0x123: {  	v5 =	vld [tilespmem:s0+$0xA100]  }
0x124: {  	v6 =	vadd.f32 v4, v6  }
0x125: {  	s18 =	sadd.s32 $0x80, s18;
	v4 =	vld [tilespmem:s0+$0x12100]  }
0x126: {  	_ =	sdelay $0x1  }
0x127: {  	v3 =	vadd.f32 v5, v3;
	_ =	sdelay $0x1  }
0x128: {  	s1 =	simm.s32 $0x0;
	v3 =	vadd.f32 v4, v3  }
0x129: {  	[tilespmem:s29+$0x1A100] =	vst v6;
	s6 =	sand.u32 $0x70, s1;
	s1 =	sand.u32 $0x1C00, s1  }
0x12a: {  	s28 =	sor.u32 s1, s6;
	[tilespmem:s0+$0x1A100] =	vst v3  }
0x12b: {  	v4 =	vld [tilespmem:s28+$0x2180]  }
0x12c: {  	v5 =	vld [tilespmem:s28+$0xA180];
	_ =	sdelay $0x1  }
0x12d: {  	s18 =	simm.s32 $0x10;
	s19 =	simm.s32 $0x80;
	v6 =	vld [tilespmem:s28+$0x12180]  }
0x12e: {  	s29 =	sand.u32 $0x70, s18;
	s30 =	sand.u32 $0x1C00, s19  }
0x12f: {  	s0 =	sor.u32 s30, s29  }
0x130: {  	v3 =	vld [tilespmem:s0+$0x2180];
	v5 =	vadd.f32 v5, v4  }
0x131: {  	v4 =	vld [tilespmem:s0+$0xA180]  }
0x132: {  	s31 =	simm.s32 $0x100;
	s1 =	simm.s32 $0x20;
	s18 =	smov.u32 s28;
	v6 =	vadd.f32 v6, v5;
	v5 =	vld [tilespmem:s0+$0x12180]  }
.LBB2_20:
0x133: {  	s6 =	sand.u32 $0x70, s1  }
0x134: {  	s19 =	sand.u32 $0x1C00, s31;
	[tilespmem:s18+$0x1A180] =	vst v6;
	s18 =	smov.u32 s0;
	p0 =	sne.s32 s1, $0x3F0  }
.Ltmp9:
0x135: {  	s1 =	sadd.s32 $0x10, s1;
	s0 =	sor.u32 s19, s6;
	(pc) =	sbr.rel @p0 .LBB2_20-.Ltmp9, $4  }
0x136: {  	v6 =	vadd.f32 v4, v3;
	v3 =	vld [tilespmem:s0+$0x2180]  }
0x137: {  	v4 =	vld [tilespmem:s0+$0xA180]  }
0x138: {  	v6 =	vadd.f32 v5, v6  }
0x139: {  	s31 =	sadd.s32 $0x80, s31;
	v5 =	vld [tilespmem:s0+$0x12180]  }
0x13a: {  	_ =	sdelay $0x1  }
0x13b: {  	v3 =	vadd.f32 v4, v3;
	_ =	sdelay $0x1  }
0x13c: {  	v3 =	vadd.f32 v5, v3  }
0x13d: {  	[tilespmem:s18+$0x1A180] =	vst v6  }
0x13e: {  	[tilespmem:s0+$0x1A180] =	vst v3  }
0x13f: {  	v4 =	vld [tilespmem:s28+$0x2200]  }
0x140: {  	v5 =	vld [tilespmem:s28+$0xA200];
	_ =	sdelay $0x1  }
0x141: {  	v6 =	vld [tilespmem:s28+$0x12200];
	_ =	sdelay $0x1  }
0x142: {  	s0 =	sor.u32 s30, s29  }
0x143: {  	v3 =	vld [tilespmem:s0+$0x2200];
	v4 =	vadd.f32 v5, v4  }
0x144: {  	v5 =	vld [tilespmem:s0+$0xA200]  }
0x145: {  	v6 =	vadd.f32 v6, v4  }
0x146: {  	s1 =	simm.s32 $0x20;
	s18 =	simm.s32 $0x100;
	v4 =	vld [tilespmem:s0+$0x12200]  }
.LBB2_22:
0x147: {  	s6 =	sand.u32 $0x70, s1;
	s19 =	sand.u32 $0x1C00, s18;
	[tilespmem:s28+$0x1A200] =	vst v6;
	p0 =	sne.s32 s1, $0x3F0  }
.Ltmp10:
0x148: {  	s1 =	sadd.s32 $0x10, s1;
	s6 =	sor.u32 s19, s6;
	(pc) =	sbr.rel @p0 .LBB2_22-.Ltmp10, $4  }
0x149: {  	s28 =	smov.u32 s0;
	v6 =	vadd.f32 v5, v3;
	v3 =	vld [tilespmem:s6+$0x2200];
	s0 =	smov.u32 s6  }
0x14a: {  	v5 =	vld [tilespmem:s0+$0xA200]  }
0x14b: {  	v6 =	vadd.f32 v4, v6  }
0x14c: {  	s18 =	sadd.s32 $0x80, s18;
	v4 =	vld [tilespmem:s0+$0x12200]  }
0x14d: {  	_ =	sdelay $0x1  }
0x14e: {  	v3 =	vadd.f32 v5, v3;
	_ =	sdelay $0x1  }
0x14f: {  	s1 =	simm.s32 $0x0;
	v3 =	vadd.f32 v4, v3  }
0x150: {  	[tilespmem:s28+$0x1A200] =	vst v6;
	s6 =	sand.u32 $0x70, s1;
	s1 =	sand.u32 $0x1C00, s1  }
0x151: {  	s28 =	sor.u32 s1, s6;
	[tilespmem:s0+$0x1A200] =	vst v3  }
0x152: {  	v4 =	vld [tilespmem:s28+$0x2280]  }
0x153: {  	v5 =	vld [tilespmem:s28+$0xA280];
	_ =	sdelay $0x1  }
0x154: {  	s18 =	simm.s32 $0x10;
	s19 =	simm.s32 $0x80;
	v6 =	vld [tilespmem:s28+$0x12280]  }
0x155: {  	s29 =	sand.u32 $0x70, s18;
	s30 =	sand.u32 $0x1C00, s19  }
0x156: {  	s0 =	sor.u32 s30, s29  }
0x157: {  	v3 =	vld [tilespmem:s0+$0x2280];
	v5 =	vadd.f32 v5, v4  }
0x158: {  	v4 =	vld [tilespmem:s0+$0xA280]  }
0x159: {  	s31 =	simm.s32 $0x100;
	s1 =	simm.s32 $0x20;
	s18 =	smov.u32 s28;
	v6 =	vadd.f32 v6, v5;
	v5 =	vld [tilespmem:s0+$0x12280]  }
.LBB2_24:
0x15a: {  	s6 =	sand.u32 $0x70, s1  }
0x15b: {  	s19 =	sand.u32 $0x1C00, s31;
	[tilespmem:s18+$0x1A280] =	vst v6;
	s18 =	smov.u32 s0;
	p0 =	sne.s32 s1, $0x3F0  }
.Ltmp11:
0x15c: {  	s1 =	sadd.s32 $0x10, s1;
	s0 =	sor.u32 s19, s6;
	(pc) =	sbr.rel @p0 .LBB2_24-.Ltmp11, $4  }
0x15d: {  	v6 =	vadd.f32 v4, v3;
	v3 =	vld [tilespmem:s0+$0x2280]  }
0x15e: {  	v4 =	vld [tilespmem:s0+$0xA280]  }
0x15f: {  	v6 =	vadd.f32 v5, v6  }
0x160: {  	s31 =	sadd.s32 $0x80, s31;
	v5 =	vld [tilespmem:s0+$0x12280]  }
0x161: {  	_ =	sdelay $0x1  }
0x162: {  	v3 =	vadd.f32 v4, v3;
	_ =	sdelay $0x1  }
0x163: {  	v3 =	vadd.f32 v5, v3  }
0x164: {  	[tilespmem:s18+$0x1A280] =	vst v6  }
0x165: {  	[tilespmem:s0+$0x1A280] =	vst v3  }
0x166: {  	v4 =	vld [tilespmem:s28+$0x2300]  }
0x167: {  	v5 =	vld [tilespmem:s28+$0xA300];
	_ =	sdelay $0x1  }
0x168: {  	v6 =	vld [tilespmem:s28+$0x12300];
	_ =	sdelay $0x1  }
0x169: {  	s0 =	sor.u32 s30, s29  }
0x16a: {  	v3 =	vld [tilespmem:s0+$0x2300];
	v4 =	vadd.f32 v5, v4  }
0x16b: {  	v5 =	vld [tilespmem:s0+$0xA300]  }
0x16c: {  	v6 =	vadd.f32 v6, v4  }
0x16d: {  	s1 =	simm.s32 $0x20;
	s18 =	simm.s32 $0x100;
	v4 =	vld [tilespmem:s0+$0x12300]  }
.LBB2_26:
0x16e: {  	s6 =	sand.u32 $0x70, s1;
	s19 =	sand.u32 $0x1C00, s18;
	[tilespmem:s28+$0x1A300] =	vst v6;
	p0 =	sne.s32 s1, $0x3F0  }
.Ltmp12:
0x16f: {  	s1 =	sadd.s32 $0x10, s1;
	s6 =	sor.u32 s19, s6;
	(pc) =	sbr.rel @p0 .LBB2_26-.Ltmp12, $4  }
0x170: {  	s28 =	smov.u32 s0;
	v6 =	vadd.f32 v5, v3;
	v3 =	vld [tilespmem:s6+$0x2300];
	s0 =	smov.u32 s6  }
0x171: {  	v5 =	vld [tilespmem:s0+$0xA300]  }
0x172: {  	v6 =	vadd.f32 v4, v6  }
0x173: {  	s18 =	sadd.s32 $0x80, s18;
	v4 =	vld [tilespmem:s0+$0x12300]  }
0x174: {  	_ =	sdelay $0x1  }
0x175: {  	v3 =	vadd.f32 v5, v3;
	_ =	sdelay $0x1  }
0x176: {  	s1 =	simm.s32 $0x0;
	v3 =	vadd.f32 v4, v3  }
0x177: {  	[tilespmem:s28+$0x1A300] =	vst v6;
	s6 =	sand.u32 $0x70, s1;
	s1 =	sand.u32 $0x1C00, s1  }
0x178: {  	s28 =	sor.u32 s1, s6;
	[tilespmem:s0+$0x1A300] =	vst v3  }
0x179: {  	v4 =	vld [tilespmem:s28+$0x2380]  }
0x17a: {  	v5 =	vld [tilespmem:s28+$0xA380];
	_ =	sdelay $0x1  }
0x17b: {  	s18 =	simm.s32 $0x10;
	s19 =	simm.s32 $0x80;
	v6 =	vld [tilespmem:s28+$0x12380]  }
0x17c: {  	s29 =	sand.u32 $0x70, s18;
	s30 =	sand.u32 $0x1C00, s19  }
0x17d: {  	s0 =	sor.u32 s30, s29  }
0x17e: {  	v3 =	vld [tilespmem:s0+$0x2380];
	v5 =	vadd.f32 v5, v4  }
0x17f: {  	v4 =	vld [tilespmem:s0+$0xA380]  }
0x180: {  	s31 =	simm.s32 $0x100;
	s1 =	simm.s32 $0x20;
	s18 =	smov.u32 s28;
	v6 =	vadd.f32 v6, v5;
	v5 =	vld [tilespmem:s0+$0x12380]  }
.LBB2_28:
0x181: {  	s6 =	sand.u32 $0x70, s1  }
0x182: {  	s19 =	sand.u32 $0x1C00, s31;
	[tilespmem:s18+$0x1A380] =	vst v6;
	s18 =	smov.u32 s0;
	p0 =	sne.s32 s1, $0x3F0  }
.Ltmp13:
0x183: {  	s1 =	sadd.s32 $0x10, s1;
	s0 =	sor.u32 s19, s6;
	(pc) =	sbr.rel @p0 .LBB2_28-.Ltmp13, $4  }
0x184: {  	v6 =	vadd.f32 v4, v3;
	v3 =	vld [tilespmem:s0+$0x2380]  }
0x185: {  	v4 =	vld [tilespmem:s0+$0xA380]  }
0x186: {  	v6 =	vadd.f32 v5, v6  }
0x187: {  	s31 =	sadd.s32 $0x80, s31;
	v5 =	vld [tilespmem:s0+$0x12380]  }
0x188: {  	_ =	sdelay $0x1  }
0x189: {  	v3 =	vadd.f32 v4, v3;
	_ =	sdelay $0x1  }
0x18a: {  	v3 =	vadd.f32 v5, v3  }
0x18b: {  	[tilespmem:s18+$0x1A380] =	vst v6  }
0x18c: {  	[tilespmem:s0+$0x1A380] =	vst v3  }
0x18d: {  	v4 =	vld [tilespmem:s28+$0x2400]  }
0x18e: {  	v5 =	vld [tilespmem:s28+$0xA400];
	_ =	sdelay $0x1  }
0x18f: {  	v6 =	vld [tilespmem:s28+$0x12400];
	_ =	sdelay $0x1  }
0x190: {  	s0 =	sor.u32 s30, s29  }
0x191: {  	v3 =	vld [tilespmem:s0+$0x2400];
	v5 =	vadd.f32 v5, v4  }
0x192: {  	v4 =	vld [tilespmem:s0+$0xA400]  }
0x193: {  	s1 =	simm.s32 $0x20;
	s6 =	simm.s32 $0x100;
	v6 =	vadd.f32 v6, v5;
	v5 =	vld [tilespmem:s0+$0x12400]  }
.LBB2_30:
0x194: {  	s18 =	sand.u32 $0x70, s1  }
0x195: {  	s19 =	sand.u32 $0x1C00, s6;
	[tilespmem:s28+$0x1A400] =	vst v6;
	s28 =	smov.u32 s0;
	p0 =	sne.s32 s1, $0x3F0  }
.Ltmp14:
0x196: {  	s1 =	sadd.s32 $0x10, s1;
	s0 =	sor.u32 s19, s18;
	(pc) =	sbr.rel @p0 .LBB2_30-.Ltmp14, $4  }
0x197: {  	v6 =	vadd.f32 v4, v3;
	v3 =	vld [tilespmem:s0+$0x2400]  }
0x198: {  	v4 =	vld [tilespmem:s0+$0xA400]  }
0x199: {  	v6 =	vadd.f32 v5, v6  }
0x19a: {  	s6 =	sadd.s32 $0x80, s6;
	v5 =	vld [tilespmem:s0+$0x12400]  }
0x19b: {  	_ =	sdelay $0x1  }
0x19c: {  	v3 =	vadd.f32 v4, v3;
	_ =	sdelay $0x1  }
0x19d: {  	s1 =	simm.s32 $0x0;
	v3 =	vadd.f32 v5, v3  }
0x19e: {  	[tilespmem:s28+$0x1A400] =	vst v6;
	s1 =	sor.u32 s1, s1  }
0x19f: {  	[tilespmem:s0+$0x1A400] =	vst v3;
	s0 =	sor.u32 $0x2380, s1  }
0x1a0: {  	v4 =	vld [tilespmem:s0+$0x100]  }
0x1a1: {  	v5 =	vld [tilespmem:s0+$0x8100];
	_ =	sdelay $0x1  }
0x1a2: {  	s31 =	simm.s32 $0x10;
	s6 =	simm.s32 $0x80;
	v6 =	vld [tilespmem:s0+$0x10100]  }
0x1a3: {  	s1 =	sor.u32 s6, s31  }
0x1a4: {  	s1 =	sor.u32 $0x2380, s1  }
0x1a5: {  	v3 =	vld [tilespmem:s1+$0x100];
	v5 =	vadd.f32 v5, v4  }
0x1a6: {  	v4 =	vld [tilespmem:s1+$0x8100]  }
0x1a7: {  	v6 =	vadd.f32 v6, v5  }
0x1a8: {  	s18 =	simm.s32 $0x20;
	s6 =	simm.s32 $0x100;
	v5 =	vld [tilespmem:s1+$0x10100]  }
.LBB2_32:
0x1a9: {  	s19 =	sor.u32 s6, s18;
	[tilespmem:s0+$0x18100] =	vst v6;
	s0 =	smov.u32 s1;
	p0 =	sne.s32 s18, $0x3F0  }
.Ltmp15:
0x1aa: {  	s18 =	sadd.s32 $0x10, s18;
	s1 =	sor.u32 $0x2380, s19;
	(pc) =	sbr.rel @p0 .LBB2_32-.Ltmp15, $4  }
0x1ab: {  	v6 =	vadd.f32 v4, v3;
	v3 =	vld [tilespmem:s1+$0x100]  }
0x1ac: {  	v4 =	vld [tilespmem:s1+$0x8100]  }
0x1ad: {  	v6 =	vadd.f32 v5, v6  }
0x1ae: {  	s6 =	sadd.s32 $0x80, s6;
	v5 =	vld [tilespmem:s1+$0x10100]  }
0x1af: {  	_ =	sdelay $0x1  }
0x1b0: {  	v3 =	vadd.f32 v4, v3;
	_ =	sdelay $0x1  }
0x1b1: {  	v3 =	vadd.f32 v5, v3  }
0x1b2: {  	[tilespmem:s0+$0x18100] =	vst v6  }
0x1b3: {  	s0 =	simm.s32 $0x0;
	[tilespmem:s1+$0x18100] =	vst v3  }
0x1b4: {  	[hbm4b:s10+s0] =	stream.linear.scatter [tilespmem:s25], [sflag:$0x4], $0x4000, $0x38;
	[tilespmem:$0x1C100] =	vst v63  }
0x1b5: {  	_ =	swait.ge [sflag:s17], $0x4000  }
0x1b6: {  	[sflag:s17] =	ssyncset.done $0x0  }
0x1b7: {  	[sflag:s17] =	ssyncadd.s32 $0xFFFFC000  }
0x1b8: {  	v3 =	vld [tilespmem:$0x20];
	_ =	sdelay $0x4  }
0x1b9: {  	v4 =	vshll.u32 v3, $0x3  }
0x1ba: {  	v3 =	vand.u32 $0x7, v3;
	v4 =	vand.u32 $0xFFFFFFC0, v4  }
0x1bb: {  	v3 =	vor.u32 v3, v4  }
0x1bc: {  	v4 =	vperm.xlane v3, v0;
	_ =	sdelay $0x1  }
0x1bd: {  	v4 =	vadd.s32 v1, v4;
	_ =	sdelay $0x4  }
0x1be: {  	[tilespmem:s20], [sflag:$0x1] =	stream.indirect_vreg.gather [hbm4b:s3+s0], $0x80, v4, vm0, $0xb8;
	[tilespmem:$0x1C100] =	vst v63  }
0x1bf: {  	s19 =	simm.s32 $0x900;
	v3 =	vperm.xlane v3, v2  }
0x1c0: {  	[tilespmem:s19], [sflag:$0x1] =	stream.indirect_vreg.gather [hbm4b:s4+s0], $0x80, v4, vm0, $0xb8;
	[tilespmem:$0x1C100] =	vst v63  }
0x1c1: {  	v3 =	vadd.s32 v1, v3;
	s20 =	simm.s32 $0x1100  }
0x1c2: {  	[tilespmem:s20], [sflag:$0x1] =	stream.indirect_vreg.gather [hbm4b:s5+s0], $0x80, v4, vm0, $0xb8;
	[tilespmem:$0x1C100] =	vst v63  }
0x1c3: {  	s6 =	simm.s32 $0x1900  }
0x1c4: {  	[tilespmem:s6], [sflag:$0x1] =	stream.indirect_vreg.gather [hbm4b:s7+s0], $0x80, v4, vm0, $0xb8;
	[tilespmem:$0x1C100] =	vst v63  }
0x1c5: {  	s18 =	simm.s32 $0x2100  }
0x1c6: {  	[tilespmem:s18], [sflag:$0x1] =	stream.indirect_vreg.gather [hbm4b:s3+s0], $0x80, v3, vm0, $0xb8;
	[tilespmem:$0x1C100] =	vst v63  }
0x1c7: {  	s19 =	simm.s32 $0x2900  }
0x1c8: {  	[tilespmem:s19], [sflag:$0x1] =	stream.indirect_vreg.gather [hbm4b:s4+s0], $0x80, v3, vm0, $0xb8;
	[tilespmem:$0x1C100] =	vst v63  }
0x1c9: {  	s20 =	simm.s32 $0x3100  }
0x1ca: {  	[tilespmem:s20], [sflag:$0x1] =	stream.indirect_vreg.gather [hbm4b:s5+s0], $0x80, v3, vm0, $0xb8;
	[tilespmem:$0x1C100] =	vst v63  }
0x1cb: {  	s6 =	simm.s32 $0x3900  }
0x1cc: {  	[tilespmem:s6], [sflag:$0x1] =	stream.indirect_vreg.gather [hbm4b:s7+s0], $0x80, v3, vm0, $0xb8;
	[tilespmem:$0x1C100] =	vst v63  }
0x1cd: {  	v3 =	vld [tilespmem:$0xA0];
	_ =	sdelay $0x4  }
0x1ce: {  	v4 =	vshll.u32 v3, $0x3  }
0x1cf: {  	v3 =	vand.u32 $0x7, v3;
	v4 =	vand.u32 $0xFFFFFFC0, v4  }
0x1d0: {  	v3 =	vor.u32 v3, v4  }
0x1d1: {  	v4 =	vperm.xlane v3, v0;
	_ =	sdelay $0x1  }
0x1d2: {  	v4 =	vadd.s32 v1, v4;
	_ =	sdelay $0x3  }
0x1d3: {  	s18 =	simm.s32 $0x8100  }
0x1d4: {  	[tilespmem:s18], [sflag:$0x2] =	stream.indirect_vreg.gather [hbm4b:s3+s0], $0x80, v4, vm0, $0xb8;
	[tilespmem:$0x1C100] =	vst v63  }
0x1d5: {  	s19 =	simm.s32 $0x8900;
	v3 =	vperm.xlane v3, v2  }
0x1d6: {  	[tilespmem:s19], [sflag:$0x2] =	stream.indirect_vreg.gather [hbm4b:s4+s0], $0x80, v4, vm0, $0xb8;
	[tilespmem:$0x1C100] =	vst v63  }
0x1d7: {  	s20 =	simm.s32 $0x9100;
	v3 =	vadd.s32 v1, v3  }
0x1d8: {  	[tilespmem:s20], [sflag:$0x2] =	stream.indirect_vreg.gather [hbm4b:s5+s0], $0x80, v4, vm0, $0xb8;
	[tilespmem:$0x1C100] =	vst v63  }
0x1d9: {  	s6 =	simm.s32 $0x9900  }
0x1da: {  	[tilespmem:s6], [sflag:$0x2] =	stream.indirect_vreg.gather [hbm4b:s7+s0], $0x80, v4, vm0, $0xb8;
	[tilespmem:$0x1C100] =	vst v63  }
0x1db: {  	s18 =	simm.s32 $0xA100  }
0x1dc: {  	[tilespmem:s18], [sflag:$0x2] =	stream.indirect_vreg.gather [hbm4b:s3+s0], $0x80, v3, vm0, $0xb8;
	[tilespmem:$0x1C100] =	vst v63  }
0x1dd: {  	s19 =	simm.s32 $0xA900  }
0x1de: {  	[tilespmem:s19], [sflag:$0x2] =	stream.indirect_vreg.gather [hbm4b:s4+s0], $0x80, v3, vm0, $0xb8;
	[tilespmem:$0x1C100] =	vst v63  }
0x1df: {  	s20 =	simm.s32 $0xB100  }
0x1e0: {  	[tilespmem:s20], [sflag:$0x2] =	stream.indirect_vreg.gather [hbm4b:s5+s0], $0x80, v3, vm0, $0xb8;
	[tilespmem:$0x1C100] =	vst v63  }
0x1e1: {  	s6 =	simm.s32 $0xB900  }
0x1e2: {  	[tilespmem:s6], [sflag:$0x2] =	stream.indirect_vreg.gather [hbm4b:s7+s0], $0x80, v3, vm0, $0xb8;
	[tilespmem:$0x1C100] =	vst v63  }
0x1e3: {  	s18 =	simm.s32 $0x10100  }
0x1e4: {  	[tilespmem:s18], [sflag:$0x3] =	stream.linear.gather [hbm4b:s11+s0], $0x4000, $0x38;
	[tilespmem:$0x1C100] =	vst v63  }
0x1e5: {  	_ =	swait.ge [sflag:s22], $0x4000  }
0x1e6: {  	[sflag:s22] =	ssyncset.done $0x0  }
0x1e7: {  	[sflag:s22] =	ssyncadd.s32 $0xFFFFC000  }
0x1e8: {  	_ =	swait.ge [sflag:s23], $0x4000  }
0x1e9: {  	[sflag:s23] =	ssyncset.done $0x0  }
0x1ea: {  	[sflag:s23] =	ssyncadd.s32 $0xFFFFC000  }
0x1eb: {  	_ =	swait.ge [sflag:s24], $0x4000  }
0x1ec: {  	s28 =	sand.u32 $0x70, s0;
	s29 =	sand.u32 $0x1C00, s0;
	[sflag:s24] =	ssyncset.done $0x0  }
0x1ed: {  	s31 =	sor.u32 s28, s29;
	[sflag:s24] =	ssyncadd.s32 $0xFFFFC000  }
0x1ee: {  	v4 =	vld [tilespmem:s31+$0x4100]  }
0x1ef: {  	v5 =	vld [tilespmem:s31+$0xC100];
	_ =	sdelay $0x1  }
0x1f0: {  	s19 =	simm.s32 $0x10;
	s20 =	simm.s32 $0x80;
	v6 =	vld [tilespmem:s31+$0x14100]  }
0x1f1: {  	s30 =	sand.u32 $0x70, s19;
	s0 =	sand.u32 $0x1C00, s20  }
0x1f2: {  	s1 =	sor.u32 s30, s0  }
0x1f3: {  	v3 =	vld [tilespmem:s1+$0x4100];
	v5 =	vadd.f32 v5, v4  }
0x1f4: {  	v4 =	vld [tilespmem:s1+$0xC100]  }
0x1f5: {  	s6 =	simm.s32 $0x100;
	s18 =	simm.s32 $0x20;
	v6 =	vadd.f32 v6, v5;
	v5 =	vld [tilespmem:s1+$0x14100]  }
.LBB2_34:
0x1f6: {  	s19 =	sand.u32 $0x70, s18  }
0x1f7: {  	s20 =	sand.u32 $0x1C00, s6;
	[tilespmem:s31+$0x18100] =	vst v6;
	s31 =	smov.u32 s1;
	p0 =	sne.s32 s18, $0x3F0  }
.Ltmp16:
0x1f8: {  	s18 =	sadd.s32 $0x10, s18;
	s1 =	sor.u32 s19, s20;
	(pc) =	sbr.rel @p0 .LBB2_34-.Ltmp16, $4  }
0x1f9: {  	v6 =	vadd.f32 v4, v3;
	v3 =	vld [tilespmem:s1+$0x4100]  }
0x1fa: {  	v4 =	vld [tilespmem:s1+$0xC100]  }
0x1fb: {  	v6 =	vadd.f32 v5, v6  }
0x1fc: {  	s6 =	sadd.s32 $0x80, s6;
	v5 =	vld [tilespmem:s1+$0x14100]  }
0x1fd: {  	_ =	sdelay $0x1  }
0x1fe: {  	v3 =	vadd.f32 v4, v3;
	_ =	sdelay $0x1  }
0x1ff: {  	v3 =	vadd.f32 v5, v3  }
0x200: {  	[tilespmem:s31+$0x18100] =	vst v6  }
0x201: {  	[tilespmem:s1+$0x18100] =	vst v3;
	s1 =	sor.u32 s29, s28  }
0x202: {  	v4 =	vld [tilespmem:s1+$0x4180]  }
0x203: {  	v5 =	vld [tilespmem:s1+$0xC180];
	_ =	sdelay $0x1  }
0x204: {  	v6 =	vld [tilespmem:s1+$0x14180];
	_ =	sdelay $0x1  }
0x205: {  	s0 =	sor.u32 s0, s30  }
0x206: {  	v3 =	vld [tilespmem:s0+$0x4180];
	v4 =	vadd.f32 v5, v4  }
0x207: {  	v5 =	vld [tilespmem:s0+$0xC180]  }
0x208: {  	v6 =	vadd.f32 v6, v4  }
0x209: {  	s18 =	simm.s32 $0x100;
	s28 =	simm.s32 $0x20;
	v4 =	vld [tilespmem:s0+$0x14180]  }
.LBB2_36:
0x20a: {  	s6 =	sand.u32 $0x70, s28;
	s19 =	sand.u32 $0x1C00, s18;
	[tilespmem:s1+$0x18180] =	vst v6;
	p0 =	sne.s32 s28, $0x3F0  }
.Ltmp17:
0x20b: {  	s28 =	sadd.s32 $0x10, s28;
	s6 =	sor.u32 s19, s6;
	(pc) =	sbr.rel @p0 .LBB2_36-.Ltmp17, $4  }
0x20c: {  	s1 =	smov.u32 s0;
	v6 =	vadd.f32 v5, v3;
	v3 =	vld [tilespmem:s6+$0x4180];
	s0 =	smov.u32 s6  }
0x20d: {  	v5 =	vld [tilespmem:s0+$0xC180]  }
0x20e: {  	v6 =	vadd.f32 v4, v6  }
0x20f: {  	s18 =	sadd.s32 $0x80, s18;
	v4 =	vld [tilespmem:s0+$0x14180]  }
0x210: {  	_ =	sdelay $0x1  }
0x211: {  	v3 =	vadd.f32 v5, v3;
	_ =	sdelay $0x1  }
0x212: {  	s6 =	simm.s32 $0x0;
	v3 =	vadd.f32 v4, v3  }
0x213: {  	[tilespmem:s1+$0x18180] =	vst v6;
	s18 =	sand.u32 $0x70, s6;
	s6 =	sand.u32 $0x1C00, s6  }
0x214: {  	s28 =	sor.u32 s6, s18;
	[tilespmem:s0+$0x18180] =	vst v3  }
0x215: {  	v4 =	vld [tilespmem:s28+$0x4200]  }
0x216: {  	v5 =	vld [tilespmem:s28+$0xC200];
	_ =	sdelay $0x1  }
0x217: {  	s19 =	simm.s32 $0x10;
	s20 =	simm.s32 $0x80;
	v6 =	vld [tilespmem:s28+$0x14200]  }
0x218: {  	s29 =	sand.u32 $0x70, s19;
	s0 =	sand.u32 $0x1C00, s20  }
0x219: {  	s30 =	sor.u32 s0, s29  }
0x21a: {  	v3 =	vld [tilespmem:s30+$0x4200];
	v5 =	vadd.f32 v5, v4  }
0x21b: {  	v4 =	vld [tilespmem:s30+$0xC200]  }
0x21c: {  	s1 =	simm.s32 $0x20;
	s31 =	simm.s32 $0x100;
	s18 =	smov.u32 s28;
	v6 =	vadd.f32 v6, v5;
	v5 =	vld [tilespmem:s30+$0x14200]  }
.LBB2_38:
0x21d: {  	s6 =	sand.u32 $0x70, s1  }
0x21e: {  	s19 =	sand.u32 $0x1C00, s31;
	[tilespmem:s18+$0x18200] =	vst v6;
	s18 =	smov.u32 s30;
	p0 =	sne.s32 s1, $0x3F0  }
.Ltmp18:
0x21f: {  	s1 =	sadd.s32 $0x10, s1;
	s30 =	sor.u32 s19, s6;
	(pc) =	sbr.rel @p0 .LBB2_38-.Ltmp18, $4  }
0x220: {  	v6 =	vadd.f32 v4, v3;
	v3 =	vld [tilespmem:s30+$0x4200]  }
0x221: {  	v4 =	vld [tilespmem:s30+$0xC200]  }
0x222: {  	v6 =	vadd.f32 v5, v6  }
0x223: {  	s31 =	sadd.s32 $0x80, s31;
	v5 =	vld [tilespmem:s30+$0x14200]  }
0x224: {  	_ =	sdelay $0x1  }
0x225: {  	v3 =	vadd.f32 v4, v3;
	_ =	sdelay $0x1  }
0x226: {  	v3 =	vadd.f32 v5, v3  }
0x227: {  	[tilespmem:s18+$0x18200] =	vst v6  }
0x228: {  	[tilespmem:s30+$0x18200] =	vst v3  }
0x229: {  	v4 =	vld [tilespmem:s28+$0x4280]  }
0x22a: {  	v5 =	vld [tilespmem:s28+$0xC280];
	_ =	sdelay $0x1  }
0x22b: {  	v6 =	vld [tilespmem:s28+$0x14280];
	_ =	sdelay $0x1  }
0x22c: {  	s0 =	sor.u32 s0, s29  }
0x22d: {  	v3 =	vld [tilespmem:s0+$0x4280];
	v4 =	vadd.f32 v5, v4  }
0x22e: {  	v5 =	vld [tilespmem:s0+$0xC280]  }
0x22f: {  	v6 =	vadd.f32 v6, v4  }
0x230: {  	s1 =	simm.s32 $0x20;
	s18 =	simm.s32 $0x100;
	v4 =	vld [tilespmem:s0+$0x14280]  }
.LBB2_40:
0x231: {  	s6 =	sand.u32 $0x70, s1;
	s19 =	sand.u32 $0x1C00, s18;
	[tilespmem:s28+$0x18280] =	vst v6;
	p0 =	sne.s32 s1, $0x3F0  }
.Ltmp19:
0x232: {  	s1 =	sadd.s32 $0x10, s1;
	s6 =	sor.u32 s19, s6;
	(pc) =	sbr.rel @p0 .LBB2_40-.Ltmp19, $4  }
0x233: {  	s28 =	smov.u32 s0;
	v6 =	vadd.f32 v5, v3;
	v3 =	vld [tilespmem:s6+$0x4280];
	s0 =	smov.u32 s6  }
0x234: {  	v5 =	vld [tilespmem:s0+$0xC280]  }
0x235: {  	v6 =	vadd.f32 v4, v6  }
0x236: {  	s18 =	sadd.s32 $0x80, s18;
	v4 =	vld [tilespmem:s0+$0x14280]  }
0x237: {  	_ =	sdelay $0x1  }
0x238: {  	v3 =	vadd.f32 v5, v3;
	_ =	sdelay $0x1  }
0x239: {  	s1 =	simm.s32 $0x0;
	v3 =	vadd.f32 v4, v3  }
0x23a: {  	[tilespmem:s28+$0x18280] =	vst v6;
	s6 =	sand.u32 $0x70, s1;
	s1 =	sand.u32 $0x1C00, s1  }
0x23b: {  	s28 =	sor.u32 s1, s6;
	[tilespmem:s0+$0x18280] =	vst v3  }
0x23c: {  	v4 =	vld [tilespmem:s28+$0x4300]  }
0x23d: {  	v5 =	vld [tilespmem:s28+$0xC300];
	_ =	sdelay $0x1  }
0x23e: {  	s19 =	simm.s32 $0x10;
	s20 =	simm.s32 $0x80;
	v6 =	vld [tilespmem:s28+$0x14300]  }
0x23f: {  	s29 =	sand.u32 $0x70, s19;
	s0 =	sand.u32 $0x1C00, s20  }
0x240: {  	s30 =	sor.u32 s0, s29  }
0x241: {  	v3 =	vld [tilespmem:s30+$0x4300];
	v5 =	vadd.f32 v5, v4  }
0x242: {  	v4 =	vld [tilespmem:s30+$0xC300]  }
0x243: {  	s31 =	simm.s32 $0x100;
	s1 =	simm.s32 $0x20;
	s18 =	smov.u32 s28;
	v6 =	vadd.f32 v6, v5;
	v5 =	vld [tilespmem:s30+$0x14300]  }
.LBB2_42:
0x244: {  	s6 =	sand.u32 $0x70, s1  }
0x245: {  	s19 =	sand.u32 $0x1C00, s31;
	[tilespmem:s18+$0x18300] =	vst v6;
	s18 =	smov.u32 s30;
	p0 =	sne.s32 s1, $0x3F0  }
.Ltmp20:
0x246: {  	s1 =	sadd.s32 $0x10, s1;
	s30 =	sor.u32 s19, s6;
	(pc) =	sbr.rel @p0 .LBB2_42-.Ltmp20, $4  }
0x247: {  	v6 =	vadd.f32 v4, v3;
	v3 =	vld [tilespmem:s30+$0x4300]  }
0x248: {  	v4 =	vld [tilespmem:s30+$0xC300]  }
0x249: {  	v6 =	vadd.f32 v5, v6  }
0x24a: {  	s31 =	sadd.s32 $0x80, s31;
	v5 =	vld [tilespmem:s30+$0x14300]  }
0x24b: {  	_ =	sdelay $0x1  }
0x24c: {  	v3 =	vadd.f32 v4, v3;
	_ =	sdelay $0x1  }
0x24d: {  	v3 =	vadd.f32 v5, v3  }
0x24e: {  	[tilespmem:s18+$0x18300] =	vst v6  }
0x24f: {  	[tilespmem:s30+$0x18300] =	vst v3  }
0x250: {  	v4 =	vld [tilespmem:s28+$0x4380]  }
0x251: {  	v5 =	vld [tilespmem:s28+$0xC380];
	_ =	sdelay $0x1  }
0x252: {  	v6 =	vld [tilespmem:s28+$0x14380];
	_ =	sdelay $0x1  }
0x253: {  	s0 =	sor.u32 s0, s29  }
0x254: {  	v3 =	vld [tilespmem:s0+$0x4380];
	v4 =	vadd.f32 v5, v4  }
0x255: {  	v5 =	vld [tilespmem:s0+$0xC380]  }
0x256: {  	v6 =	vadd.f32 v6, v4  }
0x257: {  	s1 =	simm.s32 $0x20;
	s18 =	simm.s32 $0x100;
	v4 =	vld [tilespmem:s0+$0x14380]  }
.LBB2_44:
0x258: {  	s6 =	sand.u32 $0x70, s1;
	s19 =	sand.u32 $0x1C00, s18;
	[tilespmem:s28+$0x18380] =	vst v6;
	p0 =	sne.s32 s1, $0x3F0  }
.Ltmp21:
0x259: {  	s1 =	sadd.s32 $0x10, s1;
	s6 =	sor.u32 s19, s6;
	(pc) =	sbr.rel @p0 .LBB2_44-.Ltmp21, $4  }
0x25a: {  	s28 =	smov.u32 s0;
	v6 =	vadd.f32 v5, v3;
	v3 =	vld [tilespmem:s6+$0x4380];
	s0 =	smov.u32 s6  }
0x25b: {  	v5 =	vld [tilespmem:s0+$0xC380]  }
0x25c: {  	v6 =	vadd.f32 v4, v6  }
0x25d: {  	s18 =	sadd.s32 $0x80, s18;
	v4 =	vld [tilespmem:s0+$0x14380]  }
0x25e: {  	_ =	sdelay $0x1  }
0x25f: {  	v3 =	vadd.f32 v5, v3;
	_ =	sdelay $0x1  }
0x260: {  	s29 =	simm.s32 $0x0;
	v3 =	vadd.f32 v4, v3  }
0x261: {  	[tilespmem:s28+$0x18380] =	vst v6;
	s1 =	sand.u32 $0x70, s29;
	s6 =	sand.u32 $0x1C00, s29  }
0x262: {  	s31 =	sor.u32 s6, s1;
	[tilespmem:s0+$0x18380] =	vst v3  }
0x263: {  	v4 =	vld [tilespmem:s31+$0x4400]  }
0x264: {  	v5 =	vld [tilespmem:s31+$0xC400];
	_ =	sdelay $0x1  }
0x265: {  	s28 =	simm.s32 $0x10;
	s30 =	simm.s32 $0x80;
	v6 =	vld [tilespmem:s31+$0x14400]  }
0x266: {  	s19 =	sand.u32 $0x70, s28;
	s20 =	sand.u32 $0x1C00, s30  }
0x267: {  	s0 =	sor.u32 s20, s19  }
0x268: {  	v3 =	vld [tilespmem:s0+$0x4400];
	v5 =	vadd.f32 v5, v4  }
0x269: {  	v4 =	vld [tilespmem:s0+$0xC400]  }
0x26a: {  	s1 =	simm.s32 $0x20;
	s6 =	simm.s32 $0x100;
	v6 =	vadd.f32 v6, v5;
	v5 =	vld [tilespmem:s0+$0x14400]  }
.LBB2_46:
0x26b: {  	s18 =	sand.u32 $0x70, s1  }
0x26c: {  	s19 =	sand.u32 $0x1C00, s6;
	[tilespmem:s31+$0x18400] =	vst v6;
	s31 =	smov.u32 s0;
	p0 =	sne.s32 s1, $0x3F0  }
.Ltmp22:
0x26d: {  	s1 =	sadd.s32 $0x10, s1;
	s0 =	sor.u32 s19, s18;
	(pc) =	sbr.rel @p0 .LBB2_46-.Ltmp22, $4  }
0x26e: {  	v6 =	vadd.f32 v4, v3;
	v3 =	vld [tilespmem:s0+$0x4400]  }
0x26f: {  	v4 =	vld [tilespmem:s0+$0xC400]  }
0x270: {  	v6 =	vadd.f32 v5, v6  }
0x271: {  	s6 =	sadd.s32 $0x80, s6;
	v5 =	vld [tilespmem:s0+$0x14400]  }
0x272: {  	_ =	sdelay $0x1  }
0x273: {  	v3 =	vadd.f32 v4, v3;
	_ =	sdelay $0x1  }
0x274: {  	v3 =	vadd.f32 v5, v3  }
0x275: {  	[tilespmem:s31+$0x18400] =	vst v6;
	s1 =	sor.u32 s29, s29  }
0x276: {  	[tilespmem:s0+$0x18400] =	vst v3;
	s0 =	sor.u32 $0x380, s1  }
0x277: {  	v4 =	vld [tilespmem:s0+$0x4100]  }
0x278: {  	v5 =	vld [tilespmem:s0+$0xC100];
	_ =	sdelay $0x1  }
0x279: {  	v6 =	vld [tilespmem:s0+$0x14100]  }
0x27a: {  	s31 =	sor.u32 s30, s28  }
0x27b: {  	s28 =	sor.u32 $0x380, s31  }
0x27c: {  	v3 =	vld [tilespmem:s28+$0x4100];
	v5 =	vadd.f32 v5, v4  }
0x27d: {  	v4 =	vld [tilespmem:s28+$0xC100]  }
0x27e: {  	v6 =	vadd.f32 v6, v5  }
0x27f: {  	s6 =	simm.s32 $0x100;
	s1 =	simm.s32 $0x20;
	v5 =	vld [tilespmem:s28+$0x14100]  }
.LBB2_48:
0x280: {  	s18 =	sor.u32 s6, s1;
	[tilespmem:s0+$0x18100] =	vst v6;
	s0 =	smov.u32 s28;
	p0 =	sne.s32 s1, $0x3F0  }
.Ltmp23:
0x281: {  	s1 =	sadd.s32 $0x10, s1;
	s28 =	sor.u32 $0x380, s18;
	(pc) =	sbr.rel @p0 .LBB2_48-.Ltmp23, $4  }
0x282: {  	v6 =	vadd.f32 v4, v3;
	v3 =	vld [tilespmem:s28+$0x4100]  }
0x283: {  	v4 =	vld [tilespmem:s28+$0xC100]  }
0x284: {  	v6 =	vadd.f32 v5, v6  }
0x285: {  	s6 =	sadd.s32 $0x80, s6;
	v5 =	vld [tilespmem:s28+$0x14100]  }
0x286: {  	_ =	sdelay $0x1  }
0x287: {  	v3 =	vadd.f32 v4, v3;
	_ =	sdelay $0x1  }
0x288: {  	s1 =	simm.s32 $0x0;
	v3 =	vadd.f32 v5, v3  }
0x289: {  	[tilespmem:s0+$0x18100] =	vst v6;
	s18 =	sand.u32 $0x70, s1;
	s1 =	sand.u32 $0x1C00, s1  }
0x28a: {  	[tilespmem:s28+$0x18100] =	vst v3;
	s28 =	sor.u32 s1, s18  }
0x28b: {  	v4 =	vld [tilespmem:s28+$0x6100]  }
0x28c: {  	v5 =	vld [tilespmem:s28+$0xE100];
	_ =	sdelay $0x1  }
0x28d: {  	s19 =	simm.s32 $0x10;
	s20 =	simm.s32 $0x80;
	v6 =	vld [tilespmem:s28+$0x16100]  }
0x28e: {  	s29 =	sand.u32 $0x70, s19;
	s0 =	sand.u32 $0x1C00, s20  }
0x28f: {  	s30 =	sor.u32 s0, s29  }
0x290: {  	v3 =	vld [tilespmem:s30+$0x6100];
	v5 =	vadd.f32 v5, v4  }
0x291: {  	v4 =	vld [tilespmem:s30+$0xE100]  }
0x292: {  	s31 =	simm.s32 $0x100;
	s1 =	simm.s32 $0x20;
	s18 =	smov.u32 s28;
	v6 =	vadd.f32 v6, v5;
	v5 =	vld [tilespmem:s30+$0x16100]  }
.LBB2_50:
0x293: {  	s6 =	sand.u32 $0x70, s1  }
0x294: {  	s19 =	sand.u32 $0x1C00, s31;
	[tilespmem:s18+$0x1A100] =	vst v6;
	s18 =	smov.u32 s30;
	p0 =	sne.s32 s1, $0x3F0  }
.Ltmp24:
0x295: {  	s1 =	sadd.s32 $0x10, s1;
	s30 =	sor.u32 s19, s6;
	(pc) =	sbr.rel @p0 .LBB2_50-.Ltmp24, $4  }
0x296: {  	v6 =	vadd.f32 v4, v3;
	v3 =	vld [tilespmem:s30+$0x6100]  }
0x297: {  	v4 =	vld [tilespmem:s30+$0xE100]  }
0x298: {  	v6 =	vadd.f32 v5, v6  }
0x299: {  	s31 =	sadd.s32 $0x80, s31;
	v5 =	vld [tilespmem:s30+$0x16100]  }
0x29a: {  	_ =	sdelay $0x1  }
0x29b: {  	v3 =	vadd.f32 v4, v3;
	_ =	sdelay $0x1  }
0x29c: {  	v3 =	vadd.f32 v5, v3  }
0x29d: {  	[tilespmem:s18+$0x1A100] =	vst v6  }
0x29e: {  	[tilespmem:s30+$0x1A100] =	vst v3  }
0x29f: {  	v4 =	vld [tilespmem:s28+$0x6180]  }
0x2a0: {  	v5 =	vld [tilespmem:s28+$0xE180];
	_ =	sdelay $0x1  }
0x2a1: {  	v6 =	vld [tilespmem:s28+$0x16180];
	_ =	sdelay $0x1  }
0x2a2: {  	s0 =	sor.u32 s0, s29  }
0x2a3: {  	v3 =	vld [tilespmem:s0+$0x6180];
	v4 =	vadd.f32 v5, v4  }
0x2a4: {  	v5 =	vld [tilespmem:s0+$0xE180]  }
0x2a5: {  	v6 =	vadd.f32 v6, v4  }
0x2a6: {  	s1 =	simm.s32 $0x20;
	s18 =	simm.s32 $0x100;
	v4 =	vld [tilespmem:s0+$0x16180]  }
.LBB2_52:
0x2a7: {  	s6 =	sand.u32 $0x70, s1;
	s19 =	sand.u32 $0x1C00, s18;
	[tilespmem:s28+$0x1A180] =	vst v6;
	p0 =	sne.s32 s1, $0x3F0  }
.Ltmp25:
0x2a8: {  	s1 =	sadd.s32 $0x10, s1;
	s6 =	sor.u32 s19, s6;
	(pc) =	sbr.rel @p0 .LBB2_52-.Ltmp25, $4  }
0x2a9: {  	s28 =	smov.u32 s0;
	v6 =	vadd.f32 v5, v3;
	v3 =	vld [tilespmem:s6+$0x6180];
	s0 =	smov.u32 s6  }
0x2aa: {  	v5 =	vld [tilespmem:s0+$0xE180]  }
0x2ab: {  	v6 =	vadd.f32 v4, v6  }
0x2ac: {  	s18 =	sadd.s32 $0x80, s18;
	v4 =	vld [tilespmem:s0+$0x16180]  }
0x2ad: {  	_ =	sdelay $0x1  }
0x2ae: {  	v3 =	vadd.f32 v5, v3;
	_ =	sdelay $0x1  }
0x2af: {  	s1 =	simm.s32 $0x0;
	v3 =	vadd.f32 v4, v3  }
0x2b0: {  	[tilespmem:s28+$0x1A180] =	vst v6;
	s6 =	sand.u32 $0x70, s1;
	s1 =	sand.u32 $0x1C00, s1  }
0x2b1: {  	s28 =	sor.u32 s1, s6;
	[tilespmem:s0+$0x1A180] =	vst v3  }
0x2b2: {  	v4 =	vld [tilespmem:s28+$0x6200]  }
0x2b3: {  	v5 =	vld [tilespmem:s28+$0xE200];
	_ =	sdelay $0x1  }
0x2b4: {  	s19 =	simm.s32 $0x10;
	s20 =	simm.s32 $0x80;
	v6 =	vld [tilespmem:s28+$0x16200]  }
0x2b5: {  	s29 =	sand.u32 $0x70, s19;
	s0 =	sand.u32 $0x1C00, s20  }
0x2b6: {  	s30 =	sor.u32 s0, s29  }
0x2b7: {  	v3 =	vld [tilespmem:s30+$0x6200];
	v5 =	vadd.f32 v5, v4  }
0x2b8: {  	v4 =	vld [tilespmem:s30+$0xE200]  }
0x2b9: {  	s31 =	simm.s32 $0x100;
	s1 =	simm.s32 $0x20;
	s18 =	smov.u32 s28;
	v6 =	vadd.f32 v6, v5;
	v5 =	vld [tilespmem:s30+$0x16200]  }
.LBB2_54:
0x2ba: {  	s6 =	sand.u32 $0x70, s1  }
0x2bb: {  	s19 =	sand.u32 $0x1C00, s31;
	[tilespmem:s18+$0x1A200] =	vst v6;
	s18 =	smov.u32 s30;
	p0 =	sne.s32 s1, $0x3F0  }
.Ltmp26:
0x2bc: {  	s1 =	sadd.s32 $0x10, s1;
	s30 =	sor.u32 s19, s6;
	(pc) =	sbr.rel @p0 .LBB2_54-.Ltmp26, $4  }
0x2bd: {  	v6 =	vadd.f32 v4, v3;
	v3 =	vld [tilespmem:s30+$0x6200]  }
0x2be: {  	v4 =	vld [tilespmem:s30+$0xE200]  }
0x2bf: {  	v6 =	vadd.f32 v5, v6  }
0x2c0: {  	s31 =	sadd.s32 $0x80, s31;
	v5 =	vld [tilespmem:s30+$0x16200]  }
0x2c1: {  	_ =	sdelay $0x1  }
0x2c2: {  	v3 =	vadd.f32 v4, v3;
	_ =	sdelay $0x1  }
0x2c3: {  	v3 =	vadd.f32 v5, v3  }
0x2c4: {  	[tilespmem:s18+$0x1A200] =	vst v6  }
0x2c5: {  	[tilespmem:s30+$0x1A200] =	vst v3  }
0x2c6: {  	v4 =	vld [tilespmem:s28+$0x6280]  }
0x2c7: {  	v5 =	vld [tilespmem:s28+$0xE280];
	_ =	sdelay $0x1  }
0x2c8: {  	v6 =	vld [tilespmem:s28+$0x16280];
	_ =	sdelay $0x1  }
0x2c9: {  	s0 =	sor.u32 s0, s29  }
0x2ca: {  	v3 =	vld [tilespmem:s0+$0x6280];
	v4 =	vadd.f32 v5, v4  }
0x2cb: {  	v5 =	vld [tilespmem:s0+$0xE280]  }
0x2cc: {  	v6 =	vadd.f32 v6, v4  }
0x2cd: {  	s1 =	simm.s32 $0x20;
	s18 =	simm.s32 $0x100;
	v4 =	vld [tilespmem:s0+$0x16280]  }
.LBB2_56:
0x2ce: {  	s6 =	sand.u32 $0x70, s1;
	s19 =	sand.u32 $0x1C00, s18;
	[tilespmem:s28+$0x1A280] =	vst v6;
	p0 =	sne.s32 s1, $0x3F0  }
.Ltmp27:
0x2cf: {  	s1 =	sadd.s32 $0x10, s1;
	s6 =	sor.u32 s19, s6;
	(pc) =	sbr.rel @p0 .LBB2_56-.Ltmp27, $4  }
0x2d0: {  	s28 =	smov.u32 s0;
	v6 =	vadd.f32 v5, v3;
	v3 =	vld [tilespmem:s6+$0x6280];
	s0 =	smov.u32 s6  }
0x2d1: {  	v5 =	vld [tilespmem:s0+$0xE280]  }
0x2d2: {  	v6 =	vadd.f32 v4, v6  }
0x2d3: {  	s18 =	sadd.s32 $0x80, s18;
	v4 =	vld [tilespmem:s0+$0x16280]  }
0x2d4: {  	_ =	sdelay $0x1  }
0x2d5: {  	v3 =	vadd.f32 v5, v3;
	_ =	sdelay $0x1  }
0x2d6: {  	s1 =	simm.s32 $0x0;
	v3 =	vadd.f32 v4, v3  }
0x2d7: {  	[tilespmem:s28+$0x1A280] =	vst v6;
	s6 =	sand.u32 $0x70, s1;
	s1 =	sand.u32 $0x1C00, s1  }
0x2d8: {  	s28 =	sor.u32 s1, s6;
	[tilespmem:s0+$0x1A280] =	vst v3  }
0x2d9: {  	v4 =	vld [tilespmem:s28+$0x6300]  }
0x2da: {  	v5 =	vld [tilespmem:s28+$0xE300];
	_ =	sdelay $0x1  }
0x2db: {  	s19 =	simm.s32 $0x10;
	s20 =	simm.s32 $0x80;
	v6 =	vld [tilespmem:s28+$0x16300]  }
0x2dc: {  	s29 =	sand.u32 $0x70, s19;
	s0 =	sand.u32 $0x1C00, s20  }
0x2dd: {  	s30 =	sor.u32 s0, s29  }
0x2de: {  	v3 =	vld [tilespmem:s30+$0x6300];
	v5 =	vadd.f32 v5, v4  }
0x2df: {  	v4 =	vld [tilespmem:s30+$0xE300]  }
0x2e0: {  	s31 =	simm.s32 $0x100;
	s1 =	simm.s32 $0x20;
	s18 =	smov.u32 s28;
	v6 =	vadd.f32 v6, v5;
	v5 =	vld [tilespmem:s30+$0x16300]  }
.LBB2_58:
0x2e1: {  	s6 =	sand.u32 $0x70, s1  }
0x2e2: {  	s19 =	sand.u32 $0x1C00, s31;
	[tilespmem:s18+$0x1A300] =	vst v6;
	s18 =	smov.u32 s30;
	p0 =	sne.s32 s1, $0x3F0  }
.Ltmp28:
0x2e3: {  	s1 =	sadd.s32 $0x10, s1;
	s30 =	sor.u32 s19, s6;
	(pc) =	sbr.rel @p0 .LBB2_58-.Ltmp28, $4  }
0x2e4: {  	v6 =	vadd.f32 v4, v3;
	v3 =	vld [tilespmem:s30+$0x6300]  }
0x2e5: {  	v4 =	vld [tilespmem:s30+$0xE300]  }
0x2e6: {  	v6 =	vadd.f32 v5, v6  }
0x2e7: {  	s31 =	sadd.s32 $0x80, s31;
	v5 =	vld [tilespmem:s30+$0x16300]  }
0x2e8: {  	_ =	sdelay $0x1  }
0x2e9: {  	v3 =	vadd.f32 v4, v3;
	_ =	sdelay $0x1  }
0x2ea: {  	v3 =	vadd.f32 v5, v3  }
0x2eb: {  	[tilespmem:s18+$0x1A300] =	vst v6  }
0x2ec: {  	[tilespmem:s30+$0x1A300] =	vst v3  }
0x2ed: {  	v4 =	vld [tilespmem:s28+$0x6380]  }
0x2ee: {  	v5 =	vld [tilespmem:s28+$0xE380];
	_ =	sdelay $0x1  }
0x2ef: {  	v6 =	vld [tilespmem:s28+$0x16380];
	_ =	sdelay $0x1  }
0x2f0: {  	s0 =	sor.u32 s0, s29  }
0x2f1: {  	v3 =	vld [tilespmem:s0+$0x6380];
	v4 =	vadd.f32 v5, v4  }
0x2f2: {  	v5 =	vld [tilespmem:s0+$0xE380]  }
0x2f3: {  	v6 =	vadd.f32 v6, v4  }
0x2f4: {  	s1 =	simm.s32 $0x20;
	s18 =	simm.s32 $0x100;
	v4 =	vld [tilespmem:s0+$0x16380]  }
.LBB2_60:
0x2f5: {  	s6 =	sand.u32 $0x70, s1;
	s19 =	sand.u32 $0x1C00, s18;
	[tilespmem:s28+$0x1A380] =	vst v6;
	p0 =	sne.s32 s1, $0x3F0  }
.Ltmp29:
0x2f6: {  	s1 =	sadd.s32 $0x10, s1;
	s6 =	sor.u32 s19, s6;
	(pc) =	sbr.rel @p0 .LBB2_60-.Ltmp29, $4  }
0x2f7: {  	s28 =	smov.u32 s0;
	v6 =	vadd.f32 v5, v3;
	v3 =	vld [tilespmem:s6+$0x6380];
	s0 =	smov.u32 s6  }
0x2f8: {  	v5 =	vld [tilespmem:s0+$0xE380]  }
0x2f9: {  	v6 =	vadd.f32 v4, v6  }
0x2fa: {  	s18 =	sadd.s32 $0x80, s18;
	v4 =	vld [tilespmem:s0+$0x16380]  }
0x2fb: {  	_ =	sdelay $0x1  }
0x2fc: {  	v3 =	vadd.f32 v5, v3;
	_ =	sdelay $0x1  }
0x2fd: {  	s29 =	simm.s32 $0x0;
	v3 =	vadd.f32 v4, v3  }
0x2fe: {  	[tilespmem:s28+$0x1A380] =	vst v6;
	s1 =	sand.u32 $0x70, s29;
	s6 =	sand.u32 $0x1C00, s29  }
0x2ff: {  	s31 =	sor.u32 s6, s1;
	[tilespmem:s0+$0x1A380] =	vst v3  }
0x300: {  	v4 =	vld [tilespmem:s31+$0x6400]  }
0x301: {  	v5 =	vld [tilespmem:s31+$0xE400];
	_ =	sdelay $0x1  }
0x302: {  	s28 =	simm.s32 $0x10;
	s30 =	simm.s32 $0x80;
	v6 =	vld [tilespmem:s31+$0x16400]  }
0x303: {  	s19 =	sand.u32 $0x70, s28;
	s20 =	sand.u32 $0x1C00, s30  }
0x304: {  	s0 =	sor.u32 s20, s19  }
0x305: {  	v3 =	vld [tilespmem:s0+$0x6400];
	v5 =	vadd.f32 v5, v4  }
0x306: {  	v4 =	vld [tilespmem:s0+$0xE400]  }
0x307: {  	s1 =	simm.s32 $0x20;
	s6 =	simm.s32 $0x100;
	v6 =	vadd.f32 v6, v5;
	v5 =	vld [tilespmem:s0+$0x16400]  }
.LBB2_62:
0x308: {  	s18 =	sand.u32 $0x70, s1  }
0x309: {  	s19 =	sand.u32 $0x1C00, s6;
	[tilespmem:s31+$0x1A400] =	vst v6;
	s31 =	smov.u32 s0;
	p0 =	sne.s32 s1, $0x3F0  }
.Ltmp30:
0x30a: {  	s1 =	sadd.s32 $0x10, s1;
	s0 =	sor.u32 s19, s18;
	(pc) =	sbr.rel @p0 .LBB2_62-.Ltmp30, $4  }
0x30b: {  	v6 =	vadd.f32 v4, v3;
	v3 =	vld [tilespmem:s0+$0x6400]  }
0x30c: {  	v4 =	vld [tilespmem:s0+$0xE400]  }
0x30d: {  	v6 =	vadd.f32 v5, v6  }
0x30e: {  	s6 =	sadd.s32 $0x80, s6;
	v5 =	vld [tilespmem:s0+$0x16400]  }
0x30f: {  	_ =	sdelay $0x1  }
0x310: {  	v3 =	vadd.f32 v4, v3;
	_ =	sdelay $0x1  }
0x311: {  	v3 =	vadd.f32 v5, v3  }
0x312: {  	[tilespmem:s31+$0x1A400] =	vst v6;
	s1 =	sor.u32 s29, s29  }
0x313: {  	[tilespmem:s0+$0x1A400] =	vst v3;
	s0 =	sor.u32 $0x2380, s1  }
0x314: {  	v4 =	vld [tilespmem:s0+$0x4100]  }
0x315: {  	v5 =	vld [tilespmem:s0+$0xC100];
	_ =	sdelay $0x1  }
0x316: {  	v6 =	vld [tilespmem:s0+$0x14100]  }
0x317: {  	s31 =	sor.u32 s30, s28  }
0x318: {  	s1 =	sor.u32 $0x2380, s31  }
0x319: {  	v3 =	vld [tilespmem:s1+$0x4100];
	v5 =	vadd.f32 v5, v4  }
0x31a: {  	v4 =	vld [tilespmem:s1+$0xC100]  }
0x31b: {  	v6 =	vadd.f32 v6, v5  }
0x31c: {  	s18 =	simm.s32 $0x20;
	s6 =	simm.s32 $0x100;
	v5 =	vld [tilespmem:s1+$0x14100]  }
.LBB2_64:
0x31d: {  	s19 =	sor.u32 s6, s18;
	[tilespmem:s0+$0x18100] =	vst v6;
	s0 =	smov.u32 s1;
	p0 =	sne.s32 s18, $0x3F0  }
.Ltmp31:
0x31e: {  	s18 =	sadd.s32 $0x10, s18;
	s1 =	sor.u32 $0x2380, s19;
	(pc) =	sbr.rel @p0 .LBB2_64-.Ltmp31, $4  }
0x31f: {  	v6 =	vadd.f32 v4, v3;
	v3 =	vld [tilespmem:s1+$0x4100]  }
0x320: {  	v4 =	vld [tilespmem:s1+$0xC100]  }
0x321: {  	v6 =	vadd.f32 v5, v6  }
0x322: {  	s6 =	sadd.s32 $0x80, s6;
	v5 =	vld [tilespmem:s1+$0x14100]  }
0x323: {  	_ =	sdelay $0x1  }
0x324: {  	v3 =	vadd.f32 v4, v3;
	_ =	sdelay $0x1  }
0x325: {  	v3 =	vadd.f32 v5, v3  }
0x326: {  	[tilespmem:s0+$0x18100] =	vst v6  }
0x327: {  	s0 =	simm.s32 $0x0;
	[tilespmem:s1+$0x18100] =	vst v3  }
0x328: {  	[hbm4b:s12+s0] =	stream.linear.scatter [tilespmem:s25], [sflag:$0x4], $0x4000, $0x38;
	[tilespmem:$0x1C100] =	vst v63  }
0x329: {  	_ =	swait.ge [sflag:s17], $0x4000  }
0x32a: {  	[sflag:s17] =	ssyncset.done $0x0  }
0x32b: {  	[sflag:s17] =	ssyncadd.s32 $0xFFFFC000  }
0x32c: {  	v3 =	vld [tilespmem:$0x30];
	_ =	sdelay $0x4  }
0x32d: {  	v4 =	vshll.u32 v3, $0x3  }
0x32e: {  	v3 =	vand.u32 $0x7, v3;
	v4 =	vand.u32 $0xFFFFFFC0, v4  }
0x32f: {  	v3 =	vor.u32 v3, v4  }
0x330: {  	v4 =	vperm.xlane v3, v0;
	_ =	sdelay $0x1  }
0x331: {  	v4 =	vadd.s32 v1, v4;
	_ =	sdelay $0x3  }
0x332: {  	s19 =	simm.s32 $0x4100  }
0x333: {  	[tilespmem:s19], [sflag:$0x1] =	stream.indirect_vreg.gather [hbm4b:s3+s0], $0x80, v4, vm0, $0xb8;
	[tilespmem:$0x1C100] =	vst v63  }
0x334: {  	s20 =	simm.s32 $0x4900;
	v3 =	vperm.xlane v3, v2  }
0x335: {  	[tilespmem:s20], [sflag:$0x1] =	stream.indirect_vreg.gather [hbm4b:s4+s0], $0x80, v4, vm0, $0xb8;
	[tilespmem:$0x1C100] =	vst v63  }
0x336: {  	s6 =	simm.s32 $0x5100;
	v3 =	vadd.s32 v1, v3  }
0x337: {  	[tilespmem:s6], [sflag:$0x1] =	stream.indirect_vreg.gather [hbm4b:s5+s0], $0x80, v4, vm0, $0xb8;
	[tilespmem:$0x1C100] =	vst v63  }
0x338: {  	s18 =	simm.s32 $0x5900  }
0x339: {  	[tilespmem:s18], [sflag:$0x1] =	stream.indirect_vreg.gather [hbm4b:s7+s0], $0x80, v4, vm0, $0xb8;
	[tilespmem:$0x1C100] =	vst v63  }
0x33a: {  	s19 =	simm.s32 $0x6100  }
0x33b: {  	[tilespmem:s19], [sflag:$0x1] =	stream.indirect_vreg.gather [hbm4b:s3+s0], $0x80, v3, vm0, $0xb8;
	[tilespmem:$0x1C100] =	vst v63  }
0x33c: {  	s20 =	simm.s32 $0x6900  }
0x33d: {  	[tilespmem:s20], [sflag:$0x1] =	stream.indirect_vreg.gather [hbm4b:s4+s0], $0x80, v3, vm0, $0xb8;
	[tilespmem:$0x1C100] =	vst v63  }
0x33e: {  	s6 =	simm.s32 $0x7100  }
0x33f: {  	[tilespmem:s6], [sflag:$0x1] =	stream.indirect_vreg.gather [hbm4b:s5+s0], $0x80, v3, vm0, $0xb8;
	[tilespmem:$0x1C100] =	vst v63  }
0x340: {  	s18 =	simm.s32 $0x7900  }
0x341: {  	[tilespmem:s18], [sflag:$0x1] =	stream.indirect_vreg.gather [hbm4b:s7+s0], $0x80, v3, vm0, $0xb8;
	[tilespmem:$0x1C100] =	vst v63  }
0x342: {  	v3 =	vld [tilespmem:$0xB0];
	_ =	sdelay $0x4  }
0x343: {  	v4 =	vshll.u32 v3, $0x3  }
0x344: {  	v3 =	vand.u32 $0x7, v3;
	v4 =	vand.u32 $0xFFFFFFC0, v4  }
0x345: {  	v3 =	vor.u32 v3, v4  }
0x346: {  	v4 =	vperm.xlane v3, v0;
	_ =	sdelay $0x1  }
0x347: {  	v4 =	vadd.s32 v1, v4;
	_ =	sdelay $0x3  }
0x348: {  	s19 =	simm.s32 $0xC100  }
0x349: {  	[tilespmem:s19], [sflag:$0x2] =	stream.indirect_vreg.gather [hbm4b:s3+s0], $0x80, v4, vm0, $0xb8;
	[tilespmem:$0x1C100] =	vst v63  }
0x34a: {  	s20 =	simm.s32 $0xC900;
	v3 =	vperm.xlane v3, v2  }
0x34b: {  	[tilespmem:s20], [sflag:$0x2] =	stream.indirect_vreg.gather [hbm4b:s4+s0], $0x80, v4, vm0, $0xb8;
	[tilespmem:$0x1C100] =	vst v63  }
0x34c: {  	s6 =	simm.s32 $0xD100;
	v3 =	vadd.s32 v1, v3  }
0x34d: {  	[tilespmem:s6], [sflag:$0x2] =	stream.indirect_vreg.gather [hbm4b:s5+s0], $0x80, v4, vm0, $0xb8;
	[tilespmem:$0x1C100] =	vst v63  }
0x34e: {  	s18 =	simm.s32 $0xD900  }
0x34f: {  	[tilespmem:s18], [sflag:$0x2] =	stream.indirect_vreg.gather [hbm4b:s7+s0], $0x80, v4, vm0, $0xb8;
	[tilespmem:$0x1C100] =	vst v63  }
0x350: {  	s19 =	simm.s32 $0xE100  }
0x351: {  	[tilespmem:s19], [sflag:$0x2] =	stream.indirect_vreg.gather [hbm4b:s3+s0], $0x80, v3, vm0, $0xb8;
	[tilespmem:$0x1C100] =	vst v63  }
0x352: {  	s20 =	simm.s32 $0xE900  }
0x353: {  	[tilespmem:s20], [sflag:$0x2] =	stream.indirect_vreg.gather [hbm4b:s4+s0], $0x80, v3, vm0, $0xb8;
	[tilespmem:$0x1C100] =	vst v63  }
0x354: {  	s6 =	simm.s32 $0xF100  }
0x355: {  	[tilespmem:s6], [sflag:$0x2] =	stream.indirect_vreg.gather [hbm4b:s5+s0], $0x80, v3, vm0, $0xb8;
	[tilespmem:$0x1C100] =	vst v63  }
0x356: {  	s18 =	simm.s32 $0xF900  }
0x357: {  	[tilespmem:s18], [sflag:$0x2] =	stream.indirect_vreg.gather [hbm4b:s7+s0], $0x80, v3, vm0, $0xb8;
	[tilespmem:$0x1C100] =	vst v63  }
0x358: {  	_ = 	snop  }
0x359: {  	[tilespmem:s21], [sflag:$0x3] =	stream.linear.gather [hbm4b:s13+s0], $0x4000, $0x38;
	[tilespmem:$0x1C100] =	vst v63  }
0x35a: {  	_ =	swait.ge [sflag:s22], $0x4000  }
0x35b: {  	[sflag:s22] =	ssyncset.done $0x0  }
0x35c: {  	[sflag:s22] =	ssyncadd.s32 $0xFFFFC000  }
0x35d: {  	_ =	swait.ge [sflag:s23], $0x4000  }
0x35e: {  	[sflag:s23] =	ssyncset.done $0x0  }
0x35f: {  	[sflag:s23] =	ssyncadd.s32 $0xFFFFC000  }
0x360: {  	_ =	swait.ge [sflag:s24], $0x4000  }
0x361: {  	s28 =	sand.u32 $0x70, s0;
	s29 =	sand.u32 $0x1C00, s0;
	[sflag:s24] =	ssyncset.done $0x0  }
0x362: {  	s31 =	sor.u32 s28, s29;
	[sflag:s24] =	ssyncadd.s32 $0xFFFFC000  }
0x363: {  	v4 =	vld [tilespmem:s31+$0x100]  }
0x364: {  	v5 =	vld [tilespmem:s31+$0x8100];
	_ =	sdelay $0x1  }
0x365: {  	s19 =	simm.s32 $0x10;
	s20 =	simm.s32 $0x80;
	v6 =	vld [tilespmem:s31+$0x10100]  }
0x366: {  	s30 =	sand.u32 $0x70, s19;
	s0 =	sand.u32 $0x1C00, s20  }
0x367: {  	s1 =	sor.u32 s30, s0  }
0x368: {  	v3 =	vld [tilespmem:s1+$0x100];
	v5 =	vadd.f32 v5, v4  }
0x369: {  	v4 =	vld [tilespmem:s1+$0x8100]  }
0x36a: {  	s6 =	simm.s32 $0x100;
	s18 =	simm.s32 $0x20;
	v6 =	vadd.f32 v6, v5;
	v5 =	vld [tilespmem:s1+$0x10100]  }
.LBB2_66:
0x36b: {  	s19 =	sand.u32 $0x70, s18  }
0x36c: {  	s20 =	sand.u32 $0x1C00, s6;
	[tilespmem:s31+$0x18100] =	vst v6;
	s31 =	smov.u32 s1;
	p0 =	sne.s32 s18, $0x3F0  }
.Ltmp32:
0x36d: {  	s18 =	sadd.s32 $0x10, s18;
	s1 =	sor.u32 s19, s20;
	(pc) =	sbr.rel @p0 .LBB2_66-.Ltmp32, $4  }
0x36e: {  	v6 =	vadd.f32 v4, v3;
	v3 =	vld [tilespmem:s1+$0x100]  }
0x36f: {  	v4 =	vld [tilespmem:s1+$0x8100]  }
0x370: {  	v6 =	vadd.f32 v5, v6  }
0x371: {  	s6 =	sadd.s32 $0x80, s6;
	v5 =	vld [tilespmem:s1+$0x10100]  }
0x372: {  	_ =	sdelay $0x1  }
0x373: {  	v3 =	vadd.f32 v4, v3;
	_ =	sdelay $0x1  }
0x374: {  	v3 =	vadd.f32 v5, v3  }
0x375: {  	[tilespmem:s31+$0x18100] =	vst v6  }
0x376: {  	[tilespmem:s1+$0x18100] =	vst v3;
	s1 =	sor.u32 s29, s28  }
0x377: {  	v4 =	vld [tilespmem:s1+$0x180]  }
0x378: {  	v5 =	vld [tilespmem:s1+$0x8180];
	_ =	sdelay $0x1  }
0x379: {  	v6 =	vld [tilespmem:s1+$0x10180];
	_ =	sdelay $0x1  }
0x37a: {  	s0 =	sor.u32 s0, s30  }
0x37b: {  	v3 =	vld [tilespmem:s0+$0x180];
	v4 =	vadd.f32 v5, v4  }
0x37c: {  	v5 =	vld [tilespmem:s0+$0x8180]  }
0x37d: {  	v6 =	vadd.f32 v6, v4  }
0x37e: {  	s18 =	simm.s32 $0x100;
	s28 =	simm.s32 $0x20;
	v4 =	vld [tilespmem:s0+$0x10180]  }
.LBB2_68:
0x37f: {  	s6 =	sand.u32 $0x70, s28;
	s19 =	sand.u32 $0x1C00, s18;
	[tilespmem:s1+$0x18180] =	vst v6;
	p0 =	sne.s32 s28, $0x3F0  }
.Ltmp33:
0x380: {  	s28 =	sadd.s32 $0x10, s28;
	s6 =	sor.u32 s19, s6;
	(pc) =	sbr.rel @p0 .LBB2_68-.Ltmp33, $4  }
0x381: {  	s1 =	smov.u32 s0;
	v6 =	vadd.f32 v5, v3;
	v3 =	vld [tilespmem:s6+$0x180];
	s0 =	smov.u32 s6  }
0x382: {  	v5 =	vld [tilespmem:s0+$0x8180]  }
0x383: {  	v6 =	vadd.f32 v4, v6  }
0x384: {  	s18 =	sadd.s32 $0x80, s18;
	v4 =	vld [tilespmem:s0+$0x10180]  }
0x385: {  	_ =	sdelay $0x1  }
0x386: {  	v3 =	vadd.f32 v5, v3;
	_ =	sdelay $0x1  }
0x387: {  	s6 =	simm.s32 $0x0;
	v3 =	vadd.f32 v4, v3  }
0x388: {  	[tilespmem:s1+$0x18180] =	vst v6;
	s18 =	sand.u32 $0x70, s6;
	s6 =	sand.u32 $0x1C00, s6  }
0x389: {  	s28 =	sor.u32 s6, s18;
	[tilespmem:s0+$0x18180] =	vst v3  }
0x38a: {  	v4 =	vld [tilespmem:s28+$0x200]  }
0x38b: {  	v5 =	vld [tilespmem:s28+$0x8200];
	_ =	sdelay $0x1  }
0x38c: {  	s19 =	simm.s32 $0x10;
	s20 =	simm.s32 $0x80;
	v6 =	vld [tilespmem:s28+$0x10200]  }
0x38d: {  	s29 =	sand.u32 $0x70, s19;
	s0 =	sand.u32 $0x1C00, s20  }
0x38e: {  	s30 =	sor.u32 s0, s29  }
0x38f: {  	v3 =	vld [tilespmem:s30+$0x200];
	v5 =	vadd.f32 v5, v4  }
0x390: {  	v4 =	vld [tilespmem:s30+$0x8200]  }
0x391: {  	s1 =	simm.s32 $0x20;
	s31 =	simm.s32 $0x100;
	s18 =	smov.u32 s28;
	v6 =	vadd.f32 v6, v5;
	v5 =	vld [tilespmem:s30+$0x10200]  }
.LBB2_70:
0x392: {  	s6 =	sand.u32 $0x70, s1  }
0x393: {  	s19 =	sand.u32 $0x1C00, s31;
	[tilespmem:s18+$0x18200] =	vst v6;
	s18 =	smov.u32 s30;
	p0 =	sne.s32 s1, $0x3F0  }
.Ltmp34:
0x394: {  	s1 =	sadd.s32 $0x10, s1;
	s30 =	sor.u32 s19, s6;
	(pc) =	sbr.rel @p0 .LBB2_70-.Ltmp34, $4  }
0x395: {  	v6 =	vadd.f32 v4, v3;
	v3 =	vld [tilespmem:s30+$0x200]  }
0x396: {  	v4 =	vld [tilespmem:s30+$0x8200]  }
0x397: {  	v6 =	vadd.f32 v5, v6  }
0x398: {  	s31 =	sadd.s32 $0x80, s31;
	v5 =	vld [tilespmem:s30+$0x10200]  }
0x399: {  	_ =	sdelay $0x1  }
0x39a: {  	v3 =	vadd.f32 v4, v3;
	_ =	sdelay $0x1  }
0x39b: {  	v3 =	vadd.f32 v5, v3  }
0x39c: {  	[tilespmem:s18+$0x18200] =	vst v6  }
0x39d: {  	[tilespmem:s30+$0x18200] =	vst v3  }
0x39e: {  	v4 =	vld [tilespmem:s28+$0x280]  }
0x39f: {  	v5 =	vld [tilespmem:s28+$0x8280];
	_ =	sdelay $0x1  }
0x3a0: {  	v6 =	vld [tilespmem:s28+$0x10280];
	_ =	sdelay $0x1  }
0x3a1: {  	s0 =	sor.u32 s0, s29  }
0x3a2: {  	v3 =	vld [tilespmem:s0+$0x280];
	v4 =	vadd.f32 v5, v4  }
0x3a3: {  	v5 =	vld [tilespmem:s0+$0x8280]  }
0x3a4: {  	v6 =	vadd.f32 v6, v4  }
0x3a5: {  	s1 =	simm.s32 $0x20;
	s18 =	simm.s32 $0x100;
	v4 =	vld [tilespmem:s0+$0x10280]  }
.LBB2_72:
0x3a6: {  	s6 =	sand.u32 $0x70, s1;
	s19 =	sand.u32 $0x1C00, s18;
	[tilespmem:s28+$0x18280] =	vst v6;
	p0 =	sne.s32 s1, $0x3F0  }
.Ltmp35:
0x3a7: {  	s1 =	sadd.s32 $0x10, s1;
	s6 =	sor.u32 s19, s6;
	(pc) =	sbr.rel @p0 .LBB2_72-.Ltmp35, $4  }
0x3a8: {  	s28 =	smov.u32 s0;
	v6 =	vadd.f32 v5, v3;
	v3 =	vld [tilespmem:s6+$0x280];
	s0 =	smov.u32 s6  }
0x3a9: {  	v5 =	vld [tilespmem:s0+$0x8280]  }
0x3aa: {  	v6 =	vadd.f32 v4, v6  }
0x3ab: {  	s18 =	sadd.s32 $0x80, s18;
	v4 =	vld [tilespmem:s0+$0x10280]  }
0x3ac: {  	_ =	sdelay $0x1  }
0x3ad: {  	v3 =	vadd.f32 v5, v3;
	_ =	sdelay $0x1  }
0x3ae: {  	s1 =	simm.s32 $0x0;
	v3 =	vadd.f32 v4, v3  }
0x3af: {  	[tilespmem:s28+$0x18280] =	vst v6;
	s6 =	sand.u32 $0x70, s1;
	s1 =	sand.u32 $0x1C00, s1  }
0x3b0: {  	s28 =	sor.u32 s1, s6;
	[tilespmem:s0+$0x18280] =	vst v3  }
0x3b1: {  	v4 =	vld [tilespmem:s28+$0x300]  }
0x3b2: {  	v5 =	vld [tilespmem:s28+$0x8300];
	_ =	sdelay $0x1  }
0x3b3: {  	s19 =	simm.s32 $0x10;
	s20 =	simm.s32 $0x80;
	v6 =	vld [tilespmem:s28+$0x10300]  }
0x3b4: {  	s29 =	sand.u32 $0x70, s19;
	s0 =	sand.u32 $0x1C00, s20  }
0x3b5: {  	s30 =	sor.u32 s0, s29  }
0x3b6: {  	v3 =	vld [tilespmem:s30+$0x300];
	v5 =	vadd.f32 v5, v4  }
0x3b7: {  	v4 =	vld [tilespmem:s30+$0x8300]  }
0x3b8: {  	s31 =	simm.s32 $0x100;
	s1 =	simm.s32 $0x20;
	s18 =	smov.u32 s28;
	v6 =	vadd.f32 v6, v5;
	v5 =	vld [tilespmem:s30+$0x10300]  }
.LBB2_74:
0x3b9: {  	s6 =	sand.u32 $0x70, s1  }
0x3ba: {  	s19 =	sand.u32 $0x1C00, s31;
	[tilespmem:s18+$0x18300] =	vst v6;
	s18 =	smov.u32 s30;
	p0 =	sne.s32 s1, $0x3F0  }
.Ltmp36:
0x3bb: {  	s1 =	sadd.s32 $0x10, s1;
	s30 =	sor.u32 s19, s6;
	(pc) =	sbr.rel @p0 .LBB2_74-.Ltmp36, $4  }
0x3bc: {  	v6 =	vadd.f32 v4, v3;
	v3 =	vld [tilespmem:s30+$0x300]  }
0x3bd: {  	v4 =	vld [tilespmem:s30+$0x8300]  }
0x3be: {  	v6 =	vadd.f32 v5, v6  }
0x3bf: {  	s31 =	sadd.s32 $0x80, s31;
	v5 =	vld [tilespmem:s30+$0x10300]  }
0x3c0: {  	_ =	sdelay $0x1  }
0x3c1: {  	v3 =	vadd.f32 v4, v3;
	_ =	sdelay $0x1  }
0x3c2: {  	v3 =	vadd.f32 v5, v3  }
0x3c3: {  	[tilespmem:s18+$0x18300] =	vst v6  }
0x3c4: {  	[tilespmem:s30+$0x18300] =	vst v3  }
0x3c5: {  	v4 =	vld [tilespmem:s28+$0x380]  }
0x3c6: {  	v5 =	vld [tilespmem:s28+$0x8380];
	_ =	sdelay $0x1  }
0x3c7: {  	v6 =	vld [tilespmem:s28+$0x10380];
	_ =	sdelay $0x1  }
0x3c8: {  	s0 =	sor.u32 s0, s29  }
0x3c9: {  	v3 =	vld [tilespmem:s0+$0x380];
	v4 =	vadd.f32 v5, v4  }
0x3ca: {  	v5 =	vld [tilespmem:s0+$0x8380]  }
0x3cb: {  	v6 =	vadd.f32 v6, v4  }
0x3cc: {  	s1 =	simm.s32 $0x20;
	s18 =	simm.s32 $0x100;
	v4 =	vld [tilespmem:s0+$0x10380]  }
.LBB2_76:
0x3cd: {  	s6 =	sand.u32 $0x70, s1;
	s19 =	sand.u32 $0x1C00, s18;
	[tilespmem:s28+$0x18380] =	vst v6;
	p0 =	sne.s32 s1, $0x3F0  }
.Ltmp37:
0x3ce: {  	s1 =	sadd.s32 $0x10, s1;
	s6 =	sor.u32 s19, s6;
	(pc) =	sbr.rel @p0 .LBB2_76-.Ltmp37, $4  }
0x3cf: {  	s28 =	smov.u32 s0;
	v6 =	vadd.f32 v5, v3;
	v3 =	vld [tilespmem:s6+$0x380];
	s0 =	smov.u32 s6  }
0x3d0: {  	v5 =	vld [tilespmem:s0+$0x8380]  }
0x3d1: {  	v6 =	vadd.f32 v4, v6  }
0x3d2: {  	s18 =	sadd.s32 $0x80, s18;
	v4 =	vld [tilespmem:s0+$0x10380]  }
0x3d3: {  	_ =	sdelay $0x1  }
0x3d4: {  	v3 =	vadd.f32 v5, v3;
	_ =	sdelay $0x1  }
0x3d5: {  	s29 =	simm.s32 $0x0;
	v3 =	vadd.f32 v4, v3  }
0x3d6: {  	[tilespmem:s28+$0x18380] =	vst v6;
	s1 =	sand.u32 $0x70, s29;
	s6 =	sand.u32 $0x1C00, s29  }
0x3d7: {  	s31 =	sor.u32 s6, s1;
	[tilespmem:s0+$0x18380] =	vst v3  }
0x3d8: {  	v4 =	vld [tilespmem:s31+$0x400]  }
0x3d9: {  	v5 =	vld [tilespmem:s31+$0x8400];
	_ =	sdelay $0x1  }
0x3da: {  	s28 =	simm.s32 $0x10;
	s30 =	simm.s32 $0x80;
	v6 =	vld [tilespmem:s31+$0x10400]  }
0x3db: {  	s19 =	sand.u32 $0x70, s28;
	s20 =	sand.u32 $0x1C00, s30  }
0x3dc: {  	s0 =	sor.u32 s20, s19  }
0x3dd: {  	v3 =	vld [tilespmem:s0+$0x400];
	v5 =	vadd.f32 v5, v4  }
0x3de: {  	v4 =	vld [tilespmem:s0+$0x8400]  }
0x3df: {  	s1 =	simm.s32 $0x20;
	s6 =	simm.s32 $0x100;
	v6 =	vadd.f32 v6, v5;
	v5 =	vld [tilespmem:s0+$0x10400]  }
.LBB2_78:
0x3e0: {  	s18 =	sand.u32 $0x70, s1  }
0x3e1: {  	s19 =	sand.u32 $0x1C00, s6;
	[tilespmem:s31+$0x18400] =	vst v6;
	s31 =	smov.u32 s0;
	p0 =	sne.s32 s1, $0x3F0  }
.Ltmp38:
0x3e2: {  	s1 =	sadd.s32 $0x10, s1;
	s0 =	sor.u32 s19, s18;
	(pc) =	sbr.rel @p0 .LBB2_78-.Ltmp38, $4  }
0x3e3: {  	v6 =	vadd.f32 v4, v3;
	v3 =	vld [tilespmem:s0+$0x400]  }
0x3e4: {  	v4 =	vld [tilespmem:s0+$0x8400]  }
0x3e5: {  	v6 =	vadd.f32 v5, v6  }
0x3e6: {  	s6 =	sadd.s32 $0x80, s6;
	v5 =	vld [tilespmem:s0+$0x10400]  }
0x3e7: {  	_ =	sdelay $0x1  }
0x3e8: {  	v3 =	vadd.f32 v4, v3;
	_ =	sdelay $0x1  }
0x3e9: {  	v3 =	vadd.f32 v5, v3  }
0x3ea: {  	[tilespmem:s31+$0x18400] =	vst v6;
	s1 =	sor.u32 s29, s29  }
0x3eb: {  	[tilespmem:s0+$0x18400] =	vst v3;
	s0 =	sor.u32 $0x380, s1  }
0x3ec: {  	v4 =	vld [tilespmem:s0+$0x100]  }
0x3ed: {  	v5 =	vld [tilespmem:s0+$0x8100];
	_ =	sdelay $0x1  }
0x3ee: {  	v6 =	vld [tilespmem:s0+$0x10100]  }
0x3ef: {  	s31 =	sor.u32 s30, s28  }
0x3f0: {  	s28 =	sor.u32 $0x380, s31  }
0x3f1: {  	v3 =	vld [tilespmem:s28+$0x100];
	v5 =	vadd.f32 v5, v4  }
0x3f2: {  	v4 =	vld [tilespmem:s28+$0x8100]  }
0x3f3: {  	v6 =	vadd.f32 v6, v5  }
0x3f4: {  	s6 =	simm.s32 $0x100;
	s1 =	simm.s32 $0x20;
	v5 =	vld [tilespmem:s28+$0x10100]  }
.LBB2_80:
0x3f5: {  	s18 =	sor.u32 s6, s1;
	[tilespmem:s0+$0x18100] =	vst v6;
	s0 =	smov.u32 s28;
	p0 =	sne.s32 s1, $0x3F0  }
.Ltmp39:
0x3f6: {  	s1 =	sadd.s32 $0x10, s1;
	s28 =	sor.u32 $0x380, s18;
	(pc) =	sbr.rel @p0 .LBB2_80-.Ltmp39, $4  }
0x3f7: {  	v6 =	vadd.f32 v4, v3;
	v3 =	vld [tilespmem:s28+$0x100]  }
0x3f8: {  	v4 =	vld [tilespmem:s28+$0x8100]  }
0x3f9: {  	v6 =	vadd.f32 v5, v6  }
0x3fa: {  	s6 =	sadd.s32 $0x80, s6;
	v5 =	vld [tilespmem:s28+$0x10100]  }
0x3fb: {  	_ =	sdelay $0x1  }
0x3fc: {  	v3 =	vadd.f32 v4, v3;
	_ =	sdelay $0x1  }
0x3fd: {  	s1 =	simm.s32 $0x0;
	v3 =	vadd.f32 v5, v3  }
0x3fe: {  	[tilespmem:s0+$0x18100] =	vst v6;
	s18 =	sand.u32 $0x70, s1;
	s1 =	sand.u32 $0x1C00, s1  }
0x3ff: {  	[tilespmem:s28+$0x18100] =	vst v3;
	s28 =	sor.u32 s1, s18  }
0x400: {  	v4 =	vld [tilespmem:s28+$0x2100]  }
0x401: {  	v5 =	vld [tilespmem:s28+$0xA100];
	_ =	sdelay $0x1  }
0x402: {  	s19 =	simm.s32 $0x10;
	s20 =	simm.s32 $0x80;
	v6 =	vld [tilespmem:s28+$0x12100]  }
0x403: {  	s29 =	sand.u32 $0x70, s19;
	s0 =	sand.u32 $0x1C00, s20  }
0x404: {  	s30 =	sor.u32 s0, s29  }
0x405: {  	v3 =	vld [tilespmem:s30+$0x2100];
	v5 =	vadd.f32 v5, v4  }
0x406: {  	v4 =	vld [tilespmem:s30+$0xA100]  }
0x407: {  	s31 =	simm.s32 $0x100;
	s1 =	simm.s32 $0x20;
	s18 =	smov.u32 s28;
	v6 =	vadd.f32 v6, v5;
	v5 =	vld [tilespmem:s30+$0x12100]  }
.LBB2_82:
0x408: {  	s6 =	sand.u32 $0x70, s1  }
0x409: {  	s19 =	sand.u32 $0x1C00, s31;
	[tilespmem:s18+$0x1A100] =	vst v6;
	s18 =	smov.u32 s30;
	p0 =	sne.s32 s1, $0x3F0  }
.Ltmp40:
0x40a: {  	s1 =	sadd.s32 $0x10, s1;
	s30 =	sor.u32 s19, s6;
	(pc) =	sbr.rel @p0 .LBB2_82-.Ltmp40, $4  }
0x40b: {  	v6 =	vadd.f32 v4, v3;
	v3 =	vld [tilespmem:s30+$0x2100]  }
0x40c: {  	v4 =	vld [tilespmem:s30+$0xA100]  }
0x40d: {  	v6 =	vadd.f32 v5, v6  }
0x40e: {  	s31 =	sadd.s32 $0x80, s31;
	v5 =	vld [tilespmem:s30+$0x12100]  }
0x40f: {  	_ =	sdelay $0x1  }
0x410: {  	v3 =	vadd.f32 v4, v3;
	_ =	sdelay $0x1  }
0x411: {  	v3 =	vadd.f32 v5, v3  }
0x412: {  	[tilespmem:s18+$0x1A100] =	vst v6  }
0x413: {  	[tilespmem:s30+$0x1A100] =	vst v3  }
0x414: {  	v4 =	vld [tilespmem:s28+$0x2180]  }
0x415: {  	v5 =	vld [tilespmem:s28+$0xA180];
	_ =	sdelay $0x1  }
0x416: {  	v6 =	vld [tilespmem:s28+$0x12180];
	_ =	sdelay $0x1  }
0x417: {  	s0 =	sor.u32 s0, s29  }
0x418: {  	v3 =	vld [tilespmem:s0+$0x2180];
	v4 =	vadd.f32 v5, v4  }
0x419: {  	v5 =	vld [tilespmem:s0+$0xA180]  }
0x41a: {  	v6 =	vadd.f32 v6, v4  }
0x41b: {  	s1 =	simm.s32 $0x20;
	s18 =	simm.s32 $0x100;
	v4 =	vld [tilespmem:s0+$0x12180]  }
.LBB2_84:
0x41c: {  	s6 =	sand.u32 $0x70, s1;
	s19 =	sand.u32 $0x1C00, s18;
	[tilespmem:s28+$0x1A180] =	vst v6;
	p0 =	sne.s32 s1, $0x3F0  }
.Ltmp41:
0x41d: {  	s1 =	sadd.s32 $0x10, s1;
	s6 =	sor.u32 s19, s6;
	(pc) =	sbr.rel @p0 .LBB2_84-.Ltmp41, $4  }
0x41e: {  	s28 =	smov.u32 s0;
	v6 =	vadd.f32 v5, v3;
	v3 =	vld [tilespmem:s6+$0x2180];
	s0 =	smov.u32 s6  }
0x41f: {  	v5 =	vld [tilespmem:s0+$0xA180]  }
0x420: {  	v6 =	vadd.f32 v4, v6  }
0x421: {  	s18 =	sadd.s32 $0x80, s18;
	v4 =	vld [tilespmem:s0+$0x12180]  }
0x422: {  	_ =	sdelay $0x1  }
0x423: {  	v3 =	vadd.f32 v5, v3;
	_ =	sdelay $0x1  }
0x424: {  	s1 =	simm.s32 $0x0;
	v3 =	vadd.f32 v4, v3  }
0x425: {  	[tilespmem:s28+$0x1A180] =	vst v6;
	s6 =	sand.u32 $0x70, s1;
	s1 =	sand.u32 $0x1C00, s1  }
0x426: {  	s28 =	sor.u32 s1, s6;
	[tilespmem:s0+$0x1A180] =	vst v3  }
0x427: {  	v4 =	vld [tilespmem:s28+$0x2200]  }
0x428: {  	v5 =	vld [tilespmem:s28+$0xA200];
	_ =	sdelay $0x1  }
0x429: {  	s19 =	simm.s32 $0x10;
	s20 =	simm.s32 $0x80;
	v6 =	vld [tilespmem:s28+$0x12200]  }
0x42a: {  	s29 =	sand.u32 $0x70, s19;
	s0 =	sand.u32 $0x1C00, s20  }
0x42b: {  	s30 =	sor.u32 s0, s29  }
0x42c: {  	v3 =	vld [tilespmem:s30+$0x2200];
	v5 =	vadd.f32 v5, v4  }
0x42d: {  	v4 =	vld [tilespmem:s30+$0xA200]  }
0x42e: {  	s31 =	simm.s32 $0x100;
	s1 =	simm.s32 $0x20;
	s18 =	smov.u32 s28;
	v6 =	vadd.f32 v6, v5;
	v5 =	vld [tilespmem:s30+$0x12200]  }
.LBB2_86:
0x42f: {  	s6 =	sand.u32 $0x70, s1  }
0x430: {  	s19 =	sand.u32 $0x1C00, s31;
	[tilespmem:s18+$0x1A200] =	vst v6;
	s18 =	smov.u32 s30;
	p0 =	sne.s32 s1, $0x3F0  }
.Ltmp42:
0x431: {  	s1 =	sadd.s32 $0x10, s1;
	s30 =	sor.u32 s19, s6;
	(pc) =	sbr.rel @p0 .LBB2_86-.Ltmp42, $4  }
0x432: {  	v6 =	vadd.f32 v4, v3;
	v3 =	vld [tilespmem:s30+$0x2200]  }
0x433: {  	v4 =	vld [tilespmem:s30+$0xA200]  }
0x434: {  	v6 =	vadd.f32 v5, v6  }
0x435: {  	s31 =	sadd.s32 $0x80, s31;
	v5 =	vld [tilespmem:s30+$0x12200]  }
0x436: {  	_ =	sdelay $0x1  }
0x437: {  	v3 =	vadd.f32 v4, v3;
	_ =	sdelay $0x1  }
0x438: {  	v3 =	vadd.f32 v5, v3  }
0x439: {  	[tilespmem:s18+$0x1A200] =	vst v6  }
0x43a: {  	[tilespmem:s30+$0x1A200] =	vst v3  }
0x43b: {  	v4 =	vld [tilespmem:s28+$0x2280]  }
0x43c: {  	v5 =	vld [tilespmem:s28+$0xA280];
	_ =	sdelay $0x1  }
0x43d: {  	v6 =	vld [tilespmem:s28+$0x12280];
	_ =	sdelay $0x1  }
0x43e: {  	s0 =	sor.u32 s0, s29  }
0x43f: {  	v3 =	vld [tilespmem:s0+$0x2280];
	v4 =	vadd.f32 v5, v4  }
0x440: {  	v5 =	vld [tilespmem:s0+$0xA280]  }
0x441: {  	v6 =	vadd.f32 v6, v4  }
0x442: {  	s1 =	simm.s32 $0x20;
	s18 =	simm.s32 $0x100;
	v4 =	vld [tilespmem:s0+$0x12280]  }
.LBB2_88:
0x443: {  	s6 =	sand.u32 $0x70, s1;
	s19 =	sand.u32 $0x1C00, s18;
	[tilespmem:s28+$0x1A280] =	vst v6;
	p0 =	sne.s32 s1, $0x3F0  }
.Ltmp43:
0x444: {  	s1 =	sadd.s32 $0x10, s1;
	s6 =	sor.u32 s19, s6;
	(pc) =	sbr.rel @p0 .LBB2_88-.Ltmp43, $4  }
0x445: {  	s28 =	smov.u32 s0;
	v6 =	vadd.f32 v5, v3;
	v3 =	vld [tilespmem:s6+$0x2280];
	s0 =	smov.u32 s6  }
0x446: {  	v5 =	vld [tilespmem:s0+$0xA280]  }
0x447: {  	v6 =	vadd.f32 v4, v6  }
0x448: {  	s18 =	sadd.s32 $0x80, s18;
	v4 =	vld [tilespmem:s0+$0x12280]  }
0x449: {  	_ =	sdelay $0x1  }
0x44a: {  	v3 =	vadd.f32 v5, v3;
	_ =	sdelay $0x1  }
0x44b: {  	s1 =	simm.s32 $0x0;
	v3 =	vadd.f32 v4, v3  }
0x44c: {  	[tilespmem:s28+$0x1A280] =	vst v6;
	s6 =	sand.u32 $0x70, s1;
	s1 =	sand.u32 $0x1C00, s1  }
0x44d: {  	s28 =	sor.u32 s1, s6;
	[tilespmem:s0+$0x1A280] =	vst v3  }
0x44e: {  	v4 =	vld [tilespmem:s28+$0x2300]  }
0x44f: {  	v5 =	vld [tilespmem:s28+$0xA300];
	_ =	sdelay $0x1  }
0x450: {  	s19 =	simm.s32 $0x10;
	s20 =	simm.s32 $0x80;
	v6 =	vld [tilespmem:s28+$0x12300]  }
0x451: {  	s29 =	sand.u32 $0x70, s19;
	s0 =	sand.u32 $0x1C00, s20  }
0x452: {  	s30 =	sor.u32 s0, s29  }
0x453: {  	v3 =	vld [tilespmem:s30+$0x2300];
	v5 =	vadd.f32 v5, v4  }
0x454: {  	v4 =	vld [tilespmem:s30+$0xA300]  }
0x455: {  	s31 =	simm.s32 $0x100;
	s1 =	simm.s32 $0x20;
	s18 =	smov.u32 s28;
	v6 =	vadd.f32 v6, v5;
	v5 =	vld [tilespmem:s30+$0x12300]  }
.LBB2_90:
0x456: {  	s6 =	sand.u32 $0x70, s1  }
0x457: {  	s19 =	sand.u32 $0x1C00, s31;
	[tilespmem:s18+$0x1A300] =	vst v6;
	s18 =	smov.u32 s30;
	p0 =	sne.s32 s1, $0x3F0  }
.Ltmp44:
0x458: {  	s1 =	sadd.s32 $0x10, s1;
	s30 =	sor.u32 s19, s6;
	(pc) =	sbr.rel @p0 .LBB2_90-.Ltmp44, $4  }
0x459: {  	v6 =	vadd.f32 v4, v3;
	v3 =	vld [tilespmem:s30+$0x2300]  }
0x45a: {  	v4 =	vld [tilespmem:s30+$0xA300]  }
0x45b: {  	v6 =	vadd.f32 v5, v6  }
0x45c: {  	s31 =	sadd.s32 $0x80, s31;
	v5 =	vld [tilespmem:s30+$0x12300]  }
0x45d: {  	_ =	sdelay $0x1  }
0x45e: {  	v3 =	vadd.f32 v4, v3;
	_ =	sdelay $0x1  }
0x45f: {  	v3 =	vadd.f32 v5, v3  }
0x460: {  	[tilespmem:s18+$0x1A300] =	vst v6  }
0x461: {  	[tilespmem:s30+$0x1A300] =	vst v3  }
0x462: {  	v4 =	vld [tilespmem:s28+$0x2380]  }
0x463: {  	v5 =	vld [tilespmem:s28+$0xA380];
	_ =	sdelay $0x1  }
0x464: {  	v6 =	vld [tilespmem:s28+$0x12380];
	_ =	sdelay $0x1  }
0x465: {  	s0 =	sor.u32 s0, s29  }
0x466: {  	v3 =	vld [tilespmem:s0+$0x2380];
	v4 =	vadd.f32 v5, v4  }
0x467: {  	v5 =	vld [tilespmem:s0+$0xA380]  }
0x468: {  	v6 =	vadd.f32 v6, v4  }
0x469: {  	s1 =	simm.s32 $0x20;
	s18 =	simm.s32 $0x100;
	v4 =	vld [tilespmem:s0+$0x12380]  }
.LBB2_92:
0x46a: {  	s6 =	sand.u32 $0x70, s1;
	s19 =	sand.u32 $0x1C00, s18;
	[tilespmem:s28+$0x1A380] =	vst v6;
	p0 =	sne.s32 s1, $0x3F0  }
.Ltmp45:
0x46b: {  	s1 =	sadd.s32 $0x10, s1;
	s6 =	sor.u32 s19, s6;
	(pc) =	sbr.rel @p0 .LBB2_92-.Ltmp45, $4  }
0x46c: {  	s28 =	smov.u32 s0;
	v6 =	vadd.f32 v5, v3;
	v3 =	vld [tilespmem:s6+$0x2380];
	s0 =	smov.u32 s6  }
0x46d: {  	v5 =	vld [tilespmem:s0+$0xA380]  }
0x46e: {  	v6 =	vadd.f32 v4, v6  }
0x46f: {  	s18 =	sadd.s32 $0x80, s18;
	v4 =	vld [tilespmem:s0+$0x12380]  }
0x470: {  	_ =	sdelay $0x1  }
0x471: {  	v3 =	vadd.f32 v5, v3;
	_ =	sdelay $0x1  }
0x472: {  	s29 =	simm.s32 $0x0;
	v3 =	vadd.f32 v4, v3  }
0x473: {  	[tilespmem:s28+$0x1A380] =	vst v6;
	s1 =	sand.u32 $0x70, s29;
	s6 =	sand.u32 $0x1C00, s29  }
0x474: {  	s31 =	sor.u32 s6, s1;
	[tilespmem:s0+$0x1A380] =	vst v3  }
0x475: {  	v4 =	vld [tilespmem:s31+$0x2400]  }
0x476: {  	v5 =	vld [tilespmem:s31+$0xA400];
	_ =	sdelay $0x1  }
0x477: {  	s28 =	simm.s32 $0x10;
	s30 =	simm.s32 $0x80;
	v6 =	vld [tilespmem:s31+$0x12400]  }
0x478: {  	s19 =	sand.u32 $0x70, s28;
	s20 =	sand.u32 $0x1C00, s30  }
0x479: {  	s0 =	sor.u32 s20, s19  }
0x47a: {  	v3 =	vld [tilespmem:s0+$0x2400];
	v5 =	vadd.f32 v5, v4  }
0x47b: {  	v4 =	vld [tilespmem:s0+$0xA400]  }
0x47c: {  	s1 =	simm.s32 $0x20;
	s6 =	simm.s32 $0x100;
	v6 =	vadd.f32 v6, v5;
	v5 =	vld [tilespmem:s0+$0x12400]  }
.LBB2_94:
0x47d: {  	s18 =	sand.u32 $0x70, s1  }
0x47e: {  	s19 =	sand.u32 $0x1C00, s6;
	[tilespmem:s31+$0x1A400] =	vst v6;
	s31 =	smov.u32 s0;
	p0 =	sne.s32 s1, $0x3F0  }
.Ltmp46:
0x47f: {  	s1 =	sadd.s32 $0x10, s1;
	s0 =	sor.u32 s19, s18;
	(pc) =	sbr.rel @p0 .LBB2_94-.Ltmp46, $4  }
0x480: {  	v6 =	vadd.f32 v4, v3;
	v3 =	vld [tilespmem:s0+$0x2400]  }
0x481: {  	v4 =	vld [tilespmem:s0+$0xA400]  }
0x482: {  	v6 =	vadd.f32 v5, v6  }
0x483: {  	s6 =	sadd.s32 $0x80, s6;
	v5 =	vld [tilespmem:s0+$0x12400]  }
0x484: {  	_ =	sdelay $0x1  }
0x485: {  	v3 =	vadd.f32 v4, v3;
	_ =	sdelay $0x1  }
0x486: {  	v3 =	vadd.f32 v5, v3  }
0x487: {  	[tilespmem:s31+$0x1A400] =	vst v6;
	s1 =	sor.u32 s29, s29  }
0x488: {  	[tilespmem:s0+$0x1A400] =	vst v3;
	s0 =	sor.u32 $0x2380, s1  }
0x489: {  	v4 =	vld [tilespmem:s0+$0x100]  }
0x48a: {  	v5 =	vld [tilespmem:s0+$0x8100];
	_ =	sdelay $0x1  }
0x48b: {  	v6 =	vld [tilespmem:s0+$0x10100]  }
0x48c: {  	s31 =	sor.u32 s30, s28  }
0x48d: {  	s1 =	sor.u32 $0x2380, s31  }
0x48e: {  	v3 =	vld [tilespmem:s1+$0x100];
	v5 =	vadd.f32 v5, v4  }
0x48f: {  	v4 =	vld [tilespmem:s1+$0x8100]  }
0x490: {  	v6 =	vadd.f32 v6, v5  }
0x491: {  	s18 =	simm.s32 $0x20;
	s6 =	simm.s32 $0x100;
	v5 =	vld [tilespmem:s1+$0x10100]  }
.LBB2_96:
0x492: {  	s19 =	sor.u32 s6, s18;
	[tilespmem:s0+$0x18100] =	vst v6;
	s0 =	smov.u32 s1;
	p0 =	sne.s32 s18, $0x3F0  }
.Ltmp47:
0x493: {  	s18 =	sadd.s32 $0x10, s18;
	s1 =	sor.u32 $0x2380, s19;
	(pc) =	sbr.rel @p0 .LBB2_96-.Ltmp47, $4  }
0x494: {  	v6 =	vadd.f32 v4, v3;
	v3 =	vld [tilespmem:s1+$0x100]  }
0x495: {  	v4 =	vld [tilespmem:s1+$0x8100]  }
0x496: {  	v6 =	vadd.f32 v5, v6  }
0x497: {  	s6 =	sadd.s32 $0x80, s6;
	v5 =	vld [tilespmem:s1+$0x10100]  }
0x498: {  	_ =	sdelay $0x1  }
0x499: {  	v3 =	vadd.f32 v4, v3;
	_ =	sdelay $0x1  }
0x49a: {  	v3 =	vadd.f32 v5, v3  }
0x49b: {  	[tilespmem:s0+$0x18100] =	vst v6  }
0x49c: {  	s18 =	simm.s32 $0x0;
	[tilespmem:s1+$0x18100] =	vst v3  }
0x49d: {  	[hbm4b:s14+s18] =	stream.linear.scatter [tilespmem:s25], [sflag:$0x4], $0x4000, $0x38;
	[tilespmem:$0x1C100] =	vst v63  }
0x49e: {  	_ =	swait.ge [sflag:s17], $0x4000  }
0x49f: {  	[sflag:s17] =	ssyncset.done $0x0  }
0x4a0: {  	[sflag:s17] =	ssyncadd.s32 $0xFFFFC000  }
0x4a1: {  	_ =	swait.ge [sflag:s22], $0x4000  }
0x4a2: {  	[sflag:s22] =	ssyncset.done $0x0  }
0x4a3: {  	[sflag:s22] =	ssyncadd.s32 $0xFFFFC000  }
0x4a4: {  	_ =	swait.ge [sflag:s23], $0x4000  }
0x4a5: {  	[sflag:s23] =	ssyncset.done $0x0  }
0x4a6: {  	[sflag:s23] =	ssyncadd.s32 $0xFFFFC000  }
0x4a7: {  	_ =	swait.ge [sflag:s24], $0x4000  }
0x4a8: {  	s28 =	sand.u32 $0x70, s18;
	s29 =	sand.u32 $0x1C00, s18;
	[sflag:s24] =	ssyncset.done $0x0  }
0x4a9: {  	s31 =	sor.u32 s28, s29;
	[sflag:s24] =	ssyncadd.s32 $0xFFFFC000  }
0x4aa: {  	v4 =	vld [tilespmem:s31+$0x4100]  }
0x4ab: {  	v5 =	vld [tilespmem:s31+$0xC100];
	_ =	sdelay $0x1  }
0x4ac: {  	s19 =	simm.s32 $0x10;
	s20 =	simm.s32 $0x80;
	v6 =	vld [tilespmem:s31+$0x14100]  }
0x4ad: {  	s30 =	sand.u32 $0x70, s19;
	s0 =	sand.u32 $0x1C00, s20  }
0x4ae: {  	s1 =	sor.u32 s30, s0  }
0x4af: {  	v3 =	vld [tilespmem:s1+$0x4100];
	v5 =	vadd.f32 v5, v4  }
0x4b0: {  	v4 =	vld [tilespmem:s1+$0xC100]  }
0x4b1: {  	s6 =	simm.s32 $0x100;
	s18 =	simm.s32 $0x20;
	v6 =	vadd.f32 v6, v5;
	v5 =	vld [tilespmem:s1+$0x14100]  }
.LBB2_98:
0x4b2: {  	s19 =	sand.u32 $0x70, s18  }
0x4b3: {  	s20 =	sand.u32 $0x1C00, s6;
	[tilespmem:s31+$0x18100] =	vst v6;
	s31 =	smov.u32 s1;
	p0 =	sne.s32 s18, $0x3F0  }
.Ltmp48:
0x4b4: {  	s18 =	sadd.s32 $0x10, s18;
	s1 =	sor.u32 s19, s20;
	(pc) =	sbr.rel @p0 .LBB2_98-.Ltmp48, $4  }
0x4b5: {  	v6 =	vadd.f32 v4, v3;
	v3 =	vld [tilespmem:s1+$0x4100]  }
0x4b6: {  	v4 =	vld [tilespmem:s1+$0xC100]  }
0x4b7: {  	v6 =	vadd.f32 v5, v6  }
0x4b8: {  	s6 =	sadd.s32 $0x80, s6;
	v5 =	vld [tilespmem:s1+$0x14100]  }
0x4b9: {  	_ =	sdelay $0x1  }
0x4ba: {  	v3 =	vadd.f32 v4, v3;
	_ =	sdelay $0x1  }
0x4bb: {  	v3 =	vadd.f32 v5, v3  }
0x4bc: {  	[tilespmem:s31+$0x18100] =	vst v6  }
0x4bd: {  	[tilespmem:s1+$0x18100] =	vst v3;
	s1 =	sor.u32 s29, s28  }
0x4be: {  	v4 =	vld [tilespmem:s1+$0x4180]  }
0x4bf: {  	v5 =	vld [tilespmem:s1+$0xC180];
	_ =	sdelay $0x1  }
0x4c0: {  	v6 =	vld [tilespmem:s1+$0x14180];
	_ =	sdelay $0x1  }
0x4c1: {  	s0 =	sor.u32 s0, s30  }
0x4c2: {  	v3 =	vld [tilespmem:s0+$0x4180];
	v4 =	vadd.f32 v5, v4  }
0x4c3: {  	v5 =	vld [tilespmem:s0+$0xC180]  }
0x4c4: {  	v6 =	vadd.f32 v6, v4  }
0x4c5: {  	s18 =	simm.s32 $0x100;
	s28 =	simm.s32 $0x20;
	v4 =	vld [tilespmem:s0+$0x14180]  }
.LBB2_100:
0x4c6: {  	s6 =	sand.u32 $0x70, s28;
	s19 =	sand.u32 $0x1C00, s18;
	[tilespmem:s1+$0x18180] =	vst v6;
	p0 =	sne.s32 s28, $0x3F0  }
.Ltmp49:
0x4c7: {  	s28 =	sadd.s32 $0x10, s28;
	s6 =	sor.u32 s19, s6;
	(pc) =	sbr.rel @p0 .LBB2_100-.Ltmp49, $4  }
0x4c8: {  	s1 =	smov.u32 s0;
	v6 =	vadd.f32 v5, v3;
	v3 =	vld [tilespmem:s6+$0x4180];
	s0 =	smov.u32 s6  }
0x4c9: {  	v5 =	vld [tilespmem:s0+$0xC180]  }
0x4ca: {  	v6 =	vadd.f32 v4, v6  }
0x4cb: {  	s18 =	sadd.s32 $0x80, s18;
	v4 =	vld [tilespmem:s0+$0x14180]  }
0x4cc: {  	_ =	sdelay $0x1  }
0x4cd: {  	v3 =	vadd.f32 v5, v3;
	_ =	sdelay $0x1  }
0x4ce: {  	s6 =	simm.s32 $0x0;
	v3 =	vadd.f32 v4, v3  }
0x4cf: {  	[tilespmem:s1+$0x18180] =	vst v6;
	s18 =	sand.u32 $0x70, s6;
	s6 =	sand.u32 $0x1C00, s6  }
0x4d0: {  	s28 =	sor.u32 s6, s18;
	[tilespmem:s0+$0x18180] =	vst v3  }
0x4d1: {  	v4 =	vld [tilespmem:s28+$0x4200]  }
0x4d2: {  	v5 =	vld [tilespmem:s28+$0xC200];
	_ =	sdelay $0x1  }
0x4d3: {  	s19 =	simm.s32 $0x10;
	s20 =	simm.s32 $0x80;
	v6 =	vld [tilespmem:s28+$0x14200]  }
0x4d4: {  	s29 =	sand.u32 $0x70, s19;
	s0 =	sand.u32 $0x1C00, s20  }
0x4d5: {  	s30 =	sor.u32 s0, s29  }
0x4d6: {  	v3 =	vld [tilespmem:s30+$0x4200];
	v5 =	vadd.f32 v5, v4  }
0x4d7: {  	s1 =	simm.s32 $0x20;
	v4 =	vld [tilespmem:s30+$0xC200]  }
0x4d8: {  	s31 =	simm.s32 $0x100;
	s18 =	smov.u32 s28;
	s20 =	simm.s32 $0x100;
	v6 =	vadd.f32 v6, v5;
	v5 =	vld [tilespmem:s30+$0x14200]  }
.LBB2_102:
0x4d9: {  	s6 =	sand.u32 $0x70, s1  }
0x4da: {  	s19 =	sand.u32 $0x1C00, s31;
	[tilespmem:s18+$0x18200] =	vst v6;
	s18 =	smov.u32 s30;
	p0 =	sne.s32 s1, $0x3F0  }
.Ltmp50:
0x4db: {  	s1 =	sadd.s32 $0x10, s1;
	s30 =	sor.u32 s19, s6;
	(pc) =	sbr.rel @p0 .LBB2_102-.Ltmp50, $4  }
0x4dc: {  	v6 =	vadd.f32 v4, v3;
	v3 =	vld [tilespmem:s30+$0x4200]  }
0x4dd: {  	v4 =	vld [tilespmem:s30+$0xC200]  }
0x4de: {  	v6 =	vadd.f32 v5, v6  }
0x4df: {  	s31 =	sadd.s32 $0x80, s31;
	v5 =	vld [tilespmem:s30+$0x14200]  }
0x4e0: {  	_ =	sdelay $0x1  }
0x4e1: {  	v3 =	vadd.f32 v4, v3;
	_ =	sdelay $0x1  }
0x4e2: {  	v3 =	vadd.f32 v5, v3  }
0x4e3: {  	[tilespmem:s18+$0x18200] =	vst v6  }
0x4e4: {  	[tilespmem:s30+$0x18200] =	vst v3  }
0x4e5: {  	v4 =	vld [tilespmem:s28+$0x4280]  }
0x4e6: {  	v5 =	vld [tilespmem:s28+$0xC280];
	_ =	sdelay $0x1  }
0x4e7: {  	v6 =	vld [tilespmem:s28+$0x14280];
	_ =	sdelay $0x1  }
0x4e8: {  	s0 =	sor.u32 s0, s29  }
0x4e9: {  	v3 =	vld [tilespmem:s0+$0x4280];
	v4 =	vadd.f32 v5, v4  }
0x4ea: {  	v5 =	vld [tilespmem:s0+$0xC280]  }
0x4eb: {  	v6 =	vadd.f32 v6, v4  }
0x4ec: {  	s1 =	simm.s32 $0x20;
	s18 =	simm.s32 $0x100;
	v4 =	vld [tilespmem:s0+$0x14280]  }
.LBB2_104:
0x4ed: {  	s6 =	sand.u32 $0x70, s1;
	s19 =	sand.u32 $0x1C00, s18;
	[tilespmem:s28+$0x18280] =	vst v6;
	p0 =	sne.s32 s1, $0x3F0  }
.Ltmp51:
0x4ee: {  	s1 =	sadd.s32 $0x10, s1;
	s6 =	sor.u32 s19, s6;
	(pc) =	sbr.rel @p0 .LBB2_104-.Ltmp51, $4  }
0x4ef: {  	s28 =	smov.u32 s0;
	v6 =	vadd.f32 v5, v3;
	v3 =	vld [tilespmem:s6+$0x4280];
	s0 =	smov.u32 s6  }
0x4f0: {  	v5 =	vld [tilespmem:s0+$0xC280]  }
0x4f1: {  	v6 =	vadd.f32 v4, v6  }
0x4f2: {  	s18 =	sadd.s32 $0x80, s18;
	v4 =	vld [tilespmem:s0+$0x14280]  }
0x4f3: {  	_ =	sdelay $0x1  }
0x4f4: {  	v3 =	vadd.f32 v5, v3;
	_ =	sdelay $0x1  }
0x4f5: {  	s1 =	simm.s32 $0x0;
	v3 =	vadd.f32 v4, v3  }
0x4f6: {  	[tilespmem:s28+$0x18280] =	vst v6;
	s6 =	sand.u32 $0x70, s1;
	s1 =	sand.u32 $0x1C00, s1  }
0x4f7: {  	s28 =	sor.u32 s1, s6;
	[tilespmem:s0+$0x18280] =	vst v3  }
0x4f8: {  	v4 =	vld [tilespmem:s28+$0x4300]  }
0x4f9: {  	v5 =	vld [tilespmem:s28+$0xC300];
	_ =	sdelay $0x1  }
0x4fa: {  	s18 =	simm.s32 $0x10;
	s19 =	simm.s32 $0x80;
	v6 =	vld [tilespmem:s28+$0x14300]  }
0x4fb: {  	s29 =	sand.u32 $0x70, s18;
	s0 =	sand.u32 $0x1C00, s19  }
0x4fc: {  	s30 =	sor.u32 s0, s29  }
0x4fd: {  	v3 =	vld [tilespmem:s30+$0x4300];
	v5 =	vadd.f32 v5, v4  }
0x4fe: {  	v4 =	vld [tilespmem:s30+$0xC300]  }
0x4ff: {  	s31 =	simm.s32 $0x100;
	s1 =	simm.s32 $0x20;
	s18 =	smov.u32 s28;
	v6 =	vadd.f32 v6, v5;
	v5 =	vld [tilespmem:s30+$0x14300]  }
.LBB2_106:
0x500: {  	s6 =	sand.u32 $0x70, s1  }
0x501: {  	s19 =	sand.u32 $0x1C00, s31;
	[tilespmem:s18+$0x18300] =	vst v6;
	s18 =	smov.u32 s30;
	p0 =	sne.s32 s1, $0x3F0  }
.Ltmp52:
0x502: {  	s1 =	sadd.s32 $0x10, s1;
	s30 =	sor.u32 s19, s6;
	(pc) =	sbr.rel @p0 .LBB2_106-.Ltmp52, $4  }
0x503: {  	v6 =	vadd.f32 v4, v3;
	v3 =	vld [tilespmem:s30+$0x4300]  }
0x504: {  	v4 =	vld [tilespmem:s30+$0xC300]  }
0x505: {  	v6 =	vadd.f32 v5, v6  }
0x506: {  	s31 =	sadd.s32 $0x80, s31;
	v5 =	vld [tilespmem:s30+$0x14300]  }
0x507: {  	_ =	sdelay $0x1  }
0x508: {  	v3 =	vadd.f32 v4, v3;
	_ =	sdelay $0x1  }
0x509: {  	v3 =	vadd.f32 v5, v3  }
0x50a: {  	[tilespmem:s18+$0x18300] =	vst v6  }
0x50b: {  	[tilespmem:s30+$0x18300] =	vst v3  }
0x50c: {  	v4 =	vld [tilespmem:s28+$0x4380]  }
0x50d: {  	v5 =	vld [tilespmem:s28+$0xC380];
	_ =	sdelay $0x1  }
0x50e: {  	v6 =	vld [tilespmem:s28+$0x14380];
	_ =	sdelay $0x1  }
0x50f: {  	s0 =	sor.u32 s0, s29  }
0x510: {  	v3 =	vld [tilespmem:s0+$0x4380];
	v4 =	vadd.f32 v5, v4  }
0x511: {  	v5 =	vld [tilespmem:s0+$0xC380]  }
0x512: {  	v6 =	vadd.f32 v6, v4  }
0x513: {  	s1 =	simm.s32 $0x20;
	s18 =	simm.s32 $0x100;
	v4 =	vld [tilespmem:s0+$0x14380]  }
.LBB2_108:
0x514: {  	s6 =	sand.u32 $0x70, s1;
	s19 =	sand.u32 $0x1C00, s18;
	[tilespmem:s28+$0x18380] =	vst v6;
	p0 =	sne.s32 s1, $0x3F0  }
.Ltmp53:
0x515: {  	s1 =	sadd.s32 $0x10, s1;
	s6 =	sor.u32 s19, s6;
	(pc) =	sbr.rel @p0 .LBB2_108-.Ltmp53, $4  }
0x516: {  	s28 =	smov.u32 s0;
	v6 =	vadd.f32 v5, v3;
	v3 =	vld [tilespmem:s6+$0x4380];
	s0 =	smov.u32 s6  }
0x517: {  	v5 =	vld [tilespmem:s0+$0xC380]  }
0x518: {  	v6 =	vadd.f32 v4, v6  }
0x519: {  	s18 =	sadd.s32 $0x80, s18;
	v4 =	vld [tilespmem:s0+$0x14380]  }
0x51a: {  	_ =	sdelay $0x1  }
0x51b: {  	v3 =	vadd.f32 v5, v3;
	_ =	sdelay $0x1  }
0x51c: {  	s29 =	simm.s32 $0x0;
	v3 =	vadd.f32 v4, v3  }
0x51d: {  	[tilespmem:s28+$0x18380] =	vst v6;
	s1 =	sand.u32 $0x70, s29;
	s6 =	sand.u32 $0x1C00, s29  }
0x51e: {  	s31 =	sor.u32 s6, s1;
	[tilespmem:s0+$0x18380] =	vst v3  }
0x51f: {  	v4 =	vld [tilespmem:s31+$0x4400]  }
0x520: {  	v5 =	vld [tilespmem:s31+$0xC400];
	_ =	sdelay $0x1  }
0x521: {  	s28 =	simm.s32 $0x10;
	s30 =	simm.s32 $0x80;
	v6 =	vld [tilespmem:s31+$0x14400]  }
0x522: {  	s18 =	sand.u32 $0x70, s28;
	s19 =	sand.u32 $0x1C00, s30  }
0x523: {  	s0 =	sor.u32 s19, s18  }
0x524: {  	v3 =	vld [tilespmem:s0+$0x4400];
	v5 =	vadd.f32 v5, v4  }
0x525: {  	v4 =	vld [tilespmem:s0+$0xC400]  }
0x526: {  	s1 =	simm.s32 $0x20;
	s6 =	simm.s32 $0x100;
	v6 =	vadd.f32 v6, v5;
	v5 =	vld [tilespmem:s0+$0x14400]  }
.LBB2_110:
0x527: {  	s18 =	sand.u32 $0x70, s1  }
0x528: {  	s19 =	sand.u32 $0x1C00, s6;
	[tilespmem:s31+$0x18400] =	vst v6;
	s31 =	smov.u32 s0;
	p0 =	sne.s32 s1, $0x3F0  }
.Ltmp54:
0x529: {  	s1 =	sadd.s32 $0x10, s1;
	s0 =	sor.u32 s19, s18;
	(pc) =	sbr.rel @p0 .LBB2_110-.Ltmp54, $4  }
0x52a: {  	v6 =	vadd.f32 v4, v3;
	v3 =	vld [tilespmem:s0+$0x4400]  }
0x52b: {  	v4 =	vld [tilespmem:s0+$0xC400]  }
0x52c: {  	v6 =	vadd.f32 v5, v6  }
0x52d: {  	s6 =	sadd.s32 $0x80, s6;
	v5 =	vld [tilespmem:s0+$0x14400]  }
0x52e: {  	_ =	sdelay $0x1  }
0x52f: {  	v3 =	vadd.f32 v4, v3;
	_ =	sdelay $0x1  }
0x530: {  	v3 =	vadd.f32 v5, v3  }
0x531: {  	[tilespmem:s31+$0x18400] =	vst v6;
	s1 =	sor.u32 s29, s29  }
0x532: {  	[tilespmem:s0+$0x18400] =	vst v3;
	s0 =	sor.u32 $0x380, s1  }
0x533: {  	v4 =	vld [tilespmem:s0+$0x4100]  }
0x534: {  	v5 =	vld [tilespmem:s0+$0xC100];
	_ =	sdelay $0x1  }
0x535: {  	v6 =	vld [tilespmem:s0+$0x14100]  }
0x536: {  	s31 =	sor.u32 s30, s28  }
0x537: {  	s28 =	sor.u32 $0x380, s31  }
0x538: {  	v3 =	vld [tilespmem:s28+$0x4100];
	v5 =	vadd.f32 v5, v4  }
0x539: {  	v4 =	vld [tilespmem:s28+$0xC100]  }
0x53a: {  	v6 =	vadd.f32 v6, v5  }
0x53b: {  	s6 =	simm.s32 $0x100;
	s1 =	simm.s32 $0x20;
	v5 =	vld [tilespmem:s28+$0x14100]  }
.LBB2_112:
0x53c: {  	s18 =	sor.u32 s6, s1;
	[tilespmem:s0+$0x18100] =	vst v6;
	s0 =	smov.u32 s28;
	p0 =	sne.s32 s1, $0x3F0  }
.Ltmp55:
0x53d: {  	s1 =	sadd.s32 $0x10, s1;
	s28 =	sor.u32 $0x380, s18;
	(pc) =	sbr.rel @p0 .LBB2_112-.Ltmp55, $4  }
0x53e: {  	v6 =	vadd.f32 v4, v3;
	v3 =	vld [tilespmem:s28+$0x4100]  }
0x53f: {  	v4 =	vld [tilespmem:s28+$0xC100]  }
0x540: {  	v6 =	vadd.f32 v5, v6  }
0x541: {  	s6 =	sadd.s32 $0x80, s6;
	v5 =	vld [tilespmem:s28+$0x14100]  }
0x542: {  	_ =	sdelay $0x1  }
0x543: {  	v3 =	vadd.f32 v4, v3;
	_ =	sdelay $0x1  }
0x544: {  	s1 =	simm.s32 $0x0;
	v3 =	vadd.f32 v5, v3  }
0x545: {  	[tilespmem:s0+$0x18100] =	vst v6;
	s6 =	sand.u32 $0x70, s1;
	s1 =	sand.u32 $0x1C00, s1  }
0x546: {  	[tilespmem:s28+$0x18100] =	vst v3;
	s28 =	sor.u32 s1, s6  }
0x547: {  	v4 =	vld [tilespmem:s28+$0x6100]  }
0x548: {  	v5 =	vld [tilespmem:s28+$0xE100];
	_ =	sdelay $0x1  }
0x549: {  	s18 =	simm.s32 $0x10;
	s19 =	simm.s32 $0x80;
	v6 =	vld [tilespmem:s28+$0x16100]  }
0x54a: {  	s29 =	sand.u32 $0x70, s18;
	s0 =	sand.u32 $0x1C00, s19  }
0x54b: {  	s30 =	sor.u32 s0, s29  }
0x54c: {  	v3 =	vld [tilespmem:s30+$0x6100];
	v5 =	vadd.f32 v5, v4  }
0x54d: {  	v4 =	vld [tilespmem:s30+$0xE100]  }
0x54e: {  	s31 =	simm.s32 $0x100;
	s1 =	simm.s32 $0x20;
	s18 =	smov.u32 s28;
	v6 =	vadd.f32 v6, v5;
	v5 =	vld [tilespmem:s30+$0x16100]  }
.LBB2_114:
0x54f: {  	s6 =	sand.u32 $0x70, s1  }
0x550: {  	s19 =	sand.u32 $0x1C00, s31;
	[tilespmem:s18+$0x1A100] =	vst v6;
	s18 =	smov.u32 s30;
	p0 =	sne.s32 s1, $0x3F0  }
.Ltmp56:
0x551: {  	s1 =	sadd.s32 $0x10, s1;
	s30 =	sor.u32 s19, s6;
	(pc) =	sbr.rel @p0 .LBB2_114-.Ltmp56, $4  }
0x552: {  	v6 =	vadd.f32 v4, v3;
	v3 =	vld [tilespmem:s30+$0x6100]  }
0x553: {  	v4 =	vld [tilespmem:s30+$0xE100]  }
0x554: {  	v6 =	vadd.f32 v5, v6  }
0x555: {  	s31 =	sadd.s32 $0x80, s31;
	v5 =	vld [tilespmem:s30+$0x16100]  }
0x556: {  	_ =	sdelay $0x1  }
0x557: {  	v3 =	vadd.f32 v4, v3;
	_ =	sdelay $0x1  }
0x558: {  	v3 =	vadd.f32 v5, v3  }
0x559: {  	[tilespmem:s18+$0x1A100] =	vst v6  }
0x55a: {  	[tilespmem:s30+$0x1A100] =	vst v3  }
0x55b: {  	v4 =	vld [tilespmem:s28+$0x6180]  }
0x55c: {  	v5 =	vld [tilespmem:s28+$0xE180];
	_ =	sdelay $0x1  }
0x55d: {  	v6 =	vld [tilespmem:s28+$0x16180];
	_ =	sdelay $0x1  }
0x55e: {  	s0 =	sor.u32 s0, s29  }
0x55f: {  	v3 =	vld [tilespmem:s0+$0x6180];
	v4 =	vadd.f32 v5, v4  }
0x560: {  	v5 =	vld [tilespmem:s0+$0xE180]  }
0x561: {  	v6 =	vadd.f32 v6, v4  }
0x562: {  	s1 =	simm.s32 $0x20;
	s18 =	simm.s32 $0x100;
	v4 =	vld [tilespmem:s0+$0x16180]  }
.LBB2_116:
0x563: {  	s6 =	sand.u32 $0x70, s1;
	s19 =	sand.u32 $0x1C00, s18;
	[tilespmem:s28+$0x1A180] =	vst v6;
	p0 =	sne.s32 s1, $0x3F0  }
.Ltmp57:
0x564: {  	s1 =	sadd.s32 $0x10, s1;
	s6 =	sor.u32 s19, s6;
	(pc) =	sbr.rel @p0 .LBB2_116-.Ltmp57, $4  }
0x565: {  	s28 =	smov.u32 s0;
	v6 =	vadd.f32 v5, v3;
	v3 =	vld [tilespmem:s6+$0x6180];
	s0 =	smov.u32 s6  }
0x566: {  	v5 =	vld [tilespmem:s0+$0xE180]  }
0x567: {  	v6 =	vadd.f32 v4, v6  }
0x568: {  	s18 =	sadd.s32 $0x80, s18;
	v4 =	vld [tilespmem:s0+$0x16180]  }
0x569: {  	_ =	sdelay $0x1  }
0x56a: {  	v3 =	vadd.f32 v5, v3;
	_ =	sdelay $0x1  }
0x56b: {  	s1 =	simm.s32 $0x0;
	v3 =	vadd.f32 v4, v3  }
0x56c: {  	[tilespmem:s28+$0x1A180] =	vst v6;
	s6 =	sand.u32 $0x70, s1;
	s1 =	sand.u32 $0x1C00, s1  }
0x56d: {  	s28 =	sor.u32 s1, s6;
	[tilespmem:s0+$0x1A180] =	vst v3  }
0x56e: {  	v4 =	vld [tilespmem:s28+$0x6200]  }
0x56f: {  	v5 =	vld [tilespmem:s28+$0xE200];
	_ =	sdelay $0x1  }
0x570: {  	s18 =	simm.s32 $0x10;
	s19 =	simm.s32 $0x80;
	v6 =	vld [tilespmem:s28+$0x16200]  }
0x571: {  	s29 =	sand.u32 $0x70, s18;
	s0 =	sand.u32 $0x1C00, s19  }
0x572: {  	s30 =	sor.u32 s0, s29  }
0x573: {  	v3 =	vld [tilespmem:s30+$0x6200];
	v5 =	vadd.f32 v5, v4  }
0x574: {  	v4 =	vld [tilespmem:s30+$0xE200]  }
0x575: {  	s31 =	simm.s32 $0x100;
	s1 =	simm.s32 $0x20;
	s18 =	smov.u32 s28;
	v6 =	vadd.f32 v6, v5;
	v5 =	vld [tilespmem:s30+$0x16200]  }
.LBB2_118:
0x576: {  	s6 =	sand.u32 $0x70, s1  }
0x577: {  	s19 =	sand.u32 $0x1C00, s31;
	[tilespmem:s18+$0x1A200] =	vst v6;
	s18 =	smov.u32 s30;
	p0 =	sne.s32 s1, $0x3F0  }
.Ltmp58:
0x578: {  	s1 =	sadd.s32 $0x10, s1;
	s30 =	sor.u32 s19, s6;
	(pc) =	sbr.rel @p0 .LBB2_118-.Ltmp58, $4  }
0x579: {  	v6 =	vadd.f32 v4, v3;
	v3 =	vld [tilespmem:s30+$0x6200]  }
0x57a: {  	v4 =	vld [tilespmem:s30+$0xE200]  }
0x57b: {  	v6 =	vadd.f32 v5, v6  }
0x57c: {  	s31 =	sadd.s32 $0x80, s31;
	v5 =	vld [tilespmem:s30+$0x16200]  }
0x57d: {  	_ =	sdelay $0x1  }
0x57e: {  	v3 =	vadd.f32 v4, v3;
	_ =	sdelay $0x1  }
0x57f: {  	v3 =	vadd.f32 v5, v3  }
0x580: {  	[tilespmem:s18+$0x1A200] =	vst v6  }
0x581: {  	[tilespmem:s30+$0x1A200] =	vst v3  }
0x582: {  	v4 =	vld [tilespmem:s28+$0x6280]  }
0x583: {  	v5 =	vld [tilespmem:s28+$0xE280];
	_ =	sdelay $0x1  }
0x584: {  	v6 =	vld [tilespmem:s28+$0x16280];
	_ =	sdelay $0x1  }
0x585: {  	s0 =	sor.u32 s0, s29  }
0x586: {  	v3 =	vld [tilespmem:s0+$0x6280];
	v4 =	vadd.f32 v5, v4  }
0x587: {  	v5 =	vld [tilespmem:s0+$0xE280]  }
0x588: {  	v6 =	vadd.f32 v6, v4  }
0x589: {  	s1 =	simm.s32 $0x20;
	s18 =	simm.s32 $0x100;
	v4 =	vld [tilespmem:s0+$0x16280]  }
.LBB2_120:
0x58a: {  	s6 =	sand.u32 $0x70, s1;
	s19 =	sand.u32 $0x1C00, s18;
	[tilespmem:s28+$0x1A280] =	vst v6;
	p0 =	sne.s32 s1, $0x3F0  }
.Ltmp59:
0x58b: {  	s1 =	sadd.s32 $0x10, s1;
	s6 =	sor.u32 s19, s6;
	(pc) =	sbr.rel @p0 .LBB2_120-.Ltmp59, $4  }
0x58c: {  	s28 =	smov.u32 s0;
	v6 =	vadd.f32 v5, v3;
	v3 =	vld [tilespmem:s6+$0x6280];
	s0 =	smov.u32 s6  }
0x58d: {  	v5 =	vld [tilespmem:s0+$0xE280]  }
0x58e: {  	v6 =	vadd.f32 v4, v6  }
0x58f: {  	s18 =	sadd.s32 $0x80, s18;
	v4 =	vld [tilespmem:s0+$0x16280]  }
0x590: {  	_ =	sdelay $0x1  }
0x591: {  	v3 =	vadd.f32 v5, v3;
	_ =	sdelay $0x1  }
0x592: {  	s1 =	simm.s32 $0x0;
	v3 =	vadd.f32 v4, v3  }
0x593: {  	[tilespmem:s28+$0x1A280] =	vst v6;
	s6 =	sand.u32 $0x70, s1;
	s1 =	sand.u32 $0x1C00, s1  }
0x594: {  	s28 =	sor.u32 s1, s6;
	[tilespmem:s0+$0x1A280] =	vst v3  }
0x595: {  	v4 =	vld [tilespmem:s28+$0x6300]  }
0x596: {  	v5 =	vld [tilespmem:s28+$0xE300];
	_ =	sdelay $0x1  }
0x597: {  	s18 =	simm.s32 $0x10;
	s19 =	simm.s32 $0x80;
	v6 =	vld [tilespmem:s28+$0x16300]  }
0x598: {  	s29 =	sand.u32 $0x70, s18;
	s0 =	sand.u32 $0x1C00, s19  }
0x599: {  	s30 =	sor.u32 s0, s29  }
0x59a: {  	v3 =	vld [tilespmem:s30+$0x6300];
	v5 =	vadd.f32 v5, v4  }
0x59b: {  	v4 =	vld [tilespmem:s30+$0xE300]  }
0x59c: {  	s31 =	simm.s32 $0x100;
	s1 =	simm.s32 $0x20;
	s18 =	smov.u32 s28;
	v6 =	vadd.f32 v6, v5;
	v5 =	vld [tilespmem:s30+$0x16300]  }
.LBB2_122:
0x59d: {  	s6 =	sand.u32 $0x70, s1  }
0x59e: {  	s19 =	sand.u32 $0x1C00, s31;
	[tilespmem:s18+$0x1A300] =	vst v6;
	s18 =	smov.u32 s30;
	p0 =	sne.s32 s1, $0x3F0  }
.Ltmp60:
0x59f: {  	s1 =	sadd.s32 $0x10, s1;
	s30 =	sor.u32 s19, s6;
	(pc) =	sbr.rel @p0 .LBB2_122-.Ltmp60, $4  }
0x5a0: {  	v6 =	vadd.f32 v4, v3;
	v3 =	vld [tilespmem:s30+$0x6300]  }
0x5a1: {  	v4 =	vld [tilespmem:s30+$0xE300]  }
0x5a2: {  	v6 =	vadd.f32 v5, v6  }
0x5a3: {  	s31 =	sadd.s32 $0x80, s31;
	v5 =	vld [tilespmem:s30+$0x16300]  }
0x5a4: {  	_ =	sdelay $0x1  }
0x5a5: {  	v3 =	vadd.f32 v4, v3;
	_ =	sdelay $0x1  }
0x5a6: {  	v3 =	vadd.f32 v5, v3  }
0x5a7: {  	[tilespmem:s18+$0x1A300] =	vst v6  }
0x5a8: {  	[tilespmem:s30+$0x1A300] =	vst v3  }
0x5a9: {  	v4 =	vld [tilespmem:s28+$0x6380]  }
0x5aa: {  	v5 =	vld [tilespmem:s28+$0xE380];
	_ =	sdelay $0x1  }
0x5ab: {  	v6 =	vld [tilespmem:s28+$0x16380];
	_ =	sdelay $0x1  }
0x5ac: {  	s0 =	sor.u32 s0, s29  }
0x5ad: {  	v3 =	vld [tilespmem:s0+$0x6380];
	v4 =	vadd.f32 v5, v4  }
0x5ae: {  	v5 =	vld [tilespmem:s0+$0xE380]  }
0x5af: {  	v6 =	vadd.f32 v6, v4  }
0x5b0: {  	s1 =	simm.s32 $0x20;
	s18 =	simm.s32 $0x100;
	v4 =	vld [tilespmem:s0+$0x16380]  }
.LBB2_124:
0x5b1: {  	s6 =	sand.u32 $0x70, s1;
	s19 =	sand.u32 $0x1C00, s18;
	[tilespmem:s28+$0x1A380] =	vst v6;
	p0 =	sne.s32 s1, $0x3F0  }
.Ltmp61:
0x5b2: {  	s1 =	sadd.s32 $0x10, s1;
	s6 =	sor.u32 s19, s6;
	(pc) =	sbr.rel @p0 .LBB2_124-.Ltmp61, $4  }
0x5b3: {  	s28 =	smov.u32 s0;
	v6 =	vadd.f32 v5, v3;
	v3 =	vld [tilespmem:s6+$0x6380];
	s0 =	smov.u32 s6  }
0x5b4: {  	v5 =	vld [tilespmem:s0+$0xE380]  }
0x5b5: {  	v6 =	vadd.f32 v4, v6  }
0x5b6: {  	s18 =	sadd.s32 $0x80, s18;
	v4 =	vld [tilespmem:s0+$0x16380]  }
0x5b7: {  	_ =	sdelay $0x1  }
0x5b8: {  	v3 =	vadd.f32 v5, v3;
	_ =	sdelay $0x1  }
0x5b9: {  	s29 =	simm.s32 $0x0;
	v3 =	vadd.f32 v4, v3  }
0x5ba: {  	[tilespmem:s28+$0x1A380] =	vst v6;
	s1 =	sand.u32 $0x70, s29;
	s6 =	sand.u32 $0x1C00, s29  }
0x5bb: {  	s31 =	sor.u32 s6, s1;
	[tilespmem:s0+$0x1A380] =	vst v3  }
0x5bc: {  	v4 =	vld [tilespmem:s31+$0x6400]  }
0x5bd: {  	v5 =	vld [tilespmem:s31+$0xE400];
	_ =	sdelay $0x1  }
0x5be: {  	s28 =	simm.s32 $0x10;
	s30 =	simm.s32 $0x80;
	v6 =	vld [tilespmem:s31+$0x16400]  }
0x5bf: {  	s18 =	sand.u32 $0x70, s28;
	s19 =	sand.u32 $0x1C00, s30  }
0x5c0: {  	s0 =	sor.u32 s19, s18  }
0x5c1: {  	v3 =	vld [tilespmem:s0+$0x6400];
	v5 =	vadd.f32 v5, v4  }
0x5c2: {  	v4 =	vld [tilespmem:s0+$0xE400]  }
0x5c3: {  	s1 =	simm.s32 $0x20;
	s6 =	simm.s32 $0x100;
	v6 =	vadd.f32 v6, v5;
	v5 =	vld [tilespmem:s0+$0x16400]  }
.LBB2_126:
0x5c4: {  	s18 =	sand.u32 $0x70, s1  }
0x5c5: {  	s19 =	sand.u32 $0x1C00, s6;
	[tilespmem:s31+$0x1A400] =	vst v6;
	s31 =	smov.u32 s0;
	p0 =	sne.s32 s1, $0x3F0  }
.Ltmp62:
0x5c6: {  	s1 =	sadd.s32 $0x10, s1;
	s0 =	sor.u32 s19, s18;
	(pc) =	sbr.rel @p0 .LBB2_126-.Ltmp62, $4  }
0x5c7: {  	v6 =	vadd.f32 v4, v3;
	v3 =	vld [tilespmem:s0+$0x6400]  }
0x5c8: {  	v4 =	vld [tilespmem:s0+$0xE400]  }
0x5c9: {  	v6 =	vadd.f32 v5, v6  }
0x5ca: {  	s6 =	sadd.s32 $0x80, s6;
	v5 =	vld [tilespmem:s0+$0x16400]  }
0x5cb: {  	_ =	sdelay $0x1  }
0x5cc: {  	v3 =	vadd.f32 v4, v3;
	_ =	sdelay $0x1  }
0x5cd: {  	v3 =	vadd.f32 v5, v3  }
0x5ce: {  	[tilespmem:s31+$0x1A400] =	vst v6;
	s1 =	sor.u32 s29, s29  }
0x5cf: {  	[tilespmem:s0+$0x1A400] =	vst v3;
	s0 =	sor.u32 $0x2380, s1  }
0x5d0: {  	v4 =	vld [tilespmem:s0+$0x4100]  }
0x5d1: {  	v5 =	vld [tilespmem:s0+$0xC100];
	_ =	sdelay $0x1  }
0x5d2: {  	v6 =	vld [tilespmem:s0+$0x14100]  }
0x5d3: {  	s31 =	sor.u32 s30, s28  }
0x5d4: {  	s1 =	sor.u32 $0x2380, s31  }
0x5d5: {  	v3 =	vld [tilespmem:s1+$0x4100];
	v5 =	vadd.f32 v5, v4  }
0x5d6: {  	v4 =	vld [tilespmem:s1+$0xC100]  }
0x5d7: {  	v6 =	vadd.f32 v6, v5  }
0x5d8: {  	s18 =	simm.s32 $0x20;
	s6 =	simm.s32 $0x100;
	v5 =	vld [tilespmem:s1+$0x14100]  }
.LBB2_128:
0x5d9: {  	s19 =	sor.u32 s6, s18;
	[tilespmem:s0+$0x18100] =	vst v6;
	s0 =	smov.u32 s1;
	p0 =	sne.s32 s18, $0x3F0  }
.Ltmp63:
0x5da: {  	s18 =	sadd.s32 $0x10, s18;
	s1 =	sor.u32 $0x2380, s19;
	(pc) =	sbr.rel @p0 .LBB2_128-.Ltmp63, $4  }
0x5db: {  	v6 =	vadd.f32 v4, v3;
	v3 =	vld [tilespmem:s1+$0x4100]  }
0x5dc: {  	v4 =	vld [tilespmem:s1+$0xC100]  }
0x5dd: {  	v6 =	vadd.f32 v5, v6  }
0x5de: {  	s6 =	sadd.s32 $0x80, s6;
	v5 =	vld [tilespmem:s1+$0x14100]  }
0x5df: {  	_ =	sdelay $0x1  }
0x5e0: {  	v3 =	vadd.f32 v4, v3;
	_ =	sdelay $0x1  }
0x5e1: {  	s26 =	sadd.s32 $0x1, s26;
	v3 =	vadd.f32 v5, v3  }
0x5e2: {  	[tilespmem:s0+$0x18100] =	vst v6;
	p0 =	sne.s32 s26, s16  }
.Ltmp64:
0x5e3: {  	[tilespmem:s1+$0x18100] =	vst v3;
	(pc) =	sbr.rel @p0 .LBB2_1-.Ltmp64, $4  }
0x5e4: {  	[hbm4b:s15+s2] =	stream.linear.scatter [tilespmem:s25], [sflag:$0x4], $0x4000, $0x38;
	[tilespmem:$0x1C100] =	vst v63  }
0x5e5: {  	_ =	swait.ge [sflag:s17], $0x4000  }
0x5e6: {  	[sflag:s17] =	ssyncset.done $0x0  }
0x5e7: {  	[sflag:s17] =	ssyncadd.s32 $0xFFFFC000  }
0x5e8: {  	_ =	sfence.sel $0x180000  }
0x5e9: {  	[bflag:$0x0] =	sbarrier.arrive $0xFFFF  }
0x5ea: {  	_ =	strace $0x9000004A  }
0x5eb: {  	s0 =	stileid.u32;
	[bflag:$0x2] =	sbarrier.arrive $0xFFFF  }
0x5ec: {  	p0 =	sne.s32 s0, $0x0;
	s0 =	rddreg [dreg:$0x2]  }
0x5ed: {  	s0 =	sadd.s32 @!p0 $0x100000, s0  }
0x5ee: {  	[sflag:s0] =	ssyncadd.tile.s32 @!p0 $0x1;
	_ =	shalt  }
.Lfunc_end2:
_tile_overlayer_lowered:
.L_overlay_start_2:
0x5ef: {  	(tag) =	ssettag $0x2  }
0x5f0: {  	s0 =	rddreg [dreg:$0x0];
	s2 =	stileid.u32  }
0x5f1: {  	s1 =	rddreg [dreg:$0x1];
	p0 =	sne.s32 s2, $0x0  }
0x5f2: {  	s3 =	rddreg [dreg:$0x2];
	[bflag:$0x3] =	sbarrier.arrive $0xFFFF;
	s2 =	simm.s32 @!p0 $0x1C04  }
0x5f3: {  	[timem:s3], [sflag:s2] =	dma.local @!p0 [hbm:s0], s1  }
0x5f4: {  	s0 =	simm.s32 @!p0 $0x4  }
0x5f5: {  	_ =	swait.ge @!p0 [sflag:s0], s1  }
0x5f6: {  	s1 =	ssub.s32 @!p0 $0x0, s1;
	[sflag:s0] =	ssyncset.done @!p0 $0x0  }
0x5f7: {  	[sflag:s0] =	ssyncadd.s32 @!p0 s1  }
0x5f8: {  	[bflag:$0x3] =	sbarrier.arrive $0xFFFF  }
0x5f9: {  	_ =	shalt  }

</sc_bundles>
